<compile_context>
chip_gen: v7x
topology: tpu7x:2x2x1
jax: 0.10.2.dev20260603
libtpu: 0.0.44.dev20260713+nightly
codegen_flags: <defaults>
</compile_context>

<pallas_src>
import functools

import jax
import jax.numpy as jnp
from jax import lax
from jax.experimental import pallas as pl
from jax.experimental.pallas import tpu as pltpu
from jax.experimental.pallas import tpu_sc as plsc

B, N, C = 16, 20000, 91
TOPK = 100
CAP = 256
NBKT = 16384
NEG = -3.0e38



_RB = 2000


def _rowmax_body(x_ref, m_ref):
    x = x_ref[0]
    m_ref[0, 0] = jnp.max(x, axis=-1).reshape(8, _RB // 8)


def _rowmax(pred_logits):
    return pl.pallas_call(
        _rowmax_body,
        grid=(B, N // _RB),
        in_specs=[pl.BlockSpec((1, _RB, C), lambda b, i: (b, i, 0))],
        out_specs=pl.BlockSpec((1, 1, 8, _RB // 8), lambda b, i: (b, i, 0, 0)),
        out_shape=jax.ShapeDtypeStruct((B, N // _RB, 8, _RB // 8), jnp.float32),
    )(pred_logits).reshape(B, N)



def _order_bucket(v):
    u = plsc.bitcast(v, jnp.int32)
    neg = u < 0
    u2 = jnp.where(neg, ~u, u ^ jnp.int32(-2147483648))
    return lax.shift_right_logical(u2, 18)


def _iota16():
    return lax.iota(jnp.int32, 16)


def _find_edge(hist_ref, want):
    def body(t, carry):
        found, edge, ncnt, cum = carry
        j = NBKT // 16 - 1 - t
        vec = hist_ref[pl.ds(j * 16, 16)]
        rc = plsc.cumsum(lax.rev(vec.astype(jnp.float32), (0,)))
        rc = rc.astype(jnp.int32)
        tot = cum + rc
        cond = tot >= want
        lstar = jnp.min(jnp.where(cond, _iota16(), 99))
        hit = jnp.logical_and(jnp.logical_not(found), lstar < 16)
        cnt_here = jnp.sum(jnp.where(_iota16() == lstar, tot, 0))
        edge = jnp.where(hit, j * 16 + 15 - lstar, edge)
        ncnt = jnp.where(hit, cnt_here, ncnt)
        found = jnp.logical_or(found, hit)
        cum = cum + jnp.sum(vec)
        return found, edge, ncnt, cum
    _, edge, ncnt, _ = lax.fori_loop(
        0, NBKT // 16,
        body,
        (jnp.bool_(False), jnp.int32(0), jnp.int32(0), jnp.int32(0)),
    )
    return edge, ncnt


def _sc_body(m_hbm, logits_hbm, boxes_hbm, scale_hbm,
             val_out, lbl_out, box_out,
             m_v, hist, cand, rows_v, gidx, c2f, bidx, wboxes, lblbuf, c2v,
             bflat, scale_v, sem):
    cid = lax.axis_index("c")
    sid = lax.axis_index("s")
    wid = sid * 2 + cid
    b = wid

    @pl.when(wid < B)
    def _():
        pltpu.sync_copy(m_hbm.at[b], m_v)
        pltpu.sync_copy(scale_hbm.at[b], scale_v)

        def zero_body(i, _):
            for u in range(4):
                hist[pl.ds(i * 64 + u * 16, 16)] = jnp.zeros((16,), jnp.int32)
            return 0
        lax.fori_loop(0, NBKT // 64, zero_body, 0)

        ones = jnp.ones((16,), jnp.int32)

        def hist_body(i, _):
            for u in range(4):
                v = m_v[pl.ds(i * 64 + u * 16, 16)]
                plsc.addupdate_scatter(hist, [_order_bucket(v)], ones)
            return 0
        lax.fori_loop(0, N // 64, hist_body, 0)
        for u in range(2):
            v = m_v[pl.ds((N // 64) * 64 + u * 16, 16)]
            plsc.addupdate_scatter(hist, [_order_bucket(v)], ones)

        edge, _ = _find_edge(hist, TOPK)

        def cz_body(i, _):
            cand[pl.ds(i * 16, 16)] = jnp.zeros((16,), jnp.int32)
            return 0
        lax.fori_loop(0, CAP // 16, cz_body, 0)

        def compact_body(i, off):
            v = m_v[pl.ds(i * 16, 16)]
            keep = _order_bucket(v) >= edge
            ids = _iota16() + i * 16
            cnt = jnp.sum(keep.astype(jnp.int32))

            @pl.when(jnp.logical_and(cnt > 0, off <= CAP - 16))
            def _():
                plsc.store_compressed(cand.at[pl.ds(off, 16)], ids, mask=keep)
            return jnp.minimum(off + cnt, CAP)
        ncand = lax.fori_loop(0, N // 16, compact_body, jnp.int32(0))

        def gi_body(i, _):
            for u in range(4):
                q = _iota16() + i * 64 + u * 16
                k = q // 7
                j = q - k * 7
                boxid = plsc.load_gather(cand, [k])
                gidx[pl.ds(i * 64 + u * 16, 16)] = (
                    lax.shift_right_logical(boxid * C, 4) + j)
            return 0
        lax.fori_loop(0, CAP * 7 // 64, gi_body, 0)

        cps = []
        for mchunk in range(CAP * 7 // 128):
            cps.append(pltpu.async_copy(
                logits_hbm.at[b].at[gidx.at[pl.ds(mchunk * 128, 128)]],
                rows_v.at[pl.ds(mchunk * 128, 128)], sem))
        for cp in cps:
            cp.wait()

        lax.fori_loop(0, NBKT // 64, zero_body, 0)

        def hist2_body(i, _):
            for u in range(4):
                p = _iota16() + i * 64 + u * 16
                row = p // C
                col = p - row * C
                boxid = plsc.load_gather(cand, [row])
                flat = boxid * C + col
                base = lax.shift_right_logical(boxid * C, 4)
                grow = row * 7 + lax.shift_right_logical(flat, 4) - base
                gcol = jnp.bitwise_and(flat, 15)
                v = plsc.load_gather(rows_v, [grow, gcol])
                bkt = jnp.where(row < ncand, _order_bucket(v), 0)
                plsc.addupdate_scatter(hist, [bkt], ones)
            return 0
        n2u = (ncand * C + 63) // 64
        lax.fori_loop(0, n2u, hist2_body, 0)
        n2 = (ncand * C + 15) // 16

        edge2, _ = _find_edge(hist, TOPK)

        def c2z_body(i, _):
            c2v[pl.ds(i * 16, 16)] = jnp.full((16,), NEG, jnp.float32)
            c2f[pl.ds(i * 16, 16)] = jnp.zeros((16,), jnp.int32)
            return 0
        lax.fori_loop(0, CAP // 16, c2z_body, 0)

        def compact2_body(i, off):
            p = _iota16() + i * 16
            row = p // C
            col = p - row * C
            boxid = plsc.load_gather(cand, [row])
            fid = boxid * C + col
            base = lax.shift_right_logical(boxid * C, 4)
            grow = row * 7 + lax.shift_right_logical(fid, 4) - base
            gcol = jnp.bitwise_and(fid, 15)
            v = plsc.load_gather(rows_v, [grow, gcol])
            keep = jnp.logical_and(row < ncand, _order_bucket(v) >= edge2)
            cnt = jnp.sum(keep.astype(jnp.int32))

            @pl.when(jnp.logical_and(cnt > 0, off <= CAP - 16))
            def _():
                plsc.store_compressed(c2v.at[pl.ds(off, 16)], v, mask=keep)
                plsc.store_compressed(c2f.at[pl.ds(off, 16)], fid, mask=keep)
            return jnp.minimum(off + cnt, CAP)
        lax.fori_loop(0, n2, compact2_body, jnp.int32(0))

        def lb_body(k, _):
            fid = c2f[pl.ds(k * 16, 16)]
            bx = fid // C
            bidx[pl.ds(k * 16, 16)] = bx
            lblbuf[pl.ds(k * 16, 16)] = fid - bx * C
            return 0
        lax.fori_loop(0, CAP // 16, lb_body, 0)

        def bg_body(i, _):
            bx = bidx[pl.ds(i * 16, 16)]
            gidx[pl.ds(i * 16, 16)] = lax.shift_right_logical(bx, 2)
            return 0
        lax.fori_loop(0, CAP // 16, bg_body, 0)
        cp3 = pltpu.async_copy(
            boxes_hbm.at[b].at[gidx.at[pl.ds(0, 128)]],
            wboxes.at[pl.ds(0, 128)], sem)
        cp4 = pltpu.async_copy(
            boxes_hbm.at[b].at[gidx.at[pl.ds(128, 128)]],
            wboxes.at[pl.ds(128, 128)], sem)
        cp3.wait()
        cp4.wait()

        scale_vec = scale_v[pl.ds(0, 16)]

        def dec_body(k, _):
            l16 = _iota16()
            q = jnp.bitwise_and(l16, 3)
            row = k * 4 + lax.shift_right_logical(l16, 2)
            bx = plsc.load_gather(bidx, [row])
            boff = jnp.bitwise_and(bx, 3) * 4
            colA = boff + jnp.bitwise_and(q, 1)
            colB = colA + 2
            c1 = plsc.load_gather(wboxes, [row, colA])
            wh = plsc.load_gather(wboxes, [row, colB])
            sgn = jnp.where(q >= 2, jnp.float32(0.5), jnp.float32(-0.5))
            bflat[pl.ds(k * 16, 16)] = (c1 + sgn * wh) * scale_vec
            return 0
        lax.fori_loop(0, CAP * 4 // 16, dec_body, 0)

        pltpu.sync_copy(c2v, val_out.at[b])
        pltpu.sync_copy(lblbuf, lbl_out.at[b])
        pltpu.sync_copy(bflat, box_out.at[b])


def _sc_select(m, pred_logits, pred_boxes, scale):
    mesh = plsc.VectorSubcoreMesh(core_axis_name="c", subcore_axis_name="s")
    f = pl.kernel(
        _sc_body,
        out_type=(
            jax.ShapeDtypeStruct((B, CAP), jnp.float32),
            jax.ShapeDtypeStruct((B, CAP), jnp.int32),
            jax.ShapeDtypeStruct((B, CAP * 4), jnp.float32),
        ),
        mesh=mesh,
        compiler_params=pltpu.CompilerParams(needs_layout_passes=False, use_tc_tiling_on_sc=False),
        scratch_types=[
            pltpu.VMEM((N,), jnp.float32),
            pltpu.VMEM((NBKT,), jnp.int32),
            pltpu.VMEM((CAP,), jnp.int32),
            pltpu.VMEM((CAP * 7, 16), jnp.float32),
            pltpu.VMEM((CAP * 7,), jnp.int32),
            pltpu.VMEM((CAP,), jnp.int32),
            pltpu.VMEM((CAP,), jnp.int32),
            pltpu.VMEM((CAP, 16), jnp.float32),
            pltpu.VMEM((CAP,), jnp.int32),
            pltpu.VMEM((CAP,), jnp.float32),
            pltpu.VMEM((CAP * 4,), jnp.float32),
            pltpu.VMEM((16,), jnp.float32),
            pltpu.SemaphoreType.DMA,
        ],
    )
    return f(m, pred_logits.reshape(B, N * C // 16, 16),
             pred_boxes.reshape(B, N * 4 // 16, 16), scale)



def kernel(pred_logits, pred_boxes, target_sizes):
    m = _rowmax(pred_logits)

    img_h = target_sizes[:, 0].astype(jnp.float32)
    img_w = target_sizes[:, 1].astype(jnp.float32)
    scale = jnp.tile(jnp.stack([img_w, img_h, img_w, img_h], axis=1), (1, 4))

    vals, lbls, bflat = _sc_select(m, pred_logits, pred_boxes, scale)

    s = jax.nn.sigmoid(vals)
    scores, pos = jax.lax.top_k(s, TOPK)
    labels = jnp.take_along_axis(lbls, pos, axis=1)
    boxes = jnp.take_along_axis(
        bflat.reshape(B, CAP, 4),
        jnp.repeat(pos[:, :, None], 4, axis=2), axis=1)
    return scores, labels, boxes

# --- scband reference (transcript-rebuilt; emitter-appended) ---
"""Pipeline reference for scband-post-process-48155173322817 (READ-ONLY COPY).

The authoritative reference and input builder live on the scoring server;
editing this copy changes nothing except your own understanding.
"""

import jax, jax.numpy as jnp
import numpy as np

TOPK = 100


def box_cxcywh_to_xyxy(b):
    cx, cy, w, h = b[..., 0], b[..., 1], b[..., 2], b[..., 3]
    return jnp.stack([cx - 0.5 * w, cy - 0.5 * h, cx + 0.5 * w, cy + 0.5 * h], axis=-1)


def setup_inputs(seed: int = 0) -> dict:
    key = jax.random.key(seed)
    k1, k2, k3 = jax.random.split(key, 3)
    B, N, C = 16, 20000, 91
    pred_logits = jax.random.normal(k1, (B, N, C), dtype=jnp.float32)
    pred_boxes = jax.random.uniform(k2, (B, N, 4), dtype=jnp.float32)
    target_sizes = jax.random.randint(k3, (B, 2), 1, 1333).astype(jnp.int32)
    return {"pred_logits": pred_logits, "pred_boxes": pred_boxes, "target_sizes": target_sizes}


def reference(pred_logits, pred_boxes, target_sizes):
    B, N, C = pred_logits.shape
    prob = jax.nn.sigmoid(pred_logits)
    flat = prob.reshape(B, N * C)
    topk_values, topk_indexes = jax.lax.top_k(flat, TOPK)
    scores = topk_values
    topk_boxes = topk_indexes // C
    labels = topk_indexes % C
    boxes = box_cxcywh_to_xyxy(pred_boxes)
    gather_idx = jnp.repeat(topk_boxes[:, :, None], 4, axis=2)
    boxes = jnp.take_along_axis(boxes, gather_idx, axis=1)
    img_h = target_sizes[:, 0].astype(jnp.float32)
    img_w = target_sizes[:, 1].astype(jnp.float32)
    scale_fct = jnp.stack([img_w, img_h, img_w, img_h], axis=1)
    boxes = boxes * scale_fct[:, None, :]
    return scores, labels, boxes

if __name__ == "__main__":
    import jax
    _d = setup_inputs()
    print(jax.jit(kernel)(*tuple(_d.values())))

</pallas_src>

<mosaic_0001>
#map = affine_map<(d0, d1) -> (0, 0)>
#map1 = affine_map<(d0, d1) -> (0, 0, 0)>
module attributes {stable_mosaic.version = 14 : i64} {
  func.func @_sc_body(%arg0: i32, %arg1: i32, %arg2: memref<16x20000xf32, #tpu.memory_space<hbm>>, %arg3: memref<16x113750x16xf32, #tpu.memory_space<hbm>>, %arg4: memref<16x5000x16xf32, #tpu.memory_space<hbm>>, %arg5: memref<16x16xf32, #tpu.memory_space<hbm>>, %arg6: memref<16x256xf32, #tpu.memory_space<hbm>>, %arg7: memref<16x256xi32, #tpu.memory_space<hbm>>, %arg8: memref<16x1024xf32, #tpu.memory_space<hbm>>, %arg9: memref<20000xf32, #tpu.memory_space<vmem>>, %arg10: memref<16384xi32, #tpu.memory_space<vmem>>, %arg11: memref<256xi32, #tpu.memory_space<vmem>>, %arg12: memref<1792x16xf32, #tpu.memory_space<vmem>>, %arg13: memref<1792xi32, #tpu.memory_space<vmem>>, %arg14: memref<256xi32, #tpu.memory_space<vmem>>, %arg15: memref<256xi32, #tpu.memory_space<vmem>>, %arg16: memref<256x16xf32, #tpu.memory_space<vmem>>, %arg17: memref<256xi32, #tpu.memory_space<vmem>>, %arg18: memref<256xf32, #tpu.memory_space<vmem>>, %arg19: memref<1024xf32, #tpu.memory_space<vmem>>, %arg20: memref<16xf32, #tpu.memory_space<vmem>>, %arg21: memref<!tpu.dma_semaphore, #tpu.memory_space<semaphore_mem>>) attributes {dimension_semantics = [#tpu.dimension_semantics<core_parallel>, #tpu.dimension_semantics<subcore_parallel>], iteration_bounds = array<i64: 2, 16>, scalar_prefetch = 0 : i64, scratch_operands = 13 : i64, tpu.core_type = #tpu.core_type<sc_vector_subcore>, window_params = [{transform_indices = #map}, {transform_indices = #map1}, {transform_indices = #map1}, {transform_indices = #map}, {transform_indices = #map}, {transform_indices = #map}, {transform_indices = #map}]} {
    %mul3A = arith.constant 2 : i32
    %mul3A_0 = arith.muli %arg1, %mul3A : i32
    %add3A = arith.addi %mul3A_0, %arg0 : i32
    %lt3A = arith.constant 16 : i32
    %lt3A_1 = arith.cmpi slt, %add3A, %lt3A : i32
    %convert_element_type3A = arith.extui %lt3A_1 : i1 to i32
    %cond3A = arith.constant 0 : i32
    %cond3A_2 = arith.cmpi ne, %convert_element_type3A, %cond3A : i32
    scf.if %cond3A_2 {
      "tpu.region"() ({
        %run_scoped3A = tpu.sem_alloc : memref<!tpu.dma_semaphore, #tpu.memory_space<semaphore_mem>>
        %dma_start3A_573 = arith.constant 0 : i32
        %dma_start3A_574 = tpu.memref_slice %arg2[%add3A, %dma_start3A_573] : memref<16x20000xf32, #tpu.memory_space<hbm>> -> memref<1x20000xf32, #tpu.memory_space<hbm>>
        %dma_start3A_575 = tpu.memref_squeeze %dma_start3A_574 : memref<1x20000xf32, #tpu.memory_space<hbm>> -> memref<20000xf32, #tpu.memory_space<hbm>>
        %dma_start3A_576 = arith.constant 0 : i32
        %dma_start3A_577 = tpu.memref_slice %arg2[%add3A, %dma_start3A_576] : memref<16x20000xf32, #tpu.memory_space<hbm>> -> memref<1x20000xf32, #tpu.memory_space<hbm>>
        %dma_start3A_578 = tpu.memref_squeeze %dma_start3A_577 : memref<1x20000xf32, #tpu.memory_space<hbm>> -> memref<20000xf32, #tpu.memory_space<hbm>>
        tpu.enqueue_dma source(%dma_start3A_578 : memref<20000xf32, #tpu.memory_space<hbm>>) target(%arg9 : memref<20000xf32, #tpu.memory_space<vmem>>) target_semaphore(%run_scoped3A : memref<!tpu.dma_semaphore, #tpu.memory_space<semaphore_mem>>)
        %dma_wait3A_579 = arith.constant 0 : i32
        %dma_wait3A_580 = tpu.memref_slice %arg2[%add3A, %dma_wait3A_579] : memref<16x20000xf32, #tpu.memory_space<hbm>> -> memref<1x20000xf32, #tpu.memory_space<hbm>>
        %dma_wait3A_581 = tpu.memref_squeeze %dma_wait3A_580 : memref<1x20000xf32, #tpu.memory_space<hbm>> -> memref<20000xf32, #tpu.memory_space<hbm>>
        %dma_wait3A_582 = arith.constant 0 : i32
        %dma_wait3A_583 = tpu.memref_slice %arg2[%add3A, %dma_wait3A_582] : memref<16x20000xf32, #tpu.memory_space<hbm>> -> memref<1x20000xf32, #tpu.memory_space<hbm>>
        %dma_wait3A_584 = tpu.memref_squeeze %dma_wait3A_583 : memref<1x20000xf32, #tpu.memory_space<hbm>> -> memref<20000xf32, #tpu.memory_space<hbm>>
        tpu.wait_dma2 semaphore(%run_scoped3A : memref<!tpu.dma_semaphore, #tpu.memory_space<semaphore_mem>>) src(%dma_wait3A_584 : memref<20000xf32, #tpu.memory_space<hbm>>) dst(%arg9 : memref<20000xf32, #tpu.memory_space<vmem>>)
        tpu.yield
      }) : () -> ()
      "tpu.region"() ({
        %run_scoped3A = tpu.sem_alloc : memref<!tpu.dma_semaphore, #tpu.memory_space<semaphore_mem>>
        %dma_start3A_573 = arith.constant 0 : i32
        %dma_start3A_574 = tpu.memref_slice %arg5[%add3A, %dma_start3A_573] : memref<16x16xf32, #tpu.memory_space<hbm>> -> memref<1x16xf32, #tpu.memory_space<hbm>>
        %dma_start3A_575 = tpu.memref_squeeze %dma_start3A_574 : memref<1x16xf32, #tpu.memory_space<hbm>> -> memref<16xf32, #tpu.memory_space<hbm>>
        %dma_start3A_576 = arith.constant 0 : i32
        %dma_start3A_577 = tpu.memref_slice %arg5[%add3A, %dma_start3A_576] : memref<16x16xf32, #tpu.memory_space<hbm>> -> memref<1x16xf32, #tpu.memory_space<hbm>>
        %dma_start3A_578 = tpu.memref_squeeze %dma_start3A_577 : memref<1x16xf32, #tpu.memory_space<hbm>> -> memref<16xf32, #tpu.memory_space<hbm>>
        tpu.enqueue_dma source(%dma_start3A_578 : memref<16xf32, #tpu.memory_space<hbm>>) target(%arg20 : memref<16xf32, #tpu.memory_space<vmem>>) target_semaphore(%run_scoped3A : memref<!tpu.dma_semaphore, #tpu.memory_space<semaphore_mem>>)
        %dma_wait3A_579 = arith.constant 0 : i32
        %dma_wait3A_580 = tpu.memref_slice %arg5[%add3A, %dma_wait3A_579] : memref<16x16xf32, #tpu.memory_space<hbm>> -> memref<1x16xf32, #tpu.memory_space<hbm>>
        %dma_wait3A_581 = tpu.memref_squeeze %dma_wait3A_580 : memref<1x16xf32, #tpu.memory_space<hbm>> -> memref<16xf32, #tpu.memory_space<hbm>>
        %dma_wait3A_582 = arith.constant 0 : i32
        %dma_wait3A_583 = tpu.memref_slice %arg5[%add3A, %dma_wait3A_582] : memref<16x16xf32, #tpu.memory_space<hbm>> -> memref<1x16xf32, #tpu.memory_space<hbm>>
        %dma_wait3A_584 = tpu.memref_squeeze %dma_wait3A_583 : memref<1x16xf32, #tpu.memory_space<hbm>> -> memref<16xf32, #tpu.memory_space<hbm>>
        tpu.wait_dma2 semaphore(%run_scoped3A : memref<!tpu.dma_semaphore, #tpu.memory_space<semaphore_mem>>) src(%dma_wait3A_584 : memref<16xf32, #tpu.memory_space<hbm>>) dst(%arg20 : memref<16xf32, #tpu.memory_space<vmem>>)
        tpu.yield
      }) : () -> ()
      %scan3A = arith.constant 0 : i32
      %scan3A_3 = arith.constant 0 : i32
      %scan3A_4 = arith.constant 256 : i32
      %scan3A_5 = arith.addi %scan3A_3, %scan3A_4 : i32
      %scan3A_6 = arith.constant 1 : i32
      %scan3A_7 = scf.for %scan3A_573 = %scan3A_3 to %scan3A_5 step %scan3A_6 iter_args(%scan3A_574 = %scan3A) -> (i32)  : i32 {
        %broadcast_in_dim3A_575 = arith.constant 0 : i32
        %broadcast_in_dim3A_576 = vector.broadcast %broadcast_in_dim3A_575 : i32 to vector<16xi32>
        %mul3A_577 = arith.constant 64 : i32
        %mul3A_578 = arith.muli %scan3A_573, %mul3A_577 : i32
        %add3A_579 = arith.constant 0 : i32
        %add3A_580 = arith.addi %mul3A_578, %add3A_579 : i32
        %swap3A = arith.index_cast %add3A_580 : i32 to index
        %swap3A_581 = tpu.vector_load %arg10[%swap3A] {strides = array<i32>} : memref<16384xi32, #tpu.memory_space<vmem>>, vector<16xi32>,
        tpu.vector_store %arg10[%swap3A], %broadcast_in_dim3A_576 {strides = array<i32>} : memref<16384xi32, #tpu.memory_space<vmem>>, vector<16xi32>,
        %broadcast_in_dim3A_582 = arith.constant 0 : i32
        %broadcast_in_dim3A_583 = vector.broadcast %broadcast_in_dim3A_582 : i32 to vector<16xi32>
        %mul3A_584 = arith.constant 64 : i32
        %mul3A_585 = arith.muli %scan3A_573, %mul3A_584 : i32
        %add3A_586 = arith.constant 16 : i32
        %add3A_587 = arith.addi %mul3A_585, %add3A_586 : i32
        %swap3A_588 = arith.index_cast %add3A_587 : i32 to index
        %swap3A_589 = tpu.vector_load %arg10[%swap3A_588] {strides = array<i32>} : memref<16384xi32, #tpu.memory_space<vmem>>, vector<16xi32>,
        tpu.vector_store %arg10[%swap3A_588], %broadcast_in_dim3A_583 {strides = array<i32>} : memref<16384xi32, #tpu.memory_space<vmem>>, vector<16xi32>,
        %broadcast_in_dim3A_590 = arith.constant 0 : i32
        %broadcast_in_dim3A_591 = vector.broadcast %broadcast_in_dim3A_590 : i32 to vector<16xi32>
        %mul3A_592 = arith.constant 64 : i32
        %mul3A_593 = arith.muli %scan3A_573, %mul3A_592 : i32
        %add3A_594 = arith.constant 32 : i32
        %add3A_595 = arith.addi %mul3A_593, %add3A_594 : i32
        %swap3A_596 = arith.index_cast %add3A_595 : i32 to index
        %swap3A_597 = tpu.vector_load %arg10[%swap3A_596] {strides = array<i32>} : memref<16384xi32, #tpu.memory_space<vmem>>, vector<16xi32>,
        tpu.vector_store %arg10[%swap3A_596], %broadcast_in_dim3A_591 {strides = array<i32>} : memref<16384xi32, #tpu.memory_space<vmem>>, vector<16xi32>,
        %broadcast_in_dim3A_598 = arith.constant 0 : i32
        %broadcast_in_dim3A_599 = vector.broadcast %broadcast_in_dim3A_598 : i32 to vector<16xi32>
        %mul3A_600 = arith.constant 64 : i32
        %mul3A_601 = arith.muli %scan3A_573, %mul3A_600 : i32
        %add3A_602 = arith.constant 48 : i32
        %add3A_603 = arith.addi %mul3A_601, %add3A_602 : i32
        %swap3A_604 = arith.index_cast %add3A_603 : i32 to index
        %swap3A_605 = tpu.vector_load %arg10[%swap3A_604] {strides = array<i32>} : memref<16384xi32, #tpu.memory_space<vmem>>, vector<16xi32>,
        tpu.vector_store %arg10[%swap3A_604], %broadcast_in_dim3A_599 {strides = array<i32>} : memref<16384xi32, #tpu.memory_space<vmem>>, vector<16xi32>,
        %scan3A_606 = arith.constant 0 : i32
        scf.yield %scan3A_606 : i32
      }
      %scan3A_8 = arith.constant 256 : i32
      %broadcast_in_dim3A = arith.constant 1 : i32
      %broadcast_in_dim3A_9 = vector.broadcast %broadcast_in_dim3A : i32 to vector<16xi32>
      %scan3A_10 = arith.constant 0 : i32
      %scan3A_11 = arith.constant 0 : i32
      %scan3A_12 = arith.constant 312 : i32
      %scan3A_13 = arith.addi %scan3A_11, %scan3A_12 : i32
      %scan3A_14 = arith.constant 1 : i32
      %scan3A_15 = scf.for %scan3A_573 = %scan3A_11 to %scan3A_13 step %scan3A_14 iter_args(%scan3A_574 = %scan3A_10) -> (i32)  : i32 {
        %mul3A_575 = arith.constant 64 : i32
        %mul3A_576 = arith.muli %scan3A_573, %mul3A_575 : i32
        %add3A_577 = arith.constant 0 : i32
        %add3A_578 = arith.addi %mul3A_576, %add3A_577 : i32
        %get3A_579 = arith.index_cast %add3A_578 : i32 to index
        %get3A_580 = tpu.vector_load %arg9[%get3A_579] {strides = array<i32>} : memref<20000xf32, #tpu.memory_space<vmem>>, vector<16xf32>,
        %bitcast3A_581 = vector.bitcast %get3A_580 : vector<16xf32> to vector<16xi32>
        %lt3A_582 = arith.constant 0 : i32
        %lt3A_583 = vector.broadcast %lt3A_582 : i32 to vector<16xi32>
        %lt3A_584 = arith.cmpi slt, %bitcast3A_581, %lt3A_583 : vector<16xi32>
        %not3A_585 = arith.constant dense<-1> : vector<16xi32>
        %not3A_586 = arith.xori %bitcast3A_581, %not3A_585 : vector<16xi32>
        %xor3A_587 = arith.constant -2147483648 : i32
        %xor3A_588 = vector.broadcast %xor3A_587 : i32 to vector<16xi32>
        %xor3A_589 = arith.xori %bitcast3A_581, %xor3A_588 : vector<16xi32>
        %select_n3A_590 = arith.select %lt3A_584, %not3A_586, %xor3A_589 : vector<16xi1>, vector<16xi32>
        %shift_right_logical3A_591 = arith.constant 18 : i32
        %shift_right_logical3A_592 = vector.broadcast %shift_right_logical3A_591 : i32 to vector<16xi32>
        %shift_right_logical3A_593 = arith.shrui %select_n3A_590, %shift_right_logical3A_592 : vector<16xi32>
        tpu.vector_store_idx %arg10[%shift_right_logical3A_593], %broadcast_in_dim3A_9 {add = true} : memref<16384xi32, #tpu.memory_space<vmem>>[vector<16xi32>], vector<16xi32>,
        %mul3A_594 = arith.constant 64 : i32
        %mul3A_595 = arith.muli %scan3A_573, %mul3A_594 : i32
        %add3A_596 = arith.constant 16 : i32
        %add3A_597 = arith.addi %mul3A_595, %add3A_596 : i32
        %get3A_598 = arith.index_cast %add3A_597 : i32 to index
        %get3A_599 = tpu.vector_load %arg9[%get3A_598] {strides = array<i32>} : memref<20000xf32, #tpu.memory_space<vmem>>, vector<16xf32>,
        %bitcast3A_600 = vector.bitcast %get3A_599 : vector<16xf32> to vector<16xi32>
        %lt3A_601 = arith.constant 0 : i32
        %lt3A_602 = vector.broadcast %lt3A_601 : i32 to vector<16xi32>
        %lt3A_603 = arith.cmpi slt, %bitcast3A_600, %lt3A_602 : vector<16xi32>
        %not3A_604 = arith.constant dense<-1> : vector<16xi32>
        %not3A_605 = arith.xori %bitcast3A_600, %not3A_604 : vector<16xi32>
        %xor3A_606 = arith.constant -2147483648 : i32
        %xor3A_607 = vector.broadcast %xor3A_606 : i32 to vector<16xi32>
        %xor3A_608 = arith.xori %bitcast3A_600, %xor3A_607 : vector<16xi32>
        %select_n3A_609 = arith.select %lt3A_603, %not3A_605, %xor3A_608 : vector<16xi1>, vector<16xi32>
        %shift_right_logical3A_610 = arith.constant 18 : i32
        %shift_right_logical3A_611 = vector.broadcast %shift_right_logical3A_610 : i32 to vector<16xi32>
        %shift_right_logical3A_612 = arith.shrui %select_n3A_609, %shift_right_logical3A_611 : vector<16xi32>
        tpu.vector_store_idx %arg10[%shift_right_logical3A_612], %broadcast_in_dim3A_9 {add = true} : memref<16384xi32, #tpu.memory_space<vmem>>[vector<16xi32>], vector<16xi32>,
        %mul3A_613 = arith.constant 64 : i32
        %mul3A_614 = arith.muli %scan3A_573, %mul3A_613 : i32
        %add3A_615 = arith.constant 32 : i32
        %add3A_616 = arith.addi %mul3A_614, %add3A_615 : i32
        %get3A_617 = arith.index_cast %add3A_616 : i32 to index
        %get3A_618 = tpu.vector_load %arg9[%get3A_617] {strides = array<i32>} : memref<20000xf32, #tpu.memory_space<vmem>>, vector<16xf32>,
        %bitcast3A_619 = vector.bitcast %get3A_618 : vector<16xf32> to vector<16xi32>
        %lt3A_620 = arith.constant 0 : i32
        %lt3A_621 = vector.broadcast %lt3A_620 : i32 to vector<16xi32>
        %lt3A_622 = arith.cmpi slt, %bitcast3A_619, %lt3A_621 : vector<16xi32>
        %not3A_623 = arith.constant dense<-1> : vector<16xi32>
        %not3A_624 = arith.xori %bitcast3A_619, %not3A_623 : vector<16xi32>
        %xor3A_625 = arith.constant -2147483648 : i32
        %xor3A_626 = vector.broadcast %xor3A_625 : i32 to vector<16xi32>
        %xor3A_627 = arith.xori %bitcast3A_619, %xor3A_626 : vector<16xi32>
        %select_n3A_628 = arith.select %lt3A_622, %not3A_624, %xor3A_627 : vector<16xi1>, vector<16xi32>
        %shift_right_logical3A_629 = arith.constant 18 : i32
        %shift_right_logical3A_630 = vector.broadcast %shift_right_logical3A_629 : i32 to vector<16xi32>
        %shift_right_logical3A_631 = arith.shrui %select_n3A_628, %shift_right_logical3A_630 : vector<16xi32>
        tpu.vector_store_idx %arg10[%shift_right_logical3A_631], %broadcast_in_dim3A_9 {add = true} : memref<16384xi32, #tpu.memory_space<vmem>>[vector<16xi32>], vector<16xi32>,
        %mul3A_632 = arith.constant 64 : i32
        %mul3A_633 = arith.muli %scan3A_573, %mul3A_632 : i32
        %add3A_634 = arith.constant 48 : i32
        %add3A_635 = arith.addi %mul3A_633, %add3A_634 : i32
        %get3A_636 = arith.index_cast %add3A_635 : i32 to index
        %get3A_637 = tpu.vector_load %arg9[%get3A_636] {strides = array<i32>} : memref<20000xf32, #tpu.memory_space<vmem>>, vector<16xf32>,
        %bitcast3A_638 = vector.bitcast %get3A_637 : vector<16xf32> to vector<16xi32>
        %lt3A_639 = arith.constant 0 : i32
        %lt3A_640 = vector.broadcast %lt3A_639 : i32 to vector<16xi32>
        %lt3A_641 = arith.cmpi slt, %bitcast3A_638, %lt3A_640 : vector<16xi32>
        %not3A_642 = arith.constant dense<-1> : vector<16xi32>
        %not3A_643 = arith.xori %bitcast3A_638, %not3A_642 : vector<16xi32>
        %xor3A_644 = arith.constant -2147483648 : i32
        %xor3A_645 = vector.broadcast %xor3A_644 : i32 to vector<16xi32>
        %xor3A_646 = arith.xori %bitcast3A_638, %xor3A_645 : vector<16xi32>
        %select_n3A_647 = arith.select %lt3A_641, %not3A_643, %xor3A_646 : vector<16xi1>, vector<16xi32>
        %shift_right_logical3A_648 = arith.constant 18 : i32
        %shift_right_logical3A_649 = vector.broadcast %shift_right_logical3A_648 : i32 to vector<16xi32>
        %shift_right_logical3A_650 = arith.shrui %select_n3A_647, %shift_right_logical3A_649 : vector<16xi32>
        tpu.vector_store_idx %arg10[%shift_right_logical3A_650], %broadcast_in_dim3A_9 {add = true} : memref<16384xi32, #tpu.memory_space<vmem>>[vector<16xi32>], vector<16xi32>,
        %scan3A_651 = arith.constant 0 : i32
        scf.yield %scan3A_651 : i32
      }
      %scan3A_16 = arith.constant 312 : i32
      %get3A = arith.constant 19968 : index
      %get3A_17 = tpu.vector_load %arg9[%get3A] {strides = array<i32>} : memref<20000xf32, #tpu.memory_space<vmem>>, vector<16xf32>,
      %bitcast3A = vector.bitcast %get3A_17 : vector<16xf32> to vector<16xi32>
      %lt3A_18 = arith.constant 0 : i32
      %lt3A_19 = vector.broadcast %lt3A_18 : i32 to vector<16xi32>
      %lt3A_20 = arith.cmpi slt, %bitcast3A, %lt3A_19 : vector<16xi32>
      %not3A = arith.constant dense<-1> : vector<16xi32>
      %not3A_21 = arith.xori %bitcast3A, %not3A : vector<16xi32>
      %xor3A = arith.constant -2147483648 : i32
      %xor3A_22 = vector.broadcast %xor3A : i32 to vector<16xi32>
      %xor3A_23 = arith.xori %bitcast3A, %xor3A_22 : vector<16xi32>
      %select_n3A = arith.select %lt3A_20, %not3A_21, %xor3A_23 : vector<16xi1>, vector<16xi32>
      %shift_right_logical3A = arith.constant 18 : i32
      %shift_right_logical3A_24 = vector.broadcast %shift_right_logical3A : i32 to vector<16xi32>
      %shift_right_logical3A_25 = arith.shrui %select_n3A, %shift_right_logical3A_24 : vector<16xi32>
      tpu.vector_store_idx %arg10[%shift_right_logical3A_25], %broadcast_in_dim3A_9 {add = true} : memref<16384xi32, #tpu.memory_space<vmem>>[vector<16xi32>], vector<16xi32>,
      %get3A_26 = arith.constant 19984 : index
      %get3A_27 = tpu.vector_load %arg9[%get3A_26] {strides = array<i32>} : memref<20000xf32, #tpu.memory_space<vmem>>, vector<16xf32>,
      %bitcast3A_28 = vector.bitcast %get3A_27 : vector<16xf32> to vector<16xi32>
      %lt3A_29 = arith.constant 0 : i32
      %lt3A_30 = vector.broadcast %lt3A_29 : i32 to vector<16xi32>
      %lt3A_31 = arith.cmpi slt, %bitcast3A_28, %lt3A_30 : vector<16xi32>
      %not3A_32 = arith.constant dense<-1> : vector<16xi32>
      %not3A_33 = arith.xori %bitcast3A_28, %not3A_32 : vector<16xi32>
      %xor3A_34 = arith.constant -2147483648 : i32
      %xor3A_35 = vector.broadcast %xor3A_34 : i32 to vector<16xi32>
      %xor3A_36 = arith.xori %bitcast3A_28, %xor3A_35 : vector<16xi32>
      %select_n3A_37 = arith.select %lt3A_31, %not3A_33, %xor3A_36 : vector<16xi1>, vector<16xi32>
      %shift_right_logical3A_38 = arith.constant 18 : i32
      %shift_right_logical3A_39 = vector.broadcast %shift_right_logical3A_38 : i32 to vector<16xi32>
      %shift_right_logical3A_40 = arith.shrui %select_n3A_37, %shift_right_logical3A_39 : vector<16xi32>
      tpu.vector_store_idx %arg10[%shift_right_logical3A_40], %broadcast_in_dim3A_9 {add = true} : memref<16384xi32, #tpu.memory_space<vmem>>[vector<16xi32>], vector<16xi32>,
      %scan3A_41 = arith.constant false
      %scan3A_42 = arith.constant 0 : i32
      %scan3A_43 = arith.constant 0 : i32
      %scan3A_44 = arith.constant 0 : i32
      %scan3A_45 = arith.constant 0 : i32
      %scan3A_46 = arith.constant 1024 : i32
      %scan3A_47 = arith.addi %scan3A_45, %scan3A_46 : i32
      %scan3A_48 = arith.constant 1 : i32
      %scan3A_49:4 = scf.for %scan3A_573 = %scan3A_45 to %scan3A_47 step %scan3A_48 iter_args(%scan3A_574 = %scan3A_41, %scan3A_575 = %scan3A_42, %scan3A_576 = %scan3A_43, %scan3A_577 = %scan3A_44) -> (i1, i32, i32, i32)  : i32 {
        %sub3A_578 = arith.constant 1023 : i32
        %sub3A_579 = arith.subi %sub3A_578, %scan3A_573 : i32
        %mul3A_580 = arith.constant 16 : i32
        %mul3A_581 = arith.muli %sub3A_579, %mul3A_580 : i32
        %get3A_582 = arith.index_cast %mul3A_581 : i32 to index
        %get3A_583 = tpu.vector_load %arg10[%get3A_582] {strides = array<i32>} : memref<16384xi32, #tpu.memory_space<vmem>>, vector<16xi32>,
        %convert_element_type3A_584 = arith.sitofp %get3A_583 : vector<16xi32> to vector<16xf32>
        %rev3A = arith.constant 15 : i32
        %rev3A_585 = vector.broadcast %rev3A : i32 to vector<16xi32>
        %rev3A_586 = tpu.iota {dimensions = array<i32: 0>} : vector<16xi32>
        %rev3A_587 = arith.subi %rev3A_585, %rev3A_586 : vector<16xi32>
        %rev3A_588 = tpu.dynamic_gather %convert_element_type3A_584[%rev3A_587] in [0] : vector<16xf32>, vector<16xi32> -> vector<16xf32>
        %broadcast_in_dim3A_589 = arith.constant true
        %broadcast_in_dim3A_590 = vector.broadcast %broadcast_in_dim3A_589 : i1 to vector<16xi1>
        %masked_cumsum3A = tpu.scan <sum>, %rev3A_588 masked %broadcast_in_dim3A_590 : vector<16xf32>, vector<16xi1> -> vector<16xf32>
        %convert_element_type3A_591 = arith.fptosi %masked_cumsum3A : vector<16xf32> to vector<16xi32>
        %add3A_592 = vector.broadcast %scan3A_577 : i32 to vector<16xi32>
        %add3A_593 = arith.addi %add3A_592, %convert_element_type3A_591 : vector<16xi32>
        %ge3A = arith.constant 100 : i32
        %ge3A_594 = vector.broadcast %ge3A : i32 to vector<16xi32>
        %ge3A_595 = arith.cmpi sge, %add3A_593, %ge3A_594 : vector<16xi32>
        %iota3A = tpu.iota {dimensions = array<i32: 0>} : vector<16xi32>
        %jit3A_596 = arith.constant 99 : i32
        %broadcast_in_dim3A_597 = vector.broadcast %jit3A_596 : i32 to vector<16xi32>
        %select_n3A_598 = arith.select %ge3A_595, %iota3A, %broadcast_in_dim3A_597 : vector<16xi1>, vector<16xi32>
        %reduce_min3A = arith.constant true
        %reduce_min3A_599 = vector.broadcast %reduce_min3A : i1 to vector<16xi1>
        %reduce_min3A_600 = arith.constant -2147483648 : i32
        %reduce_min3A_601 = vector.broadcast %reduce_min3A_600 : i32 to vector<16xi32>
        %reduce_min3A_602 = arith.xori %select_n3A_598, %reduce_min3A_601 : vector<16xi32>
        %reduce_min3A_603 = tpu.scan <min>, %reduce_min3A_602 masked %reduce_min3A_599 : vector<16xi32>, vector<16xi1> -> vector<16xi32>
        %reduce_min3A_604 = arith.xori %reduce_min3A_603, %reduce_min3A_601 : vector<16xi32>
        %reduce_min3A_605 = vector.extract %reduce_min3A_604[15] : i32 from vector<16xi32>
        %not3A_606 = arith.constant true
        %not3A_607 = arith.xori %scan3A_574, %not3A_606 : i1
        %lt3A_608 = arith.constant 16 : i32
        %lt3A_609 = arith.cmpi slt, %reduce_min3A_605, %lt3A_608 : i32
        %and3A_610 = arith.andi %not3A_607, %lt3A_609 : i1
        %iota3A_611 = tpu.iota {dimensions = array<i32: 0>} : vector<16xi32>
        %eq3A = vector.broadcast %reduce_min3A_605 : i32 to vector<16xi32>
        %eq3A_612 = arith.cmpi eq, %iota3A_611, %eq3A : vector<16xi32>
        %jit3A_613 = arith.constant 0 : i32
        %broadcast_in_dim3A_614 = vector.broadcast %jit3A_613 : i32 to vector<16xi32>
        %select_n3A_615 = arith.select %eq3A_612, %add3A_593, %broadcast_in_dim3A_614 : vector<16xi1>, vector<16xi32>
        %reduce_sum3A = arith.constant true
        %reduce_sum3A_616 = vector.broadcast %reduce_sum3A : i1 to vector<16xi1>
        %reduce_sum3A_617 = tpu.scan <sum>, %select_n3A_615 masked %reduce_sum3A_616 : vector<16xi32>, vector<16xi1> -> vector<16xi32>
        %reduce_sum3A_618 = vector.extract %reduce_sum3A_617[15] : i32 from vector<16xi32>
        %mul3A_619 = arith.constant 16 : i32
        %mul3A_620 = arith.muli %sub3A_579, %mul3A_619 : i32
        %add3A_621 = arith.constant 15 : i32
        %add3A_622 = arith.addi %mul3A_620, %add3A_621 : i32
        %sub3A_623 = arith.subi %add3A_622, %reduce_min3A_605 : i32
        %select_n3A_624 = arith.select %and3A_610, %sub3A_623, %scan3A_575 : i32
        %select_n3A_625 = arith.select %and3A_610, %reduce_sum3A_618, %scan3A_576 : i32
        %or3A = arith.ori %scan3A_574, %and3A_610 : i1
        %reduce_sum3A_626 = arith.constant true
        %reduce_sum3A_627 = vector.broadcast %reduce_sum3A_626 : i1 to vector<16xi1>
        %reduce_sum3A_628 = tpu.scan <sum>, %get3A_583 masked %reduce_sum3A_627 : vector<16xi32>, vector<16xi1> -> vector<16xi32>
        %reduce_sum3A_629 = vector.extract %reduce_sum3A_628[15] : i32 from vector<16xi32>
        %add3A_630 = arith.addi %scan3A_577, %reduce_sum3A_629 : i32
        scf.yield %or3A, %select_n3A_624, %select_n3A_625, %add3A_630 : i1, i32, i32, i32
      }
      %scan3A_50 = arith.constant 1024 : i32
      %scan3A_51 = arith.constant 0 : i32
      %scan3A_52 = arith.constant 0 : i32
      %scan3A_53 = arith.constant 16 : i32
      %scan3A_54 = arith.addi %scan3A_52, %scan3A_53 : i32
      %scan3A_55 = arith.constant 1 : i32
      %scan3A_56 = scf.for %scan3A_573 = %scan3A_52 to %scan3A_54 step %scan3A_55 iter_args(%scan3A_574 = %scan3A_51) -> (i32)  : i32 {
        %broadcast_in_dim3A_575 = arith.constant 0 : i32
        %broadcast_in_dim3A_576 = vector.broadcast %broadcast_in_dim3A_575 : i32 to vector<16xi32>
        %mul3A_577 = arith.constant 16 : i32
        %mul3A_578 = arith.muli %scan3A_573, %mul3A_577 : i32
        %swap3A = arith.index_cast %mul3A_578 : i32 to index
        %swap3A_579 = tpu.vector_load %arg11[%swap3A] {strides = array<i32>} : memref<256xi32, #tpu.memory_space<vmem>>, vector<16xi32>,
        tpu.vector_store %arg11[%swap3A], %broadcast_in_dim3A_576 {strides = array<i32>} : memref<256xi32, #tpu.memory_space<vmem>>, vector<16xi32>,
        %scan3A_580 = arith.constant 0 : i32
        scf.yield %scan3A_580 : i32
      }
      %scan3A_57 = arith.constant 16 : i32
      %scan3A_58 = arith.constant 0 : i32
      %scan3A_59 = arith.constant 0 : i32
      %scan3A_60 = arith.constant 1250 : i32
      %scan3A_61 = arith.addi %scan3A_59, %scan3A_60 : i32
      %scan3A_62 = arith.constant 1 : i32
      %scan3A_63 = scf.for %scan3A_573 = %scan3A_59 to %scan3A_61 step %scan3A_62 iter_args(%scan3A_574 = %scan3A_58) -> (i32)  : i32 {
        %mul3A_575 = arith.constant 16 : i32
        %mul3A_576 = arith.muli %scan3A_573, %mul3A_575 : i32
        %get3A_577 = arith.index_cast %mul3A_576 : i32 to index
        %get3A_578 = tpu.vector_load %arg9[%get3A_577] {strides = array<i32>} : memref<20000xf32, #tpu.memory_space<vmem>>, vector<16xf32>,
        %bitcast3A_579 = vector.bitcast %get3A_578 : vector<16xf32> to vector<16xi32>
        %lt3A_580 = arith.constant 0 : i32
        %lt3A_581 = vector.broadcast %lt3A_580 : i32 to vector<16xi32>
        %lt3A_582 = arith.cmpi slt, %bitcast3A_579, %lt3A_581 : vector<16xi32>
        %not3A_583 = arith.constant dense<-1> : vector<16xi32>
        %not3A_584 = arith.xori %bitcast3A_579, %not3A_583 : vector<16xi32>
        %xor3A_585 = arith.constant -2147483648 : i32
        %xor3A_586 = vector.broadcast %xor3A_585 : i32 to vector<16xi32>
        %xor3A_587 = arith.xori %bitcast3A_579, %xor3A_586 : vector<16xi32>
        %select_n3A_588 = arith.select %lt3A_582, %not3A_584, %xor3A_587 : vector<16xi1>, vector<16xi32>
        %shift_right_logical3A_589 = arith.constant 18 : i32
        %shift_right_logical3A_590 = vector.broadcast %shift_right_logical3A_589 : i32 to vector<16xi32>
        %shift_right_logical3A_591 = arith.shrui %select_n3A_588, %shift_right_logical3A_590 : vector<16xi32>
        %ge3A = vector.broadcast %scan3A_49#1 : i32 to vector<16xi32>
        %ge3A_592 = arith.cmpi sge, %shift_right_logical3A_591, %ge3A : vector<16xi32>
        %iota3A = tpu.iota {dimensions = array<i32: 0>} : vector<16xi32>
        %mul3A_593 = arith.constant 16 : i32
        %mul3A_594 = arith.muli %scan3A_573, %mul3A_593 : i32
        %add3A_595 = vector.broadcast %mul3A_594 : i32 to vector<16xi32>
        %add3A_596 = arith.addi %iota3A, %add3A_595 : vector<16xi32>
        %convert_element_type3A_597 = arith.extui %ge3A_592 : vector<16xi1> to vector<16xi32>
        %reduce_sum3A = arith.constant true
        %reduce_sum3A_598 = vector.broadcast %reduce_sum3A : i1 to vector<16xi1>
        %reduce_sum3A_599 = tpu.scan <sum>, %convert_element_type3A_597 masked %reduce_sum3A_598 : vector<16xi32>, vector<16xi1> -> vector<16xi32>
        %reduce_sum3A_600 = vector.extract %reduce_sum3A_599[15] : i32 from vector<16xi32>
        %gt3A = arith.constant 0 : i32
        %gt3A_601 = arith.cmpi sgt, %reduce_sum3A_600, %gt3A : i32
        %le3A = arith.constant 240 : i32
        %le3A_602 = arith.cmpi sle, %scan3A_574, %le3A : i32
        %and3A_603 = arith.andi %gt3A_601, %le3A_602 : i1
        %convert_element_type3A_604 = arith.extui %and3A_603 : i1 to i32
        %cond3A_605 = arith.constant 0 : i32
        %cond3A_606 = arith.cmpi ne, %convert_element_type3A_604, %cond3A_605 : i32
        scf.if %cond3A_606 {
          %swap3A = arith.index_cast %scan3A_574 : i32 to index
          %swap3A_609 = tpu.vector_load %arg11[%swap3A] masked %ge3A_592 {strides = array<i32>} : memref<256xi32, #tpu.memory_space<vmem>>, vector<16xi32>, vector<16xi1>
          tpu.vector_store %arg11[%swap3A], %add3A_596 masked %ge3A_592 {strides = array<i32>} : memref<256xi32, #tpu.memory_space<vmem>>, vector<16xi32>, vector<16xi1>
        } else {
        }
        %add3A_607 = arith.addi %scan3A_574, %reduce_sum3A_600 : i32
        %min3A = arith.constant 256 : i32
        %min3A_608 = arith.minsi %add3A_607, %min3A : i32
        scf.yield %min3A_608 : i32
      }
      %scan3A_64 = arith.constant 1250 : i32
      %scan3A_65 = arith.constant 0 : i32
      %scan3A_66 = arith.constant 0 : i32
      %scan3A_67 = arith.constant 28 : i32
      %scan3A_68 = arith.addi %scan3A_66, %scan3A_67 : i32
      %scan3A_69 = arith.constant 1 : i32
      %scan3A_70 = scf.for %scan3A_573 = %scan3A_66 to %scan3A_68 step %scan3A_69 iter_args(%scan3A_574 = %scan3A_65) -> (i32)  : i32 {
        %iota3A = tpu.iota {dimensions = array<i32: 0>} : vector<16xi32>
        %mul3A_575 = arith.constant 64 : i32
        %mul3A_576 = arith.muli %scan3A_573, %mul3A_575 : i32
        %add3A_577 = vector.broadcast %mul3A_576 : i32 to vector<16xi32>
        %add3A_578 = arith.addi %iota3A, %add3A_577 : vector<16xi32>
        %add3A_579 = arith.constant 0 : i32
        %add3A_580 = vector.broadcast %add3A_579 : i32 to vector<16xi32>
        %add3A_581 = arith.addi %add3A_578, %add3A_580 : vector<16xi32>
        %jit3A_582 = arith.constant 7 : i32
        %div3A_583 = vector.broadcast %jit3A_582 : i32 to vector<16xi32>
        %div3A_584 = arith.divsi %add3A_581, %div3A_583 : vector<16xi32>
        %sign3A_585 = arith.constant 0 : i32
        %sign3A_586 = vector.broadcast %sign3A_585 : i32 to vector<16xi32>
        %sign3A_587 = arith.cmpi sgt, %add3A_581, %sign3A_586 : vector<16xi32>
        %sign3A_588 = arith.extui %sign3A_587 : vector<16xi1> to vector<16xi32>
        %sign3A_589 = arith.constant 0 : i32
        %sign3A_590 = vector.broadcast %sign3A_589 : i32 to vector<16xi32>
        %sign3A_591 = arith.cmpi slt, %add3A_581, %sign3A_590 : vector<16xi32>
        %sign3A_592 = arith.extui %sign3A_591 : vector<16xi1> to vector<16xi32>
        %sign3A_593 = arith.subi %sign3A_588, %sign3A_592 : vector<16xi32>
        %sign3A_594 = arith.constant 0 : i32
        %sign3A_595 = arith.cmpi sgt, %jit3A_582, %sign3A_594 : i32
        %sign3A_596 = arith.extui %sign3A_595 : i1 to i32
        %sign3A_597 = arith.constant 0 : i32
        %sign3A_598 = arith.cmpi slt, %jit3A_582, %sign3A_597 : i32
        %sign3A_599 = arith.extui %sign3A_598 : i1 to i32
        %sign3A_600 = arith.subi %sign3A_596, %sign3A_599 : i32
        %ne3A_601 = vector.broadcast %sign3A_600 : i32 to vector<16xi32>
        %ne3A_602 = arith.cmpi ne, %sign3A_593, %ne3A_601 : vector<16xi32>
        %rem3A_603 = vector.broadcast %jit3A_582 : i32 to vector<16xi32>
        %rem3A_604 = arith.remsi %add3A_581, %rem3A_603 : vector<16xi32>
        %ne3A_605 = arith.constant 0 : i32
        %ne3A_606 = vector.broadcast %ne3A_605 : i32 to vector<16xi32>
        %ne3A_607 = arith.cmpi ne, %rem3A_604, %ne3A_606 : vector<16xi32>
        %and3A_608 = arith.andi %ne3A_602, %ne3A_607 : vector<16xi1>
        %sub3A_609 = arith.constant 1 : i32
        %sub3A_610 = vector.broadcast %sub3A_609 : i32 to vector<16xi32>
        %sub3A_611 = arith.subi %div3A_584, %sub3A_610 : vector<16xi32>
        %select_n3A_612 = arith.select %and3A_608, %sub3A_611, %div3A_584 : vector<16xi1>, vector<16xi32>
        %mul3A_613 = arith.constant 7 : i32
        %mul3A_614 = vector.broadcast %mul3A_613 : i32 to vector<16xi32>
        %mul3A_615 = arith.muli %select_n3A_612, %mul3A_614 : vector<16xi32>
        %sub3A_616 = arith.subi %add3A_581, %mul3A_615 : vector<16xi32>
        %gather3A = tpu.vector_load_idx %arg11[%select_n3A_612] : memref<256xi32, #tpu.memory_space<vmem>>[vector<16xi32>], vector<16xi32>,
        %mul3A_617 = arith.constant 91 : i32
        %mul3A_618 = vector.broadcast %mul3A_617 : i32 to vector<16xi32>
        %mul3A_619 = arith.muli %gather3A, %mul3A_618 : vector<16xi32>
        %shift_right_logical3A_620 = arith.constant 4 : i32
        %shift_right_logical3A_621 = vector.broadcast %shift_right_logical3A_620 : i32 to vector<16xi32>
        %shift_right_logical3A_622 = arith.shrui %mul3A_619, %shift_right_logical3A_621 : vector<16xi32>
        %add3A_623 = arith.addi %shift_right_logical3A_622, %sub3A_616 : vector<16xi32>
        %mul3A_624 = arith.constant 64 : i32
        %mul3A_625 = arith.muli %scan3A_573, %mul3A_624 : i32
        %add3A_626 = arith.constant 0 : i32
        %add3A_627 = arith.addi %mul3A_625, %add3A_626 : i32
        %swap3A = arith.index_cast %add3A_627 : i32 to index
        %swap3A_628 = tpu.vector_load %arg13[%swap3A] {strides = array<i32>} : memref<1792xi32, #tpu.memory_space<vmem>>, vector<16xi32>,
        tpu.vector_store %arg13[%swap3A], %add3A_623 {strides = array<i32>} : memref<1792xi32, #tpu.memory_space<vmem>>, vector<16xi32>,
        %iota3A_629 = tpu.iota {dimensions = array<i32: 0>} : vector<16xi32>
        %mul3A_630 = arith.constant 64 : i32
        %mul3A_631 = arith.muli %scan3A_573, %mul3A_630 : i32
        %add3A_632 = vector.broadcast %mul3A_631 : i32 to vector<16xi32>
        %add3A_633 = arith.addi %iota3A_629, %add3A_632 : vector<16xi32>
        %add3A_634 = arith.constant 16 : i32
        %add3A_635 = vector.broadcast %add3A_634 : i32 to vector<16xi32>
        %add3A_636 = arith.addi %add3A_633, %add3A_635 : vector<16xi32>
        %jit3A_637 = arith.constant 7 : i32
        %div3A_638 = vector.broadcast %jit3A_637 : i32 to vector<16xi32>
        %div3A_639 = arith.divsi %add3A_636, %div3A_638 : vector<16xi32>
        %sign3A_640 = arith.constant 0 : i32
        %sign3A_641 = vector.broadcast %sign3A_640 : i32 to vector<16xi32>
        %sign3A_642 = arith.cmpi sgt, %add3A_636, %sign3A_641 : vector<16xi32>
        %sign3A_643 = arith.extui %sign3A_642 : vector<16xi1> to vector<16xi32>
        %sign3A_644 = arith.constant 0 : i32
        %sign3A_645 = vector.broadcast %sign3A_644 : i32 to vector<16xi32>
        %sign3A_646 = arith.cmpi slt, %add3A_636, %sign3A_645 : vector<16xi32>
        %sign3A_647 = arith.extui %sign3A_646 : vector<16xi1> to vector<16xi32>
        %sign3A_648 = arith.subi %sign3A_643, %sign3A_647 : vector<16xi32>
        %sign3A_649 = arith.constant 0 : i32
        %sign3A_650 = arith.cmpi sgt, %jit3A_637, %sign3A_649 : i32
        %sign3A_651 = arith.extui %sign3A_650 : i1 to i32
        %sign3A_652 = arith.constant 0 : i32
        %sign3A_653 = arith.cmpi slt, %jit3A_637, %sign3A_652 : i32
        %sign3A_654 = arith.extui %sign3A_653 : i1 to i32
        %sign3A_655 = arith.subi %sign3A_651, %sign3A_654 : i32
        %ne3A_656 = vector.broadcast %sign3A_655 : i32 to vector<16xi32>
        %ne3A_657 = arith.cmpi ne, %sign3A_648, %ne3A_656 : vector<16xi32>
        %rem3A_658 = vector.broadcast %jit3A_637 : i32 to vector<16xi32>
        %rem3A_659 = arith.remsi %add3A_636, %rem3A_658 : vector<16xi32>
        %ne3A_660 = arith.constant 0 : i32
        %ne3A_661 = vector.broadcast %ne3A_660 : i32 to vector<16xi32>
        %ne3A_662 = arith.cmpi ne, %rem3A_659, %ne3A_661 : vector<16xi32>
        %and3A_663 = arith.andi %ne3A_657, %ne3A_662 : vector<16xi1>
        %sub3A_664 = arith.constant 1 : i32
        %sub3A_665 = vector.broadcast %sub3A_664 : i32 to vector<16xi32>
        %sub3A_666 = arith.subi %div3A_639, %sub3A_665 : vector<16xi32>
        %select_n3A_667 = arith.select %and3A_663, %sub3A_666, %div3A_639 : vector<16xi1>, vector<16xi32>
        %mul3A_668 = arith.constant 7 : i32
        %mul3A_669 = vector.broadcast %mul3A_668 : i32 to vector<16xi32>
        %mul3A_670 = arith.muli %select_n3A_667, %mul3A_669 : vector<16xi32>
        %sub3A_671 = arith.subi %add3A_636, %mul3A_670 : vector<16xi32>
        %gather3A_672 = tpu.vector_load_idx %arg11[%select_n3A_667] : memref<256xi32, #tpu.memory_space<vmem>>[vector<16xi32>], vector<16xi32>,
        %mul3A_673 = arith.constant 91 : i32
        %mul3A_674 = vector.broadcast %mul3A_673 : i32 to vector<16xi32>
        %mul3A_675 = arith.muli %gather3A_672, %mul3A_674 : vector<16xi32>
        %shift_right_logical3A_676 = arith.constant 4 : i32
        %shift_right_logical3A_677 = vector.broadcast %shift_right_logical3A_676 : i32 to vector<16xi32>
        %shift_right_logical3A_678 = arith.shrui %mul3A_675, %shift_right_logical3A_677 : vector<16xi32>
        %add3A_679 = arith.addi %shift_right_logical3A_678, %sub3A_671 : vector<16xi32>
        %mul3A_680 = arith.constant 64 : i32
        %mul3A_681 = arith.muli %scan3A_573, %mul3A_680 : i32
        %add3A_682 = arith.constant 16 : i32
        %add3A_683 = arith.addi %mul3A_681, %add3A_682 : i32
        %swap3A_684 = arith.index_cast %add3A_683 : i32 to index
        %swap3A_685 = tpu.vector_load %arg13[%swap3A_684] {strides = array<i32>} : memref<1792xi32, #tpu.memory_space<vmem>>, vector<16xi32>,
        tpu.vector_store %arg13[%swap3A_684], %add3A_679 {strides = array<i32>} : memref<1792xi32, #tpu.memory_space<vmem>>, vector<16xi32>,
        %iota3A_686 = tpu.iota {dimensions = array<i32: 0>} : vector<16xi32>
        %mul3A_687 = arith.constant 64 : i32
        %mul3A_688 = arith.muli %scan3A_573, %mul3A_687 : i32
        %add3A_689 = vector.broadcast %mul3A_688 : i32 to vector<16xi32>
        %add3A_690 = arith.addi %iota3A_686, %add3A_689 : vector<16xi32>
        %add3A_691 = arith.constant 32 : i32
        %add3A_692 = vector.broadcast %add3A_691 : i32 to vector<16xi32>
        %add3A_693 = arith.addi %add3A_690, %add3A_692 : vector<16xi32>
        %jit3A_694 = arith.constant 7 : i32
        %div3A_695 = vector.broadcast %jit3A_694 : i32 to vector<16xi32>
        %div3A_696 = arith.divsi %add3A_693, %div3A_695 : vector<16xi32>
        %sign3A_697 = arith.constant 0 : i32
        %sign3A_698 = vector.broadcast %sign3A_697 : i32 to vector<16xi32>
        %sign3A_699 = arith.cmpi sgt, %add3A_693, %sign3A_698 : vector<16xi32>
        %sign3A_700 = arith.extui %sign3A_699 : vector<16xi1> to vector<16xi32>
        %sign3A_701 = arith.constant 0 : i32
        %sign3A_702 = vector.broadcast %sign3A_701 : i32 to vector<16xi32>
        %sign3A_703 = arith.cmpi slt, %add3A_693, %sign3A_702 : vector<16xi32>
        %sign3A_704 = arith.extui %sign3A_703 : vector<16xi1> to vector<16xi32>
        %sign3A_705 = arith.subi %sign3A_700, %sign3A_704 : vector<16xi32>
        %sign3A_706 = arith.constant 0 : i32
        %sign3A_707 = arith.cmpi sgt, %jit3A_694, %sign3A_706 : i32
        %sign3A_708 = arith.extui %sign3A_707 : i1 to i32
        %sign3A_709 = arith.constant 0 : i32
        %sign3A_710 = arith.cmpi slt, %jit3A_694, %sign3A_709 : i32
        %sign3A_711 = arith.extui %sign3A_710 : i1 to i32
        %sign3A_712 = arith.subi %sign3A_708, %sign3A_711 : i32
        %ne3A_713 = vector.broadcast %sign3A_712 : i32 to vector<16xi32>
        %ne3A_714 = arith.cmpi ne, %sign3A_705, %ne3A_713 : vector<16xi32>
        %rem3A_715 = vector.broadcast %jit3A_694 : i32 to vector<16xi32>
        %rem3A_716 = arith.remsi %add3A_693, %rem3A_715 : vector<16xi32>
        %ne3A_717 = arith.constant 0 : i32
        %ne3A_718 = vector.broadcast %ne3A_717 : i32 to vector<16xi32>
        %ne3A_719 = arith.cmpi ne, %rem3A_716, %ne3A_718 : vector<16xi32>
        %and3A_720 = arith.andi %ne3A_714, %ne3A_719 : vector<16xi1>
        %sub3A_721 = arith.constant 1 : i32
        %sub3A_722 = vector.broadcast %sub3A_721 : i32 to vector<16xi32>
        %sub3A_723 = arith.subi %div3A_696, %sub3A_722 : vector<16xi32>
        %select_n3A_724 = arith.select %and3A_720, %sub3A_723, %div3A_696 : vector<16xi1>, vector<16xi32>
        %mul3A_725 = arith.constant 7 : i32
        %mul3A_726 = vector.broadcast %mul3A_725 : i32 to vector<16xi32>
        %mul3A_727 = arith.muli %select_n3A_724, %mul3A_726 : vector<16xi32>
        %sub3A_728 = arith.subi %add3A_693, %mul3A_727 : vector<16xi32>
        %gather3A_729 = tpu.vector_load_idx %arg11[%select_n3A_724] : memref<256xi32, #tpu.memory_space<vmem>>[vector<16xi32>], vector<16xi32>,
        %mul3A_730 = arith.constant 91 : i32
        %mul3A_731 = vector.broadcast %mul3A_730 : i32 to vector<16xi32>
        %mul3A_732 = arith.muli %gather3A_729, %mul3A_731 : vector<16xi32>
        %shift_right_logical3A_733 = arith.constant 4 : i32
        %shift_right_logical3A_734 = vector.broadcast %shift_right_logical3A_733 : i32 to vector<16xi32>
        %shift_right_logical3A_735 = arith.shrui %mul3A_732, %shift_right_logical3A_734 : vector<16xi32>
        %add3A_736 = arith.addi %shift_right_logical3A_735, %sub3A_728 : vector<16xi32>
        %mul3A_737 = arith.constant 64 : i32
        %mul3A_738 = arith.muli %scan3A_573, %mul3A_737 : i32
        %add3A_739 = arith.constant 32 : i32
        %add3A_740 = arith.addi %mul3A_738, %add3A_739 : i32
        %swap3A_741 = arith.index_cast %add3A_740 : i32 to index
        %swap3A_742 = tpu.vector_load %arg13[%swap3A_741] {strides = array<i32>} : memref<1792xi32, #tpu.memory_space<vmem>>, vector<16xi32>,
        tpu.vector_store %arg13[%swap3A_741], %add3A_736 {strides = array<i32>} : memref<1792xi32, #tpu.memory_space<vmem>>, vector<16xi32>,
        %iota3A_743 = tpu.iota {dimensions = array<i32: 0>} : vector<16xi32>
        %mul3A_744 = arith.constant 64 : i32
        %mul3A_745 = arith.muli %scan3A_573, %mul3A_744 : i32
        %add3A_746 = vector.broadcast %mul3A_745 : i32 to vector<16xi32>
        %add3A_747 = arith.addi %iota3A_743, %add3A_746 : vector<16xi32>
        %add3A_748 = arith.constant 48 : i32
        %add3A_749 = vector.broadcast %add3A_748 : i32 to vector<16xi32>
        %add3A_750 = arith.addi %add3A_747, %add3A_749 : vector<16xi32>
        %jit3A_751 = arith.constant 7 : i32
        %div3A_752 = vector.broadcast %jit3A_751 : i32 to vector<16xi32>
        %div3A_753 = arith.divsi %add3A_750, %div3A_752 : vector<16xi32>
        %sign3A_754 = arith.constant 0 : i32
        %sign3A_755 = vector.broadcast %sign3A_754 : i32 to vector<16xi32>
        %sign3A_756 = arith.cmpi sgt, %add3A_750, %sign3A_755 : vector<16xi32>
        %sign3A_757 = arith.extui %sign3A_756 : vector<16xi1> to vector<16xi32>
        %sign3A_758 = arith.constant 0 : i32
        %sign3A_759 = vector.broadcast %sign3A_758 : i32 to vector<16xi32>
        %sign3A_760 = arith.cmpi slt, %add3A_750, %sign3A_759 : vector<16xi32>
        %sign3A_761 = arith.extui %sign3A_760 : vector<16xi1> to vector<16xi32>
        %sign3A_762 = arith.subi %sign3A_757, %sign3A_761 : vector<16xi32>
        %sign3A_763 = arith.constant 0 : i32
        %sign3A_764 = arith.cmpi sgt, %jit3A_751, %sign3A_763 : i32
        %sign3A_765 = arith.extui %sign3A_764 : i1 to i32
        %sign3A_766 = arith.constant 0 : i32
        %sign3A_767 = arith.cmpi slt, %jit3A_751, %sign3A_766 : i32
        %sign3A_768 = arith.extui %sign3A_767 : i1 to i32
        %sign3A_769 = arith.subi %sign3A_765, %sign3A_768 : i32
        %ne3A_770 = vector.broadcast %sign3A_769 : i32 to vector<16xi32>
        %ne3A_771 = arith.cmpi ne, %sign3A_762, %ne3A_770 : vector<16xi32>
        %rem3A_772 = vector.broadcast %jit3A_751 : i32 to vector<16xi32>
        %rem3A_773 = arith.remsi %add3A_750, %rem3A_772 : vector<16xi32>
        %ne3A_774 = arith.constant 0 : i32
        %ne3A_775 = vector.broadcast %ne3A_774 : i32 to vector<16xi32>
        %ne3A_776 = arith.cmpi ne, %rem3A_773, %ne3A_775 : vector<16xi32>
        %and3A_777 = arith.andi %ne3A_771, %ne3A_776 : vector<16xi1>
        %sub3A_778 = arith.constant 1 : i32
        %sub3A_779 = vector.broadcast %sub3A_778 : i32 to vector<16xi32>
        %sub3A_780 = arith.subi %div3A_753, %sub3A_779 : vector<16xi32>
        %select_n3A_781 = arith.select %and3A_777, %sub3A_780, %div3A_753 : vector<16xi1>, vector<16xi32>
        %mul3A_782 = arith.constant 7 : i32
        %mul3A_783 = vector.broadcast %mul3A_782 : i32 to vector<16xi32>
        %mul3A_784 = arith.muli %select_n3A_781, %mul3A_783 : vector<16xi32>
        %sub3A_785 = arith.subi %add3A_750, %mul3A_784 : vector<16xi32>
        %gather3A_786 = tpu.vector_load_idx %arg11[%select_n3A_781] : memref<256xi32, #tpu.memory_space<vmem>>[vector<16xi32>], vector<16xi32>,
        %mul3A_787 = arith.constant 91 : i32
        %mul3A_788 = vector.broadcast %mul3A_787 : i32 to vector<16xi32>
        %mul3A_789 = arith.muli %gather3A_786, %mul3A_788 : vector<16xi32>
        %shift_right_logical3A_790 = arith.constant 4 : i32
        %shift_right_logical3A_791 = vector.broadcast %shift_right_logical3A_790 : i32 to vector<16xi32>
        %shift_right_logical3A_792 = arith.shrui %mul3A_789, %shift_right_logical3A_791 : vector<16xi32>
        %add3A_793 = arith.addi %shift_right_logical3A_792, %sub3A_785 : vector<16xi32>
        %mul3A_794 = arith.constant 64 : i32
        %mul3A_795 = arith.muli %scan3A_573, %mul3A_794 : i32
        %add3A_796 = arith.constant 48 : i32
        %add3A_797 = arith.addi %mul3A_795, %add3A_796 : i32
        %swap3A_798 = arith.index_cast %add3A_797 : i32 to index
        %swap3A_799 = tpu.vector_load %arg13[%swap3A_798] {strides = array<i32>} : memref<1792xi32, #tpu.memory_space<vmem>>, vector<16xi32>,
        tpu.vector_store %arg13[%swap3A_798], %add3A_793 {strides = array<i32>} : memref<1792xi32, #tpu.memory_space<vmem>>, vector<16xi32>,
        %scan3A_800 = arith.constant 0 : i32
        scf.yield %scan3A_800 : i32
      }
      %scan3A_71 = arith.constant 28 : i32
      %dma_start3A = arith.constant 0 : i32
      %dma_start3A_72 = arith.constant 0 : i32
      %dma_start3A_73 = tpu.memref_slice %arg12[%dma_start3A, %dma_start3A_72] : memref<1792x16xf32, #tpu.memory_space<vmem>> -> memref<128x16xf32, #tpu.memory_space<vmem>>
      %dma_start3A_74 = arith.constant 0 : i32
      %dma_start3A_75 = tpu.memref_slice %arg13[%dma_start3A_74] : memref<1792xi32, #tpu.memory_space<vmem>> -> memref<128xi32, #tpu.memory_space<vmem>>
      %dma_start3A_76 = arith.constant 0 : i32
      %dma_start3A_77 = arith.constant 0 : i32
      %dma_start3A_78 = tpu.memref_slice %arg3[%add3A, %dma_start3A_76, %dma_start3A_77] : memref<16x113750x16xf32, #tpu.memory_space<hbm>> -> memref<1x113750x16xf32, #tpu.memory_space<hbm>>
      %dma_start3A_79 = tpu.memref_squeeze %dma_start3A_78 : memref<1x113750x16xf32, #tpu.memory_space<hbm>> -> memref<113750x16xf32, #tpu.memory_space<hbm>>
      %dma_start3A_80 = arith.constant 0 : i32
      %dma_start3A_81 = arith.constant 0 : i32
      %dma_start3A_82 = tpu.memref_slice %dma_start3A_79[%dma_start3A_80, %dma_start3A_81] : memref<113750x16xf32, #tpu.memory_space<hbm>> -> memref<113750x16xf32, #tpu.memory_space<hbm>>
      tpu.enqueue_indirect_dma source(%dma_start3A_82 : memref<113750x16xf32, #tpu.memory_space<hbm>>) target(%dma_start3A_73 : memref<128x16xf32, #tpu.memory_space<vmem>>) offsets(%dma_start3A_75 : memref<128xi32, #tpu.memory_space<vmem>>) semaphore(%arg21 : memref<!tpu.dma_semaphore, #tpu.memory_space<semaphore_mem>>)
      %dma_start3A_83 = arith.constant 128 : i32
      %dma_start3A_84 = arith.constant 0 : i32
      %dma_start3A_85 = tpu.memref_slice %arg12[%dma_start3A_83, %dma_start3A_84] : memref<1792x16xf32, #tpu.memory_space<vmem>> -> memref<128x16xf32, #tpu.memory_space<vmem>>
      %dma_start3A_86 = arith.constant 128 : i32
      %dma_start3A_87 = tpu.memref_slice %arg13[%dma_start3A_86] : memref<1792xi32, #tpu.memory_space<vmem>> -> memref<128xi32, #tpu.memory_space<vmem>>
      %dma_start3A_88 = arith.constant 0 : i32
      %dma_start3A_89 = arith.constant 0 : i32
      %dma_start3A_90 = tpu.memref_slice %arg3[%add3A, %dma_start3A_88, %dma_start3A_89] : memref<16x113750x16xf32, #tpu.memory_space<hbm>> -> memref<1x113750x16xf32, #tpu.memory_space<hbm>>
      %dma_start3A_91 = tpu.memref_squeeze %dma_start3A_90 : memref<1x113750x16xf32, #tpu.memory_space<hbm>> -> memref<113750x16xf32, #tpu.memory_space<hbm>>
      %dma_start3A_92 = arith.constant 0 : i32
      %dma_start3A_93 = arith.constant 0 : i32
      %dma_start3A_94 = tpu.memref_slice %dma_start3A_91[%dma_start3A_92, %dma_start3A_93] : memref<113750x16xf32, #tpu.memory_space<hbm>> -> memref<113750x16xf32, #tpu.memory_space<hbm>>
      tpu.enqueue_indirect_dma source(%dma_start3A_94 : memref<113750x16xf32, #tpu.memory_space<hbm>>) target(%dma_start3A_85 : memref<128x16xf32, #tpu.memory_space<vmem>>) offsets(%dma_start3A_87 : memref<128xi32, #tpu.memory_space<vmem>>) semaphore(%arg21 : memref<!tpu.dma_semaphore, #tpu.memory_space<semaphore_mem>>)
      %dma_start3A_95 = arith.constant 256 : i32
      %dma_start3A_96 = arith.constant 0 : i32
      %dma_start3A_97 = tpu.memref_slice %arg12[%dma_start3A_95, %dma_start3A_96] : memref<1792x16xf32, #tpu.memory_space<vmem>> -> memref<128x16xf32, #tpu.memory_space<vmem>>
      %dma_start3A_98 = arith.constant 256 : i32
      %dma_start3A_99 = tpu.memref_slice %arg13[%dma_start3A_98] : memref<1792xi32, #tpu.memory_space<vmem>> -> memref<128xi32, #tpu.memory_space<vmem>>
      %dma_start3A_100 = arith.constant 0 : i32
      %dma_start3A_101 = arith.constant 0 : i32
      %dma_start3A_102 = tpu.memref_slice %arg3[%add3A, %dma_start3A_100, %dma_start3A_101] : memref<16x113750x16xf32, #tpu.memory_space<hbm>> -> memref<1x113750x16xf32, #tpu.memory_space<hbm>>
      %dma_start3A_103 = tpu.memref_squeeze %dma_start3A_102 : memref<1x113750x16xf32, #tpu.memory_space<hbm>> -> memref<113750x16xf32, #tpu.memory_space<hbm>>
      %dma_start3A_104 = arith.constant 0 : i32
      %dma_start3A_105 = arith.constant 0 : i32
      %dma_start3A_106 = tpu.memref_slice %dma_start3A_103[%dma_start3A_104, %dma_start3A_105] : memref<113750x16xf32, #tpu.memory_space<hbm>> -> memref<113750x16xf32, #tpu.memory_space<hbm>>
      tpu.enqueue_indirect_dma source(%dma_start3A_106 : memref<113750x16xf32, #tpu.memory_space<hbm>>) target(%dma_start3A_97 : memref<128x16xf32, #tpu.memory_space<vmem>>) offsets(%dma_start3A_99 : memref<128xi32, #tpu.memory_space<vmem>>) semaphore(%arg21 : memref<!tpu.dma_semaphore, #tpu.memory_space<semaphore_mem>>)
      %dma_start3A_107 = arith.constant 384 : i32
      %dma_start3A_108 = arith.constant 0 : i32
      %dma_start3A_109 = tpu.memref_slice %arg12[%dma_start3A_107, %dma_start3A_108] : memref<1792x16xf32, #tpu.memory_space<vmem>> -> memref<128x16xf32, #tpu.memory_space<vmem>>
      %dma_start3A_110 = arith.constant 384 : i32
      %dma_start3A_111 = tpu.memref_slice %arg13[%dma_start3A_110] : memref<1792xi32, #tpu.memory_space<vmem>> -> memref<128xi32, #tpu.memory_space<vmem>>
      %dma_start3A_112 = arith.constant 0 : i32
      %dma_start3A_113 = arith.constant 0 : i32
      %dma_start3A_114 = tpu.memref_slice %arg3[%add3A, %dma_start3A_112, %dma_start3A_113] : memref<16x113750x16xf32, #tpu.memory_space<hbm>> -> memref<1x113750x16xf32, #tpu.memory_space<hbm>>
      %dma_start3A_115 = tpu.memref_squeeze %dma_start3A_114 : memref<1x113750x16xf32, #tpu.memory_space<hbm>> -> memref<113750x16xf32, #tpu.memory_space<hbm>>
      %dma_start3A_116 = arith.constant 0 : i32
      %dma_start3A_117 = arith.constant 0 : i32
      %dma_start3A_118 = tpu.memref_slice %dma_start3A_115[%dma_start3A_116, %dma_start3A_117] : memref<113750x16xf32, #tpu.memory_space<hbm>> -> memref<113750x16xf32, #tpu.memory_space<hbm>>
      tpu.enqueue_indirect_dma source(%dma_start3A_118 : memref<113750x16xf32, #tpu.memory_space<hbm>>) target(%dma_start3A_109 : memref<128x16xf32, #tpu.memory_space<vmem>>) offsets(%dma_start3A_111 : memref<128xi32, #tpu.memory_space<vmem>>) semaphore(%arg21 : memref<!tpu.dma_semaphore, #tpu.memory_space<semaphore_mem>>)
      %dma_start3A_119 = arith.constant 512 : i32
      %dma_start3A_120 = arith.constant 0 : i32
      %dma_start3A_121 = tpu.memref_slice %arg12[%dma_start3A_119, %dma_start3A_120] : memref<1792x16xf32, #tpu.memory_space<vmem>> -> memref<128x16xf32, #tpu.memory_space<vmem>>
      %dma_start3A_122 = arith.constant 512 : i32
      %dma_start3A_123 = tpu.memref_slice %arg13[%dma_start3A_122] : memref<1792xi32, #tpu.memory_space<vmem>> -> memref<128xi32, #tpu.memory_space<vmem>>
      %dma_start3A_124 = arith.constant 0 : i32
      %dma_start3A_125 = arith.constant 0 : i32
      %dma_start3A_126 = tpu.memref_slice %arg3[%add3A, %dma_start3A_124, %dma_start3A_125] : memref<16x113750x16xf32, #tpu.memory_space<hbm>> -> memref<1x113750x16xf32, #tpu.memory_space<hbm>>
      %dma_start3A_127 = tpu.memref_squeeze %dma_start3A_126 : memref<1x113750x16xf32, #tpu.memory_space<hbm>> -> memref<113750x16xf32, #tpu.memory_space<hbm>>
      %dma_start3A_128 = arith.constant 0 : i32
      %dma_start3A_129 = arith.constant 0 : i32
      %dma_start3A_130 = tpu.memref_slice %dma_start3A_127[%dma_start3A_128, %dma_start3A_129] : memref<113750x16xf32, #tpu.memory_space<hbm>> -> memref<113750x16xf32, #tpu.memory_space<hbm>>
      tpu.enqueue_indirect_dma source(%dma_start3A_130 : memref<113750x16xf32, #tpu.memory_space<hbm>>) target(%dma_start3A_121 : memref<128x16xf32, #tpu.memory_space<vmem>>) offsets(%dma_start3A_123 : memref<128xi32, #tpu.memory_space<vmem>>) semaphore(%arg21 : memref<!tpu.dma_semaphore, #tpu.memory_space<semaphore_mem>>)
      %dma_start3A_131 = arith.constant 640 : i32
      %dma_start3A_132 = arith.constant 0 : i32
      %dma_start3A_133 = tpu.memref_slice %arg12[%dma_start3A_131, %dma_start3A_132] : memref<1792x16xf32, #tpu.memory_space<vmem>> -> memref<128x16xf32, #tpu.memory_space<vmem>>
      %dma_start3A_134 = arith.constant 640 : i32
      %dma_start3A_135 = tpu.memref_slice %arg13[%dma_start3A_134] : memref<1792xi32, #tpu.memory_space<vmem>> -> memref<128xi32, #tpu.memory_space<vmem>>
      %dma_start3A_136 = arith.constant 0 : i32
      %dma_start3A_137 = arith.constant 0 : i32
      %dma_start3A_138 = tpu.memref_slice %arg3[%add3A, %dma_start3A_136, %dma_start3A_137] : memref<16x113750x16xf32, #tpu.memory_space<hbm>> -> memref<1x113750x16xf32, #tpu.memory_space<hbm>>
      %dma_start3A_139 = tpu.memref_squeeze %dma_start3A_138 : memref<1x113750x16xf32, #tpu.memory_space<hbm>> -> memref<113750x16xf32, #tpu.memory_space<hbm>>
      %dma_start3A_140 = arith.constant 0 : i32
      %dma_start3A_141 = arith.constant 0 : i32
      %dma_start3A_142 = tpu.memref_slice %dma_start3A_139[%dma_start3A_140, %dma_start3A_141] : memref<113750x16xf32, #tpu.memory_space<hbm>> -> memref<113750x16xf32, #tpu.memory_space<hbm>>
      tpu.enqueue_indirect_dma source(%dma_start3A_142 : memref<113750x16xf32, #tpu.memory_space<hbm>>) target(%dma_start3A_133 : memref<128x16xf32, #tpu.memory_space<vmem>>) offsets(%dma_start3A_135 : memref<128xi32, #tpu.memory_space<vmem>>) semaphore(%arg21 : memref<!tpu.dma_semaphore, #tpu.memory_space<semaphore_mem>>)
      %dma_start3A_143 = arith.constant 768 : i32
      %dma_start3A_144 = arith.constant 0 : i32
      %dma_start3A_145 = tpu.memref_slice %arg12[%dma_start3A_143, %dma_start3A_144] : memref<1792x16xf32, #tpu.memory_space<vmem>> -> memref<128x16xf32, #tpu.memory_space<vmem>>
      %dma_start3A_146 = arith.constant 768 : i32
      %dma_start3A_147 = tpu.memref_slice %arg13[%dma_start3A_146] : memref<1792xi32, #tpu.memory_space<vmem>> -> memref<128xi32, #tpu.memory_space<vmem>>
      %dma_start3A_148 = arith.constant 0 : i32
      %dma_start3A_149 = arith.constant 0 : i32
      %dma_start3A_150 = tpu.memref_slice %arg3[%add3A, %dma_start3A_148, %dma_start3A_149] : memref<16x113750x16xf32, #tpu.memory_space<hbm>> -> memref<1x113750x16xf32, #tpu.memory_space<hbm>>
      %dma_start3A_151 = tpu.memref_squeeze %dma_start3A_150 : memref<1x113750x16xf32, #tpu.memory_space<hbm>> -> memref<113750x16xf32, #tpu.memory_space<hbm>>
      %dma_start3A_152 = arith.constant 0 : i32
      %dma_start3A_153 = arith.constant 0 : i32
      %dma_start3A_154 = tpu.memref_slice %dma_start3A_151[%dma_start3A_152, %dma_start3A_153] : memref<113750x16xf32, #tpu.memory_space<hbm>> -> memref<113750x16xf32, #tpu.memory_space<hbm>>
      tpu.enqueue_indirect_dma source(%dma_start3A_154 : memref<113750x16xf32, #tpu.memory_space<hbm>>) target(%dma_start3A_145 : memref<128x16xf32, #tpu.memory_space<vmem>>) offsets(%dma_start3A_147 : memref<128xi32, #tpu.memory_space<vmem>>) semaphore(%arg21 : memref<!tpu.dma_semaphore, #tpu.memory_space<semaphore_mem>>)
      %dma_start3A_155 = arith.constant 896 : i32
      %dma_start3A_156 = arith.constant 0 : i32
      %dma_start3A_157 = tpu.memref_slice %arg12[%dma_start3A_155, %dma_start3A_156] : memref<1792x16xf32, #tpu.memory_space<vmem>> -> memref<128x16xf32, #tpu.memory_space<vmem>>
      %dma_start3A_158 = arith.constant 896 : i32
      %dma_start3A_159 = tpu.memref_slice %arg13[%dma_start3A_158] : memref<1792xi32, #tpu.memory_space<vmem>> -> memref<128xi32, #tpu.memory_space<vmem>>
      %dma_start3A_160 = arith.constant 0 : i32
      %dma_start3A_161 = arith.constant 0 : i32
      %dma_start3A_162 = tpu.memref_slice %arg3[%add3A, %dma_start3A_160, %dma_start3A_161] : memref<16x113750x16xf32, #tpu.memory_space<hbm>> -> memref<1x113750x16xf32, #tpu.memory_space<hbm>>
      %dma_start3A_163 = tpu.memref_squeeze %dma_start3A_162 : memref<1x113750x16xf32, #tpu.memory_space<hbm>> -> memref<113750x16xf32, #tpu.memory_space<hbm>>
      %dma_start3A_164 = arith.constant 0 : i32
      %dma_start3A_165 = arith.constant 0 : i32
      %dma_start3A_166 = tpu.memref_slice %dma_start3A_163[%dma_start3A_164, %dma_start3A_165] : memref<113750x16xf32, #tpu.memory_space<hbm>> -> memref<113750x16xf32, #tpu.memory_space<hbm>>
      tpu.enqueue_indirect_dma source(%dma_start3A_166 : memref<113750x16xf32, #tpu.memory_space<hbm>>) target(%dma_start3A_157 : memref<128x16xf32, #tpu.memory_space<vmem>>) offsets(%dma_start3A_159 : memref<128xi32, #tpu.memory_space<vmem>>) semaphore(%arg21 : memref<!tpu.dma_semaphore, #tpu.memory_space<semaphore_mem>>)
      %dma_start3A_167 = arith.constant 1024 : i32
      %dma_start3A_168 = arith.constant 0 : i32
      %dma_start3A_169 = tpu.memref_slice %arg12[%dma_start3A_167, %dma_start3A_168] : memref<1792x16xf32, #tpu.memory_space<vmem>> -> memref<128x16xf32, #tpu.memory_space<vmem>>
      %dma_start3A_170 = arith.constant 1024 : i32
      %dma_start3A_171 = tpu.memref_slice %arg13[%dma_start3A_170] : memref<1792xi32, #tpu.memory_space<vmem>> -> memref<128xi32, #tpu.memory_space<vmem>>
      %dma_start3A_172 = arith.constant 0 : i32
      %dma_start3A_173 = arith.constant 0 : i32
      %dma_start3A_174 = tpu.memref_slice %arg3[%add3A, %dma_start3A_172, %dma_start3A_173] : memref<16x113750x16xf32, #tpu.memory_space<hbm>> -> memref<1x113750x16xf32, #tpu.memory_space<hbm>>
      %dma_start3A_175 = tpu.memref_squeeze %dma_start3A_174 : memref<1x113750x16xf32, #tpu.memory_space<hbm>> -> memref<113750x16xf32, #tpu.memory_space<hbm>>
      %dma_start3A_176 = arith.constant 0 : i32
      %dma_start3A_177 = arith.constant 0 : i32
      %dma_start3A_178 = tpu.memref_slice %dma_start3A_175[%dma_start3A_176, %dma_start3A_177] : memref<113750x16xf32, #tpu.memory_space<hbm>> -> memref<113750x16xf32, #tpu.memory_space<hbm>>
      tpu.enqueue_indirect_dma source(%dma_start3A_178 : memref<113750x16xf32, #tpu.memory_space<hbm>>) target(%dma_start3A_169 : memref<128x16xf32, #tpu.memory_space<vmem>>) offsets(%dma_start3A_171 : memref<128xi32, #tpu.memory_space<vmem>>) semaphore(%arg21 : memref<!tpu.dma_semaphore, #tpu.memory_space<semaphore_mem>>)
      %dma_start3A_179 = arith.constant 1152 : i32
      %dma_start3A_180 = arith.constant 0 : i32
      %dma_start3A_181 = tpu.memref_slice %arg12[%dma_start3A_179, %dma_start3A_180] : memref<1792x16xf32, #tpu.memory_space<vmem>> -> memref<128x16xf32, #tpu.memory_space<vmem>>
      %dma_start3A_182 = arith.constant 1152 : i32
      %dma_start3A_183 = tpu.memref_slice %arg13[%dma_start3A_182] : memref<1792xi32, #tpu.memory_space<vmem>> -> memref<128xi32, #tpu.memory_space<vmem>>
      %dma_start3A_184 = arith.constant 0 : i32
      %dma_start3A_185 = arith.constant 0 : i32
      %dma_start3A_186 = tpu.memref_slice %arg3[%add3A, %dma_start3A_184, %dma_start3A_185] : memref<16x113750x16xf32, #tpu.memory_space<hbm>> -> memref<1x113750x16xf32, #tpu.memory_space<hbm>>
      %dma_start3A_187 = tpu.memref_squeeze %dma_start3A_186 : memref<1x113750x16xf32, #tpu.memory_space<hbm>> -> memref<113750x16xf32, #tpu.memory_space<hbm>>
      %dma_start3A_188 = arith.constant 0 : i32
      %dma_start3A_189 = arith.constant 0 : i32
      %dma_start3A_190 = tpu.memref_slice %dma_start3A_187[%dma_start3A_188, %dma_start3A_189] : memref<113750x16xf32, #tpu.memory_space<hbm>> -> memref<113750x16xf32, #tpu.memory_space<hbm>>
      tpu.enqueue_indirect_dma source(%dma_start3A_190 : memref<113750x16xf32, #tpu.memory_space<hbm>>) target(%dma_start3A_181 : memref<128x16xf32, #tpu.memory_space<vmem>>) offsets(%dma_start3A_183 : memref<128xi32, #tpu.memory_space<vmem>>) semaphore(%arg21 : memref<!tpu.dma_semaphore, #tpu.memory_space<semaphore_mem>>)
      %dma_start3A_191 = arith.constant 1280 : i32
      %dma_start3A_192 = arith.constant 0 : i32
      %dma_start3A_193 = tpu.memref_slice %arg12[%dma_start3A_191, %dma_start3A_192] : memref<1792x16xf32, #tpu.memory_space<vmem>> -> memref<128x16xf32, #tpu.memory_space<vmem>>
      %dma_start3A_194 = arith.constant 1280 : i32
      %dma_start3A_195 = tpu.memref_slice %arg13[%dma_start3A_194] : memref<1792xi32, #tpu.memory_space<vmem>> -> memref<128xi32, #tpu.memory_space<vmem>>
      %dma_start3A_196 = arith.constant 0 : i32
      %dma_start3A_197 = arith.constant 0 : i32
      %dma_start3A_198 = tpu.memref_slice %arg3[%add3A, %dma_start3A_196, %dma_start3A_197] : memref<16x113750x16xf32, #tpu.memory_space<hbm>> -> memref<1x113750x16xf32, #tpu.memory_space<hbm>>
      %dma_start3A_199 = tpu.memref_squeeze %dma_start3A_198 : memref<1x113750x16xf32, #tpu.memory_space<hbm>> -> memref<113750x16xf32, #tpu.memory_space<hbm>>
      %dma_start3A_200 = arith.constant 0 : i32
      %dma_start3A_201 = arith.constant 0 : i32
      %dma_start3A_202 = tpu.memref_slice %dma_start3A_199[%dma_start3A_200, %dma_start3A_201] : memref<113750x16xf32, #tpu.memory_space<hbm>> -> memref<113750x16xf32, #tpu.memory_space<hbm>>
      tpu.enqueue_indirect_dma source(%dma_start3A_202 : memref<113750x16xf32, #tpu.memory_space<hbm>>) target(%dma_start3A_193 : memref<128x16xf32, #tpu.memory_space<vmem>>) offsets(%dma_start3A_195 : memref<128xi32, #tpu.memory_space<vmem>>) semaphore(%arg21 : memref<!tpu.dma_semaphore, #tpu.memory_space<semaphore_mem>>)
      %dma_start3A_203 = arith.constant 1408 : i32
      %dma_start3A_204 = arith.constant 0 : i32
      %dma_start3A_205 = tpu.memref_slice %arg12[%dma_start3A_203, %dma_start3A_204] : memref<1792x16xf32, #tpu.memory_space<vmem>> -> memref<128x16xf32, #tpu.memory_space<vmem>>
      %dma_start3A_206 = arith.constant 1408 : i32
      %dma_start3A_207 = tpu.memref_slice %arg13[%dma_start3A_206] : memref<1792xi32, #tpu.memory_space<vmem>> -> memref<128xi32, #tpu.memory_space<vmem>>
      %dma_start3A_208 = arith.constant 0 : i32
      %dma_start3A_209 = arith.constant 0 : i32
      %dma_start3A_210 = tpu.memref_slice %arg3[%add3A, %dma_start3A_208, %dma_start3A_209] : memref<16x113750x16xf32, #tpu.memory_space<hbm>> -> memref<1x113750x16xf32, #tpu.memory_space<hbm>>
      %dma_start3A_211 = tpu.memref_squeeze %dma_start3A_210 : memref<1x113750x16xf32, #tpu.memory_space<hbm>> -> memref<113750x16xf32, #tpu.memory_space<hbm>>
      %dma_start3A_212 = arith.constant 0 : i32
      %dma_start3A_213 = arith.constant 0 : i32
      %dma_start3A_214 = tpu.memref_slice %dma_start3A_211[%dma_start3A_212, %dma_start3A_213] : memref<113750x16xf32, #tpu.memory_space<hbm>> -> memref<113750x16xf32, #tpu.memory_space<hbm>>
      tpu.enqueue_indirect_dma source(%dma_start3A_214 : memref<113750x16xf32, #tpu.memory_space<hbm>>) target(%dma_start3A_205 : memref<128x16xf32, #tpu.memory_space<vmem>>) offsets(%dma_start3A_207 : memref<128xi32, #tpu.memory_space<vmem>>) semaphore(%arg21 : memref<!tpu.dma_semaphore, #tpu.memory_space<semaphore_mem>>)
      %dma_start3A_215 = arith.constant 1536 : i32
      %dma_start3A_216 = arith.constant 0 : i32
      %dma_start3A_217 = tpu.memref_slice %arg12[%dma_start3A_215, %dma_start3A_216] : memref<1792x16xf32, #tpu.memory_space<vmem>> -> memref<128x16xf32, #tpu.memory_space<vmem>>
      %dma_start3A_218 = arith.constant 1536 : i32
      %dma_start3A_219 = tpu.memref_slice %arg13[%dma_start3A_218] : memref<1792xi32, #tpu.memory_space<vmem>> -> memref<128xi32, #tpu.memory_space<vmem>>
      %dma_start3A_220 = arith.constant 0 : i32
      %dma_start3A_221 = arith.constant 0 : i32
      %dma_start3A_222 = tpu.memref_slice %arg3[%add3A, %dma_start3A_220, %dma_start3A_221] : memref<16x113750x16xf32, #tpu.memory_space<hbm>> -> memref<1x113750x16xf32, #tpu.memory_space<hbm>>
      %dma_start3A_223 = tpu.memref_squeeze %dma_start3A_222 : memref<1x113750x16xf32, #tpu.memory_space<hbm>> -> memref<113750x16xf32, #tpu.memory_space<hbm>>
      %dma_start3A_224 = arith.constant 0 : i32
      %dma_start3A_225 = arith.constant 0 : i32
      %dma_start3A_226 = tpu.memref_slice %dma_start3A_223[%dma_start3A_224, %dma_start3A_225] : memref<113750x16xf32, #tpu.memory_space<hbm>> -> memref<113750x16xf32, #tpu.memory_space<hbm>>
      tpu.enqueue_indirect_dma source(%dma_start3A_226 : memref<113750x16xf32, #tpu.memory_space<hbm>>) target(%dma_start3A_217 : memref<128x16xf32, #tpu.memory_space<vmem>>) offsets(%dma_start3A_219 : memref<128xi32, #tpu.memory_space<vmem>>) semaphore(%arg21 : memref<!tpu.dma_semaphore, #tpu.memory_space<semaphore_mem>>)
      %dma_start3A_227 = arith.constant 1664 : i32
      %dma_start3A_228 = arith.constant 0 : i32
      %dma_start3A_229 = tpu.memref_slice %arg12[%dma_start3A_227, %dma_start3A_228] : memref<1792x16xf32, #tpu.memory_space<vmem>> -> memref<128x16xf32, #tpu.memory_space<vmem>>
      %dma_start3A_230 = arith.constant 1664 : i32
      %dma_start3A_231 = tpu.memref_slice %arg13[%dma_start3A_230] : memref<1792xi32, #tpu.memory_space<vmem>> -> memref<128xi32, #tpu.memory_space<vmem>>
      %dma_start3A_232 = arith.constant 0 : i32
      %dma_start3A_233 = arith.constant 0 : i32
      %dma_start3A_234 = tpu.memref_slice %arg3[%add3A, %dma_start3A_232, %dma_start3A_233] : memref<16x113750x16xf32, #tpu.memory_space<hbm>> -> memref<1x113750x16xf32, #tpu.memory_space<hbm>>
      %dma_start3A_235 = tpu.memref_squeeze %dma_start3A_234 : memref<1x113750x16xf32, #tpu.memory_space<hbm>> -> memref<113750x16xf32, #tpu.memory_space<hbm>>
      %dma_start3A_236 = arith.constant 0 : i32
      %dma_start3A_237 = arith.constant 0 : i32
      %dma_start3A_238 = tpu.memref_slice %dma_start3A_235[%dma_start3A_236, %dma_start3A_237] : memref<113750x16xf32, #tpu.memory_space<hbm>> -> memref<113750x16xf32, #tpu.memory_space<hbm>>
      tpu.enqueue_indirect_dma source(%dma_start3A_238 : memref<113750x16xf32, #tpu.memory_space<hbm>>) target(%dma_start3A_229 : memref<128x16xf32, #tpu.memory_space<vmem>>) offsets(%dma_start3A_231 : memref<128xi32, #tpu.memory_space<vmem>>) semaphore(%arg21 : memref<!tpu.dma_semaphore, #tpu.memory_space<semaphore_mem>>)
      %dma_wait3A = arith.constant 0 : i32
      %dma_wait3A_239 = arith.constant 0 : i32
      %dma_wait3A_240 = tpu.memref_slice %arg12[%dma_wait3A, %dma_wait3A_239] : memref<1792x16xf32, #tpu.memory_space<vmem>> -> memref<128x16xf32, #tpu.memory_space<vmem>>
      %dma_wait3A_241 = arith.constant 0 : i32
      %dma_wait3A_242 = tpu.memref_slice %arg13[%dma_wait3A_241] : memref<1792xi32, #tpu.memory_space<vmem>> -> memref<128xi32, #tpu.memory_space<vmem>>
      %dma_wait3A_243 = arith.constant 0 : i32
      %dma_wait3A_244 = arith.constant 0 : i32
      %dma_wait3A_245 = tpu.memref_slice %arg3[%add3A, %dma_wait3A_243, %dma_wait3A_244] : memref<16x113750x16xf32, #tpu.memory_space<hbm>> -> memref<1x113750x16xf32, #tpu.memory_space<hbm>>
      %dma_wait3A_246 = tpu.memref_squeeze %dma_wait3A_245 : memref<1x113750x16xf32, #tpu.memory_space<hbm>> -> memref<113750x16xf32, #tpu.memory_space<hbm>>
      %dma_wait3A_247 = arith.constant 0 : i32
      %dma_wait3A_248 = arith.constant 0 : i32
      %dma_wait3A_249 = tpu.memref_slice %dma_wait3A_246[%dma_wait3A_247, %dma_wait3A_248] : memref<113750x16xf32, #tpu.memory_space<hbm>> -> memref<113750x16xf32, #tpu.memory_space<hbm>>
      tpu.wait_indirect_dma semaphore(%arg21 : memref<!tpu.dma_semaphore, #tpu.memory_space<semaphore_mem>>) src(%dma_wait3A_249 : memref<113750x16xf32, #tpu.memory_space<hbm>>) dst(%dma_wait3A_240 : memref<128x16xf32, #tpu.memory_space<vmem>>)
      %dma_wait3A_250 = arith.constant 128 : i32
      %dma_wait3A_251 = arith.constant 0 : i32
      %dma_wait3A_252 = tpu.memref_slice %arg12[%dma_wait3A_250, %dma_wait3A_251] : memref<1792x16xf32, #tpu.memory_space<vmem>> -> memref<128x16xf32, #tpu.memory_space<vmem>>
      %dma_wait3A_253 = arith.constant 128 : i32
      %dma_wait3A_254 = tpu.memref_slice %arg13[%dma_wait3A_253] : memref<1792xi32, #tpu.memory_space<vmem>> -> memref<128xi32, #tpu.memory_space<vmem>>
      %dma_wait3A_255 = arith.constant 0 : i32
      %dma_wait3A_256 = arith.constant 0 : i32
      %dma_wait3A_257 = tpu.memref_slice %arg3[%add3A, %dma_wait3A_255, %dma_wait3A_256] : memref<16x113750x16xf32, #tpu.memory_space<hbm>> -> memref<1x113750x16xf32, #tpu.memory_space<hbm>>
      %dma_wait3A_258 = tpu.memref_squeeze %dma_wait3A_257 : memref<1x113750x16xf32, #tpu.memory_space<hbm>> -> memref<113750x16xf32, #tpu.memory_space<hbm>>
      %dma_wait3A_259 = arith.constant 0 : i32
      %dma_wait3A_260 = arith.constant 0 : i32
      %dma_wait3A_261 = tpu.memref_slice %dma_wait3A_258[%dma_wait3A_259, %dma_wait3A_260] : memref<113750x16xf32, #tpu.memory_space<hbm>> -> memref<113750x16xf32, #tpu.memory_space<hbm>>
      tpu.wait_indirect_dma semaphore(%arg21 : memref<!tpu.dma_semaphore, #tpu.memory_space<semaphore_mem>>) src(%dma_wait3A_261 : memref<113750x16xf32, #tpu.memory_space<hbm>>) dst(%dma_wait3A_252 : memref<128x16xf32, #tpu.memory_space<vmem>>)
      %dma_wait3A_262 = arith.constant 256 : i32
      %dma_wait3A_263 = arith.constant 0 : i32
      %dma_wait3A_264 = tpu.memref_slice %arg12[%dma_wait3A_262, %dma_wait3A_263] : memref<1792x16xf32, #tpu.memory_space<vmem>> -> memref<128x16xf32, #tpu.memory_space<vmem>>
      %dma_wait3A_265 = arith.constant 256 : i32
      %dma_wait3A_266 = tpu.memref_slice %arg13[%dma_wait3A_265] : memref<1792xi32, #tpu.memory_space<vmem>> -> memref<128xi32, #tpu.memory_space<vmem>>
      %dma_wait3A_267 = arith.constant 0 : i32
      %dma_wait3A_268 = arith.constant 0 : i32
      %dma_wait3A_269 = tpu.memref_slice %arg3[%add3A, %dma_wait3A_267, %dma_wait3A_268] : memref<16x113750x16xf32, #tpu.memory_space<hbm>> -> memref<1x113750x16xf32, #tpu.memory_space<hbm>>
      %dma_wait3A_270 = tpu.memref_squeeze %dma_wait3A_269 : memref<1x113750x16xf32, #tpu.memory_space<hbm>> -> memref<113750x16xf32, #tpu.memory_space<hbm>>
      %dma_wait3A_271 = arith.constant 0 : i32
      %dma_wait3A_272 = arith.constant 0 : i32
      %dma_wait3A_273 = tpu.memref_slice %dma_wait3A_270[%dma_wait3A_271, %dma_wait3A_272] : memref<113750x16xf32, #tpu.memory_space<hbm>> -> memref<113750x16xf32, #tpu.memory_space<hbm>>
      tpu.wait_indirect_dma semaphore(%arg21 : memref<!tpu.dma_semaphore, #tpu.memory_space<semaphore_mem>>) src(%dma_wait3A_273 : memref<113750x16xf32, #tpu.memory_space<hbm>>) dst(%dma_wait3A_264 : memref<128x16xf32, #tpu.memory_space<vmem>>)
      %dma_wait3A_274 = arith.constant 384 : i32
      %dma_wait3A_275 = arith.constant 0 : i32
      %dma_wait3A_276 = tpu.memref_slice %arg12[%dma_wait3A_274, %dma_wait3A_275] : memref<1792x16xf32, #tpu.memory_space<vmem>> -> memref<128x16xf32, #tpu.memory_space<vmem>>
      %dma_wait3A_277 = arith.constant 384 : i32
      %dma_wait3A_278 = tpu.memref_slice %arg13[%dma_wait3A_277] : memref<1792xi32, #tpu.memory_space<vmem>> -> memref<128xi32, #tpu.memory_space<vmem>>
      %dma_wait3A_279 = arith.constant 0 : i32
      %dma_wait3A_280 = arith.constant 0 : i32
      %dma_wait3A_281 = tpu.memref_slice %arg3[%add3A, %dma_wait3A_279, %dma_wait3A_280] : memref<16x113750x16xf32, #tpu.memory_space<hbm>> -> memref<1x113750x16xf32, #tpu.memory_space<hbm>>
      %dma_wait3A_282 = tpu.memref_squeeze %dma_wait3A_281 : memref<1x113750x16xf32, #tpu.memory_space<hbm>> -> memref<113750x16xf32, #tpu.memory_space<hbm>>
      %dma_wait3A_283 = arith.constant 0 : i32
      %dma_wait3A_284 = arith.constant 0 : i32
      %dma_wait3A_285 = tpu.memref_slice %dma_wait3A_282[%dma_wait3A_283, %dma_wait3A_284] : memref<113750x16xf32, #tpu.memory_space<hbm>> -> memref<113750x16xf32, #tpu.memory_space<hbm>>
      tpu.wait_indirect_dma semaphore(%arg21 : memref<!tpu.dma_semaphore, #tpu.memory_space<semaphore_mem>>) src(%dma_wait3A_285 : memref<113750x16xf32, #tpu.memory_space<hbm>>) dst(%dma_wait3A_276 : memref<128x16xf32, #tpu.memory_space<vmem>>)
      %dma_wait3A_286 = arith.constant 512 : i32
      %dma_wait3A_287 = arith.constant 0 : i32
      %dma_wait3A_288 = tpu.memref_slice %arg12[%dma_wait3A_286, %dma_wait3A_287] : memref<1792x16xf32, #tpu.memory_space<vmem>> -> memref<128x16xf32, #tpu.memory_space<vmem>>
      %dma_wait3A_289 = arith.constant 512 : i32
      %dma_wait3A_290 = tpu.memref_slice %arg13[%dma_wait3A_289] : memref<1792xi32, #tpu.memory_space<vmem>> -> memref<128xi32, #tpu.memory_space<vmem>>
      %dma_wait3A_291 = arith.constant 0 : i32
      %dma_wait3A_292 = arith.constant 0 : i32
      %dma_wait3A_293 = tpu.memref_slice %arg3[%add3A, %dma_wait3A_291, %dma_wait3A_292] : memref<16x113750x16xf32, #tpu.memory_space<hbm>> -> memref<1x113750x16xf32, #tpu.memory_space<hbm>>
      %dma_wait3A_294 = tpu.memref_squeeze %dma_wait3A_293 : memref<1x113750x16xf32, #tpu.memory_space<hbm>> -> memref<113750x16xf32, #tpu.memory_space<hbm>>
      %dma_wait3A_295 = arith.constant 0 : i32
      %dma_wait3A_296 = arith.constant 0 : i32
      %dma_wait3A_297 = tpu.memref_slice %dma_wait3A_294[%dma_wait3A_295, %dma_wait3A_296] : memref<113750x16xf32, #tpu.memory_space<hbm>> -> memref<113750x16xf32, #tpu.memory_space<hbm>>
      tpu.wait_indirect_dma semaphore(%arg21 : memref<!tpu.dma_semaphore, #tpu.memory_space<semaphore_mem>>) src(%dma_wait3A_297 : memref<113750x16xf32, #tpu.memory_space<hbm>>) dst(%dma_wait3A_288 : memref<128x16xf32, #tpu.memory_space<vmem>>)
      %dma_wait3A_298 = arith.constant 640 : i32
      %dma_wait3A_299 = arith.constant 0 : i32
      %dma_wait3A_300 = tpu.memref_slice %arg12[%dma_wait3A_298, %dma_wait3A_299] : memref<1792x16xf32, #tpu.memory_space<vmem>> -> memref<128x16xf32, #tpu.memory_space<vmem>>
      %dma_wait3A_301 = arith.constant 640 : i32
      %dma_wait3A_302 = tpu.memref_slice %arg13[%dma_wait3A_301] : memref<1792xi32, #tpu.memory_space<vmem>> -> memref<128xi32, #tpu.memory_space<vmem>>
      %dma_wait3A_303 = arith.constant 0 : i32
      %dma_wait3A_304 = arith.constant 0 : i32
      %dma_wait3A_305 = tpu.memref_slice %arg3[%add3A, %dma_wait3A_303, %dma_wait3A_304] : memref<16x113750x16xf32, #tpu.memory_space<hbm>> -> memref<1x113750x16xf32, #tpu.memory_space<hbm>>
      %dma_wait3A_306 = tpu.memref_squeeze %dma_wait3A_305 : memref<1x113750x16xf32, #tpu.memory_space<hbm>> -> memref<113750x16xf32, #tpu.memory_space<hbm>>
      %dma_wait3A_307 = arith.constant 0 : i32
      %dma_wait3A_308 = arith.constant 0 : i32
      %dma_wait3A_309 = tpu.memref_slice %dma_wait3A_306[%dma_wait3A_307, %dma_wait3A_308] : memref<113750x16xf32, #tpu.memory_space<hbm>> -> memref<113750x16xf32, #tpu.memory_space<hbm>>
      tpu.wait_indirect_dma semaphore(%arg21 : memref<!tpu.dma_semaphore, #tpu.memory_space<semaphore_mem>>) src(%dma_wait3A_309 : memref<113750x16xf32, #tpu.memory_space<hbm>>) dst(%dma_wait3A_300 : memref<128x16xf32, #tpu.memory_space<vmem>>)
      %dma_wait3A_310 = arith.constant 768 : i32
      %dma_wait3A_311 = arith.constant 0 : i32
      %dma_wait3A_312 = tpu.memref_slice %arg12[%dma_wait3A_310, %dma_wait3A_311] : memref<1792x16xf32, #tpu.memory_space<vmem>> -> memref<128x16xf32, #tpu.memory_space<vmem>>
      %dma_wait3A_313 = arith.constant 768 : i32
      %dma_wait3A_314 = tpu.memref_slice %arg13[%dma_wait3A_313] : memref<1792xi32, #tpu.memory_space<vmem>> -> memref<128xi32, #tpu.memory_space<vmem>>
      %dma_wait3A_315 = arith.constant 0 : i32
      %dma_wait3A_316 = arith.constant 0 : i32
      %dma_wait3A_317 = tpu.memref_slice %arg3[%add3A, %dma_wait3A_315, %dma_wait3A_316] : memref<16x113750x16xf32, #tpu.memory_space<hbm>> -> memref<1x113750x16xf32, #tpu.memory_space<hbm>>
      %dma_wait3A_318 = tpu.memref_squeeze %dma_wait3A_317 : memref<1x113750x16xf32, #tpu.memory_space<hbm>> -> memref<113750x16xf32, #tpu.memory_space<hbm>>
      %dma_wait3A_319 = arith.constant 0 : i32
      %dma_wait3A_320 = arith.constant 0 : i32
      %dma_wait3A_321 = tpu.memref_slice %dma_wait3A_318[%dma_wait3A_319, %dma_wait3A_320] : memref<113750x16xf32, #tpu.memory_space<hbm>> -> memref<113750x16xf32, #tpu.memory_space<hbm>>
      tpu.wait_indirect_dma semaphore(%arg21 : memref<!tpu.dma_semaphore, #tpu.memory_space<semaphore_mem>>) src(%dma_wait3A_321 : memref<113750x16xf32, #tpu.memory_space<hbm>>) dst(%dma_wait3A_312 : memref<128x16xf32, #tpu.memory_space<vmem>>)
      %dma_wait3A_322 = arith.constant 896 : i32
      %dma_wait3A_323 = arith.constant 0 : i32
      %dma_wait3A_324 = tpu.memref_slice %arg12[%dma_wait3A_322, %dma_wait3A_323] : memref<1792x16xf32, #tpu.memory_space<vmem>> -> memref<128x16xf32, #tpu.memory_space<vmem>>
      %dma_wait3A_325 = arith.constant 896 : i32
      %dma_wait3A_326 = tpu.memref_slice %arg13[%dma_wait3A_325] : memref<1792xi32, #tpu.memory_space<vmem>> -> memref<128xi32, #tpu.memory_space<vmem>>
      %dma_wait3A_327 = arith.constant 0 : i32
      %dma_wait3A_328 = arith.constant 0 : i32
      %dma_wait3A_329 = tpu.memref_slice %arg3[%add3A, %dma_wait3A_327, %dma_wait3A_328] : memref<16x113750x16xf32, #tpu.memory_space<hbm>> -> memref<1x113750x16xf32, #tpu.memory_space<hbm>>
      %dma_wait3A_330 = tpu.memref_squeeze %dma_wait3A_329 : memref<1x113750x16xf32, #tpu.memory_space<hbm>> -> memref<113750x16xf32, #tpu.memory_space<hbm>>
      %dma_wait3A_331 = arith.constant 0 : i32
      %dma_wait3A_332 = arith.constant 0 : i32
      %dma_wait3A_333 = tpu.memref_slice %dma_wait3A_330[%dma_wait3A_331, %dma_wait3A_332] : memref<113750x16xf32, #tpu.memory_space<hbm>> -> memref<113750x16xf32, #tpu.memory_space<hbm>>
      tpu.wait_indirect_dma semaphore(%arg21 : memref<!tpu.dma_semaphore, #tpu.memory_space<semaphore_mem>>) src(%dma_wait3A_333 : memref<113750x16xf32, #tpu.memory_space<hbm>>) dst(%dma_wait3A_324 : memref<128x16xf32, #tpu.memory_space<vmem>>)
      %dma_wait3A_334 = arith.constant 1024 : i32
      %dma_wait3A_335 = arith.constant 0 : i32
      %dma_wait3A_336 = tpu.memref_slice %arg12[%dma_wait3A_334, %dma_wait3A_335] : memref<1792x16xf32, #tpu.memory_space<vmem>> -> memref<128x16xf32, #tpu.memory_space<vmem>>
      %dma_wait3A_337 = arith.constant 1024 : i32
      %dma_wait3A_338 = tpu.memref_slice %arg13[%dma_wait3A_337] : memref<1792xi32, #tpu.memory_space<vmem>> -> memref<128xi32, #tpu.memory_space<vmem>>
      %dma_wait3A_339 = arith.constant 0 : i32
      %dma_wait3A_340 = arith.constant 0 : i32
      %dma_wait3A_341 = tpu.memref_slice %arg3[%add3A, %dma_wait3A_339, %dma_wait3A_340] : memref<16x113750x16xf32, #tpu.memory_space<hbm>> -> memref<1x113750x16xf32, #tpu.memory_space<hbm>>
      %dma_wait3A_342 = tpu.memref_squeeze %dma_wait3A_341 : memref<1x113750x16xf32, #tpu.memory_space<hbm>> -> memref<113750x16xf32, #tpu.memory_space<hbm>>
      %dma_wait3A_343 = arith.constant 0 : i32
      %dma_wait3A_344 = arith.constant 0 : i32
      %dma_wait3A_345 = tpu.memref_slice %dma_wait3A_342[%dma_wait3A_343, %dma_wait3A_344] : memref<113750x16xf32, #tpu.memory_space<hbm>> -> memref<113750x16xf32, #tpu.memory_space<hbm>>
      tpu.wait_indirect_dma semaphore(%arg21 : memref<!tpu.dma_semaphore, #tpu.memory_space<semaphore_mem>>) src(%dma_wait3A_345 : memref<113750x16xf32, #tpu.memory_space<hbm>>) dst(%dma_wait3A_336 : memref<128x16xf32, #tpu.memory_space<vmem>>)
      %dma_wait3A_346 = arith.constant 1152 : i32
      %dma_wait3A_347 = arith.constant 0 : i32
      %dma_wait3A_348 = tpu.memref_slice %arg12[%dma_wait3A_346, %dma_wait3A_347] : memref<1792x16xf32, #tpu.memory_space<vmem>> -> memref<128x16xf32, #tpu.memory_space<vmem>>
      %dma_wait3A_349 = arith.constant 1152 : i32
      %dma_wait3A_350 = tpu.memref_slice %arg13[%dma_wait3A_349] : memref<1792xi32, #tpu.memory_space<vmem>> -> memref<128xi32, #tpu.memory_space<vmem>>
      %dma_wait3A_351 = arith.constant 0 : i32
      %dma_wait3A_352 = arith.constant 0 : i32
      %dma_wait3A_353 = tpu.memref_slice %arg3[%add3A, %dma_wait3A_351, %dma_wait3A_352] : memref<16x113750x16xf32, #tpu.memory_space<hbm>> -> memref<1x113750x16xf32, #tpu.memory_space<hbm>>
      %dma_wait3A_354 = tpu.memref_squeeze %dma_wait3A_353 : memref<1x113750x16xf32, #tpu.memory_space<hbm>> -> memref<113750x16xf32, #tpu.memory_space<hbm>>
      %dma_wait3A_355 = arith.constant 0 : i32
      %dma_wait3A_356 = arith.constant 0 : i32
      %dma_wait3A_357 = tpu.memref_slice %dma_wait3A_354[%dma_wait3A_355, %dma_wait3A_356] : memref<113750x16xf32, #tpu.memory_space<hbm>> -> memref<113750x16xf32, #tpu.memory_space<hbm>>
      tpu.wait_indirect_dma semaphore(%arg21 : memref<!tpu.dma_semaphore, #tpu.memory_space<semaphore_mem>>) src(%dma_wait3A_357 : memref<113750x16xf32, #tpu.memory_space<hbm>>) dst(%dma_wait3A_348 : memref<128x16xf32, #tpu.memory_space<vmem>>)
      %dma_wait3A_358 = arith.constant 1280 : i32
      %dma_wait3A_359 = arith.constant 0 : i32
      %dma_wait3A_360 = tpu.memref_slice %arg12[%dma_wait3A_358, %dma_wait3A_359] : memref<1792x16xf32, #tpu.memory_space<vmem>> -> memref<128x16xf32, #tpu.memory_space<vmem>>
      %dma_wait3A_361 = arith.constant 1280 : i32
      %dma_wait3A_362 = tpu.memref_slice %arg13[%dma_wait3A_361] : memref<1792xi32, #tpu.memory_space<vmem>> -> memref<128xi32, #tpu.memory_space<vmem>>
      %dma_wait3A_363 = arith.constant 0 : i32
      %dma_wait3A_364 = arith.constant 0 : i32
      %dma_wait3A_365 = tpu.memref_slice %arg3[%add3A, %dma_wait3A_363, %dma_wait3A_364] : memref<16x113750x16xf32, #tpu.memory_space<hbm>> -> memref<1x113750x16xf32, #tpu.memory_space<hbm>>
      %dma_wait3A_366 = tpu.memref_squeeze %dma_wait3A_365 : memref<1x113750x16xf32, #tpu.memory_space<hbm>> -> memref<113750x16xf32, #tpu.memory_space<hbm>>
      %dma_wait3A_367 = arith.constant 0 : i32
      %dma_wait3A_368 = arith.constant 0 : i32
      %dma_wait3A_369 = tpu.memref_slice %dma_wait3A_366[%dma_wait3A_367, %dma_wait3A_368] : memref<113750x16xf32, #tpu.memory_space<hbm>> -> memref<113750x16xf32, #tpu.memory_space<hbm>>
      tpu.wait_indirect_dma semaphore(%arg21 : memref<!tpu.dma_semaphore, #tpu.memory_space<semaphore_mem>>) src(%dma_wait3A_369 : memref<113750x16xf32, #tpu.memory_space<hbm>>) dst(%dma_wait3A_360 : memref<128x16xf32, #tpu.memory_space<vmem>>)
      %dma_wait3A_370 = arith.constant 1408 : i32
      %dma_wait3A_371 = arith.constant 0 : i32
      %dma_wait3A_372 = tpu.memref_slice %arg12[%dma_wait3A_370, %dma_wait3A_371] : memref<1792x16xf32, #tpu.memory_space<vmem>> -> memref<128x16xf32, #tpu.memory_space<vmem>>
      %dma_wait3A_373 = arith.constant 1408 : i32
      %dma_wait3A_374 = tpu.memref_slice %arg13[%dma_wait3A_373] : memref<1792xi32, #tpu.memory_space<vmem>> -> memref<128xi32, #tpu.memory_space<vmem>>
      %dma_wait3A_375 = arith.constant 0 : i32
      %dma_wait3A_376 = arith.constant 0 : i32
      %dma_wait3A_377 = tpu.memref_slice %arg3[%add3A, %dma_wait3A_375, %dma_wait3A_376] : memref<16x113750x16xf32, #tpu.memory_space<hbm>> -> memref<1x113750x16xf32, #tpu.memory_space<hbm>>
      %dma_wait3A_378 = tpu.memref_squeeze %dma_wait3A_377 : memref<1x113750x16xf32, #tpu.memory_space<hbm>> -> memref<113750x16xf32, #tpu.memory_space<hbm>>
      %dma_wait3A_379 = arith.constant 0 : i32
      %dma_wait3A_380 = arith.constant 0 : i32
      %dma_wait3A_381 = tpu.memref_slice %dma_wait3A_378[%dma_wait3A_379, %dma_wait3A_380] : memref<113750x16xf32, #tpu.memory_space<hbm>> -> memref<113750x16xf32, #tpu.memory_space<hbm>>
      tpu.wait_indirect_dma semaphore(%arg21 : memref<!tpu.dma_semaphore, #tpu.memory_space<semaphore_mem>>) src(%dma_wait3A_381 : memref<113750x16xf32, #tpu.memory_space<hbm>>) dst(%dma_wait3A_372 : memref<128x16xf32, #tpu.memory_space<vmem>>)
      %dma_wait3A_382 = arith.constant 1536 : i32
      %dma_wait3A_383 = arith.constant 0 : i32
      %dma_wait3A_384 = tpu.memref_slice %arg12[%dma_wait3A_382, %dma_wait3A_383] : memref<1792x16xf32, #tpu.memory_space<vmem>> -> memref<128x16xf32, #tpu.memory_space<vmem>>
      %dma_wait3A_385 = arith.constant 1536 : i32
      %dma_wait3A_386 = tpu.memref_slice %arg13[%dma_wait3A_385] : memref<1792xi32, #tpu.memory_space<vmem>> -> memref<128xi32, #tpu.memory_space<vmem>>
      %dma_wait3A_387 = arith.constant 0 : i32
      %dma_wait3A_388 = arith.constant 0 : i32
      %dma_wait3A_389 = tpu.memref_slice %arg3[%add3A, %dma_wait3A_387, %dma_wait3A_388] : memref<16x113750x16xf32, #tpu.memory_space<hbm>> -> memref<1x113750x16xf32, #tpu.memory_space<hbm>>
      %dma_wait3A_390 = tpu.memref_squeeze %dma_wait3A_389 : memref<1x113750x16xf32, #tpu.memory_space<hbm>> -> memref<113750x16xf32, #tpu.memory_space<hbm>>
      %dma_wait3A_391 = arith.constant 0 : i32
      %dma_wait3A_392 = arith.constant 0 : i32
      %dma_wait3A_393 = tpu.memref_slice %dma_wait3A_390[%dma_wait3A_391, %dma_wait3A_392] : memref<113750x16xf32, #tpu.memory_space<hbm>> -> memref<113750x16xf32, #tpu.memory_space<hbm>>
      tpu.wait_indirect_dma semaphore(%arg21 : memref<!tpu.dma_semaphore, #tpu.memory_space<semaphore_mem>>) src(%dma_wait3A_393 : memref<113750x16xf32, #tpu.memory_space<hbm>>) dst(%dma_wait3A_384 : memref<128x16xf32, #tpu.memory_space<vmem>>)
      %dma_wait3A_394 = arith.constant 1664 : i32
      %dma_wait3A_395 = arith.constant 0 : i32
      %dma_wait3A_396 = tpu.memref_slice %arg12[%dma_wait3A_394, %dma_wait3A_395] : memref<1792x16xf32, #tpu.memory_space<vmem>> -> memref<128x16xf32, #tpu.memory_space<vmem>>
      %dma_wait3A_397 = arith.constant 1664 : i32
      %dma_wait3A_398 = tpu.memref_slice %arg13[%dma_wait3A_397] : memref<1792xi32, #tpu.memory_space<vmem>> -> memref<128xi32, #tpu.memory_space<vmem>>
      %dma_wait3A_399 = arith.constant 0 : i32
      %dma_wait3A_400 = arith.constant 0 : i32
      %dma_wait3A_401 = tpu.memref_slice %arg3[%add3A, %dma_wait3A_399, %dma_wait3A_400] : memref<16x113750x16xf32, #tpu.memory_space<hbm>> -> memref<1x113750x16xf32, #tpu.memory_space<hbm>>
      %dma_wait3A_402 = tpu.memref_squeeze %dma_wait3A_401 : memref<1x113750x16xf32, #tpu.memory_space<hbm>> -> memref<113750x16xf32, #tpu.memory_space<hbm>>
      %dma_wait3A_403 = arith.constant 0 : i32
      %dma_wait3A_404 = arith.constant 0 : i32
      %dma_wait3A_405 = tpu.memref_slice %dma_wait3A_402[%dma_wait3A_403, %dma_wait3A_404] : memref<113750x16xf32, #tpu.memory_space<hbm>> -> memref<113750x16xf32, #tpu.memory_space<hbm>>
      tpu.wait_indirect_dma semaphore(%arg21 : memref<!tpu.dma_semaphore, #tpu.memory_space<semaphore_mem>>) src(%dma_wait3A_405 : memref<113750x16xf32, #tpu.memory_space<hbm>>) dst(%dma_wait3A_396 : memref<128x16xf32, #tpu.memory_space<vmem>>)
      %scan3A_406 = arith.constant 0 : i32
      %scan3A_407 = arith.constant 0 : i32
      %scan3A_408 = arith.constant 256 : i32
      %scan3A_409 = arith.addi %scan3A_407, %scan3A_408 : i32
      %scan3A_410 = arith.constant 1 : i32
      %scan3A_411 = scf.for %scan3A_573 = %scan3A_407 to %scan3A_409 step %scan3A_410 iter_args(%scan3A_574 = %scan3A_406) -> (i32)  : i32 {
        %broadcast_in_dim3A_575 = arith.constant 0 : i32
        %broadcast_in_dim3A_576 = vector.broadcast %broadcast_in_dim3A_575 : i32 to vector<16xi32>
        %mul3A_577 = arith.constant 64 : i32
        %mul3A_578 = arith.muli %scan3A_573, %mul3A_577 : i32
        %add3A_579 = arith.constant 0 : i32
        %add3A_580 = arith.addi %mul3A_578, %add3A_579 : i32
        %swap3A = arith.index_cast %add3A_580 : i32 to index
        %swap3A_581 = tpu.vector_load %arg10[%swap3A] {strides = array<i32>} : memref<16384xi32, #tpu.memory_space<vmem>>, vector<16xi32>,
        tpu.vector_store %arg10[%swap3A], %broadcast_in_dim3A_576 {strides = array<i32>} : memref<16384xi32, #tpu.memory_space<vmem>>, vector<16xi32>,
        %broadcast_in_dim3A_582 = arith.constant 0 : i32
        %broadcast_in_dim3A_583 = vector.broadcast %broadcast_in_dim3A_582 : i32 to vector<16xi32>
        %mul3A_584 = arith.constant 64 : i32
        %mul3A_585 = arith.muli %scan3A_573, %mul3A_584 : i32
        %add3A_586 = arith.constant 16 : i32
        %add3A_587 = arith.addi %mul3A_585, %add3A_586 : i32
        %swap3A_588 = arith.index_cast %add3A_587 : i32 to index
        %swap3A_589 = tpu.vector_load %arg10[%swap3A_588] {strides = array<i32>} : memref<16384xi32, #tpu.memory_space<vmem>>, vector<16xi32>,
        tpu.vector_store %arg10[%swap3A_588], %broadcast_in_dim3A_583 {strides = array<i32>} : memref<16384xi32, #tpu.memory_space<vmem>>, vector<16xi32>,
        %broadcast_in_dim3A_590 = arith.constant 0 : i32
        %broadcast_in_dim3A_591 = vector.broadcast %broadcast_in_dim3A_590 : i32 to vector<16xi32>
        %mul3A_592 = arith.constant 64 : i32
        %mul3A_593 = arith.muli %scan3A_573, %mul3A_592 : i32
        %add3A_594 = arith.constant 32 : i32
        %add3A_595 = arith.addi %mul3A_593, %add3A_594 : i32
        %swap3A_596 = arith.index_cast %add3A_595 : i32 to index
        %swap3A_597 = tpu.vector_load %arg10[%swap3A_596] {strides = array<i32>} : memref<16384xi32, #tpu.memory_space<vmem>>, vector<16xi32>,
        tpu.vector_store %arg10[%swap3A_596], %broadcast_in_dim3A_591 {strides = array<i32>} : memref<16384xi32, #tpu.memory_space<vmem>>, vector<16xi32>,
        %broadcast_in_dim3A_598 = arith.constant 0 : i32
        %broadcast_in_dim3A_599 = vector.broadcast %broadcast_in_dim3A_598 : i32 to vector<16xi32>
        %mul3A_600 = arith.constant 64 : i32
        %mul3A_601 = arith.muli %scan3A_573, %mul3A_600 : i32
        %add3A_602 = arith.constant 48 : i32
        %add3A_603 = arith.addi %mul3A_601, %add3A_602 : i32
        %swap3A_604 = arith.index_cast %add3A_603 : i32 to index
        %swap3A_605 = tpu.vector_load %arg10[%swap3A_604] {strides = array<i32>} : memref<16384xi32, #tpu.memory_space<vmem>>, vector<16xi32>,
        tpu.vector_store %arg10[%swap3A_604], %broadcast_in_dim3A_599 {strides = array<i32>} : memref<16384xi32, #tpu.memory_space<vmem>>, vector<16xi32>,
        %scan3A_606 = arith.constant 0 : i32
        scf.yield %scan3A_606 : i32
      }
      %scan3A_412 = arith.constant 256 : i32
      %mul3A_413 = arith.constant 91 : i32
      %mul3A_414 = arith.muli %scan3A_63, %mul3A_413 : i32
      %add3A_415 = arith.constant 63 : i32
      %add3A_416 = arith.addi %mul3A_414, %add3A_415 : i32
      %jit3A = arith.constant 64 : i32
      %div3A = arith.divsi %add3A_416, %jit3A : i32
      %sign3A = arith.constant 0 : i32
      %sign3A_417 = arith.cmpi sgt, %add3A_416, %sign3A : i32
      %sign3A_418 = arith.extui %sign3A_417 : i1 to i32
      %sign3A_419 = arith.constant 0 : i32
      %sign3A_420 = arith.cmpi slt, %add3A_416, %sign3A_419 : i32
      %sign3A_421 = arith.extui %sign3A_420 : i1 to i32
      %sign3A_422 = arith.subi %sign3A_418, %sign3A_421 : i32
      %sign3A_423 = arith.constant 0 : i32
      %sign3A_424 = arith.cmpi sgt, %jit3A, %sign3A_423 : i32
      %sign3A_425 = arith.extui %sign3A_424 : i1 to i32
      %sign3A_426 = arith.constant 0 : i32
      %sign3A_427 = arith.cmpi slt, %jit3A, %sign3A_426 : i32
      %sign3A_428 = arith.extui %sign3A_427 : i1 to i32
      %sign3A_429 = arith.subi %sign3A_425, %sign3A_428 : i32
      %ne3A = arith.cmpi ne, %sign3A_422, %sign3A_429 : i32
      %rem3A = arith.remsi %add3A_416, %jit3A : i32
      %ne3A_430 = arith.constant 0 : i32
      %ne3A_431 = arith.cmpi ne, %rem3A, %ne3A_430 : i32
      %and3A = arith.andi %ne3A, %ne3A_431 : i1
      %sub3A = arith.constant 1 : i32
      %sub3A_432 = arith.subi %div3A, %sub3A : i32
      %select_n3A_433 = arith.select %and3A, %sub3A_432, %div3A : i32
      %while3A = arith.constant 0 : i32
      %while3A_434 = arith.constant 0 : i32
      %while3A_435 = arith.subi %select_n3A_433, %while3A : i32
      %while3A_436 = arith.addi %while3A, %while3A_435 : i32
      %while3A_437 = arith.constant 1 : i32
      %while3A_438 = arith.divsi %while3A_435, %while3A_437 : i32
      %while3A_439 = arith.muli %while3A_438, %while3A_437 : i32
      %while3A_440 = arith.addi %while3A, %while3A_439 : i32
      %while3A_441 = arith.constant 1 : i32
      %while3A_442 = scf.for %while3A_573 = %while3A to %while3A_440 step %while3A_441 iter_args(%while3A_574 = %while3A_434) -> (i32)  : i32 {
        %iota3A = tpu.iota {dimensions = array<i32: 0>} : vector<16xi32>
        %mul3A_575 = arith.constant 64 : i32
        %mul3A_576 = arith.muli %while3A_573, %mul3A_575 : i32
        %add3A_577 = vector.broadcast %mul3A_576 : i32 to vector<16xi32>
        %add3A_578 = arith.addi %iota3A, %add3A_577 : vector<16xi32>
        %add3A_579 = arith.constant 0 : i32
        %add3A_580 = vector.broadcast %add3A_579 : i32 to vector<16xi32>
        %add3A_581 = arith.addi %add3A_578, %add3A_580 : vector<16xi32>
        %jit3A_582 = arith.constant 91 : i32
        %div3A_583 = vector.broadcast %jit3A_582 : i32 to vector<16xi32>
        %div3A_584 = arith.divsi %add3A_581, %div3A_583 : vector<16xi32>
        %sign3A_585 = arith.constant 0 : i32
        %sign3A_586 = vector.broadcast %sign3A_585 : i32 to vector<16xi32>
        %sign3A_587 = arith.cmpi sgt, %add3A_581, %sign3A_586 : vector<16xi32>
        %sign3A_588 = arith.extui %sign3A_587 : vector<16xi1> to vector<16xi32>
        %sign3A_589 = arith.constant 0 : i32
        %sign3A_590 = vector.broadcast %sign3A_589 : i32 to vector<16xi32>
        %sign3A_591 = arith.cmpi slt, %add3A_581, %sign3A_590 : vector<16xi32>
        %sign3A_592 = arith.extui %sign3A_591 : vector<16xi1> to vector<16xi32>
        %sign3A_593 = arith.subi %sign3A_588, %sign3A_592 : vector<16xi32>
        %sign3A_594 = arith.constant 0 : i32
        %sign3A_595 = arith.cmpi sgt, %jit3A_582, %sign3A_594 : i32
        %sign3A_596 = arith.extui %sign3A_595 : i1 to i32
        %sign3A_597 = arith.constant 0 : i32
        %sign3A_598 = arith.cmpi slt, %jit3A_582, %sign3A_597 : i32
        %sign3A_599 = arith.extui %sign3A_598 : i1 to i32
        %sign3A_600 = arith.subi %sign3A_596, %sign3A_599 : i32
        %ne3A_601 = vector.broadcast %sign3A_600 : i32 to vector<16xi32>
        %ne3A_602 = arith.cmpi ne, %sign3A_593, %ne3A_601 : vector<16xi32>
        %rem3A_603 = vector.broadcast %jit3A_582 : i32 to vector<16xi32>
        %rem3A_604 = arith.remsi %add3A_581, %rem3A_603 : vector<16xi32>
        %ne3A_605 = arith.constant 0 : i32
        %ne3A_606 = vector.broadcast %ne3A_605 : i32 to vector<16xi32>
        %ne3A_607 = arith.cmpi ne, %rem3A_604, %ne3A_606 : vector<16xi32>
        %and3A_608 = arith.andi %ne3A_602, %ne3A_607 : vector<16xi1>
        %sub3A_609 = arith.constant 1 : i32
        %sub3A_610 = vector.broadcast %sub3A_609 : i32 to vector<16xi32>
        %sub3A_611 = arith.subi %div3A_584, %sub3A_610 : vector<16xi32>
        %select_n3A_612 = arith.select %and3A_608, %sub3A_611, %div3A_584 : vector<16xi1>, vector<16xi32>
        %mul3A_613 = arith.constant 91 : i32
        %mul3A_614 = vector.broadcast %mul3A_613 : i32 to vector<16xi32>
        %mul3A_615 = arith.muli %select_n3A_612, %mul3A_614 : vector<16xi32>
        %sub3A_616 = arith.subi %add3A_581, %mul3A_615 : vector<16xi32>
        %gather3A = tpu.vector_load_idx %arg11[%select_n3A_612] : memref<256xi32, #tpu.memory_space<vmem>>[vector<16xi32>], vector<16xi32>,
        %mul3A_617 = arith.constant 91 : i32
        %mul3A_618 = vector.broadcast %mul3A_617 : i32 to vector<16xi32>
        %mul3A_619 = arith.muli %gather3A, %mul3A_618 : vector<16xi32>
        %add3A_620 = arith.addi %mul3A_619, %sub3A_616 : vector<16xi32>
        %mul3A_621 = arith.constant 91 : i32
        %mul3A_622 = vector.broadcast %mul3A_621 : i32 to vector<16xi32>
        %mul3A_623 = arith.muli %gather3A, %mul3A_622 : vector<16xi32>
        %shift_right_logical3A_624 = arith.constant 4 : i32
        %shift_right_logical3A_625 = vector.broadcast %shift_right_logical3A_624 : i32 to vector<16xi32>
        %shift_right_logical3A_626 = arith.shrui %mul3A_623, %shift_right_logical3A_625 : vector<16xi32>
        %mul3A_627 = arith.constant 7 : i32
        %mul3A_628 = vector.broadcast %mul3A_627 : i32 to vector<16xi32>
        %mul3A_629 = arith.muli %select_n3A_612, %mul3A_628 : vector<16xi32>
        %shift_right_logical3A_630 = arith.constant 4 : i32
        %shift_right_logical3A_631 = vector.broadcast %shift_right_logical3A_630 : i32 to vector<16xi32>
        %shift_right_logical3A_632 = arith.shrui %add3A_620, %shift_right_logical3A_631 : vector<16xi32>
        %add3A_633 = arith.addi %mul3A_629, %shift_right_logical3A_632 : vector<16xi32>
        %sub3A_634 = arith.subi %add3A_633, %shift_right_logical3A_626 : vector<16xi32>
        %and3A_635 = arith.constant 15 : i32
        %and3A_636 = vector.broadcast %and3A_635 : i32 to vector<16xi32>
        %and3A_637 = arith.andi %add3A_620, %and3A_636 : vector<16xi32>
        %gather3A_638 = tpu.vector_load_idx %arg12[%sub3A_634, %and3A_637] : memref<1792x16xf32, #tpu.memory_space<vmem>>[vector<16xi32>, vector<16xi32>], vector<16xf32>,
        %lt3A_639 = vector.broadcast %scan3A_63 : i32 to vector<16xi32>
        %lt3A_640 = arith.cmpi slt, %select_n3A_612, %lt3A_639 : vector<16xi32>
        %bitcast3A_641 = vector.bitcast %gather3A_638 : vector<16xf32> to vector<16xi32>
        %lt3A_642 = arith.constant 0 : i32
        %lt3A_643 = vector.broadcast %lt3A_642 : i32 to vector<16xi32>
        %lt3A_644 = arith.cmpi slt, %bitcast3A_641, %lt3A_643 : vector<16xi32>
        %not3A_645 = arith.constant dense<-1> : vector<16xi32>
        %not3A_646 = arith.xori %bitcast3A_641, %not3A_645 : vector<16xi32>
        %xor3A_647 = arith.constant -2147483648 : i32
        %xor3A_648 = vector.broadcast %xor3A_647 : i32 to vector<16xi32>
        %xor3A_649 = arith.xori %bitcast3A_641, %xor3A_648 : vector<16xi32>
        %select_n3A_650 = arith.select %lt3A_644, %not3A_646, %xor3A_649 : vector<16xi1>, vector<16xi32>
        %shift_right_logical3A_651 = arith.constant 18 : i32
        %shift_right_logical3A_652 = vector.broadcast %shift_right_logical3A_651 : i32 to vector<16xi32>
        %shift_right_logical3A_653 = arith.shrui %select_n3A_650, %shift_right_logical3A_652 : vector<16xi32>
        %jit3A_654 = arith.constant 0 : i32
        %broadcast_in_dim3A_655 = vector.broadcast %jit3A_654 : i32 to vector<16xi32>
        %select_n3A_656 = arith.select %lt3A_640, %shift_right_logical3A_653, %broadcast_in_dim3A_655 : vector<16xi1>, vector<16xi32>
        tpu.vector_store_idx %arg10[%select_n3A_656], %broadcast_in_dim3A_9 {add = true} : memref<16384xi32, #tpu.memory_space<vmem>>[vector<16xi32>], vector<16xi32>,
        %iota3A_657 = tpu.iota {dimensions = array<i32: 0>} : vector<16xi32>
        %mul3A_658 = arith.constant 64 : i32
        %mul3A_659 = arith.muli %while3A_573, %mul3A_658 : i32
        %add3A_660 = vector.broadcast %mul3A_659 : i32 to vector<16xi32>
        %add3A_661 = arith.addi %iota3A_657, %add3A_660 : vector<16xi32>
        %add3A_662 = arith.constant 16 : i32
        %add3A_663 = vector.broadcast %add3A_662 : i32 to vector<16xi32>
        %add3A_664 = arith.addi %add3A_661, %add3A_663 : vector<16xi32>
        %jit3A_665 = arith.constant 91 : i32
        %div3A_666 = vector.broadcast %jit3A_665 : i32 to vector<16xi32>
        %div3A_667 = arith.divsi %add3A_664, %div3A_666 : vector<16xi32>
        %sign3A_668 = arith.constant 0 : i32
        %sign3A_669 = vector.broadcast %sign3A_668 : i32 to vector<16xi32>
        %sign3A_670 = arith.cmpi sgt, %add3A_664, %sign3A_669 : vector<16xi32>
        %sign3A_671 = arith.extui %sign3A_670 : vector<16xi1> to vector<16xi32>
        %sign3A_672 = arith.constant 0 : i32
        %sign3A_673 = vector.broadcast %sign3A_672 : i32 to vector<16xi32>
        %sign3A_674 = arith.cmpi slt, %add3A_664, %sign3A_673 : vector<16xi32>
        %sign3A_675 = arith.extui %sign3A_674 : vector<16xi1> to vector<16xi32>
        %sign3A_676 = arith.subi %sign3A_671, %sign3A_675 : vector<16xi32>
        %sign3A_677 = arith.constant 0 : i32
        %sign3A_678 = arith.cmpi sgt, %jit3A_665, %sign3A_677 : i32
        %sign3A_679 = arith.extui %sign3A_678 : i1 to i32
        %sign3A_680 = arith.constant 0 : i32
        %sign3A_681 = arith.cmpi slt, %jit3A_665, %sign3A_680 : i32
        %sign3A_682 = arith.extui %sign3A_681 : i1 to i32
        %sign3A_683 = arith.subi %sign3A_679, %sign3A_682 : i32
        %ne3A_684 = vector.broadcast %sign3A_683 : i32 to vector<16xi32>
        %ne3A_685 = arith.cmpi ne, %sign3A_676, %ne3A_684 : vector<16xi32>
        %rem3A_686 = vector.broadcast %jit3A_665 : i32 to vector<16xi32>
        %rem3A_687 = arith.remsi %add3A_664, %rem3A_686 : vector<16xi32>
        %ne3A_688 = arith.constant 0 : i32
        %ne3A_689 = vector.broadcast %ne3A_688 : i32 to vector<16xi32>
        %ne3A_690 = arith.cmpi ne, %rem3A_687, %ne3A_689 : vector<16xi32>
        %and3A_691 = arith.andi %ne3A_685, %ne3A_690 : vector<16xi1>
        %sub3A_692 = arith.constant 1 : i32
        %sub3A_693 = vector.broadcast %sub3A_692 : i32 to vector<16xi32>
        %sub3A_694 = arith.subi %div3A_667, %sub3A_693 : vector<16xi32>
        %select_n3A_695 = arith.select %and3A_691, %sub3A_694, %div3A_667 : vector<16xi1>, vector<16xi32>
        %mul3A_696 = arith.constant 91 : i32
        %mul3A_697 = vector.broadcast %mul3A_696 : i32 to vector<16xi32>
        %mul3A_698 = arith.muli %select_n3A_695, %mul3A_697 : vector<16xi32>
        %sub3A_699 = arith.subi %add3A_664, %mul3A_698 : vector<16xi32>
        %gather3A_700 = tpu.vector_load_idx %arg11[%select_n3A_695] : memref<256xi32, #tpu.memory_space<vmem>>[vector<16xi32>], vector<16xi32>,
        %mul3A_701 = arith.constant 91 : i32
        %mul3A_702 = vector.broadcast %mul3A_701 : i32 to vector<16xi32>
        %mul3A_703 = arith.muli %gather3A_700, %mul3A_702 : vector<16xi32>
        %add3A_704 = arith.addi %mul3A_703, %sub3A_699 : vector<16xi32>
        %mul3A_705 = arith.constant 91 : i32
        %mul3A_706 = vector.broadcast %mul3A_705 : i32 to vector<16xi32>
        %mul3A_707 = arith.muli %gather3A_700, %mul3A_706 : vector<16xi32>
        %shift_right_logical3A_708 = arith.constant 4 : i32
        %shift_right_logical3A_709 = vector.broadcast %shift_right_logical3A_708 : i32 to vector<16xi32>
        %shift_right_logical3A_710 = arith.shrui %mul3A_707, %shift_right_logical3A_709 : vector<16xi32>
        %mul3A_711 = arith.constant 7 : i32
        %mul3A_712 = vector.broadcast %mul3A_711 : i32 to vector<16xi32>
        %mul3A_713 = arith.muli %select_n3A_695, %mul3A_712 : vector<16xi32>
        %shift_right_logical3A_714 = arith.constant 4 : i32
        %shift_right_logical3A_715 = vector.broadcast %shift_right_logical3A_714 : i32 to vector<16xi32>
        %shift_right_logical3A_716 = arith.shrui %add3A_704, %shift_right_logical3A_715 : vector<16xi32>
        %add3A_717 = arith.addi %mul3A_713, %shift_right_logical3A_716 : vector<16xi32>
        %sub3A_718 = arith.subi %add3A_717, %shift_right_logical3A_710 : vector<16xi32>
        %and3A_719 = arith.constant 15 : i32
        %and3A_720 = vector.broadcast %and3A_719 : i32 to vector<16xi32>
        %and3A_721 = arith.andi %add3A_704, %and3A_720 : vector<16xi32>
        %gather3A_722 = tpu.vector_load_idx %arg12[%sub3A_718, %and3A_721] : memref<1792x16xf32, #tpu.memory_space<vmem>>[vector<16xi32>, vector<16xi32>], vector<16xf32>,
        %lt3A_723 = vector.broadcast %scan3A_63 : i32 to vector<16xi32>
        %lt3A_724 = arith.cmpi slt, %select_n3A_695, %lt3A_723 : vector<16xi32>
        %bitcast3A_725 = vector.bitcast %gather3A_722 : vector<16xf32> to vector<16xi32>
        %lt3A_726 = arith.constant 0 : i32
        %lt3A_727 = vector.broadcast %lt3A_726 : i32 to vector<16xi32>
        %lt3A_728 = arith.cmpi slt, %bitcast3A_725, %lt3A_727 : vector<16xi32>
        %not3A_729 = arith.constant dense<-1> : vector<16xi32>
        %not3A_730 = arith.xori %bitcast3A_725, %not3A_729 : vector<16xi32>
        %xor3A_731 = arith.constant -2147483648 : i32
        %xor3A_732 = vector.broadcast %xor3A_731 : i32 to vector<16xi32>
        %xor3A_733 = arith.xori %bitcast3A_725, %xor3A_732 : vector<16xi32>
        %select_n3A_734 = arith.select %lt3A_728, %not3A_730, %xor3A_733 : vector<16xi1>, vector<16xi32>
        %shift_right_logical3A_735 = arith.constant 18 : i32
        %shift_right_logical3A_736 = vector.broadcast %shift_right_logical3A_735 : i32 to vector<16xi32>
        %shift_right_logical3A_737 = arith.shrui %select_n3A_734, %shift_right_logical3A_736 : vector<16xi32>
        %jit3A_738 = arith.constant 0 : i32
        %broadcast_in_dim3A_739 = vector.broadcast %jit3A_738 : i32 to vector<16xi32>
        %select_n3A_740 = arith.select %lt3A_724, %shift_right_logical3A_737, %broadcast_in_dim3A_739 : vector<16xi1>, vector<16xi32>
        tpu.vector_store_idx %arg10[%select_n3A_740], %broadcast_in_dim3A_9 {add = true} : memref<16384xi32, #tpu.memory_space<vmem>>[vector<16xi32>], vector<16xi32>,
        %iota3A_741 = tpu.iota {dimensions = array<i32: 0>} : vector<16xi32>
        %mul3A_742 = arith.constant 64 : i32
        %mul3A_743 = arith.muli %while3A_573, %mul3A_742 : i32
        %add3A_744 = vector.broadcast %mul3A_743 : i32 to vector<16xi32>
        %add3A_745 = arith.addi %iota3A_741, %add3A_744 : vector<16xi32>
        %add3A_746 = arith.constant 32 : i32
        %add3A_747 = vector.broadcast %add3A_746 : i32 to vector<16xi32>
        %add3A_748 = arith.addi %add3A_745, %add3A_747 : vector<16xi32>
        %jit3A_749 = arith.constant 91 : i32
        %div3A_750 = vector.broadcast %jit3A_749 : i32 to vector<16xi32>
        %div3A_751 = arith.divsi %add3A_748, %div3A_750 : vector<16xi32>
        %sign3A_752 = arith.constant 0 : i32
        %sign3A_753 = vector.broadcast %sign3A_752 : i32 to vector<16xi32>
        %sign3A_754 = arith.cmpi sgt, %add3A_748, %sign3A_753 : vector<16xi32>
        %sign3A_755 = arith.extui %sign3A_754 : vector<16xi1> to vector<16xi32>
        %sign3A_756 = arith.constant 0 : i32
        %sign3A_757 = vector.broadcast %sign3A_756 : i32 to vector<16xi32>
        %sign3A_758 = arith.cmpi slt, %add3A_748, %sign3A_757 : vector<16xi32>
        %sign3A_759 = arith.extui %sign3A_758 : vector<16xi1> to vector<16xi32>
        %sign3A_760 = arith.subi %sign3A_755, %sign3A_759 : vector<16xi32>
        %sign3A_761 = arith.constant 0 : i32
        %sign3A_762 = arith.cmpi sgt, %jit3A_749, %sign3A_761 : i32
        %sign3A_763 = arith.extui %sign3A_762 : i1 to i32
        %sign3A_764 = arith.constant 0 : i32
        %sign3A_765 = arith.cmpi slt, %jit3A_749, %sign3A_764 : i32
        %sign3A_766 = arith.extui %sign3A_765 : i1 to i32
        %sign3A_767 = arith.subi %sign3A_763, %sign3A_766 : i32
        %ne3A_768 = vector.broadcast %sign3A_767 : i32 to vector<16xi32>
        %ne3A_769 = arith.cmpi ne, %sign3A_760, %ne3A_768 : vector<16xi32>
        %rem3A_770 = vector.broadcast %jit3A_749 : i32 to vector<16xi32>
        %rem3A_771 = arith.remsi %add3A_748, %rem3A_770 : vector<16xi32>
        %ne3A_772 = arith.constant 0 : i32
        %ne3A_773 = vector.broadcast %ne3A_772 : i32 to vector<16xi32>
        %ne3A_774 = arith.cmpi ne, %rem3A_771, %ne3A_773 : vector<16xi32>
        %and3A_775 = arith.andi %ne3A_769, %ne3A_774 : vector<16xi1>
        %sub3A_776 = arith.constant 1 : i32
        %sub3A_777 = vector.broadcast %sub3A_776 : i32 to vector<16xi32>
        %sub3A_778 = arith.subi %div3A_751, %sub3A_777 : vector<16xi32>
        %select_n3A_779 = arith.select %and3A_775, %sub3A_778, %div3A_751 : vector<16xi1>, vector<16xi32>
        %mul3A_780 = arith.constant 91 : i32
        %mul3A_781 = vector.broadcast %mul3A_780 : i32 to vector<16xi32>
        %mul3A_782 = arith.muli %select_n3A_779, %mul3A_781 : vector<16xi32>
        %sub3A_783 = arith.subi %add3A_748, %mul3A_782 : vector<16xi32>
        %gather3A_784 = tpu.vector_load_idx %arg11[%select_n3A_779] : memref<256xi32, #tpu.memory_space<vmem>>[vector<16xi32>], vector<16xi32>,
        %mul3A_785 = arith.constant 91 : i32
        %mul3A_786 = vector.broadcast %mul3A_785 : i32 to vector<16xi32>
        %mul3A_787 = arith.muli %gather3A_784, %mul3A_786 : vector<16xi32>
        %add3A_788 = arith.addi %mul3A_787, %sub3A_783 : vector<16xi32>
        %mul3A_789 = arith.constant 91 : i32
        %mul3A_790 = vector.broadcast %mul3A_789 : i32 to vector<16xi32>
        %mul3A_791 = arith.muli %gather3A_784, %mul3A_790 : vector<16xi32>
        %shift_right_logical3A_792 = arith.constant 4 : i32
        %shift_right_logical3A_793 = vector.broadcast %shift_right_logical3A_792 : i32 to vector<16xi32>
        %shift_right_logical3A_794 = arith.shrui %mul3A_791, %shift_right_logical3A_793 : vector<16xi32>
        %mul3A_795 = arith.constant 7 : i32
        %mul3A_796 = vector.broadcast %mul3A_795 : i32 to vector<16xi32>
        %mul3A_797 = arith.muli %select_n3A_779, %mul3A_796 : vector<16xi32>
        %shift_right_logical3A_798 = arith.constant 4 : i32
        %shift_right_logical3A_799 = vector.broadcast %shift_right_logical3A_798 : i32 to vector<16xi32>
        %shift_right_logical3A_800 = arith.shrui %add3A_788, %shift_right_logical3A_799 : vector<16xi32>
        %add3A_801 = arith.addi %mul3A_797, %shift_right_logical3A_800 : vector<16xi32>
        %sub3A_802 = arith.subi %add3A_801, %shift_right_logical3A_794 : vector<16xi32>
        %and3A_803 = arith.constant 15 : i32
        %and3A_804 = vector.broadcast %and3A_803 : i32 to vector<16xi32>
        %and3A_805 = arith.andi %add3A_788, %and3A_804 : vector<16xi32>
        %gather3A_806 = tpu.vector_load_idx %arg12[%sub3A_802, %and3A_805] : memref<1792x16xf32, #tpu.memory_space<vmem>>[vector<16xi32>, vector<16xi32>], vector<16xf32>,
        %lt3A_807 = vector.broadcast %scan3A_63 : i32 to vector<16xi32>
        %lt3A_808 = arith.cmpi slt, %select_n3A_779, %lt3A_807 : vector<16xi32>
        %bitcast3A_809 = vector.bitcast %gather3A_806 : vector<16xf32> to vector<16xi32>
        %lt3A_810 = arith.constant 0 : i32
        %lt3A_811 = vector.broadcast %lt3A_810 : i32 to vector<16xi32>
        %lt3A_812 = arith.cmpi slt, %bitcast3A_809, %lt3A_811 : vector<16xi32>
        %not3A_813 = arith.constant dense<-1> : vector<16xi32>
        %not3A_814 = arith.xori %bitcast3A_809, %not3A_813 : vector<16xi32>
        %xor3A_815 = arith.constant -2147483648 : i32
        %xor3A_816 = vector.broadcast %xor3A_815 : i32 to vector<16xi32>
        %xor3A_817 = arith.xori %bitcast3A_809, %xor3A_816 : vector<16xi32>
        %select_n3A_818 = arith.select %lt3A_812, %not3A_814, %xor3A_817 : vector<16xi1>, vector<16xi32>
        %shift_right_logical3A_819 = arith.constant 18 : i32
        %shift_right_logical3A_820 = vector.broadcast %shift_right_logical3A_819 : i32 to vector<16xi32>
        %shift_right_logical3A_821 = arith.shrui %select_n3A_818, %shift_right_logical3A_820 : vector<16xi32>
        %jit3A_822 = arith.constant 0 : i32
        %broadcast_in_dim3A_823 = vector.broadcast %jit3A_822 : i32 to vector<16xi32>
        %select_n3A_824 = arith.select %lt3A_808, %shift_right_logical3A_821, %broadcast_in_dim3A_823 : vector<16xi1>, vector<16xi32>
        tpu.vector_store_idx %arg10[%select_n3A_824], %broadcast_in_dim3A_9 {add = true} : memref<16384xi32, #tpu.memory_space<vmem>>[vector<16xi32>], vector<16xi32>,
        %iota3A_825 = tpu.iota {dimensions = array<i32: 0>} : vector<16xi32>
        %mul3A_826 = arith.constant 64 : i32
        %mul3A_827 = arith.muli %while3A_573, %mul3A_826 : i32
        %add3A_828 = vector.broadcast %mul3A_827 : i32 to vector<16xi32>
        %add3A_829 = arith.addi %iota3A_825, %add3A_828 : vector<16xi32>
        %add3A_830 = arith.constant 48 : i32
        %add3A_831 = vector.broadcast %add3A_830 : i32 to vector<16xi32>
        %add3A_832 = arith.addi %add3A_829, %add3A_831 : vector<16xi32>
        %jit3A_833 = arith.constant 91 : i32
        %div3A_834 = vector.broadcast %jit3A_833 : i32 to vector<16xi32>
        %div3A_835 = arith.divsi %add3A_832, %div3A_834 : vector<16xi32>
        %sign3A_836 = arith.constant 0 : i32
        %sign3A_837 = vector.broadcast %sign3A_836 : i32 to vector<16xi32>
        %sign3A_838 = arith.cmpi sgt, %add3A_832, %sign3A_837 : vector<16xi32>
        %sign3A_839 = arith.extui %sign3A_838 : vector<16xi1> to vector<16xi32>
        %sign3A_840 = arith.constant 0 : i32
        %sign3A_841 = vector.broadcast %sign3A_840 : i32 to vector<16xi32>
        %sign3A_842 = arith.cmpi slt, %add3A_832, %sign3A_841 : vector<16xi32>
        %sign3A_843 = arith.extui %sign3A_842 : vector<16xi1> to vector<16xi32>
        %sign3A_844 = arith.subi %sign3A_839, %sign3A_843 : vector<16xi32>
        %sign3A_845 = arith.constant 0 : i32
        %sign3A_846 = arith.cmpi sgt, %jit3A_833, %sign3A_845 : i32
        %sign3A_847 = arith.extui %sign3A_846 : i1 to i32
        %sign3A_848 = arith.constant 0 : i32
        %sign3A_849 = arith.cmpi slt, %jit3A_833, %sign3A_848 : i32
        %sign3A_850 = arith.extui %sign3A_849 : i1 to i32
        %sign3A_851 = arith.subi %sign3A_847, %sign3A_850 : i32
        %ne3A_852 = vector.broadcast %sign3A_851 : i32 to vector<16xi32>
        %ne3A_853 = arith.cmpi ne, %sign3A_844, %ne3A_852 : vector<16xi32>
        %rem3A_854 = vector.broadcast %jit3A_833 : i32 to vector<16xi32>
        %rem3A_855 = arith.remsi %add3A_832, %rem3A_854 : vector<16xi32>
        %ne3A_856 = arith.constant 0 : i32
        %ne3A_857 = vector.broadcast %ne3A_856 : i32 to vector<16xi32>
        %ne3A_858 = arith.cmpi ne, %rem3A_855, %ne3A_857 : vector<16xi32>
        %and3A_859 = arith.andi %ne3A_853, %ne3A_858 : vector<16xi1>
        %sub3A_860 = arith.constant 1 : i32
        %sub3A_861 = vector.broadcast %sub3A_860 : i32 to vector<16xi32>
        %sub3A_862 = arith.subi %div3A_835, %sub3A_861 : vector<16xi32>
        %select_n3A_863 = arith.select %and3A_859, %sub3A_862, %div3A_835 : vector<16xi1>, vector<16xi32>
        %mul3A_864 = arith.constant 91 : i32
        %mul3A_865 = vector.broadcast %mul3A_864 : i32 to vector<16xi32>
        %mul3A_866 = arith.muli %select_n3A_863, %mul3A_865 : vector<16xi32>
        %sub3A_867 = arith.subi %add3A_832, %mul3A_866 : vector<16xi32>
        %gather3A_868 = tpu.vector_load_idx %arg11[%select_n3A_863] : memref<256xi32, #tpu.memory_space<vmem>>[vector<16xi32>], vector<16xi32>,
        %mul3A_869 = arith.constant 91 : i32
        %mul3A_870 = vector.broadcast %mul3A_869 : i32 to vector<16xi32>
        %mul3A_871 = arith.muli %gather3A_868, %mul3A_870 : vector<16xi32>
        %add3A_872 = arith.addi %mul3A_871, %sub3A_867 : vector<16xi32>
        %mul3A_873 = arith.constant 91 : i32
        %mul3A_874 = vector.broadcast %mul3A_873 : i32 to vector<16xi32>
        %mul3A_875 = arith.muli %gather3A_868, %mul3A_874 : vector<16xi32>
        %shift_right_logical3A_876 = arith.constant 4 : i32
        %shift_right_logical3A_877 = vector.broadcast %shift_right_logical3A_876 : i32 to vector<16xi32>
        %shift_right_logical3A_878 = arith.shrui %mul3A_875, %shift_right_logical3A_877 : vector<16xi32>
        %mul3A_879 = arith.constant 7 : i32
        %mul3A_880 = vector.broadcast %mul3A_879 : i32 to vector<16xi32>
        %mul3A_881 = arith.muli %select_n3A_863, %mul3A_880 : vector<16xi32>
        %shift_right_logical3A_882 = arith.constant 4 : i32
        %shift_right_logical3A_883 = vector.broadcast %shift_right_logical3A_882 : i32 to vector<16xi32>
        %shift_right_logical3A_884 = arith.shrui %add3A_872, %shift_right_logical3A_883 : vector<16xi32>
        %add3A_885 = arith.addi %mul3A_881, %shift_right_logical3A_884 : vector<16xi32>
        %sub3A_886 = arith.subi %add3A_885, %shift_right_logical3A_878 : vector<16xi32>
        %and3A_887 = arith.constant 15 : i32
        %and3A_888 = vector.broadcast %and3A_887 : i32 to vector<16xi32>
        %and3A_889 = arith.andi %add3A_872, %and3A_888 : vector<16xi32>
        %gather3A_890 = tpu.vector_load_idx %arg12[%sub3A_886, %and3A_889] : memref<1792x16xf32, #tpu.memory_space<vmem>>[vector<16xi32>, vector<16xi32>], vector<16xf32>,
        %lt3A_891 = vector.broadcast %scan3A_63 : i32 to vector<16xi32>
        %lt3A_892 = arith.cmpi slt, %select_n3A_863, %lt3A_891 : vector<16xi32>
        %bitcast3A_893 = vector.bitcast %gather3A_890 : vector<16xf32> to vector<16xi32>
        %lt3A_894 = arith.constant 0 : i32
        %lt3A_895 = vector.broadcast %lt3A_894 : i32 to vector<16xi32>
        %lt3A_896 = arith.cmpi slt, %bitcast3A_893, %lt3A_895 : vector<16xi32>
        %not3A_897 = arith.constant dense<-1> : vector<16xi32>
        %not3A_898 = arith.xori %bitcast3A_893, %not3A_897 : vector<16xi32>
        %xor3A_899 = arith.constant -2147483648 : i32
        %xor3A_900 = vector.broadcast %xor3A_899 : i32 to vector<16xi32>
        %xor3A_901 = arith.xori %bitcast3A_893, %xor3A_900 : vector<16xi32>
        %select_n3A_902 = arith.select %lt3A_896, %not3A_898, %xor3A_901 : vector<16xi1>, vector<16xi32>
        %shift_right_logical3A_903 = arith.constant 18 : i32
        %shift_right_logical3A_904 = vector.broadcast %shift_right_logical3A_903 : i32 to vector<16xi32>
        %shift_right_logical3A_905 = arith.shrui %select_n3A_902, %shift_right_logical3A_904 : vector<16xi32>
        %jit3A_906 = arith.constant 0 : i32
        %broadcast_in_dim3A_907 = vector.broadcast %jit3A_906 : i32 to vector<16xi32>
        %select_n3A_908 = arith.select %lt3A_892, %shift_right_logical3A_905, %broadcast_in_dim3A_907 : vector<16xi1>, vector<16xi32>
        tpu.vector_store_idx %arg10[%select_n3A_908], %broadcast_in_dim3A_9 {add = true} : memref<16384xi32, #tpu.memory_space<vmem>>[vector<16xi32>], vector<16xi32>,
        %while3A_909 = arith.constant 0 : i32
        scf.yield %while3A_909 : i32
      }
      %while3A_443 = arith.constant 1 : i32
      %while3A_444 = scf.for %while3A_573 = %while3A_440 to %while3A_436 step %while3A_443 iter_args(%while3A_574 = %while3A_442) -> (i32)  : i32 {
        %iota3A = tpu.iota {dimensions = array<i32: 0>} : vector<16xi32>
        %mul3A_575 = arith.constant 64 : i32
        %mul3A_576 = arith.muli %while3A_573, %mul3A_575 : i32
        %add3A_577 = vector.broadcast %mul3A_576 : i32 to vector<16xi32>
        %add3A_578 = arith.addi %iota3A, %add3A_577 : vector<16xi32>
        %add3A_579 = arith.constant 0 : i32
        %add3A_580 = vector.broadcast %add3A_579 : i32 to vector<16xi32>
        %add3A_581 = arith.addi %add3A_578, %add3A_580 : vector<16xi32>
        %jit3A_582 = arith.constant 91 : i32
        %div3A_583 = vector.broadcast %jit3A_582 : i32 to vector<16xi32>
        %div3A_584 = arith.divsi %add3A_581, %div3A_583 : vector<16xi32>
        %sign3A_585 = arith.constant 0 : i32
        %sign3A_586 = vector.broadcast %sign3A_585 : i32 to vector<16xi32>
        %sign3A_587 = arith.cmpi sgt, %add3A_581, %sign3A_586 : vector<16xi32>
        %sign3A_588 = arith.extui %sign3A_587 : vector<16xi1> to vector<16xi32>
        %sign3A_589 = arith.constant 0 : i32
        %sign3A_590 = vector.broadcast %sign3A_589 : i32 to vector<16xi32>
        %sign3A_591 = arith.cmpi slt, %add3A_581, %sign3A_590 : vector<16xi32>
        %sign3A_592 = arith.extui %sign3A_591 : vector<16xi1> to vector<16xi32>
        %sign3A_593 = arith.subi %sign3A_588, %sign3A_592 : vector<16xi32>
        %sign3A_594 = arith.constant 0 : i32
        %sign3A_595 = arith.cmpi sgt, %jit3A_582, %sign3A_594 : i32
        %sign3A_596 = arith.extui %sign3A_595 : i1 to i32
        %sign3A_597 = arith.constant 0 : i32
        %sign3A_598 = arith.cmpi slt, %jit3A_582, %sign3A_597 : i32
        %sign3A_599 = arith.extui %sign3A_598 : i1 to i32
        %sign3A_600 = arith.subi %sign3A_596, %sign3A_599 : i32
        %ne3A_601 = vector.broadcast %sign3A_600 : i32 to vector<16xi32>
        %ne3A_602 = arith.cmpi ne, %sign3A_593, %ne3A_601 : vector<16xi32>
        %rem3A_603 = vector.broadcast %jit3A_582 : i32 to vector<16xi32>
        %rem3A_604 = arith.remsi %add3A_581, %rem3A_603 : vector<16xi32>
        %ne3A_605 = arith.constant 0 : i32
        %ne3A_606 = vector.broadcast %ne3A_605 : i32 to vector<16xi32>
        %ne3A_607 = arith.cmpi ne, %rem3A_604, %ne3A_606 : vector<16xi32>
        %and3A_608 = arith.andi %ne3A_602, %ne3A_607 : vector<16xi1>
        %sub3A_609 = arith.constant 1 : i32
        %sub3A_610 = vector.broadcast %sub3A_609 : i32 to vector<16xi32>
        %sub3A_611 = arith.subi %div3A_584, %sub3A_610 : vector<16xi32>
        %select_n3A_612 = arith.select %and3A_608, %sub3A_611, %div3A_584 : vector<16xi1>, vector<16xi32>
        %mul3A_613 = arith.constant 91 : i32
        %mul3A_614 = vector.broadcast %mul3A_613 : i32 to vector<16xi32>
        %mul3A_615 = arith.muli %select_n3A_612, %mul3A_614 : vector<16xi32>
        %sub3A_616 = arith.subi %add3A_581, %mul3A_615 : vector<16xi32>
        %gather3A = tpu.vector_load_idx %arg11[%select_n3A_612] : memref<256xi32, #tpu.memory_space<vmem>>[vector<16xi32>], vector<16xi32>,
        %mul3A_617 = arith.constant 91 : i32
        %mul3A_618 = vector.broadcast %mul3A_617 : i32 to vector<16xi32>
        %mul3A_619 = arith.muli %gather3A, %mul3A_618 : vector<16xi32>
        %add3A_620 = arith.addi %mul3A_619, %sub3A_616 : vector<16xi32>
        %mul3A_621 = arith.constant 91 : i32
        %mul3A_622 = vector.broadcast %mul3A_621 : i32 to vector<16xi32>
        %mul3A_623 = arith.muli %gather3A, %mul3A_622 : vector<16xi32>
        %shift_right_logical3A_624 = arith.constant 4 : i32
        %shift_right_logical3A_625 = vector.broadcast %shift_right_logical3A_624 : i32 to vector<16xi32>
        %shift_right_logical3A_626 = arith.shrui %mul3A_623, %shift_right_logical3A_625 : vector<16xi32>
        %mul3A_627 = arith.constant 7 : i32
        %mul3A_628 = vector.broadcast %mul3A_627 : i32 to vector<16xi32>
        %mul3A_629 = arith.muli %select_n3A_612, %mul3A_628 : vector<16xi32>
        %shift_right_logical3A_630 = arith.constant 4 : i32
        %shift_right_logical3A_631 = vector.broadcast %shift_right_logical3A_630 : i32 to vector<16xi32>
        %shift_right_logical3A_632 = arith.shrui %add3A_620, %shift_right_logical3A_631 : vector<16xi32>
        %add3A_633 = arith.addi %mul3A_629, %shift_right_logical3A_632 : vector<16xi32>
        %sub3A_634 = arith.subi %add3A_633, %shift_right_logical3A_626 : vector<16xi32>
        %and3A_635 = arith.constant 15 : i32
        %and3A_636 = vector.broadcast %and3A_635 : i32 to vector<16xi32>
        %and3A_637 = arith.andi %add3A_620, %and3A_636 : vector<16xi32>
        %gather3A_638 = tpu.vector_load_idx %arg12[%sub3A_634, %and3A_637] : memref<1792x16xf32, #tpu.memory_space<vmem>>[vector<16xi32>, vector<16xi32>], vector<16xf32>,
        %lt3A_639 = vector.broadcast %scan3A_63 : i32 to vector<16xi32>
        %lt3A_640 = arith.cmpi slt, %select_n3A_612, %lt3A_639 : vector<16xi32>
        %bitcast3A_641 = vector.bitcast %gather3A_638 : vector<16xf32> to vector<16xi32>
        %lt3A_642 = arith.constant 0 : i32
        %lt3A_643 = vector.broadcast %lt3A_642 : i32 to vector<16xi32>
        %lt3A_644 = arith.cmpi slt, %bitcast3A_641, %lt3A_643 : vector<16xi32>
        %not3A_645 = arith.constant dense<-1> : vector<16xi32>
        %not3A_646 = arith.xori %bitcast3A_641, %not3A_645 : vector<16xi32>
        %xor3A_647 = arith.constant -2147483648 : i32
        %xor3A_648 = vector.broadcast %xor3A_647 : i32 to vector<16xi32>
        %xor3A_649 = arith.xori %bitcast3A_641, %xor3A_648 : vector<16xi32>
        %select_n3A_650 = arith.select %lt3A_644, %not3A_646, %xor3A_649 : vector<16xi1>, vector<16xi32>
        %shift_right_logical3A_651 = arith.constant 18 : i32
        %shift_right_logical3A_652 = vector.broadcast %shift_right_logical3A_651 : i32 to vector<16xi32>
        %shift_right_logical3A_653 = arith.shrui %select_n3A_650, %shift_right_logical3A_652 : vector<16xi32>
        %jit3A_654 = arith.constant 0 : i32
        %broadcast_in_dim3A_655 = vector.broadcast %jit3A_654 : i32 to vector<16xi32>
        %select_n3A_656 = arith.select %lt3A_640, %shift_right_logical3A_653, %broadcast_in_dim3A_655 : vector<16xi1>, vector<16xi32>
        tpu.vector_store_idx %arg10[%select_n3A_656], %broadcast_in_dim3A_9 {add = true} : memref<16384xi32, #tpu.memory_space<vmem>>[vector<16xi32>], vector<16xi32>,
        %iota3A_657 = tpu.iota {dimensions = array<i32: 0>} : vector<16xi32>
        %mul3A_658 = arith.constant 64 : i32
        %mul3A_659 = arith.muli %while3A_573, %mul3A_658 : i32
        %add3A_660 = vector.broadcast %mul3A_659 : i32 to vector<16xi32>
        %add3A_661 = arith.addi %iota3A_657, %add3A_660 : vector<16xi32>
        %add3A_662 = arith.constant 16 : i32
        %add3A_663 = vector.broadcast %add3A_662 : i32 to vector<16xi32>
        %add3A_664 = arith.addi %add3A_661, %add3A_663 : vector<16xi32>
        %jit3A_665 = arith.constant 91 : i32
        %div3A_666 = vector.broadcast %jit3A_665 : i32 to vector<16xi32>
        %div3A_667 = arith.divsi %add3A_664, %div3A_666 : vector<16xi32>
        %sign3A_668 = arith.constant 0 : i32
        %sign3A_669 = vector.broadcast %sign3A_668 : i32 to vector<16xi32>
        %sign3A_670 = arith.cmpi sgt, %add3A_664, %sign3A_669 : vector<16xi32>
        %sign3A_671 = arith.extui %sign3A_670 : vector<16xi1> to vector<16xi32>
        %sign3A_672 = arith.constant 0 : i32
        %sign3A_673 = vector.broadcast %sign3A_672 : i32 to vector<16xi32>
        %sign3A_674 = arith.cmpi slt, %add3A_664, %sign3A_673 : vector<16xi32>
        %sign3A_675 = arith.extui %sign3A_674 : vector<16xi1> to vector<16xi32>
        %sign3A_676 = arith.subi %sign3A_671, %sign3A_675 : vector<16xi32>
        %sign3A_677 = arith.constant 0 : i32
        %sign3A_678 = arith.cmpi sgt, %jit3A_665, %sign3A_677 : i32
        %sign3A_679 = arith.extui %sign3A_678 : i1 to i32
        %sign3A_680 = arith.constant 0 : i32
        %sign3A_681 = arith.cmpi slt, %jit3A_665, %sign3A_680 : i32
        %sign3A_682 = arith.extui %sign3A_681 : i1 to i32
        %sign3A_683 = arith.subi %sign3A_679, %sign3A_682 : i32
        %ne3A_684 = vector.broadcast %sign3A_683 : i32 to vector<16xi32>
        %ne3A_685 = arith.cmpi ne, %sign3A_676, %ne3A_684 : vector<16xi32>
        %rem3A_686 = vector.broadcast %jit3A_665 : i32 to vector<16xi32>
        %rem3A_687 = arith.remsi %add3A_664, %rem3A_686 : vector<16xi32>
        %ne3A_688 = arith.constant 0 : i32
        %ne3A_689 = vector.broadcast %ne3A_688 : i32 to vector<16xi32>
        %ne3A_690 = arith.cmpi ne, %rem3A_687, %ne3A_689 : vector<16xi32>
        %and3A_691 = arith.andi %ne3A_685, %ne3A_690 : vector<16xi1>
        %sub3A_692 = arith.constant 1 : i32
        %sub3A_693 = vector.broadcast %sub3A_692 : i32 to vector<16xi32>
        %sub3A_694 = arith.subi %div3A_667, %sub3A_693 : vector<16xi32>
        %select_n3A_695 = arith.select %and3A_691, %sub3A_694, %div3A_667 : vector<16xi1>, vector<16xi32>
        %mul3A_696 = arith.constant 91 : i32
        %mul3A_697 = vector.broadcast %mul3A_696 : i32 to vector<16xi32>
        %mul3A_698 = arith.muli %select_n3A_695, %mul3A_697 : vector<16xi32>
        %sub3A_699 = arith.subi %add3A_664, %mul3A_698 : vector<16xi32>
        %gather3A_700 = tpu.vector_load_idx %arg11[%select_n3A_695] : memref<256xi32, #tpu.memory_space<vmem>>[vector<16xi32>], vector<16xi32>,
        %mul3A_701 = arith.constant 91 : i32
        %mul3A_702 = vector.broadcast %mul3A_701 : i32 to vector<16xi32>
        %mul3A_703 = arith.muli %gather3A_700, %mul3A_702 : vector<16xi32>
        %add3A_704 = arith.addi %mul3A_703, %sub3A_699 : vector<16xi32>
        %mul3A_705 = arith.constant 91 : i32
        %mul3A_706 = vector.broadcast %mul3A_705 : i32 to vector<16xi32>
        %mul3A_707 = arith.muli %gather3A_700, %mul3A_706 : vector<16xi32>
        %shift_right_logical3A_708 = arith.constant 4 : i32
        %shift_right_logical3A_709 = vector.broadcast %shift_right_logical3A_708 : i32 to vector<16xi32>
        %shift_right_logical3A_710 = arith.shrui %mul3A_707, %shift_right_logical3A_709 : vector<16xi32>
        %mul3A_711 = arith.constant 7 : i32
        %mul3A_712 = vector.broadcast %mul3A_711 : i32 to vector<16xi32>
        %mul3A_713 = arith.muli %select_n3A_695, %mul3A_712 : vector<16xi32>
        %shift_right_logical3A_714 = arith.constant 4 : i32
        %shift_right_logical3A_715 = vector.broadcast %shift_right_logical3A_714 : i32 to vector<16xi32>
        %shift_right_logical3A_716 = arith.shrui %add3A_704, %shift_right_logical3A_715 : vector<16xi32>
        %add3A_717 = arith.addi %mul3A_713, %shift_right_logical3A_716 : vector<16xi32>
        %sub3A_718 = arith.subi %add3A_717, %shift_right_logical3A_710 : vector<16xi32>
        %and3A_719 = arith.constant 15 : i32
        %and3A_720 = vector.broadcast %and3A_719 : i32 to vector<16xi32>
        %and3A_721 = arith.andi %add3A_704, %and3A_720 : vector<16xi32>
        %gather3A_722 = tpu.vector_load_idx %arg12[%sub3A_718, %and3A_721] : memref<1792x16xf32, #tpu.memory_space<vmem>>[vector<16xi32>, vector<16xi32>], vector<16xf32>,
        %lt3A_723 = vector.broadcast %scan3A_63 : i32 to vector<16xi32>
        %lt3A_724 = arith.cmpi slt, %select_n3A_695, %lt3A_723 : vector<16xi32>
        %bitcast3A_725 = vector.bitcast %gather3A_722 : vector<16xf32> to vector<16xi32>
        %lt3A_726 = arith.constant 0 : i32
        %lt3A_727 = vector.broadcast %lt3A_726 : i32 to vector<16xi32>
        %lt3A_728 = arith.cmpi slt, %bitcast3A_725, %lt3A_727 : vector<16xi32>
        %not3A_729 = arith.constant dense<-1> : vector<16xi32>
        %not3A_730 = arith.xori %bitcast3A_725, %not3A_729 : vector<16xi32>
        %xor3A_731 = arith.constant -2147483648 : i32
        %xor3A_732 = vector.broadcast %xor3A_731 : i32 to vector<16xi32>
        %xor3A_733 = arith.xori %bitcast3A_725, %xor3A_732 : vector<16xi32>
        %select_n3A_734 = arith.select %lt3A_728, %not3A_730, %xor3A_733 : vector<16xi1>, vector<16xi32>
        %shift_right_logical3A_735 = arith.constant 18 : i32
        %shift_right_logical3A_736 = vector.broadcast %shift_right_logical3A_735 : i32 to vector<16xi32>
        %shift_right_logical3A_737 = arith.shrui %select_n3A_734, %shift_right_logical3A_736 : vector<16xi32>
        %jit3A_738 = arith.constant 0 : i32
        %broadcast_in_dim3A_739 = vector.broadcast %jit3A_738 : i32 to vector<16xi32>
        %select_n3A_740 = arith.select %lt3A_724, %shift_right_logical3A_737, %broadcast_in_dim3A_739 : vector<16xi1>, vector<16xi32>
        tpu.vector_store_idx %arg10[%select_n3A_740], %broadcast_in_dim3A_9 {add = true} : memref<16384xi32, #tpu.memory_space<vmem>>[vector<16xi32>], vector<16xi32>,
        %iota3A_741 = tpu.iota {dimensions = array<i32: 0>} : vector<16xi32>
        %mul3A_742 = arith.constant 64 : i32
        %mul3A_743 = arith.muli %while3A_573, %mul3A_742 : i32
        %add3A_744 = vector.broadcast %mul3A_743 : i32 to vector<16xi32>
        %add3A_745 = arith.addi %iota3A_741, %add3A_744 : vector<16xi32>
        %add3A_746 = arith.constant 32 : i32
        %add3A_747 = vector.broadcast %add3A_746 : i32 to vector<16xi32>
        %add3A_748 = arith.addi %add3A_745, %add3A_747 : vector<16xi32>
        %jit3A_749 = arith.constant 91 : i32
        %div3A_750 = vector.broadcast %jit3A_749 : i32 to vector<16xi32>
        %div3A_751 = arith.divsi %add3A_748, %div3A_750 : vector<16xi32>
        %sign3A_752 = arith.constant 0 : i32
        %sign3A_753 = vector.broadcast %sign3A_752 : i32 to vector<16xi32>
        %sign3A_754 = arith.cmpi sgt, %add3A_748, %sign3A_753 : vector<16xi32>
        %sign3A_755 = arith.extui %sign3A_754 : vector<16xi1> to vector<16xi32>
        %sign3A_756 = arith.constant 0 : i32
        %sign3A_757 = vector.broadcast %sign3A_756 : i32 to vector<16xi32>
        %sign3A_758 = arith.cmpi slt, %add3A_748, %sign3A_757 : vector<16xi32>
        %sign3A_759 = arith.extui %sign3A_758 : vector<16xi1> to vector<16xi32>
        %sign3A_760 = arith.subi %sign3A_755, %sign3A_759 : vector<16xi32>
        %sign3A_761 = arith.constant 0 : i32
        %sign3A_762 = arith.cmpi sgt, %jit3A_749, %sign3A_761 : i32
        %sign3A_763 = arith.extui %sign3A_762 : i1 to i32
        %sign3A_764 = arith.constant 0 : i32
        %sign3A_765 = arith.cmpi slt, %jit3A_749, %sign3A_764 : i32
        %sign3A_766 = arith.extui %sign3A_765 : i1 to i32
        %sign3A_767 = arith.subi %sign3A_763, %sign3A_766 : i32
        %ne3A_768 = vector.broadcast %sign3A_767 : i32 to vector<16xi32>
        %ne3A_769 = arith.cmpi ne, %sign3A_760, %ne3A_768 : vector<16xi32>
        %rem3A_770 = vector.broadcast %jit3A_749 : i32 to vector<16xi32>
        %rem3A_771 = arith.remsi %add3A_748, %rem3A_770 : vector<16xi32>
        %ne3A_772 = arith.constant 0 : i32
        %ne3A_773 = vector.broadcast %ne3A_772 : i32 to vector<16xi32>
        %ne3A_774 = arith.cmpi ne, %rem3A_771, %ne3A_773 : vector<16xi32>
        %and3A_775 = arith.andi %ne3A_769, %ne3A_774 : vector<16xi1>
        %sub3A_776 = arith.constant 1 : i32
        %sub3A_777 = vector.broadcast %sub3A_776 : i32 to vector<16xi32>
        %sub3A_778 = arith.subi %div3A_751, %sub3A_777 : vector<16xi32>
        %select_n3A_779 = arith.select %and3A_775, %sub3A_778, %div3A_751 : vector<16xi1>, vector<16xi32>
        %mul3A_780 = arith.constant 91 : i32
        %mul3A_781 = vector.broadcast %mul3A_780 : i32 to vector<16xi32>
        %mul3A_782 = arith.muli %select_n3A_779, %mul3A_781 : vector<16xi32>
        %sub3A_783 = arith.subi %add3A_748, %mul3A_782 : vector<16xi32>
        %gather3A_784 = tpu.vector_load_idx %arg11[%select_n3A_779] : memref<256xi32, #tpu.memory_space<vmem>>[vector<16xi32>], vector<16xi32>,
        %mul3A_785 = arith.constant 91 : i32
        %mul3A_786 = vector.broadcast %mul3A_785 : i32 to vector<16xi32>
        %mul3A_787 = arith.muli %gather3A_784, %mul3A_786 : vector<16xi32>
        %add3A_788 = arith.addi %mul3A_787, %sub3A_783 : vector<16xi32>
        %mul3A_789 = arith.constant 91 : i32
        %mul3A_790 = vector.broadcast %mul3A_789 : i32 to vector<16xi32>
        %mul3A_791 = arith.muli %gather3A_784, %mul3A_790 : vector<16xi32>
        %shift_right_logical3A_792 = arith.constant 4 : i32
        %shift_right_logical3A_793 = vector.broadcast %shift_right_logical3A_792 : i32 to vector<16xi32>
        %shift_right_logical3A_794 = arith.shrui %mul3A_791, %shift_right_logical3A_793 : vector<16xi32>
        %mul3A_795 = arith.constant 7 : i32
        %mul3A_796 = vector.broadcast %mul3A_795 : i32 to vector<16xi32>
        %mul3A_797 = arith.muli %select_n3A_779, %mul3A_796 : vector<16xi32>
        %shift_right_logical3A_798 = arith.constant 4 : i32
        %shift_right_logical3A_799 = vector.broadcast %shift_right_logical3A_798 : i32 to vector<16xi32>
        %shift_right_logical3A_800 = arith.shrui %add3A_788, %shift_right_logical3A_799 : vector<16xi32>
        %add3A_801 = arith.addi %mul3A_797, %shift_right_logical3A_800 : vector<16xi32>
        %sub3A_802 = arith.subi %add3A_801, %shift_right_logical3A_794 : vector<16xi32>
        %and3A_803 = arith.constant 15 : i32
        %and3A_804 = vector.broadcast %and3A_803 : i32 to vector<16xi32>
        %and3A_805 = arith.andi %add3A_788, %and3A_804 : vector<16xi32>
        %gather3A_806 = tpu.vector_load_idx %arg12[%sub3A_802, %and3A_805] : memref<1792x16xf32, #tpu.memory_space<vmem>>[vector<16xi32>, vector<16xi32>], vector<16xf32>,
        %lt3A_807 = vector.broadcast %scan3A_63 : i32 to vector<16xi32>
        %lt3A_808 = arith.cmpi slt, %select_n3A_779, %lt3A_807 : vector<16xi32>
        %bitcast3A_809 = vector.bitcast %gather3A_806 : vector<16xf32> to vector<16xi32>
        %lt3A_810 = arith.constant 0 : i32
        %lt3A_811 = vector.broadcast %lt3A_810 : i32 to vector<16xi32>
        %lt3A_812 = arith.cmpi slt, %bitcast3A_809, %lt3A_811 : vector<16xi32>
        %not3A_813 = arith.constant dense<-1> : vector<16xi32>
        %not3A_814 = arith.xori %bitcast3A_809, %not3A_813 : vector<16xi32>
        %xor3A_815 = arith.constant -2147483648 : i32
        %xor3A_816 = vector.broadcast %xor3A_815 : i32 to vector<16xi32>
        %xor3A_817 = arith.xori %bitcast3A_809, %xor3A_816 : vector<16xi32>
        %select_n3A_818 = arith.select %lt3A_812, %not3A_814, %xor3A_817 : vector<16xi1>, vector<16xi32>
        %shift_right_logical3A_819 = arith.constant 18 : i32
        %shift_right_logical3A_820 = vector.broadcast %shift_right_logical3A_819 : i32 to vector<16xi32>
        %shift_right_logical3A_821 = arith.shrui %select_n3A_818, %shift_right_logical3A_820 : vector<16xi32>
        %jit3A_822 = arith.constant 0 : i32
        %broadcast_in_dim3A_823 = vector.broadcast %jit3A_822 : i32 to vector<16xi32>
        %select_n3A_824 = arith.select %lt3A_808, %shift_right_logical3A_821, %broadcast_in_dim3A_823 : vector<16xi1>, vector<16xi32>
        tpu.vector_store_idx %arg10[%select_n3A_824], %broadcast_in_dim3A_9 {add = true} : memref<16384xi32, #tpu.memory_space<vmem>>[vector<16xi32>], vector<16xi32>,
        %iota3A_825 = tpu.iota {dimensions = array<i32: 0>} : vector<16xi32>
        %mul3A_826 = arith.constant 64 : i32
        %mul3A_827 = arith.muli %while3A_573, %mul3A_826 : i32
        %add3A_828 = vector.broadcast %mul3A_827 : i32 to vector<16xi32>
        %add3A_829 = arith.addi %iota3A_825, %add3A_828 : vector<16xi32>
        %add3A_830 = arith.constant 48 : i32
        %add3A_831 = vector.broadcast %add3A_830 : i32 to vector<16xi32>
        %add3A_832 = arith.addi %add3A_829, %add3A_831 : vector<16xi32>
        %jit3A_833 = arith.constant 91 : i32
        %div3A_834 = vector.broadcast %jit3A_833 : i32 to vector<16xi32>
        %div3A_835 = arith.divsi %add3A_832, %div3A_834 : vector<16xi32>
        %sign3A_836 = arith.constant 0 : i32
        %sign3A_837 = vector.broadcast %sign3A_836 : i32 to vector<16xi32>
        %sign3A_838 = arith.cmpi sgt, %add3A_832, %sign3A_837 : vector<16xi32>
        %sign3A_839 = arith.extui %sign3A_838 : vector<16xi1> to vector<16xi32>
        %sign3A_840 = arith.constant 0 : i32
        %sign3A_841 = vector.broadcast %sign3A_840 : i32 to vector<16xi32>
        %sign3A_842 = arith.cmpi slt, %add3A_832, %sign3A_841 : vector<16xi32>
        %sign3A_843 = arith.extui %sign3A_842 : vector<16xi1> to vector<16xi32>
        %sign3A_844 = arith.subi %sign3A_839, %sign3A_843 : vector<16xi32>
        %sign3A_845 = arith.constant 0 : i32
        %sign3A_846 = arith.cmpi sgt, %jit3A_833, %sign3A_845 : i32
        %sign3A_847 = arith.extui %sign3A_846 : i1 to i32
        %sign3A_848 = arith.constant 0 : i32
        %sign3A_849 = arith.cmpi slt, %jit3A_833, %sign3A_848 : i32
        %sign3A_850 = arith.extui %sign3A_849 : i1 to i32
        %sign3A_851 = arith.subi %sign3A_847, %sign3A_850 : i32
        %ne3A_852 = vector.broadcast %sign3A_851 : i32 to vector<16xi32>
        %ne3A_853 = arith.cmpi ne, %sign3A_844, %ne3A_852 : vector<16xi32>
        %rem3A_854 = vector.broadcast %jit3A_833 : i32 to vector<16xi32>
        %rem3A_855 = arith.remsi %add3A_832, %rem3A_854 : vector<16xi32>
        %ne3A_856 = arith.constant 0 : i32
        %ne3A_857 = vector.broadcast %ne3A_856 : i32 to vector<16xi32>
        %ne3A_858 = arith.cmpi ne, %rem3A_855, %ne3A_857 : vector<16xi32>
        %and3A_859 = arith.andi %ne3A_853, %ne3A_858 : vector<16xi1>
        %sub3A_860 = arith.constant 1 : i32
        %sub3A_861 = vector.broadcast %sub3A_860 : i32 to vector<16xi32>
        %sub3A_862 = arith.subi %div3A_835, %sub3A_861 : vector<16xi32>
        %select_n3A_863 = arith.select %and3A_859, %sub3A_862, %div3A_835 : vector<16xi1>, vector<16xi32>
        %mul3A_864 = arith.constant 91 : i32
        %mul3A_865 = vector.broadcast %mul3A_864 : i32 to vector<16xi32>
        %mul3A_866 = arith.muli %select_n3A_863, %mul3A_865 : vector<16xi32>
        %sub3A_867 = arith.subi %add3A_832, %mul3A_866 : vector<16xi32>
        %gather3A_868 = tpu.vector_load_idx %arg11[%select_n3A_863] : memref<256xi32, #tpu.memory_space<vmem>>[vector<16xi32>], vector<16xi32>,
        %mul3A_869 = arith.constant 91 : i32
        %mul3A_870 = vector.broadcast %mul3A_869 : i32 to vector<16xi32>
        %mul3A_871 = arith.muli %gather3A_868, %mul3A_870 : vector<16xi32>
        %add3A_872 = arith.addi %mul3A_871, %sub3A_867 : vector<16xi32>
        %mul3A_873 = arith.constant 91 : i32
        %mul3A_874 = vector.broadcast %mul3A_873 : i32 to vector<16xi32>
        %mul3A_875 = arith.muli %gather3A_868, %mul3A_874 : vector<16xi32>
        %shift_right_logical3A_876 = arith.constant 4 : i32
        %shift_right_logical3A_877 = vector.broadcast %shift_right_logical3A_876 : i32 to vector<16xi32>
        %shift_right_logical3A_878 = arith.shrui %mul3A_875, %shift_right_logical3A_877 : vector<16xi32>
        %mul3A_879 = arith.constant 7 : i32
        %mul3A_880 = vector.broadcast %mul3A_879 : i32 to vector<16xi32>
        %mul3A_881 = arith.muli %select_n3A_863, %mul3A_880 : vector<16xi32>
        %shift_right_logical3A_882 = arith.constant 4 : i32
        %shift_right_logical3A_883 = vector.broadcast %shift_right_logical3A_882 : i32 to vector<16xi32>
        %shift_right_logical3A_884 = arith.shrui %add3A_872, %shift_right_logical3A_883 : vector<16xi32>
        %add3A_885 = arith.addi %mul3A_881, %shift_right_logical3A_884 : vector<16xi32>
        %sub3A_886 = arith.subi %add3A_885, %shift_right_logical3A_878 : vector<16xi32>
        %and3A_887 = arith.constant 15 : i32
        %and3A_888 = vector.broadcast %and3A_887 : i32 to vector<16xi32>
        %and3A_889 = arith.andi %add3A_872, %and3A_888 : vector<16xi32>
        %gather3A_890 = tpu.vector_load_idx %arg12[%sub3A_886, %and3A_889] : memref<1792x16xf32, #tpu.memory_space<vmem>>[vector<16xi32>, vector<16xi32>], vector<16xf32>,
        %lt3A_891 = vector.broadcast %scan3A_63 : i32 to vector<16xi32>
        %lt3A_892 = arith.cmpi slt, %select_n3A_863, %lt3A_891 : vector<16xi32>
        %bitcast3A_893 = vector.bitcast %gather3A_890 : vector<16xf32> to vector<16xi32>
        %lt3A_894 = arith.constant 0 : i32
        %lt3A_895 = vector.broadcast %lt3A_894 : i32 to vector<16xi32>
        %lt3A_896 = arith.cmpi slt, %bitcast3A_893, %lt3A_895 : vector<16xi32>
        %not3A_897 = arith.constant dense<-1> : vector<16xi32>
        %not3A_898 = arith.xori %bitcast3A_893, %not3A_897 : vector<16xi32>
        %xor3A_899 = arith.constant -2147483648 : i32
        %xor3A_900 = vector.broadcast %xor3A_899 : i32 to vector<16xi32>
        %xor3A_901 = arith.xori %bitcast3A_893, %xor3A_900 : vector<16xi32>
        %select_n3A_902 = arith.select %lt3A_896, %not3A_898, %xor3A_901 : vector<16xi1>, vector<16xi32>
        %shift_right_logical3A_903 = arith.constant 18 : i32
        %shift_right_logical3A_904 = vector.broadcast %shift_right_logical3A_903 : i32 to vector<16xi32>
        %shift_right_logical3A_905 = arith.shrui %select_n3A_902, %shift_right_logical3A_904 : vector<16xi32>
        %jit3A_906 = arith.constant 0 : i32
        %broadcast_in_dim3A_907 = vector.broadcast %jit3A_906 : i32 to vector<16xi32>
        %select_n3A_908 = arith.select %lt3A_892, %shift_right_logical3A_905, %broadcast_in_dim3A_907 : vector<16xi1>, vector<16xi32>
        tpu.vector_store_idx %arg10[%select_n3A_908], %broadcast_in_dim3A_9 {add = true} : memref<16384xi32, #tpu.memory_space<vmem>>[vector<16xi32>], vector<16xi32>,
        %while3A_909 = arith.constant 0 : i32
        scf.yield %while3A_909 : i32
      }
      %mul3A_445 = arith.constant 91 : i32
      %mul3A_446 = arith.muli %scan3A_63, %mul3A_445 : i32
      %add3A_447 = arith.constant 15 : i32
      %add3A_448 = arith.addi %mul3A_446, %add3A_447 : i32
      %jit3A_449 = arith.constant 16 : i32
      %div3A_450 = arith.divsi %add3A_448, %jit3A_449 : i32
      %sign3A_451 = arith.constant 0 : i32
      %sign3A_452 = arith.cmpi sgt, %add3A_448, %sign3A_451 : i32
      %sign3A_453 = arith.extui %sign3A_452 : i1 to i32
      %sign3A_454 = arith.constant 0 : i32
      %sign3A_455 = arith.cmpi slt, %add3A_448, %sign3A_454 : i32
      %sign3A_456 = arith.extui %sign3A_455 : i1 to i32
      %sign3A_457 = arith.subi %sign3A_453, %sign3A_456 : i32
      %sign3A_458 = arith.constant 0 : i32
      %sign3A_459 = arith.cmpi sgt, %jit3A_449, %sign3A_458 : i32
      %sign3A_460 = arith.extui %sign3A_459 : i1 to i32
      %sign3A_461 = arith.constant 0 : i32
      %sign3A_462 = arith.cmpi slt, %jit3A_449, %sign3A_461 : i32
      %sign3A_463 = arith.extui %sign3A_462 : i1 to i32
      %sign3A_464 = arith.subi %sign3A_460, %sign3A_463 : i32
      %ne3A_465 = arith.cmpi ne, %sign3A_457, %sign3A_464 : i32
      %rem3A_466 = arith.remsi %add3A_448, %jit3A_449 : i32
      %ne3A_467 = arith.constant 0 : i32
      %ne3A_468 = arith.cmpi ne, %rem3A_466, %ne3A_467 : i32
      %and3A_469 = arith.andi %ne3A_465, %ne3A_468 : i1
      %sub3A_470 = arith.constant 1 : i32
      %sub3A_471 = arith.subi %div3A_450, %sub3A_470 : i32
      %select_n3A_472 = arith.select %and3A_469, %sub3A_471, %div3A_450 : i32
      %scan3A_473 = arith.constant false
      %scan3A_474 = arith.constant 0 : i32
      %scan3A_475 = arith.constant 0 : i32
      %scan3A_476 = arith.constant 0 : i32
      %scan3A_477 = arith.constant 0 : i32
      %scan3A_478 = arith.constant 1024 : i32
      %scan3A_479 = arith.addi %scan3A_477, %scan3A_478 : i32
      %scan3A_480 = arith.constant 1 : i32
      %scan3A_481:4 = scf.for %scan3A_573 = %scan3A_477 to %scan3A_479 step %scan3A_480 iter_args(%scan3A_574 = %scan3A_473, %scan3A_575 = %scan3A_474, %scan3A_576 = %scan3A_475, %scan3A_577 = %scan3A_476) -> (i1, i32, i32, i32)  : i32 {
        %sub3A_578 = arith.constant 1023 : i32
        %sub3A_579 = arith.subi %sub3A_578, %scan3A_573 : i32
        %mul3A_580 = arith.constant 16 : i32
        %mul3A_581 = arith.muli %sub3A_579, %mul3A_580 : i32
        %get3A_582 = arith.index_cast %mul3A_581 : i32 to index
        %get3A_583 = tpu.vector_load %arg10[%get3A_582] {strides = array<i32>} : memref<16384xi32, #tpu.memory_space<vmem>>, vector<16xi32>,
        %convert_element_type3A_584 = arith.sitofp %get3A_583 : vector<16xi32> to vector<16xf32>
        %rev3A = arith.constant 15 : i32
        %rev3A_585 = vector.broadcast %rev3A : i32 to vector<16xi32>
        %rev3A_586 = tpu.iota {dimensions = array<i32: 0>} : vector<16xi32>
        %rev3A_587 = arith.subi %rev3A_585, %rev3A_586 : vector<16xi32>
        %rev3A_588 = tpu.dynamic_gather %convert_element_type3A_584[%rev3A_587] in [0] : vector<16xf32>, vector<16xi32> -> vector<16xf32>
        %broadcast_in_dim3A_589 = arith.constant true
        %broadcast_in_dim3A_590 = vector.broadcast %broadcast_in_dim3A_589 : i1 to vector<16xi1>
        %masked_cumsum3A = tpu.scan <sum>, %rev3A_588 masked %broadcast_in_dim3A_590 : vector<16xf32>, vector<16xi1> -> vector<16xf32>
        %convert_element_type3A_591 = arith.fptosi %masked_cumsum3A : vector<16xf32> to vector<16xi32>
        %add3A_592 = vector.broadcast %scan3A_577 : i32 to vector<16xi32>
        %add3A_593 = arith.addi %add3A_592, %convert_element_type3A_591 : vector<16xi32>
        %ge3A = arith.constant 100 : i32
        %ge3A_594 = vector.broadcast %ge3A : i32 to vector<16xi32>
        %ge3A_595 = arith.cmpi sge, %add3A_593, %ge3A_594 : vector<16xi32>
        %iota3A = tpu.iota {dimensions = array<i32: 0>} : vector<16xi32>
        %jit3A_596 = arith.constant 99 : i32
        %broadcast_in_dim3A_597 = vector.broadcast %jit3A_596 : i32 to vector<16xi32>
        %select_n3A_598 = arith.select %ge3A_595, %iota3A, %broadcast_in_dim3A_597 : vector<16xi1>, vector<16xi32>
        %reduce_min3A = arith.constant true
        %reduce_min3A_599 = vector.broadcast %reduce_min3A : i1 to vector<16xi1>
        %reduce_min3A_600 = arith.constant -2147483648 : i32
        %reduce_min3A_601 = vector.broadcast %reduce_min3A_600 : i32 to vector<16xi32>
        %reduce_min3A_602 = arith.xori %select_n3A_598, %reduce_min3A_601 : vector<16xi32>
        %reduce_min3A_603 = tpu.scan <min>, %reduce_min3A_602 masked %reduce_min3A_599 : vector<16xi32>, vector<16xi1> -> vector<16xi32>
        %reduce_min3A_604 = arith.xori %reduce_min3A_603, %reduce_min3A_601 : vector<16xi32>
        %reduce_min3A_605 = vector.extract %reduce_min3A_604[15] : i32 from vector<16xi32>
        %not3A_606 = arith.constant true
        %not3A_607 = arith.xori %scan3A_574, %not3A_606 : i1
        %lt3A_608 = arith.constant 16 : i32
        %lt3A_609 = arith.cmpi slt, %reduce_min3A_605, %lt3A_608 : i32
        %and3A_610 = arith.andi %not3A_607, %lt3A_609 : i1
        %iota3A_611 = tpu.iota {dimensions = array<i32: 0>} : vector<16xi32>
        %eq3A = vector.broadcast %reduce_min3A_605 : i32 to vector<16xi32>
        %eq3A_612 = arith.cmpi eq, %iota3A_611, %eq3A : vector<16xi32>
        %jit3A_613 = arith.constant 0 : i32
        %broadcast_in_dim3A_614 = vector.broadcast %jit3A_613 : i32 to vector<16xi32>
        %select_n3A_615 = arith.select %eq3A_612, %add3A_593, %broadcast_in_dim3A_614 : vector<16xi1>, vector<16xi32>
        %reduce_sum3A = arith.constant true
        %reduce_sum3A_616 = vector.broadcast %reduce_sum3A : i1 to vector<16xi1>
        %reduce_sum3A_617 = tpu.scan <sum>, %select_n3A_615 masked %reduce_sum3A_616 : vector<16xi32>, vector<16xi1> -> vector<16xi32>
        %reduce_sum3A_618 = vector.extract %reduce_sum3A_617[15] : i32 from vector<16xi32>
        %mul3A_619 = arith.constant 16 : i32
        %mul3A_620 = arith.muli %sub3A_579, %mul3A_619 : i32
        %add3A_621 = arith.constant 15 : i32
        %add3A_622 = arith.addi %mul3A_620, %add3A_621 : i32
        %sub3A_623 = arith.subi %add3A_622, %reduce_min3A_605 : i32
        %select_n3A_624 = arith.select %and3A_610, %sub3A_623, %scan3A_575 : i32
        %select_n3A_625 = arith.select %and3A_610, %reduce_sum3A_618, %scan3A_576 : i32
        %or3A = arith.ori %scan3A_574, %and3A_610 : i1
        %reduce_sum3A_626 = arith.constant true
        %reduce_sum3A_627 = vector.broadcast %reduce_sum3A_626 : i1 to vector<16xi1>
        %reduce_sum3A_628 = tpu.scan <sum>, %get3A_583 masked %reduce_sum3A_627 : vector<16xi32>, vector<16xi1> -> vector<16xi32>
        %reduce_sum3A_629 = vector.extract %reduce_sum3A_628[15] : i32 from vector<16xi32>
        %add3A_630 = arith.addi %scan3A_577, %reduce_sum3A_629 : i32
        scf.yield %or3A, %select_n3A_624, %select_n3A_625, %add3A_630 : i1, i32, i32, i32
      }
      %scan3A_482 = arith.constant 1024 : i32
      %scan3A_483 = arith.constant 0 : i32
      %scan3A_484 = arith.constant 0 : i32
      %scan3A_485 = arith.constant 16 : i32
      %scan3A_486 = arith.addi %scan3A_484, %scan3A_485 : i32
      %scan3A_487 = arith.constant 1 : i32
      %scan3A_488 = scf.for %scan3A_573 = %scan3A_484 to %scan3A_486 step %scan3A_487 iter_args(%scan3A_574 = %scan3A_483) -> (i32)  : i32 {
        %broadcast_in_dim3A_575 = arith.constant -3.000000e+38 : f32
        %broadcast_in_dim3A_576 = vector.broadcast %broadcast_in_dim3A_575 : f32 to vector<16xf32>
        %mul3A_577 = arith.constant 16 : i32
        %mul3A_578 = arith.muli %scan3A_573, %mul3A_577 : i32
        %swap3A = arith.index_cast %mul3A_578 : i32 to index
        %swap3A_579 = tpu.vector_load %arg18[%swap3A] {strides = array<i32>} : memref<256xf32, #tpu.memory_space<vmem>>, vector<16xf32>,
        tpu.vector_store %arg18[%swap3A], %broadcast_in_dim3A_576 {strides = array<i32>} : memref<256xf32, #tpu.memory_space<vmem>>, vector<16xf32>,
        %broadcast_in_dim3A_580 = arith.constant 0 : i32
        %broadcast_in_dim3A_581 = vector.broadcast %broadcast_in_dim3A_580 : i32 to vector<16xi32>
        %mul3A_582 = arith.constant 16 : i32
        %mul3A_583 = arith.muli %scan3A_573, %mul3A_582 : i32
        %swap3A_584 = arith.index_cast %mul3A_583 : i32 to index
        %swap3A_585 = tpu.vector_load %arg14[%swap3A_584] {strides = array<i32>} : memref<256xi32, #tpu.memory_space<vmem>>, vector<16xi32>,
        tpu.vector_store %arg14[%swap3A_584], %broadcast_in_dim3A_581 {strides = array<i32>} : memref<256xi32, #tpu.memory_space<vmem>>, vector<16xi32>,
        %scan3A_586 = arith.constant 0 : i32
        scf.yield %scan3A_586 : i32
      }
      %scan3A_489 = arith.constant 16 : i32
      %while3A_490 = arith.constant 0 : i32
      %while3A_491 = arith.constant 0 : i32
      %while3A_492 = arith.subi %select_n3A_472, %while3A_490 : i32
      %while3A_493 = arith.addi %while3A_490, %while3A_492 : i32
      %while3A_494 = arith.constant 1 : i32
      %while3A_495 = arith.divsi %while3A_492, %while3A_494 : i32
      %while3A_496 = arith.muli %while3A_495, %while3A_494 : i32
      %while3A_497 = arith.addi %while3A_490, %while3A_496 : i32
      %while3A_498 = arith.constant 1 : i32
      %while3A_499 = scf.for %while3A_573 = %while3A_490 to %while3A_497 step %while3A_498 iter_args(%while3A_574 = %while3A_491) -> (i32)  : i32 {
        %iota3A = tpu.iota {dimensions = array<i32: 0>} : vector<16xi32>
        %mul3A_575 = arith.constant 16 : i32
        %mul3A_576 = arith.muli %while3A_573, %mul3A_575 : i32
        %add3A_577 = vector.broadcast %mul3A_576 : i32 to vector<16xi32>
        %add3A_578 = arith.addi %iota3A, %add3A_577 : vector<16xi32>
        %jit3A_579 = arith.constant 91 : i32
        %div3A_580 = vector.broadcast %jit3A_579 : i32 to vector<16xi32>
        %div3A_581 = arith.divsi %add3A_578, %div3A_580 : vector<16xi32>
        %sign3A_582 = arith.constant 0 : i32
        %sign3A_583 = vector.broadcast %sign3A_582 : i32 to vector<16xi32>
        %sign3A_584 = arith.cmpi sgt, %add3A_578, %sign3A_583 : vector<16xi32>
        %sign3A_585 = arith.extui %sign3A_584 : vector<16xi1> to vector<16xi32>
        %sign3A_586 = arith.constant 0 : i32
        %sign3A_587 = vector.broadcast %sign3A_586 : i32 to vector<16xi32>
        %sign3A_588 = arith.cmpi slt, %add3A_578, %sign3A_587 : vector<16xi32>
        %sign3A_589 = arith.extui %sign3A_588 : vector<16xi1> to vector<16xi32>
        %sign3A_590 = arith.subi %sign3A_585, %sign3A_589 : vector<16xi32>
        %sign3A_591 = arith.constant 0 : i32
        %sign3A_592 = arith.cmpi sgt, %jit3A_579, %sign3A_591 : i32
        %sign3A_593 = arith.extui %sign3A_592 : i1 to i32
        %sign3A_594 = arith.constant 0 : i32
        %sign3A_595 = arith.cmpi slt, %jit3A_579, %sign3A_594 : i32
        %sign3A_596 = arith.extui %sign3A_595 : i1 to i32
        %sign3A_597 = arith.subi %sign3A_593, %sign3A_596 : i32
        %ne3A_598 = vector.broadcast %sign3A_597 : i32 to vector<16xi32>
        %ne3A_599 = arith.cmpi ne, %sign3A_590, %ne3A_598 : vector<16xi32>
        %rem3A_600 = vector.broadcast %jit3A_579 : i32 to vector<16xi32>
        %rem3A_601 = arith.remsi %add3A_578, %rem3A_600 : vector<16xi32>
        %ne3A_602 = arith.constant 0 : i32
        %ne3A_603 = vector.broadcast %ne3A_602 : i32 to vector<16xi32>
        %ne3A_604 = arith.cmpi ne, %rem3A_601, %ne3A_603 : vector<16xi32>
        %and3A_605 = arith.andi %ne3A_599, %ne3A_604 : vector<16xi1>
        %sub3A_606 = arith.constant 1 : i32
        %sub3A_607 = vector.broadcast %sub3A_606 : i32 to vector<16xi32>
        %sub3A_608 = arith.subi %div3A_581, %sub3A_607 : vector<16xi32>
        %select_n3A_609 = arith.select %and3A_605, %sub3A_608, %div3A_581 : vector<16xi1>, vector<16xi32>
        %mul3A_610 = arith.constant 91 : i32
        %mul3A_611 = vector.broadcast %mul3A_610 : i32 to vector<16xi32>
        %mul3A_612 = arith.muli %select_n3A_609, %mul3A_611 : vector<16xi32>
        %sub3A_613 = arith.subi %add3A_578, %mul3A_612 : vector<16xi32>
        %gather3A = tpu.vector_load_idx %arg11[%select_n3A_609] : memref<256xi32, #tpu.memory_space<vmem>>[vector<16xi32>], vector<16xi32>,
        %mul3A_614 = arith.constant 91 : i32
        %mul3A_615 = vector.broadcast %mul3A_614 : i32 to vector<16xi32>
        %mul3A_616 = arith.muli %gather3A, %mul3A_615 : vector<16xi32>
        %add3A_617 = arith.addi %mul3A_616, %sub3A_613 : vector<16xi32>
        %mul3A_618 = arith.constant 91 : i32
        %mul3A_619 = vector.broadcast %mul3A_618 : i32 to vector<16xi32>
        %mul3A_620 = arith.muli %gather3A, %mul3A_619 : vector<16xi32>
        %shift_right_logical3A_621 = arith.constant 4 : i32
        %shift_right_logical3A_622 = vector.broadcast %shift_right_logical3A_621 : i32 to vector<16xi32>
        %shift_right_logical3A_623 = arith.shrui %mul3A_620, %shift_right_logical3A_622 : vector<16xi32>
        %mul3A_624 = arith.constant 7 : i32
        %mul3A_625 = vector.broadcast %mul3A_624 : i32 to vector<16xi32>
        %mul3A_626 = arith.muli %select_n3A_609, %mul3A_625 : vector<16xi32>
        %shift_right_logical3A_627 = arith.constant 4 : i32
        %shift_right_logical3A_628 = vector.broadcast %shift_right_logical3A_627 : i32 to vector<16xi32>
        %shift_right_logical3A_629 = arith.shrui %add3A_617, %shift_right_logical3A_628 : vector<16xi32>
        %add3A_630 = arith.addi %mul3A_626, %shift_right_logical3A_629 : vector<16xi32>
        %sub3A_631 = arith.subi %add3A_630, %shift_right_logical3A_623 : vector<16xi32>
        %and3A_632 = arith.constant 15 : i32
        %and3A_633 = vector.broadcast %and3A_632 : i32 to vector<16xi32>
        %and3A_634 = arith.andi %add3A_617, %and3A_633 : vector<16xi32>
        %gather3A_635 = tpu.vector_load_idx %arg12[%sub3A_631, %and3A_634] : memref<1792x16xf32, #tpu.memory_space<vmem>>[vector<16xi32>, vector<16xi32>], vector<16xf32>,
        %lt3A_636 = vector.broadcast %scan3A_63 : i32 to vector<16xi32>
        %lt3A_637 = arith.cmpi slt, %select_n3A_609, %lt3A_636 : vector<16xi32>
        %bitcast3A_638 = vector.bitcast %gather3A_635 : vector<16xf32> to vector<16xi32>
        %lt3A_639 = arith.constant 0 : i32
        %lt3A_640 = vector.broadcast %lt3A_639 : i32 to vector<16xi32>
        %lt3A_641 = arith.cmpi slt, %bitcast3A_638, %lt3A_640 : vector<16xi32>
        %not3A_642 = arith.constant dense<-1> : vector<16xi32>
        %not3A_643 = arith.xori %bitcast3A_638, %not3A_642 : vector<16xi32>
        %xor3A_644 = arith.constant -2147483648 : i32
        %xor3A_645 = vector.broadcast %xor3A_644 : i32 to vector<16xi32>
        %xor3A_646 = arith.xori %bitcast3A_638, %xor3A_645 : vector<16xi32>
        %select_n3A_647 = arith.select %lt3A_641, %not3A_643, %xor3A_646 : vector<16xi1>, vector<16xi32>
        %shift_right_logical3A_648 = arith.constant 18 : i32
        %shift_right_logical3A_649 = vector.broadcast %shift_right_logical3A_648 : i32 to vector<16xi32>
        %shift_right_logical3A_650 = arith.shrui %select_n3A_647, %shift_right_logical3A_649 : vector<16xi32>
        %ge3A = vector.broadcast %scan3A_481#1 : i32 to vector<16xi32>
        %ge3A_651 = arith.cmpi sge, %shift_right_logical3A_650, %ge3A : vector<16xi32>
        %and3A_652 = arith.andi %lt3A_637, %ge3A_651 : vector<16xi1>
        %convert_element_type3A_653 = arith.extui %and3A_652 : vector<16xi1> to vector<16xi32>
        %reduce_sum3A = arith.constant true
        %reduce_sum3A_654 = vector.broadcast %reduce_sum3A : i1 to vector<16xi1>
        %reduce_sum3A_655 = tpu.scan <sum>, %convert_element_type3A_653 masked %reduce_sum3A_654 : vector<16xi32>, vector<16xi1> -> vector<16xi32>
        %reduce_sum3A_656 = vector.extract %reduce_sum3A_655[15] : i32 from vector<16xi32>
        %gt3A = arith.constant 0 : i32
        %gt3A_657 = arith.cmpi sgt, %reduce_sum3A_656, %gt3A : i32
        %le3A = arith.constant 240 : i32
        %le3A_658 = arith.cmpi sle, %while3A_574, %le3A : i32
        %and3A_659 = arith.andi %gt3A_657, %le3A_658 : i1
        %convert_element_type3A_660 = arith.extui %and3A_659 : i1 to i32
        %cond3A_661 = arith.constant 0 : i32
        %cond3A_662 = arith.cmpi ne, %convert_element_type3A_660, %cond3A_661 : i32
        scf.if %cond3A_662 {
          %swap3A = arith.index_cast %while3A_574 : i32 to index
          %swap3A_665 = tpu.vector_load %arg18[%swap3A] masked %and3A_652 {strides = array<i32>} : memref<256xf32, #tpu.memory_space<vmem>>, vector<16xf32>, vector<16xi1>
          tpu.vector_store %arg18[%swap3A], %gather3A_635 masked %and3A_652 {strides = array<i32>} : memref<256xf32, #tpu.memory_space<vmem>>, vector<16xf32>, vector<16xi1>
          %swap3A_666 = arith.index_cast %while3A_574 : i32 to index
          %swap3A_667 = tpu.vector_load %arg14[%swap3A_666] masked %and3A_652 {strides = array<i32>} : memref<256xi32, #tpu.memory_space<vmem>>, vector<16xi32>, vector<16xi1>
          tpu.vector_store %arg14[%swap3A_666], %add3A_617 masked %and3A_652 {strides = array<i32>} : memref<256xi32, #tpu.memory_space<vmem>>, vector<16xi32>, vector<16xi1>
        } else {
        }
        %add3A_663 = arith.addi %while3A_574, %reduce_sum3A_656 : i32
        %min3A = arith.constant 256 : i32
        %min3A_664 = arith.minsi %add3A_663, %min3A : i32
        scf.yield %min3A_664 : i32
      }
      %while3A_500 = arith.constant 1 : i32
      %while3A_501 = scf.for %while3A_573 = %while3A_497 to %while3A_493 step %while3A_500 iter_args(%while3A_574 = %while3A_499) -> (i32)  : i32 {
        %iota3A = tpu.iota {dimensions = array<i32: 0>} : vector<16xi32>
        %mul3A_575 = arith.constant 16 : i32
        %mul3A_576 = arith.muli %while3A_573, %mul3A_575 : i32
        %add3A_577 = vector.broadcast %mul3A_576 : i32 to vector<16xi32>
        %add3A_578 = arith.addi %iota3A, %add3A_577 : vector<16xi32>
        %jit3A_579 = arith.constant 91 : i32
        %div3A_580 = vector.broadcast %jit3A_579 : i32 to vector<16xi32>
        %div3A_581 = arith.divsi %add3A_578, %div3A_580 : vector<16xi32>
        %sign3A_582 = arith.constant 0 : i32
        %sign3A_583 = vector.broadcast %sign3A_582 : i32 to vector<16xi32>
        %sign3A_584 = arith.cmpi sgt, %add3A_578, %sign3A_583 : vector<16xi32>
        %sign3A_585 = arith.extui %sign3A_584 : vector<16xi1> to vector<16xi32>
        %sign3A_586 = arith.constant 0 : i32
        %sign3A_587 = vector.broadcast %sign3A_586 : i32 to vector<16xi32>
        %sign3A_588 = arith.cmpi slt, %add3A_578, %sign3A_587 : vector<16xi32>
        %sign3A_589 = arith.extui %sign3A_588 : vector<16xi1> to vector<16xi32>
        %sign3A_590 = arith.subi %sign3A_585, %sign3A_589 : vector<16xi32>
        %sign3A_591 = arith.constant 0 : i32
        %sign3A_592 = arith.cmpi sgt, %jit3A_579, %sign3A_591 : i32
        %sign3A_593 = arith.extui %sign3A_592 : i1 to i32
        %sign3A_594 = arith.constant 0 : i32
        %sign3A_595 = arith.cmpi slt, %jit3A_579, %sign3A_594 : i32
        %sign3A_596 = arith.extui %sign3A_595 : i1 to i32
        %sign3A_597 = arith.subi %sign3A_593, %sign3A_596 : i32
        %ne3A_598 = vector.broadcast %sign3A_597 : i32 to vector<16xi32>
        %ne3A_599 = arith.cmpi ne, %sign3A_590, %ne3A_598 : vector<16xi32>
        %rem3A_600 = vector.broadcast %jit3A_579 : i32 to vector<16xi32>
        %rem3A_601 = arith.remsi %add3A_578, %rem3A_600 : vector<16xi32>
        %ne3A_602 = arith.constant 0 : i32
        %ne3A_603 = vector.broadcast %ne3A_602 : i32 to vector<16xi32>
        %ne3A_604 = arith.cmpi ne, %rem3A_601, %ne3A_603 : vector<16xi32>
        %and3A_605 = arith.andi %ne3A_599, %ne3A_604 : vector<16xi1>
        %sub3A_606 = arith.constant 1 : i32
        %sub3A_607 = vector.broadcast %sub3A_606 : i32 to vector<16xi32>
        %sub3A_608 = arith.subi %div3A_581, %sub3A_607 : vector<16xi32>
        %select_n3A_609 = arith.select %and3A_605, %sub3A_608, %div3A_581 : vector<16xi1>, vector<16xi32>
        %mul3A_610 = arith.constant 91 : i32
        %mul3A_611 = vector.broadcast %mul3A_610 : i32 to vector<16xi32>
        %mul3A_612 = arith.muli %select_n3A_609, %mul3A_611 : vector<16xi32>
        %sub3A_613 = arith.subi %add3A_578, %mul3A_612 : vector<16xi32>
        %gather3A = tpu.vector_load_idx %arg11[%select_n3A_609] : memref<256xi32, #tpu.memory_space<vmem>>[vector<16xi32>], vector<16xi32>,
        %mul3A_614 = arith.constant 91 : i32
        %mul3A_615 = vector.broadcast %mul3A_614 : i32 to vector<16xi32>
        %mul3A_616 = arith.muli %gather3A, %mul3A_615 : vector<16xi32>
        %add3A_617 = arith.addi %mul3A_616, %sub3A_613 : vector<16xi32>
        %mul3A_618 = arith.constant 91 : i32
        %mul3A_619 = vector.broadcast %mul3A_618 : i32 to vector<16xi32>
        %mul3A_620 = arith.muli %gather3A, %mul3A_619 : vector<16xi32>
        %shift_right_logical3A_621 = arith.constant 4 : i32
        %shift_right_logical3A_622 = vector.broadcast %shift_right_logical3A_621 : i32 to vector<16xi32>
        %shift_right_logical3A_623 = arith.shrui %mul3A_620, %shift_right_logical3A_622 : vector<16xi32>
        %mul3A_624 = arith.constant 7 : i32
        %mul3A_625 = vector.broadcast %mul3A_624 : i32 to vector<16xi32>
        %mul3A_626 = arith.muli %select_n3A_609, %mul3A_625 : vector<16xi32>
        %shift_right_logical3A_627 = arith.constant 4 : i32
        %shift_right_logical3A_628 = vector.broadcast %shift_right_logical3A_627 : i32 to vector<16xi32>
        %shift_right_logical3A_629 = arith.shrui %add3A_617, %shift_right_logical3A_628 : vector<16xi32>
        %add3A_630 = arith.addi %mul3A_626, %shift_right_logical3A_629 : vector<16xi32>
        %sub3A_631 = arith.subi %add3A_630, %shift_right_logical3A_623 : vector<16xi32>
        %and3A_632 = arith.constant 15 : i32
        %and3A_633 = vector.broadcast %and3A_632 : i32 to vector<16xi32>
        %and3A_634 = arith.andi %add3A_617, %and3A_633 : vector<16xi32>
        %gather3A_635 = tpu.vector_load_idx %arg12[%sub3A_631, %and3A_634] : memref<1792x16xf32, #tpu.memory_space<vmem>>[vector<16xi32>, vector<16xi32>], vector<16xf32>,
        %lt3A_636 = vector.broadcast %scan3A_63 : i32 to vector<16xi32>
        %lt3A_637 = arith.cmpi slt, %select_n3A_609, %lt3A_636 : vector<16xi32>
        %bitcast3A_638 = vector.bitcast %gather3A_635 : vector<16xf32> to vector<16xi32>
        %lt3A_639 = arith.constant 0 : i32
        %lt3A_640 = vector.broadcast %lt3A_639 : i32 to vector<16xi32>
        %lt3A_641 = arith.cmpi slt, %bitcast3A_638, %lt3A_640 : vector<16xi32>
        %not3A_642 = arith.constant dense<-1> : vector<16xi32>
        %not3A_643 = arith.xori %bitcast3A_638, %not3A_642 : vector<16xi32>
        %xor3A_644 = arith.constant -2147483648 : i32
        %xor3A_645 = vector.broadcast %xor3A_644 : i32 to vector<16xi32>
        %xor3A_646 = arith.xori %bitcast3A_638, %xor3A_645 : vector<16xi32>
        %select_n3A_647 = arith.select %lt3A_641, %not3A_643, %xor3A_646 : vector<16xi1>, vector<16xi32>
        %shift_right_logical3A_648 = arith.constant 18 : i32
        %shift_right_logical3A_649 = vector.broadcast %shift_right_logical3A_648 : i32 to vector<16xi32>
        %shift_right_logical3A_650 = arith.shrui %select_n3A_647, %shift_right_logical3A_649 : vector<16xi32>
        %ge3A = vector.broadcast %scan3A_481#1 : i32 to vector<16xi32>
        %ge3A_651 = arith.cmpi sge, %shift_right_logical3A_650, %ge3A : vector<16xi32>
        %and3A_652 = arith.andi %lt3A_637, %ge3A_651 : vector<16xi1>
        %convert_element_type3A_653 = arith.extui %and3A_652 : vector<16xi1> to vector<16xi32>
        %reduce_sum3A = arith.constant true
        %reduce_sum3A_654 = vector.broadcast %reduce_sum3A : i1 to vector<16xi1>
        %reduce_sum3A_655 = tpu.scan <sum>, %convert_element_type3A_653 masked %reduce_sum3A_654 : vector<16xi32>, vector<16xi1> -> vector<16xi32>
        %reduce_sum3A_656 = vector.extract %reduce_sum3A_655[15] : i32 from vector<16xi32>
        %gt3A = arith.constant 0 : i32
        %gt3A_657 = arith.cmpi sgt, %reduce_sum3A_656, %gt3A : i32
        %le3A = arith.constant 240 : i32
        %le3A_658 = arith.cmpi sle, %while3A_574, %le3A : i32
        %and3A_659 = arith.andi %gt3A_657, %le3A_658 : i1
        %convert_element_type3A_660 = arith.extui %and3A_659 : i1 to i32
        %cond3A_661 = arith.constant 0 : i32
        %cond3A_662 = arith.cmpi ne, %convert_element_type3A_660, %cond3A_661 : i32
        scf.if %cond3A_662 {
          %swap3A = arith.index_cast %while3A_574 : i32 to index
          %swap3A_665 = tpu.vector_load %arg18[%swap3A] masked %and3A_652 {strides = array<i32>} : memref<256xf32, #tpu.memory_space<vmem>>, vector<16xf32>, vector<16xi1>
          tpu.vector_store %arg18[%swap3A], %gather3A_635 masked %and3A_652 {strides = array<i32>} : memref<256xf32, #tpu.memory_space<vmem>>, vector<16xf32>, vector<16xi1>
          %swap3A_666 = arith.index_cast %while3A_574 : i32 to index
          %swap3A_667 = tpu.vector_load %arg14[%swap3A_666] masked %and3A_652 {strides = array<i32>} : memref<256xi32, #tpu.memory_space<vmem>>, vector<16xi32>, vector<16xi1>
          tpu.vector_store %arg14[%swap3A_666], %add3A_617 masked %and3A_652 {strides = array<i32>} : memref<256xi32, #tpu.memory_space<vmem>>, vector<16xi32>, vector<16xi1>
        } else {
        }
        %add3A_663 = arith.addi %while3A_574, %reduce_sum3A_656 : i32
        %min3A = arith.constant 256 : i32
        %min3A_664 = arith.minsi %add3A_663, %min3A : i32
        scf.yield %min3A_664 : i32
      }
      %scan3A_502 = arith.constant 0 : i32
      %scan3A_503 = arith.constant 0 : i32
      %scan3A_504 = arith.constant 16 : i32
      %scan3A_505 = arith.addi %scan3A_503, %scan3A_504 : i32
      %scan3A_506 = arith.constant 1 : i32
      %scan3A_507 = scf.for %scan3A_573 = %scan3A_503 to %scan3A_505 step %scan3A_506 iter_args(%scan3A_574 = %scan3A_502) -> (i32)  : i32 {
        %mul3A_575 = arith.constant 16 : i32
        %mul3A_576 = arith.muli %scan3A_573, %mul3A_575 : i32
        %get3A_577 = arith.index_cast %mul3A_576 : i32 to index
        %get3A_578 = tpu.vector_load %arg14[%get3A_577] {strides = array<i32>} : memref<256xi32, #tpu.memory_space<vmem>>, vector<16xi32>,
        %jit3A_579 = arith.constant 91 : i32
        %div3A_580 = vector.broadcast %jit3A_579 : i32 to vector<16xi32>
        %div3A_581 = arith.divsi %get3A_578, %div3A_580 : vector<16xi32>
        %sign3A_582 = arith.constant 0 : i32
        %sign3A_583 = vector.broadcast %sign3A_582 : i32 to vector<16xi32>
        %sign3A_584 = arith.cmpi sgt, %get3A_578, %sign3A_583 : vector<16xi32>
        %sign3A_585 = arith.extui %sign3A_584 : vector<16xi1> to vector<16xi32>
        %sign3A_586 = arith.constant 0 : i32
        %sign3A_587 = vector.broadcast %sign3A_586 : i32 to vector<16xi32>
        %sign3A_588 = arith.cmpi slt, %get3A_578, %sign3A_587 : vector<16xi32>
        %sign3A_589 = arith.extui %sign3A_588 : vector<16xi1> to vector<16xi32>
        %sign3A_590 = arith.subi %sign3A_585, %sign3A_589 : vector<16xi32>
        %sign3A_591 = arith.constant 0 : i32
        %sign3A_592 = arith.cmpi sgt, %jit3A_579, %sign3A_591 : i32
        %sign3A_593 = arith.extui %sign3A_592 : i1 to i32
        %sign3A_594 = arith.constant 0 : i32
        %sign3A_595 = arith.cmpi slt, %jit3A_579, %sign3A_594 : i32
        %sign3A_596 = arith.extui %sign3A_595 : i1 to i32
        %sign3A_597 = arith.subi %sign3A_593, %sign3A_596 : i32
        %ne3A_598 = vector.broadcast %sign3A_597 : i32 to vector<16xi32>
        %ne3A_599 = arith.cmpi ne, %sign3A_590, %ne3A_598 : vector<16xi32>
        %rem3A_600 = vector.broadcast %jit3A_579 : i32 to vector<16xi32>
        %rem3A_601 = arith.remsi %get3A_578, %rem3A_600 : vector<16xi32>
        %ne3A_602 = arith.constant 0 : i32
        %ne3A_603 = vector.broadcast %ne3A_602 : i32 to vector<16xi32>
        %ne3A_604 = arith.cmpi ne, %rem3A_601, %ne3A_603 : vector<16xi32>
        %and3A_605 = arith.andi %ne3A_599, %ne3A_604 : vector<16xi1>
        %sub3A_606 = arith.constant 1 : i32
        %sub3A_607 = vector.broadcast %sub3A_606 : i32 to vector<16xi32>
        %sub3A_608 = arith.subi %div3A_581, %sub3A_607 : vector<16xi32>
        %select_n3A_609 = arith.select %and3A_605, %sub3A_608, %div3A_581 : vector<16xi1>, vector<16xi32>
        %mul3A_610 = arith.constant 16 : i32
        %mul3A_611 = arith.muli %scan3A_573, %mul3A_610 : i32
        %swap3A = arith.index_cast %mul3A_611 : i32 to index
        %swap3A_612 = tpu.vector_load %arg15[%swap3A] {strides = array<i32>} : memref<256xi32, #tpu.memory_space<vmem>>, vector<16xi32>,
        tpu.vector_store %arg15[%swap3A], %select_n3A_609 {strides = array<i32>} : memref<256xi32, #tpu.memory_space<vmem>>, vector<16xi32>,
        %mul3A_613 = arith.constant 91 : i32
        %mul3A_614 = vector.broadcast %mul3A_613 : i32 to vector<16xi32>
        %mul3A_615 = arith.muli %select_n3A_609, %mul3A_614 : vector<16xi32>
        %sub3A_616 = arith.subi %get3A_578, %mul3A_615 : vector<16xi32>
        %mul3A_617 = arith.constant 16 : i32
        %mul3A_618 = arith.muli %scan3A_573, %mul3A_617 : i32
        %swap3A_619 = arith.index_cast %mul3A_618 : i32 to index
        %swap3A_620 = tpu.vector_load %arg17[%swap3A_619] {strides = array<i32>} : memref<256xi32, #tpu.memory_space<vmem>>, vector<16xi32>,
        tpu.vector_store %arg17[%swap3A_619], %sub3A_616 {strides = array<i32>} : memref<256xi32, #tpu.memory_space<vmem>>, vector<16xi32>,
        %scan3A_621 = arith.constant 0 : i32
        scf.yield %scan3A_621 : i32
      }
      %scan3A_508 = arith.constant 16 : i32
      %scan3A_509 = arith.constant 0 : i32
      %scan3A_510 = arith.constant 0 : i32
      %scan3A_511 = arith.constant 16 : i32
      %scan3A_512 = arith.addi %scan3A_510, %scan3A_511 : i32
      %scan3A_513 = arith.constant 1 : i32
      %scan3A_514 = scf.for %scan3A_573 = %scan3A_510 to %scan3A_512 step %scan3A_513 iter_args(%scan3A_574 = %scan3A_509) -> (i32)  : i32 {
        %mul3A_575 = arith.constant 16 : i32
        %mul3A_576 = arith.muli %scan3A_573, %mul3A_575 : i32
        %get3A_577 = arith.index_cast %mul3A_576 : i32 to index
        %get3A_578 = tpu.vector_load %arg15[%get3A_577] {strides = array<i32>} : memref<256xi32, #tpu.memory_space<vmem>>, vector<16xi32>,
        %shift_right_logical3A_579 = arith.constant 2 : i32
        %shift_right_logical3A_580 = vector.broadcast %shift_right_logical3A_579 : i32 to vector<16xi32>
        %shift_right_logical3A_581 = arith.shrui %get3A_578, %shift_right_logical3A_580 : vector<16xi32>
        %mul3A_582 = arith.constant 16 : i32
        %mul3A_583 = arith.muli %scan3A_573, %mul3A_582 : i32
        %swap3A = arith.index_cast %mul3A_583 : i32 to index
        %swap3A_584 = tpu.vector_load %arg13[%swap3A] {strides = array<i32>} : memref<1792xi32, #tpu.memory_space<vmem>>, vector<16xi32>,
        tpu.vector_store %arg13[%swap3A], %shift_right_logical3A_581 {strides = array<i32>} : memref<1792xi32, #tpu.memory_space<vmem>>, vector<16xi32>,
        %scan3A_585 = arith.constant 0 : i32
        scf.yield %scan3A_585 : i32
      }
      %scan3A_515 = arith.constant 16 : i32
      %dma_start3A_516 = arith.constant 0 : i32
      %dma_start3A_517 = arith.constant 0 : i32
      %dma_start3A_518 = tpu.memref_slice %arg16[%dma_start3A_516, %dma_start3A_517] : memref<256x16xf32, #tpu.memory_space<vmem>> -> memref<128x16xf32, #tpu.memory_space<vmem>>
      %dma_start3A_519 = arith.constant 0 : i32
      %dma_start3A_520 = tpu.memref_slice %arg13[%dma_start3A_519] : memref<1792xi32, #tpu.memory_space<vmem>> -> memref<128xi32, #tpu.memory_space<vmem>>
      %dma_start3A_521 = arith.constant 0 : i32
      %dma_start3A_522 = arith.constant 0 : i32
      %dma_start3A_523 = tpu.memref_slice %arg4[%add3A, %dma_start3A_521, %dma_start3A_522] : memref<16x5000x16xf32, #tpu.memory_space<hbm>> -> memref<1x5000x16xf32, #tpu.memory_space<hbm>>
      %dma_start3A_524 = tpu.memref_squeeze %dma_start3A_523 : memref<1x5000x16xf32, #tpu.memory_space<hbm>> -> memref<5000x16xf32, #tpu.memory_space<hbm>>
      %dma_start3A_525 = arith.constant 0 : i32
      %dma_start3A_526 = arith.constant 0 : i32
      %dma_start3A_527 = tpu.memref_slice %dma_start3A_524[%dma_start3A_525, %dma_start3A_526] : memref<5000x16xf32, #tpu.memory_space<hbm>> -> memref<5000x16xf32, #tpu.memory_space<hbm>>
      tpu.enqueue_indirect_dma source(%dma_start3A_527 : memref<5000x16xf32, #tpu.memory_space<hbm>>) target(%dma_start3A_518 : memref<128x16xf32, #tpu.memory_space<vmem>>) offsets(%dma_start3A_520 : memref<128xi32, #tpu.memory_space<vmem>>) semaphore(%arg21 : memref<!tpu.dma_semaphore, #tpu.memory_space<semaphore_mem>>)
      %dma_start3A_528 = arith.constant 128 : i32
      %dma_start3A_529 = arith.constant 0 : i32
      %dma_start3A_530 = tpu.memref_slice %arg16[%dma_start3A_528, %dma_start3A_529] : memref<256x16xf32, #tpu.memory_space<vmem>> -> memref<128x16xf32, #tpu.memory_space<vmem>>
      %dma_start3A_531 = arith.constant 128 : i32
      %dma_start3A_532 = tpu.memref_slice %arg13[%dma_start3A_531] : memref<1792xi32, #tpu.memory_space<vmem>> -> memref<128xi32, #tpu.memory_space<vmem>>
      %dma_start3A_533 = arith.constant 0 : i32
      %dma_start3A_534 = arith.constant 0 : i32
      %dma_start3A_535 = tpu.memref_slice %arg4[%add3A, %dma_start3A_533, %dma_start3A_534] : memref<16x5000x16xf32, #tpu.memory_space<hbm>> -> memref<1x5000x16xf32, #tpu.memory_space<hbm>>
      %dma_start3A_536 = tpu.memref_squeeze %dma_start3A_535 : memref<1x5000x16xf32, #tpu.memory_space<hbm>> -> memref<5000x16xf32, #tpu.memory_space<hbm>>
      %dma_start3A_537 = arith.constant 0 : i32
      %dma_start3A_538 = arith.constant 0 : i32
      %dma_start3A_539 = tpu.memref_slice %dma_start3A_536[%dma_start3A_537, %dma_start3A_538] : memref<5000x16xf32, #tpu.memory_space<hbm>> -> memref<5000x16xf32, #tpu.memory_space<hbm>>
      tpu.enqueue_indirect_dma source(%dma_start3A_539 : memref<5000x16xf32, #tpu.memory_space<hbm>>) target(%dma_start3A_530 : memref<128x16xf32, #tpu.memory_space<vmem>>) offsets(%dma_start3A_532 : memref<128xi32, #tpu.memory_space<vmem>>) semaphore(%arg21 : memref<!tpu.dma_semaphore, #tpu.memory_space<semaphore_mem>>)
      %dma_wait3A_540 = arith.constant 0 : i32
      %dma_wait3A_541 = arith.constant 0 : i32
      %dma_wait3A_542 = tpu.memref_slice %arg16[%dma_wait3A_540, %dma_wait3A_541] : memref<256x16xf32, #tpu.memory_space<vmem>> -> memref<128x16xf32, #tpu.memory_space<vmem>>
      %dma_wait3A_543 = arith.constant 0 : i32
      %dma_wait3A_544 = tpu.memref_slice %arg13[%dma_wait3A_543] : memref<1792xi32, #tpu.memory_space<vmem>> -> memref<128xi32, #tpu.memory_space<vmem>>
      %dma_wait3A_545 = arith.constant 0 : i32
      %dma_wait3A_546 = arith.constant 0 : i32
      %dma_wait3A_547 = tpu.memref_slice %arg4[%add3A, %dma_wait3A_545, %dma_wait3A_546] : memref<16x5000x16xf32, #tpu.memory_space<hbm>> -> memref<1x5000x16xf32, #tpu.memory_space<hbm>>
      %dma_wait3A_548 = tpu.memref_squeeze %dma_wait3A_547 : memref<1x5000x16xf32, #tpu.memory_space<hbm>> -> memref<5000x16xf32, #tpu.memory_space<hbm>>
      %dma_wait3A_549 = arith.constant 0 : i32
      %dma_wait3A_550 = arith.constant 0 : i32
      %dma_wait3A_551 = tpu.memref_slice %dma_wait3A_548[%dma_wait3A_549, %dma_wait3A_550] : memref<5000x16xf32, #tpu.memory_space<hbm>> -> memref<5000x16xf32, #tpu.memory_space<hbm>>
      tpu.wait_indirect_dma semaphore(%arg21 : memref<!tpu.dma_semaphore, #tpu.memory_space<semaphore_mem>>) src(%dma_wait3A_551 : memref<5000x16xf32, #tpu.memory_space<hbm>>) dst(%dma_wait3A_542 : memref<128x16xf32, #tpu.memory_space<vmem>>)
      %dma_wait3A_552 = arith.constant 128 : i32
      %dma_wait3A_553 = arith.constant 0 : i32
      %dma_wait3A_554 = tpu.memref_slice %arg16[%dma_wait3A_552, %dma_wait3A_553] : memref<256x16xf32, #tpu.memory_space<vmem>> -> memref<128x16xf32, #tpu.memory_space<vmem>>
      %dma_wait3A_555 = arith.constant 128 : i32
      %dma_wait3A_556 = tpu.memref_slice %arg13[%dma_wait3A_555] : memref<1792xi32, #tpu.memory_space<vmem>> -> memref<128xi32, #tpu.memory_space<vmem>>
      %dma_wait3A_557 = arith.constant 0 : i32
      %dma_wait3A_558 = arith.constant 0 : i32
      %dma_wait3A_559 = tpu.memref_slice %arg4[%add3A, %dma_wait3A_557, %dma_wait3A_558] : memref<16x5000x16xf32, #tpu.memory_space<hbm>> -> memref<1x5000x16xf32, #tpu.memory_space<hbm>>
      %dma_wait3A_560 = tpu.memref_squeeze %dma_wait3A_559 : memref<1x5000x16xf32, #tpu.memory_space<hbm>> -> memref<5000x16xf32, #tpu.memory_space<hbm>>
      %dma_wait3A_561 = arith.constant 0 : i32
      %dma_wait3A_562 = arith.constant 0 : i32
      %dma_wait3A_563 = tpu.memref_slice %dma_wait3A_560[%dma_wait3A_561, %dma_wait3A_562] : memref<5000x16xf32, #tpu.memory_space<hbm>> -> memref<5000x16xf32, #tpu.memory_space<hbm>>
      tpu.wait_indirect_dma semaphore(%arg21 : memref<!tpu.dma_semaphore, #tpu.memory_space<semaphore_mem>>) src(%dma_wait3A_563 : memref<5000x16xf32, #tpu.memory_space<hbm>>) dst(%dma_wait3A_554 : memref<128x16xf32, #tpu.memory_space<vmem>>)
      %get3A_564 = arith.constant 0 : index
      %get3A_565 = tpu.vector_load %arg20[%get3A_564] {strides = array<i32>} : memref<16xf32, #tpu.memory_space<vmem>>, vector<16xf32>,
      %scan3A_566 = arith.constant 0 : i32
      %scan3A_567 = arith.constant 0 : i32
      %scan3A_568 = arith.constant 64 : i32
      %scan3A_569 = arith.addi %scan3A_567, %scan3A_568 : i32
      %scan3A_570 = arith.constant 1 : i32
      %scan3A_571 = scf.for %scan3A_573 = %scan3A_567 to %scan3A_569 step %scan3A_570 iter_args(%scan3A_574 = %scan3A_566) -> (i32)  : i32 {
        %iota3A = tpu.iota {dimensions = array<i32: 0>} : vector<16xi32>
        %and3A_575 = arith.constant 3 : i32
        %and3A_576 = vector.broadcast %and3A_575 : i32 to vector<16xi32>
        %and3A_577 = arith.andi %iota3A, %and3A_576 : vector<16xi32>
        %mul3A_578 = arith.constant 4 : i32
        %mul3A_579 = arith.muli %scan3A_573, %mul3A_578 : i32
        %shift_right_logical3A_580 = arith.constant 2 : i32
        %shift_right_logical3A_581 = vector.broadcast %shift_right_logical3A_580 : i32 to vector<16xi32>
        %shift_right_logical3A_582 = arith.shrui %iota3A, %shift_right_logical3A_581 : vector<16xi32>
        %add3A_583 = vector.broadcast %mul3A_579 : i32 to vector<16xi32>
        %add3A_584 = arith.addi %add3A_583, %shift_right_logical3A_582 : vector<16xi32>
        %gather3A = tpu.vector_load_idx %arg15[%add3A_584] : memref<256xi32, #tpu.memory_space<vmem>>[vector<16xi32>], vector<16xi32>,
        %and3A_585 = arith.constant 3 : i32
        %and3A_586 = vector.broadcast %and3A_585 : i32 to vector<16xi32>
        %and3A_587 = arith.andi %gather3A, %and3A_586 : vector<16xi32>
        %mul3A_588 = arith.constant 4 : i32
        %mul3A_589 = vector.broadcast %mul3A_588 : i32 to vector<16xi32>
        %mul3A_590 = arith.muli %and3A_587, %mul3A_589 : vector<16xi32>
        %and3A_591 = arith.constant 1 : i32
        %and3A_592 = vector.broadcast %and3A_591 : i32 to vector<16xi32>
        %and3A_593 = arith.andi %and3A_577, %and3A_592 : vector<16xi32>
        %add3A_594 = arith.addi %mul3A_590, %and3A_593 : vector<16xi32>
        %add3A_595 = arith.constant 2 : i32
        %add3A_596 = vector.broadcast %add3A_595 : i32 to vector<16xi32>
        %add3A_597 = arith.addi %add3A_594, %add3A_596 : vector<16xi32>
        %gather3A_598 = tpu.vector_load_idx %arg16[%add3A_584, %add3A_594] : memref<256x16xf32, #tpu.memory_space<vmem>>[vector<16xi32>, vector<16xi32>], vector<16xf32>,
        %gather3A_599 = tpu.vector_load_idx %arg16[%add3A_584, %add3A_597] : memref<256x16xf32, #tpu.memory_space<vmem>>[vector<16xi32>, vector<16xi32>], vector<16xf32>,
        %ge3A = arith.constant 2 : i32
        %ge3A_600 = vector.broadcast %ge3A : i32 to vector<16xi32>
        %ge3A_601 = arith.cmpi sge, %and3A_577, %ge3A_600 : vector<16xi32>
        %jit3A_602 = arith.constant 5.000000e-01 : f32
        %jit3A_603 = arith.constant -5.000000e-01 : f32
        %broadcast_in_dim3A_604 = vector.broadcast %jit3A_602 : f32 to vector<16xf32>
        %broadcast_in_dim3A_605 = vector.broadcast %jit3A_603 : f32 to vector<16xf32>
        %select_n3A_606 = arith.select %ge3A_601, %broadcast_in_dim3A_604, %broadcast_in_dim3A_605 : vector<16xi1>, vector<16xf32>
        %mul3A_607 = arith.mulf %select_n3A_606, %gather3A_599 : vector<16xf32>
        %add3A_608 = arith.addf %gather3A_598, %mul3A_607 : vector<16xf32>
        %mul3A_609 = arith.mulf %add3A_608, %get3A_565 : vector<16xf32>
        %mul3A_610 = arith.constant 16 : i32
        %mul3A_611 = arith.muli %scan3A_573, %mul3A_610 : i32
        %swap3A = arith.index_cast %mul3A_611 : i32 to index
        %swap3A_612 = tpu.vector_load %arg19[%swap3A] {strides = array<i32>} : memref<1024xf32, #tpu.memory_space<vmem>>, vector<16xf32>,
        tpu.vector_store %arg19[%swap3A], %mul3A_609 {strides = array<i32>} : memref<1024xf32, #tpu.memory_space<vmem>>, vector<16xf32>,
        %scan3A_613 = arith.constant 0 : i32
        scf.yield %scan3A_613 : i32
      }
      %scan3A_572 = arith.constant 64 : i32
      "tpu.region"() ({
        %run_scoped3A = tpu.sem_alloc : memref<!tpu.dma_semaphore, #tpu.memory_space<semaphore_mem>>
        %dma_start3A_573 = arith.constant 0 : i32
        %dma_start3A_574 = tpu.memref_slice %arg6[%add3A, %dma_start3A_573] : memref<16x256xf32, #tpu.memory_space<hbm>> -> memref<1x256xf32, #tpu.memory_space<hbm>>
        %dma_start3A_575 = tpu.memref_squeeze %dma_start3A_574 : memref<1x256xf32, #tpu.memory_space<hbm>> -> memref<256xf32, #tpu.memory_space<hbm>>
        %dma_start3A_576 = arith.constant 0 : i32
        %dma_start3A_577 = tpu.memref_slice %arg6[%add3A, %dma_start3A_576] : memref<16x256xf32, #tpu.memory_space<hbm>> -> memref<1x256xf32, #tpu.memory_space<hbm>>
        %dma_start3A_578 = tpu.memref_squeeze %dma_start3A_577 : memref<1x256xf32, #tpu.memory_space<hbm>> -> memref<256xf32, #tpu.memory_space<hbm>>
        tpu.enqueue_dma source(%arg18 : memref<256xf32, #tpu.memory_space<vmem>>) target(%dma_start3A_578 : memref<256xf32, #tpu.memory_space<hbm>>) target_semaphore(%run_scoped3A : memref<!tpu.dma_semaphore, #tpu.memory_space<semaphore_mem>>)
        %dma_wait3A_579 = arith.constant 0 : i32
        %dma_wait3A_580 = tpu.memref_slice %arg6[%add3A, %dma_wait3A_579] : memref<16x256xf32, #tpu.memory_space<hbm>> -> memref<1x256xf32, #tpu.memory_space<hbm>>
        %dma_wait3A_581 = tpu.memref_squeeze %dma_wait3A_580 : memref<1x256xf32, #tpu.memory_space<hbm>> -> memref<256xf32, #tpu.memory_space<hbm>>
        %dma_wait3A_582 = arith.constant 0 : i32
        %dma_wait3A_583 = tpu.memref_slice %arg6[%add3A, %dma_wait3A_582] : memref<16x256xf32, #tpu.memory_space<hbm>> -> memref<1x256xf32, #tpu.memory_space<hbm>>
        %dma_wait3A_584 = tpu.memref_squeeze %dma_wait3A_583 : memref<1x256xf32, #tpu.memory_space<hbm>> -> memref<256xf32, #tpu.memory_space<hbm>>
        tpu.wait_dma2 semaphore(%run_scoped3A : memref<!tpu.dma_semaphore, #tpu.memory_space<semaphore_mem>>) src(%arg18 : memref<256xf32, #tpu.memory_space<vmem>>) dst(%dma_wait3A_584 : memref<256xf32, #tpu.memory_space<hbm>>)
        tpu.yield
      }) : () -> ()
      "tpu.region"() ({
        %run_scoped3A = tpu.sem_alloc : memref<!tpu.dma_semaphore, #tpu.memory_space<semaphore_mem>>
        %dma_start3A_573 = arith.constant 0 : i32
        %dma_start3A_574 = tpu.memref_slice %arg7[%add3A, %dma_start3A_573] : memref<16x256xi32, #tpu.memory_space<hbm>> -> memref<1x256xi32, #tpu.memory_space<hbm>>
        %dma_start3A_575 = tpu.memref_squeeze %dma_start3A_574 : memref<1x256xi32, #tpu.memory_space<hbm>> -> memref<256xi32, #tpu.memory_space<hbm>>
        %dma_start3A_576 = arith.constant 0 : i32
        %dma_start3A_577 = tpu.memref_slice %arg7[%add3A, %dma_start3A_576] : memref<16x256xi32, #tpu.memory_space<hbm>> -> memref<1x256xi32, #tpu.memory_space<hbm>>
        %dma_start3A_578 = tpu.memref_squeeze %dma_start3A_577 : memref<1x256xi32, #tpu.memory_space<hbm>> -> memref<256xi32, #tpu.memory_space<hbm>>
        tpu.enqueue_dma source(%arg17 : memref<256xi32, #tpu.memory_space<vmem>>) target(%dma_start3A_578 : memref<256xi32, #tpu.memory_space<hbm>>) target_semaphore(%run_scoped3A : memref<!tpu.dma_semaphore, #tpu.memory_space<semaphore_mem>>)
        %dma_wait3A_579 = arith.constant 0 : i32
        %dma_wait3A_580 = tpu.memref_slice %arg7[%add3A, %dma_wait3A_579] : memref<16x256xi32, #tpu.memory_space<hbm>> -> memref<1x256xi32, #tpu.memory_space<hbm>>
        %dma_wait3A_581 = tpu.memref_squeeze %dma_wait3A_580 : memref<1x256xi32, #tpu.memory_space<hbm>> -> memref<256xi32, #tpu.memory_space<hbm>>
        %dma_wait3A_582 = arith.constant 0 : i32
        %dma_wait3A_583 = tpu.memref_slice %arg7[%add3A, %dma_wait3A_582] : memref<16x256xi32, #tpu.memory_space<hbm>> -> memref<1x256xi32, #tpu.memory_space<hbm>>
        %dma_wait3A_584 = tpu.memref_squeeze %dma_wait3A_583 : memref<1x256xi32, #tpu.memory_space<hbm>> -> memref<256xi32, #tpu.memory_space<hbm>>
        tpu.wait_dma2 semaphore(%run_scoped3A : memref<!tpu.dma_semaphore, #tpu.memory_space<semaphore_mem>>) src(%arg17 : memref<256xi32, #tpu.memory_space<vmem>>) dst(%dma_wait3A_584 : memref<256xi32, #tpu.memory_space<hbm>>)
        tpu.yield
      }) : () -> ()
      "tpu.region"() ({
        %run_scoped3A = tpu.sem_alloc : memref<!tpu.dma_semaphore, #tpu.memory_space<semaphore_mem>>
        %dma_start3A_573 = arith.constant 0 : i32
        %dma_start3A_574 = tpu.memref_slice %arg8[%add3A, %dma_start3A_573] : memref<16x1024xf32, #tpu.memory_space<hbm>> -> memref<1x1024xf32, #tpu.memory_space<hbm>>
        %dma_start3A_575 = tpu.memref_squeeze %dma_start3A_574 : memref<1x1024xf32, #tpu.memory_space<hbm>> -> memref<1024xf32, #tpu.memory_space<hbm>>
        %dma_start3A_576 = arith.constant 0 : i32
        %dma_start3A_577 = tpu.memref_slice %arg8[%add3A, %dma_start3A_576] : memref<16x1024xf32, #tpu.memory_space<hbm>> -> memref<1x1024xf32, #tpu.memory_space<hbm>>
        %dma_start3A_578 = tpu.memref_squeeze %dma_start3A_577 : memref<1x1024xf32, #tpu.memory_space<hbm>> -> memref<1024xf32, #tpu.memory_space<hbm>>
        tpu.enqueue_dma source(%arg19 : memref<1024xf32, #tpu.memory_space<vmem>>) target(%dma_start3A_578 : memref<1024xf32, #tpu.memory_space<hbm>>) target_semaphore(%run_scoped3A : memref<!tpu.dma_semaphore, #tpu.memory_space<semaphore_mem>>)
        %dma_wait3A_579 = arith.constant 0 : i32
        %dma_wait3A_580 = tpu.memref_slice %arg8[%add3A, %dma_wait3A_579] : memref<16x1024xf32, #tpu.memory_space<hbm>> -> memref<1x1024xf32, #tpu.memory_space<hbm>>
        %dma_wait3A_581 = tpu.memref_squeeze %dma_wait3A_580 : memref<1x1024xf32, #tpu.memory_space<hbm>> -> memref<1024xf32, #tpu.memory_space<hbm>>
        %dma_wait3A_582 = arith.constant 0 : i32
        %dma_wait3A_583 = tpu.memref_slice %arg8[%add3A, %dma_wait3A_582] : memref<16x1024xf32, #tpu.memory_space<hbm>> -> memref<1x1024xf32, #tpu.memory_space<hbm>>
        %dma_wait3A_584 = tpu.memref_squeeze %dma_wait3A_583 : memref<1x1024xf32, #tpu.memory_space<hbm>> -> memref<1024xf32, #tpu.memory_space<hbm>>
        tpu.wait_dma2 semaphore(%run_scoped3A : memref<!tpu.dma_semaphore, #tpu.memory_space<semaphore_mem>>) src(%arg19 : memref<1024xf32, #tpu.memory_space<vmem>>) dst(%dma_wait3A_584 : memref<1024xf32, #tpu.memory_space<hbm>>)
        tpu.yield
      }) : () -> ()
    } else {
    }
    return
  }
}

module attributes {stable_mosaic.version = 14 : i64} {
  func.func @_rowmax_body(%arg0: i32, %arg1: i32, %arg2: memref<1x2000x91xf32, #tpu.memory_space<vmem>>, %arg3: memref<1x1x8x250xf32, #tpu.memory_space<vmem>>) attributes {dimension_semantics = [#tpu.dimension_semantics<arbitrary>, #tpu.dimension_semantics<arbitrary>], iteration_bounds = array<i64: 16, 10>, scalar_prefetch = 0 : i64, scratch_operands = 0 : i64, tpu.core_type = #tpu.core_type<tc>, window_params = [{transform_indices = @transform_0, window_bounds = array<i64: 1, 2000, 91>}, {transform_indices = @transform_1, window_bounds = array<i64: 1, 1, 8, 250>}]} {
    %get3A = arith.constant 0 : index
    %get3A_0 = arith.constant 0 : index
    %get3A_1 = arith.constant 0 : index
    %get3A_2 = vector.load %arg2[%get3A, %get3A_0, %get3A_1] : memref<1x2000x91xf32, #tpu.memory_space<vmem>>, vector<1x2000x91xf32>
    %get3A_3 = vector.shape_cast %get3A_2 : vector<1x2000x91xf32> to vector<2000x91xf32>
    %reduce_max3A = arith.constant dense<0xFF800000> : vector<2000xf32>
    %reduce_max3A_4 = vector.multi_reduction <maximumf>, %get3A_3, %reduce_max3A [1] : vector<2000x91xf32> to vector<2000xf32>
    %reshape3A = vector.shape_cast %reduce_max3A_4 : vector<2000xf32> to vector<8x250xf32>
    %swap3A = arith.constant 0 : index
    %swap3A_5 = arith.constant 0 : index
    %swap3A_6 = arith.constant 0 : index
    %swap3A_7 = arith.constant 0 : index
    %swap3A_8 = vector.load %arg3[%swap3A, %swap3A_5, %swap3A_6, %swap3A_7] : memref<1x1x8x250xf32, #tpu.memory_space<vmem>>, vector<1x1x8x250xf32>
    %swap3A_9 = vector.shape_cast %swap3A_8 : vector<1x1x8x250xf32> to vector<8x250xf32>
    %swap3A_10 = vector.shape_cast %reshape3A : vector<8x250xf32> to vector<1x1x8x250xf32>
    tpu.vector_store %arg3[%swap3A, %swap3A_5, %swap3A_6, %swap3A_7], %swap3A_10 {strides = array<i32>} : memref<1x1x8x250xf32, #tpu.memory_space<vmem>>, vector<1x1x8x250xf32>,
    return
  }
  func.func @transform_0(%arg0: i32, %arg1: i32) -> (i32, i32, i32) {
    %c0_i32 = arith.constant 0 : i32
    %c0_i32_0 = arith.constant 0 : i32
    return %arg0, %arg1, %c0_i32 : i32, i32, i32
  }
  func.func @transform_1(%arg0: i32, %arg1: i32) -> (i32, i32, i32, i32) {
    %c0_i32 = arith.constant 0 : i32
    %c0_i32_0 = arith.constant 0 : i32
    %c0_i32_1 = arith.constant 0 : i32
    return %arg0, %arg1, %c0_i32, %c0_i32_0 : i32, i32, i32, i32
  }
}

</mosaic_0001>

<sc_bundles>
// kernel: gather_offload_async_start.1
scs
__scs_entry_jumppad:
0x0: {  	(pc) =	sbr.rel $0x88, $3  }
0x1: {  	(tag) =	ssettag $0x0;
	lr =	simm.s32 $0x1  }
0x2: {  	[smem:$0x3F9E] =	sst lr;
	_ =	strace $0xD0000000  }
0x3: {  	_ = 	snop  }
0x4: {  	_ = 	snop  }
0x5: {  	_ = 	snop  }
0x6: {  	_ = 	snop  }
0x7: {  	_ = 	snop  }
__scs_overlays_trampoline_lowered:
0x8: {  	[smem:$0x3FAD] =	sst s0  }
0x9: {  	[smem:$0x3FAE] =	sst s1  }
0xa: {  	[smem:$0x3FAF] =	sst s2  }
0xb: {  	[smem:$0x3FB0] =	sst s3  }
0xc: {  	[smem:$0x3FB1] =	sst s4  }
0xd: {  	[smem:$0x3FB2] =	sst s5  }
0xe: {  	[smem:$0x3FB3] =	sst s6  }
0xf: {  	[smem:$0x3FB4] =	sst s7  }
0x10: {  	[smem:$0x3FB5] =	sst s8  }
0x11: {  	[smem:$0x3FB6] =	sst s9;
	s0 =	simm.s32 @!p0 $0x0  }
0x12: {  	s1 =	sld [smem:$0x3F9C];
	s0 =	simm.s32 @p0 $0x1  }
0x13: {  	[smem:$0x3FB7] =	sst s0;
	s0 =	simm.s32 @!p1 $0x0  }
0x14: {  	s2 =	sld [smem:$0x3F9B];
	s0 =	simm.s32 @p1 $0x1  }
0x15: {  	[smem:$0x3FB8] =	sst s0;
	s0 =	simm.s32 @!p2 $0x0  }
0x16: {  	s3 =	sld [smem:$0x3FDB];
	s0 =	simm.s32 @p2 $0x1  }
0x17: {  	s4 =	simm.s32 $0x1BF5;
	[smem:$0x3FBA] =	sst s0  }
0x18: {  	s0 =	sld [smem:$0x3F9D];
	_ =	swait.ge [sflag:s4], $0x0  }
0x19: {  	s7 =	sld [smem:$0x3F9E]  }
0x1a: {  	s8 =	sadd.s32 $0xFFFFE003, lr  }
0x1b: {  	s9 =	sadd.s32 $0xFFFFFEF7, lr;
	s5 =	simm.s32 $0xFFFFFFFF;
	p2 =	slt.u32 s8, $0xFFFFF086  }
0x1c: {  	p1 =	slt.u32 s9, $0xF7A;
	s5 =	simm.s32 @!p2 $0x0  }
0x1d: {  	s5 =	simm.s32 @p1 $0x1;
	p0 =	seq.s32 s7, s2  }
0x1e: {  	s7 =	smul.u32 @!p0 $0xF7A, s2;
	p2 =	seq.s32 @!p0 s5, $0x0  }
0x1f: {  	s9 =	smul.u32 $0xF7A, s1;
	s8 =	simm.s32 @!p0 $0x1BF5;
	p2 =	por !p2, p0  }
0x20: {  	[sflag:s8] =	ssyncset.s32 @!p0 $0xFFFFF086;
	s6 =	sadd.s32 @!p0 s3, s7;
	s7 =	simm.s32 @!p0 $0x108  }
0x21: {  	s3 =	sadd.s32 s3, s9;
	s6 =	sadd.s32 @!p0 $0x88, s6;
	s7 =	simm.s32 @p2 $0x1082  }
0x22: {  	[simem:s7], [sflag:s8] =	dma.local @!p0 [hbm:s6], $0xF7A  }
0x23: {  	s9 =	sor.u32 $0xD0000000, s2;
	s6 =	simm.s32 $0x108;
	_ =	swait.ge @!p0 [sflag:s8], $0x0  }
0x24: {  	s3 =	sadd.s32 $0x88, s3;
	s6 =	simm.s32 @!p1 $0x1082;
	[sflag:s4] =	ssyncset.s32 $0xFFFFF086  }
0x25: {  	[simem:s6], [sflag:s4] =	dma.local [hbm:s3], $0xF7A  }
0x26: {  	[smem:$0x3F9E] =	sst s1;
	(tag) =	ssettag s2;
	_ =	strace s9  }
0x27: {  	s1 =	sld [smem:$0x3FAE]  }
0x28: {  	s2 =	sld [smem:$0x3FAF]  }
0x29: {  	s4 =	sld [smem:$0x3FB1]  }
0x2a: {  	p0 =	seq.s32 s5, $0x0;
	s5 =	sld [smem:$0x3FB2]  }
0x2b: {  	s6 =	sld [smem:$0x3FB3]  }
0x2c: {  	s7 =	sld [smem:$0x3FB4]  }
0x2d: {  	s3 =	simm.s32 $0x108;
	s8 =	sld [smem:$0x3FB5]  }
0x2e: {  	s3 =	simm.s32 @!p0 $0x1082;
	s9 =	sld [smem:$0x3FB6]  }
0x2f: {  	lr =	sadd.s32 s0, s3;
	s0 =	sld [smem:$0x3FAD]  }
0x30: {  	s3 =	sld [smem:$0x3FB0]  }
0x31: {  	[smem:$0x3FB9] =	sst s10  }
0x32: {  	s10 =	sld [smem:$0x3FB7];
	_ =	sdelay $0x3  }
0x33: {  	p0 =	seq.s32 s10, $0x1;
	s10 =	sld [smem:$0x3FB9];
	_ =	sdelay $0x3  }
0x34: {  	[smem:$0x3FB9] =	sst s10  }
0x35: {  	s10 =	sld [smem:$0x3FB8];
	_ =	sdelay $0x3  }
0x36: {  	p1 =	seq.s32 s10, $0x1;
	s10 =	sld [smem:$0x3FB9];
	_ =	sdelay $0x3  }
0x37: {  	[smem:$0x3FB9] =	sst s10  }
0x38: {  	s10 =	sld [smem:$0x3FBA]  }
0x39: {  	_ = 	snop;
	(pc) =	sbr.ind lr, $3  }
0x3a: {  	_ = 	snop  }
0x3b: {  	_ = 	snop  }
0x3c: {  	p2 =	seq.s32 s10, $0x1;
	s10 =	sld [smem:$0x3FB9]  }
0x3d: {  	_ =	shalt  }
0x3e: {  	_ =	shalt  }
0x3f: {  	_ =	shalt  }
0x40: {  	_ =	shalt  }
0x41: {  	_ =	shalt  }
0x42: {  	_ =	shalt  }
0x43: {  	_ =	shalt  }
0x44: {  	_ =	shalt  }
0x45: {  	_ =	shalt  }
0x46: {  	_ =	shalt  }
0x47: {  	_ =	shalt  }
0x48: {  	_ =	shalt  }
0x49: {  	_ =	shalt  }
0x4a: {  	_ =	shalt  }
0x4b: {  	_ =	shalt  }
0x4c: {  	_ =	shalt  }
0x4d: {  	_ =	shalt  }
0x4e: {  	_ =	shalt  }
0x4f: {  	_ =	shalt  }
0x50: {  	_ =	shalt  }
0x51: {  	_ =	shalt  }
0x52: {  	_ =	shalt  }
0x53: {  	_ =	shalt  }
0x54: {  	_ =	shalt  }
0x55: {  	_ =	shalt  }
0x56: {  	_ =	shalt  }
0x57: {  	_ =	shalt  }
0x58: {  	_ =	shalt  }
0x59: {  	_ =	shalt  }
0x5a: {  	_ =	shalt  }
0x5b: {  	_ =	shalt  }
0x5c: {  	_ =	shalt  }
0x5d: {  	_ =	shalt  }
0x5e: {  	_ =	shalt  }
0x5f: {  	_ =	shalt  }
0x60: {  	_ =	shalt  }
0x61: {  	_ =	shalt  }
0x62: {  	_ =	shalt  }
0x63: {  	_ =	shalt  }
0x64: {  	_ =	shalt  }
0x65: {  	_ =	shalt  }
0x66: {  	_ =	shalt  }
0x67: {  	_ =	shalt  }
0x68: {  	_ =	shalt  }
0x69: {  	_ =	shalt  }
0x6a: {  	_ =	shalt  }
0x6b: {  	_ =	shalt  }
0x6c: {  	_ =	shalt  }
0x6d: {  	_ =	shalt  }
0x6e: {  	_ =	shalt  }
0x6f: {  	_ =	shalt  }
0x70: {  	_ =	shalt  }
0x71: {  	_ =	shalt  }
0x72: {  	_ =	shalt  }
0x73: {  	_ =	shalt  }
0x74: {  	_ =	shalt  }
0x75: {  	_ =	shalt  }
0x76: {  	_ =	shalt  }
0x77: {  	_ =	shalt  }
0x78: {  	_ =	shalt  }
0x79: {  	_ =	shalt  }
0x7a: {  	_ =	shalt  }
0x7b: {  	_ =	shalt  }
0x7c: {  	_ =	shalt  }
0x7d: {  	_ =	shalt  }
0x7e: {  	_ =	shalt  }
0x7f: {  	_ =	shalt  }
0x80: {  	_ =	shalt  }
0x81: {  	_ =	shalt  }
0x82: {  	_ =	shalt  }
0x83: {  	_ =	shalt  }
0x84: {  	_ =	shalt  }
0x85: {  	_ =	shalt  }
0x86: {  	_ =	shalt  }
0x87: {  	_ =	shalt  }
.Lfunc_end0:
.L_simem_size_0:
called_computation.1_lowered:
.L_overlay_start_0:
0x88: {  	s2 =	sld [smem:$0x3FD9]  }
0x89: {  	s3 =	sld [smem:$0x3FFE];
	_ =	sdelay $0x1  }
0x8a: {  	s1 =	srdreg.scid  }
0x8b: {  	s0 =	sand.u32 $0x1, s1  }
0x8c: {  	s14 =	sshll.u32 s0, $0xA;
	s2 =	sadd.s32 s3, s2  }
0x8d: {  	s2 =	sadd.s32 s2, s14  }
0x8e: {  	[smem:$0x3FC5] =	sst s2  }
0x8f: {  	_ = 	snop  }
0x90: {  	s2 =	sld [smem:$0x3FD0];
	_ =	sdelay $0x2  }
0x91: {  	s15 =	simm.s32 $0xA;
	s4 =	simm.s32 $0x10  }
0x92: {  	[smem:s4], [sflag:s15] =	dma.local [hbm:s2], $0x1  }
0x93: {  	_ =	swait.eq [sflag:s15], $0x1  }
0x94: {  	[sflag:s15] =	ssyncset.done $0x0  }
0x95: {  	[sflag:s15] =	ssyncadd.s32 $0xFFFFFFFF  }
0x96: {  	s16 =	sld [smem:$0x12];
	(tm) =	ssettm $0x1  }
0x97: {  	s17 =	sld [smem:$0x3FFB];
	_ =	sdelay $0x3  }
0x98: {  	_ =	strace s17  }
0x99: {  	s3 =	sld [smem:$0x3FFC];
	_ =	sdelay $0x3  }
0x9a: {  	_ =	strace s3  }
0x9b: {  	s3 =	sld [smem:$0x3FFD];
	_ =	sdelay $0x3  }
0x9c: {  	_ =	strace s3  }
0x9d: {  	_ =	strace $0x8FFFFFFF  }
0x9e: {  	s18 =	sld [smem:$0x3FDB];
	_ =	sdelay $0x1  }
0x9f: {  	s19 =	simm.s32 $_scs_section_size  }
0xa0: {  	s5 =	simm.s32 $_size__tile_overlayer_lowered;
	s6 =	simm.s32 $_tile_overlayer_lowered  }
0xa1: {  	s22 =	simm.s32 $0x1BFF;
	s21 =	sshll.u32 s6, $0x1;
	s3 =	sadd.s32 s19, s18  }
0xa2: {  	s7 =	simm.s32 $0x0;
	s20 =	sshll.u32 s5, $0x1;
	s5 =	sadd.s32 s21, s3  }
0xa3: {  	[timem:s7], [sflag:s22] =	dma.local [hbm:s5], s20  }
0xa4: {  	_ =	swait.ge [sflag:s22], s20  }
0xa5: {  	s4 =	ssub.s32 $0x0, s20;
	[sflag:s22] =	ssyncset.done $0x0  }
0xa6: {  	[sflag:s22] =	ssyncadd.s32 s4;
	_ =	sdelay $0x1  }
0xa7: {  	s23 =	simm.s32 $0x1B8B  }
0xa8: {  	_ =	swait.ge [sflag:s23], $0x1  }
0xa9: {  	[sflag:s23] =	ssyncset.done $0x0  }
0xaa: {  	s25 =	simm.s32 $0x1B8E;
	s24 =	sld [smem:$0x3FFE];
	[sflag:s23] =	ssyncadd.s32 $0xFFFFFFFF  }
0xab: {  	s26 =	simm.s32 $execute0_lowered;
	[smem:$0x3FD2] =	sst s25  }
0xac: {  	s5 =	sshll.u32 s26, $0x1;
	_ =	strace $0x8000004C;
	[dreg:$0x1] =	wrdreg $0xFFFFFFFF  }
0xad: {  	s28 =	simm.s32 $_size_execute0_lowered;
	s3 =	sadd.s32 s3, s5;
	[dreg:$0x0] =	wrdreg $0x0  }
0xae: {  	s5 =	sshll.u32 s28, $0x1;
	[dreg:$0x2] =	wrdreg s3  }
0xaf: {  	[dreg:$0x3] =	wrdreg s5  }
0xb0: {  	[dreg:$0x4] =	wrdreg $0xC0  }
0xb1: {  	_ =	task [dreg:s7], $0x5FFFF  }
0xb2: {  	[dreg:$0x1] =	wrdreg $0xFFFFFFFF  }
0xb3: {  	[dreg:$0x0] =	wrdreg $0x60  }
0xb4: {  	[dreg:$0x2] =	wrdreg s24  }
0xb5: {  	[dreg:$0x3] =	wrdreg s16  }
0xb6: {  	[dreg:$0x4] =	wrdreg $0x9  }
0xb7: {  	_ =	task.clear_ibuf [dreg:s7], $0x5FFFF;
	_ =	strace $0x9000004C  }
0xb8: {  	s29 =	simm.s32 $0x9;
	_ =	strace $0x8000004E  }
0xb9: {  	_ =	swait.ge [sflag:s29], $0x1  }
0xba: {  	[sflag:s29] =	ssyncadd.s32 $0xFFFFFFFF  }
0xbb: {  	_ =	strace $0x9000004E  }
0xbc: {  	_ =	sfence  }
0xbd: {  	s30 =	sld [smem:$0x0];
	_ =	sdelay $0x2  }
0xbe: {  	s31 =	sshll.u32 s1, $0xD;
	s1 =	sshrl.u32 s1, $0x2  }
0xbf: {  	s3 =	sand.u32 $0x4000, s31;
	s1 =	sadd.s32 s1, s30  }
0xc0: {  	s0 =	sor.u32 s3, s0;
	s1 =	sshll.u32 s1, $0x11  }
0xc1: {  	s0 =	sor.u32 s1, s0  }
0xc2: {  	s0 =	sadd.s32 $0x8F2B, s0  }
0xc3: {  	[sflag:s0] =	ssyncadd.remote.s32 $0x1  }
0xc4: {  	_ =	sfence.sel $0xFFFF  }
0xc5: {  	[dreg:$0x0] =	wrdreg $0xFFFFFFFF;
	(pc) =	sbr.abs _section_cstart, $3  }
0xc6: {  	[dreg:$0x1] =	wrdreg $0xFFFFFFFF  }
0xc7: {  	_ =	task.clear_ibuf [dreg:s7], $0x2FFFF;
	_ =	strace $0x9FFFFFFF  }
0xc8: {  	(tm) =	ssettm $0x7FFFFFFF  }
0xc9: {  	_ =	shalt  }
tec
execute0_lowered:
.L_overlay_start_1:
0x0: {  	(tag) =	ssettag $0x1  }
0x1: {  	s8 =	rddreg [dreg:$0x0];
	s0 =	stileid.u32  }
0x2: {  	s1 =	srdreg.scid;
	s2 =	rddreg [dreg:$0x1]  }
0x3: {  	s5 =	simm.s32 $0x1;
	s9 =	simm.s32 $0x1;
	s10 =	simm.s32 $0x3  }
0x4: {  	s13 =	simm.s32 $0x0;
	s3 =	sand.u32 $0x1, s1;
	s4 =	sshll.u32 s0, $0x1  }
0x5: {  	s12 =	simm.s32 $0x0;
	s1 =	rddreg [dreg:$0x2];
	s6 =	sor.u32 s4, s3  }
0x6: {  	_ =	strace $0x8000004D;
	s3 =	sadd.s32 $0xA00, s8;
	s4 =	smul.u32 $0xA0, s6  }
0x7: {  	[sflag:s5] =	ssyncpa.u1 $0x0;
	p0 =	slt.u32 s6, $0x9;
	s6 =	simm.s32 $0x1400  }
.Ltmp0:
0x8: {  	s6 =	simm.s32 @!p0 $0x0;
	s7 =	ssub.s32 $0x1900, s4;
	(pc) =	sbr.rel .LBB2_1-.Ltmp0, $4  }
0x9: {  	s9 =	simm.s32 @!p0 $0x0;
	p0 =	sne.s32 s7, s6;
	s7 =	simm.s32 $0x1  }
0xa: {  	s8 =	sadd.s32 $0x4E00, s8;
	s6 =	simm.s32 $0x2;
	s7 =	simm.s32 @!p0 $0x0  }
0xb: {  	s11 =	smov.u32 s4;
	[sflag:s6] =	ssyncpa.u1 $0x0;
	s7 =	sadd.s32 s9, s7  }
0xc: {  	vm0 =	vmmov $0xffff;
	[sflag:s10] =	ssyncpa.u1 $0x0;
	s10 =	simm.s32 $0x0;
	s9 =	sadd.s32 $0x1, s7  }
.LBB2_4:
0xd: {  	v5 =	vshll.u32 v1, $0x3;
	v3 =	vand.u32 $0x180, v3;
	v2 =	vadd.s32 v2, v4  }
0xe: {  	vm1 =	veq.s32 v1, $0x80000000;
	v58 =	vand.u32 $0xF, v1;
	v60 =	vshrl.u32 v1, $0x4  }
0xf: {  	v2 =	vor.u32 v3, v2;
	v59 =	vsel vm1, $0xFFFFFFFF, v58;
	v61 =	vand.u32 $0x1FE00, v5  }
0x10: {  	v1 =	vand.u32 $0x3, v60;
	v4 =	vsel vm1, $0xFFFFFE00, v61;
	v62 =	vand.u32 $0xFFFFFE00, v59  }
0x11: {  	v1 =	vsel vm1, $0xFFFFFFFF, v1;
	v3 =	vand.u32 $0x7F, v59;
	v4 =	vadd.s32 v4, v62  }
0x12: {  	v63 =	vand.u32 $0xFFFFFE00, v1;
	v1 =	vshll.u32 v1, $0x7;
	v3 =	vor.u32 v3, v4  }
0x13: {  	v1 =	vand.u32 $0x180, v1;
	v3 =	vadd.s32 v63, v3  }
0x14: {  	v1 =	vor.u32 v1, v3  }
0x15: {  	[tilespmem:s16], [sflag:$0x1] =	stream.indirect_vreg.gather [hbm4b:s3+s10], $0x1, v0, vm0, $0x4038;
	[tilespmem:$0x280] =	vst v63  }
0x16: {  	(ifvalue) =	ssetifvalue $0x7FFFFFFF  }
0x17: {  	[tilespmem:s15], [sflag:$0x1] =	stream.indirect_vreg.gather [hbm4b:s3+s10], $0x1, v2, vm0, $0x4038;
	[tilespmem:$0x280] =	vst v63  }
0x18: {  	s29 =	sadd.s32 $0x10, s15;
	(ifvalue) =	ssetifvalue $0x7FFFFFFF  }
0x19: {  	[tilespmem:s29], [sflag:$0x1] =	stream.indirect_vreg.gather [hbm4b:s3+s10], $0x1, v1, vm0, $0x4038;
	[tilespmem:$0x280] =	vst v63  }
0x1a: {  	_ =	swait.ge [sflag:s5], $0xA0  }
0x1b: {  	s30 =	sshrl.u32 s13, $0x3;
	[sflag:s5] =	ssyncset.done $0x0  }
0x1c: {  	s31 =	sand.u32 $0x7, s13;
	s15 =	sadd.s32 s8, s30;
	[sflag:s5] =	ssyncadd.s32 $0xFFFFFF60  }
0x1d: {  	[hbm4b:s15+s31] =	stream.linear.scatter [tilespmem:s14], [sflag:$0x3], $0xA0, $0x38;
	[tilespmem:$0x280] =	vst v63  }
.LBB2_5:
0x1e: {  	s15 =	sadd.s32 $0x1400, s11  }
0x1f: {  	p1 =	sgt.s32 s15, $0x18FF  }
0x20: {  	s15 =	smov.u32 @p1 s4;
	p1 =	sne.s32 s12, s9  }
.Ltmp1:
0x21: {  	p0 =	slt.u32 s12, $0x2;
	(pc) =	sbr.rel @!p1 .LBB2_6-.Ltmp1, $4  }
0x22: {  	s14 =	simm.s32 @!p0 $0x3  }
0x23: {  	_ =	swait.ge @!p0 [sflag:s14], $0xA0  }
0x24: {  	s16 =	sadd.s32 $0x1, s12;
	s13 =	smov.u32 s11;
	[sflag:s14] =	ssyncset.done @!p0 $0x0  }
0x25: {  	s12 =	smov.u32 s16;
	s11 =	smov.u32 s15;
	[sflag:s14] =	ssyncadd.s32 @!p0 $0xFFFFFF60  }
.LBB2_1:
0x26: {  	p0 =	sge.u32 s12, s7  }
0x27: {  	s14 =	sxor.u32 @!p0 $0x1, s12  }
0x28: {  	s14 =	smul.u32 @!p0 $0x280, s14  }
0x29: {  	s31 =	sadd.s32 $0xFFFFFFFF, s12;
	s15 =	sshrl.u32 @!p0 s11, $0x3  }
0x2a: {  	s16 =	sand.u32 @!p0 $0x7, s11;
	s15 =	sadd.s32 @!p0 s2, s15;
	s14 =	sshra.s32 @!p0 s14, $0x2  }
0x2b: {  	[tilespmem:s14], [sflag:$0x2] =	stream.linear.gather @!p0 [hbm4b:s15+s16], $0xA0, $0x38;
	[tilespmem:$0x280] =	vst v63  }
0x2c: {  	p0 =	sge.u32 s31, s7  }
.Ltmp2:
0x2d: {  	_ = 	snop;
	(pc) =	sbr.rel @p0 .LBB2_5-.Ltmp2, $1  }
0x2e: {  	_ =	sdelay $0x3  }
0x2f: {  	s14 =	sand.u32 $0x1, s12  }
0x30: {  	_ =	swait.ge [sflag:s6], $0xA0;
	p0 =	seq.s32 s14, $0x1;
	s14 =	simm.s32 $0xA0  }
0x31: {  	[sflag:s6] =	ssyncset.done $0x0;
	s14 =	simm.s32 @!p0 $0x0  }
0x32: {  	[sflag:s6] =	ssyncadd.s32 $0xFFFFFF60;
	(ifvalue) =	ssetifvalue $0x7FFFFFFF;
	v0 =	vld.msk [tilespmem:s14+$0x0 ss:$0x1], $0xffff;
	_ =	sdelay $0x3  }
0x33: {  	s15 =	sadd.s32 $0x10, s14  }
0x34: {  	v1 =	vld.msk [tilespmem:s15+$0x0 ss:$0x1], $0xffff;
	v2 =	vshll.u32 v0, $0x3;
	vm1 =	veq.s32 v0, $0x80000000;
	v3 =	vand.u32 $0xF, v0  }
0x35: {  	v0 =	vshrl.u32 v0, $0x4;
	v3 =	vsel vm1, $0xFFFFFFFF, v3;
	v2 =	vand.u32 $0x1FE00, v2  }
0x36: {  	v0 =	vand.u32 $0x3, v0;
	v2 =	vsel vm1, $0xFFFFFE00, v2;
	v4 =	vand.u32 $0xFFFFFE00, v3  }
0x37: {  	v0 =	vsel vm1, $0xFFFFFFFF, v0;
	v3 =	vand.u32 $0x7F, v3;
	v2 =	vadd.s32 v2, v4  }
0x38: {  	v4 =	vand.u32 $0xFFFFFE00, v0;
	v0 =	vshll.u32 v0, $0x7;
	v2 =	vor.u32 v3, v2  }
0x39: {  	vm1 =	veq.s32 v1, $0x80000000;
	v0 =	vand.u32 $0x180, v0;
	v2 =	vadd.s32 v4, v2  }
0x3a: {  	v3 =	vshll.u32 v1, $0x3;
	v4 =	vand.u32 $0xF, v1;
	v0 =	vor.u32 v0, v2  }
0x3b: {  	s15 =	sadd.s32 $0x10, s15;
	v1 =	vshrl.u32 v1, $0x4;
	v3 =	vand.u32 $0x1FE00, v3;
	v2 =	vsel vm1, $0xFFFFFFFF, v4  }
0x3c: {  	s14 =	sor.u32 $0x140, s14;
	v4 =	vand.u32 $0x3, v1;
	v3 =	vsel vm1, $0xFFFFFE00, v3;
	v1 =	vld.msk [tilespmem:s15+$0x0 ss:$0x1], $0xffff;
	v5 =	vand.u32 $0xFFFFFE00, v2  }
0x3d: {  	s17 =	simm.s32 $0x20;
	s16 =	smov.u32 s14;
	v4 =	vsel vm1, $0xFFFFFFFF, v4;
	v6 =	vand.u32 $0x7F, v2;
	v5 =	vadd.s32 v3, v5  }
0x3e: {  	s18 =	sadd.s32 $0x10, s15;
	(ifvalue) =	ssetifvalue $0x7FFFFFFF;
	s15 =	sadd.s32 $0x10, s14;
	v2 =	vand.u32 $0xFFFFFE00, v4;
	v3 =	vshll.u32 v4, $0x7;
	v4 =	vor.u32 v6, v5  }
.LBB2_3:
0x3f: {  	[tilespmem:s16], [sflag:$0x1] =	stream.indirect_vreg.gather [hbm4b:s3+s10], $0x1, v0, vm0, $0x4038;
	[tilespmem:$0x280] =	vst v63  }
0x40: {  	s17 =	sadd.s32 $0x10, s17  }
0x41: {  	v5 =	vshll.u32 v1, $0x3;
	v3 =	vand.u32 $0x180, v3;
	v2 =	vadd.s32 v2, v4;
	v4 =	vmovc v1;
	v1 =	vld.msk [tilespmem:s18+$0x0 ss:$0x1], $0xffff;
	p0 =	slt.u32 s17, $0x90  }
.Ltmp3:
0x42: {  	s16 =	smov.u32 s15;
	vm1 =	veq.s32 v4, $0x80000000;
	v6 =	vand.u32 $0xF, v4;
	v0 =	vor.u32 v3, v2;
	(pc) =	sbr.rel @p0 .LBB2_3-.Ltmp3, $4  }
0x43: {  	v3 =	vshrl.u32 v4, $0x4;
	v4 =	vand.u32 $0x1FE00, v5;
	v2 =	vsel vm1, $0xFFFFFFFF, v6  }
0x44: {  	v3 =	vand.u32 $0x3, v3;
	v4 =	vsel vm1, $0xFFFFFE00, v4;
	v5 =	vand.u32 $0xFFFFFE00, v2  }
0x45: {  	v3 =	vsel vm1, $0xFFFFFFFF, v3;
	v6 =	vand.u32 $0x7F, v2;
	v4 =	vadd.s32 v4, v5  }
0x46: {  	s18 =	sadd.s32 $0x10, s18;
	s15 =	sadd.s32 $0x10, s15;
	v2 =	vand.u32 $0xFFFFFE00, v3;
	v3 =	vshll.u32 v3, $0x7;
	v4 =	vor.u32 v6, v4;
	(ifvalue) =	ssetifvalue $0x7FFFFFFF  }
.Ltmp4:
0x47: {  	_ = 	snop;
	(pc) =	sbr.rel .LBB2_4-.Ltmp4, $1  }
0x48: {  	_ =	sdelay $0x3  }
.LBB2_6:
0x49: {  	_ =	sfence.sel $0x180000  }
0x4a: {  	s2 =	simm.s32 $0x2;
	[bflag:$0x0] =	sbarrier.arrive $0xFFFF  }
0x4b: {  	s30 =	simm.s32 $0x3;
	[sflag:s2] =	ssyncpa.u1 $0x1  }
0x4c: {  	s31 =	simm.s32 $0x1;
	[sflag:s30] =	ssyncpa.u1 $0x1  }
0x4d: {  	[sflag:s31] =	ssyncpa.u1 $0x1  }
0x4e: {  	p0 =	sne.s32 s0, $0x0;
	_ =	strace $0x9000004D  }
0x4f: {  	s0 =	sadd.s32 @!p0 $0x100000, s1;
	[bflag:$0x2] =	sbarrier.arrive $0xFFFF  }
0x50: {  	[sflag:s0] =	ssyncadd.tile.s32 @!p0 $0x1;
	_ =	shalt  }
.Lfunc_end2:
_tile_overlayer_lowered:
.L_overlay_start_2:
0x51: {  	(tag) =	ssettag $0x2  }
0x52: {  	s0 =	rddreg [dreg:$0x0];
	s2 =	stileid.u32  }
0x53: {  	s1 =	rddreg [dreg:$0x1];
	p0 =	sne.s32 s2, $0x0  }
0x54: {  	s3 =	rddreg [dreg:$0x2];
	[bflag:$0x3] =	sbarrier.arrive $0xFFFF;
	s2 =	simm.s32 @!p0 $0x1C01  }
0x55: {  	[timem:s3], [sflag:s2] =	dma.local @!p0 [hbm:s0], s1  }
0x56: {  	s0 =	simm.s32 @!p0 $0x1  }
0x57: {  	_ =	swait.ge @!p0 [sflag:s0], s1  }
0x58: {  	s1 =	ssub.s32 @!p0 $0x0, s1;
	[sflag:s0] =	ssyncset.done @!p0 $0x0  }
0x59: {  	[sflag:s0] =	ssyncadd.s32 @!p0 s1  }
0x5a: {  	[bflag:$0x3] =	sbarrier.arrive $0xFFFF  }
0x5b: {  	_ =	shalt  }

// kernel: gather_offload_async_start
scs
__scs_entry_jumppad:
0x0: {  	(pc) =	sbr.rel $0x88, $3  }
0x1: {  	(tag) =	ssettag $0x0;
	lr =	simm.s32 $0x1  }
0x2: {  	[smem:$0x3F9E] =	sst lr;
	_ =	strace $0xD0000000  }
0x3: {  	_ = 	snop  }
0x4: {  	_ = 	snop  }
0x5: {  	_ = 	snop  }
0x6: {  	_ = 	snop  }
0x7: {  	_ = 	snop  }
__scs_overlays_trampoline_lowered:
0x8: {  	[smem:$0x3FAD] =	sst s0  }
0x9: {  	[smem:$0x3FAE] =	sst s1  }
0xa: {  	[smem:$0x3FAF] =	sst s2  }
0xb: {  	[smem:$0x3FB0] =	sst s3  }
0xc: {  	[smem:$0x3FB1] =	sst s4  }
0xd: {  	[smem:$0x3FB2] =	sst s5  }
0xe: {  	[smem:$0x3FB3] =	sst s6  }
0xf: {  	[smem:$0x3FB4] =	sst s7  }
0x10: {  	[smem:$0x3FB5] =	sst s8  }
0x11: {  	[smem:$0x3FB6] =	sst s9;
	s0 =	simm.s32 @!p0 $0x0  }
0x12: {  	s1 =	sld [smem:$0x3F9C];
	s0 =	simm.s32 @p0 $0x1  }
0x13: {  	[smem:$0x3FB7] =	sst s0;
	s0 =	simm.s32 @!p1 $0x0  }
0x14: {  	s2 =	sld [smem:$0x3F9B];
	s0 =	simm.s32 @p1 $0x1  }
0x15: {  	[smem:$0x3FB8] =	sst s0;
	s0 =	simm.s32 @!p2 $0x0  }
0x16: {  	s3 =	sld [smem:$0x3FDB];
	s0 =	simm.s32 @p2 $0x1  }
0x17: {  	s4 =	simm.s32 $0x1BF5;
	[smem:$0x3FBA] =	sst s0  }
0x18: {  	s0 =	sld [smem:$0x3F9D];
	_ =	swait.ge [sflag:s4], $0x0  }
0x19: {  	s7 =	sld [smem:$0x3F9E]  }
0x1a: {  	s8 =	sadd.s32 $0xFFFFE003, lr  }
0x1b: {  	s9 =	sadd.s32 $0xFFFFFEF7, lr;
	s5 =	simm.s32 $0xFFFFFFFF;
	p2 =	slt.u32 s8, $0xFFFFF086  }
0x1c: {  	p1 =	slt.u32 s9, $0xF7A;
	s5 =	simm.s32 @!p2 $0x0  }
0x1d: {  	s5 =	simm.s32 @p1 $0x1;
	p0 =	seq.s32 s7, s2  }
0x1e: {  	s7 =	smul.u32 @!p0 $0xF7A, s2;
	p2 =	seq.s32 @!p0 s5, $0x0  }
0x1f: {  	s9 =	smul.u32 $0xF7A, s1;
	s8 =	simm.s32 @!p0 $0x1BF5;
	p2 =	por !p2, p0  }
0x20: {  	[sflag:s8] =	ssyncset.s32 @!p0 $0xFFFFF086;
	s6 =	sadd.s32 @!p0 s3, s7;
	s7 =	simm.s32 @!p0 $0x108  }
0x21: {  	s3 =	sadd.s32 s3, s9;
	s6 =	sadd.s32 @!p0 $0x88, s6;
	s7 =	simm.s32 @p2 $0x1082  }
0x22: {  	[simem:s7], [sflag:s8] =	dma.local @!p0 [hbm:s6], $0xF7A  }
0x23: {  	s9 =	sor.u32 $0xD0000000, s2;
	s6 =	simm.s32 $0x108;
	_ =	swait.ge @!p0 [sflag:s8], $0x0  }
0x24: {  	s3 =	sadd.s32 $0x88, s3;
	s6 =	simm.s32 @!p1 $0x1082;
	[sflag:s4] =	ssyncset.s32 $0xFFFFF086  }
0x25: {  	[simem:s6], [sflag:s4] =	dma.local [hbm:s3], $0xF7A  }
0x26: {  	[smem:$0x3F9E] =	sst s1;
	(tag) =	ssettag s2;
	_ =	strace s9  }
0x27: {  	s1 =	sld [smem:$0x3FAE]  }
0x28: {  	s2 =	sld [smem:$0x3FAF]  }
0x29: {  	s4 =	sld [smem:$0x3FB1]  }
0x2a: {  	p0 =	seq.s32 s5, $0x0;
	s5 =	sld [smem:$0x3FB2]  }
0x2b: {  	s6 =	sld [smem:$0x3FB3]  }
0x2c: {  	s7 =	sld [smem:$0x3FB4]  }
0x2d: {  	s3 =	simm.s32 $0x108;
	s8 =	sld [smem:$0x3FB5]  }
0x2e: {  	s3 =	simm.s32 @!p0 $0x1082;
	s9 =	sld [smem:$0x3FB6]  }
0x2f: {  	lr =	sadd.s32 s0, s3;
	s0 =	sld [smem:$0x3FAD]  }
0x30: {  	s3 =	sld [smem:$0x3FB0]  }
0x31: {  	[smem:$0x3FB9] =	sst s10  }
0x32: {  	s10 =	sld [smem:$0x3FB7];
	_ =	sdelay $0x3  }
0x33: {  	p0 =	seq.s32 s10, $0x1;
	s10 =	sld [smem:$0x3FB9];
	_ =	sdelay $0x3  }
0x34: {  	[smem:$0x3FB9] =	sst s10  }
0x35: {  	s10 =	sld [smem:$0x3FB8];
	_ =	sdelay $0x3  }
0x36: {  	p1 =	seq.s32 s10, $0x1;
	s10 =	sld [smem:$0x3FB9];
	_ =	sdelay $0x3  }
0x37: {  	[smem:$0x3FB9] =	sst s10  }
0x38: {  	s10 =	sld [smem:$0x3FBA]  }
0x39: {  	_ = 	snop;
	(pc) =	sbr.ind lr, $3  }
0x3a: {  	_ = 	snop  }
0x3b: {  	_ = 	snop  }
0x3c: {  	p2 =	seq.s32 s10, $0x1;
	s10 =	sld [smem:$0x3FB9]  }
0x3d: {  	_ =	shalt  }
0x3e: {  	_ =	shalt  }
0x3f: {  	_ =	shalt  }
0x40: {  	_ =	shalt  }
0x41: {  	_ =	shalt  }
0x42: {  	_ =	shalt  }
0x43: {  	_ =	shalt  }
0x44: {  	_ =	shalt  }
0x45: {  	_ =	shalt  }
0x46: {  	_ =	shalt  }
0x47: {  	_ =	shalt  }
0x48: {  	_ =	shalt  }
0x49: {  	_ =	shalt  }
0x4a: {  	_ =	shalt  }
0x4b: {  	_ =	shalt  }
0x4c: {  	_ =	shalt  }
0x4d: {  	_ =	shalt  }
0x4e: {  	_ =	shalt  }
0x4f: {  	_ =	shalt  }
0x50: {  	_ =	shalt  }
0x51: {  	_ =	shalt  }
0x52: {  	_ =	shalt  }
0x53: {  	_ =	shalt  }
0x54: {  	_ =	shalt  }
0x55: {  	_ =	shalt  }
0x56: {  	_ =	shalt  }
0x57: {  	_ =	shalt  }
0x58: {  	_ =	shalt  }
0x59: {  	_ =	shalt  }
0x5a: {  	_ =	shalt  }
0x5b: {  	_ =	shalt  }
0x5c: {  	_ =	shalt  }
0x5d: {  	_ =	shalt  }
0x5e: {  	_ =	shalt  }
0x5f: {  	_ =	shalt  }
0x60: {  	_ =	shalt  }
0x61: {  	_ =	shalt  }
0x62: {  	_ =	shalt  }
0x63: {  	_ =	shalt  }
0x64: {  	_ =	shalt  }
0x65: {  	_ =	shalt  }
0x66: {  	_ =	shalt  }
0x67: {  	_ =	shalt  }
0x68: {  	_ =	shalt  }
0x69: {  	_ =	shalt  }
0x6a: {  	_ =	shalt  }
0x6b: {  	_ =	shalt  }
0x6c: {  	_ =	shalt  }
0x6d: {  	_ =	shalt  }
0x6e: {  	_ =	shalt  }
0x6f: {  	_ =	shalt  }
0x70: {  	_ =	shalt  }
0x71: {  	_ =	shalt  }
0x72: {  	_ =	shalt  }
0x73: {  	_ =	shalt  }
0x74: {  	_ =	shalt  }
0x75: {  	_ =	shalt  }
0x76: {  	_ =	shalt  }
0x77: {  	_ =	shalt  }
0x78: {  	_ =	shalt  }
0x79: {  	_ =	shalt  }
0x7a: {  	_ =	shalt  }
0x7b: {  	_ =	shalt  }
0x7c: {  	_ =	shalt  }
0x7d: {  	_ =	shalt  }
0x7e: {  	_ =	shalt  }
0x7f: {  	_ =	shalt  }
0x80: {  	_ =	shalt  }
0x81: {  	_ =	shalt  }
0x82: {  	_ =	shalt  }
0x83: {  	_ =	shalt  }
0x84: {  	_ =	shalt  }
0x85: {  	_ =	shalt  }
0x86: {  	_ =	shalt  }
0x87: {  	_ =	shalt  }
.Lfunc_end0:
.L_simem_size_0:
called_computation_lowered:
.L_overlay_start_0:
0x88: {  	s2 =	sld [smem:$0x3FD9]  }
0x89: {  	s3 =	sld [smem:$0x3FFE];
	_ =	sdelay $0x1  }
0x8a: {  	s1 =	srdreg.scid  }
0x8b: {  	s0 =	sand.u32 $0x1, s1  }
0x8c: {  	s14 =	sshll.u32 s0, $0xA;
	s2 =	sadd.s32 s3, s2  }
0x8d: {  	s2 =	sadd.s32 s2, s14  }
0x8e: {  	[smem:$0x3FC5] =	sst s2  }
0x8f: {  	_ = 	snop  }
0x90: {  	s2 =	sld [smem:$0x3FD0];
	_ =	sdelay $0x2  }
0x91: {  	s15 =	simm.s32 $0xA;
	s4 =	simm.s32 $0x10  }
0x92: {  	[smem:s4], [sflag:s15] =	dma.local [hbm:s2], $0x1  }
0x93: {  	_ =	swait.eq [sflag:s15], $0x1  }
0x94: {  	[sflag:s15] =	ssyncset.done $0x0  }
0x95: {  	s16 =	sld [smem:$0x11];
	[sflag:s15] =	ssyncadd.s32 $0xFFFFFFFF  }
0x96: {  	s17 =	sld [smem:$0x12];
	(tm) =	ssettm $0x1  }
0x97: {  	s18 =	sld [smem:$0x3FFB];
	_ =	sdelay $0x3  }
0x98: {  	_ =	strace s18  }
0x99: {  	s4 =	sld [smem:$0x3FFC];
	_ =	sdelay $0x3  }
0x9a: {  	_ =	strace s4  }
0x9b: {  	s4 =	sld [smem:$0x3FFD];
	_ =	sdelay $0x3  }
0x9c: {  	_ =	strace s4  }
0x9d: {  	_ =	strace $0x8FFFFFFF  }
0x9e: {  	s19 =	sld [smem:$0x3FDB];
	_ =	sdelay $0x1  }
0x9f: {  	s5 =	simm.s32 $_scs_section_size  }
0xa0: {  	s6 =	simm.s32 $_size__tile_overlayer_lowered;
	s7 =	simm.s32 $_tile_overlayer_lowered  }
0xa1: {  	s22 =	simm.s32 $0x1BFF;
	s21 =	sshll.u32 s7, $0x1;
	s4 =	sadd.s32 s5, s19  }
0xa2: {  	s8 =	simm.s32 $0x0;
	s20 =	sshll.u32 s6, $0x1;
	s6 =	sadd.s32 s21, s4  }
0xa3: {  	[timem:s8], [sflag:s22] =	dma.local [hbm:s6], s20  }
0xa4: {  	_ =	swait.ge [sflag:s22], s20  }
0xa5: {  	s5 =	ssub.s32 $0x0, s20;
	[sflag:s22] =	ssyncset.done $0x0  }
0xa6: {  	[sflag:s22] =	ssyncadd.s32 s5;
	_ =	sdelay $0x1  }
0xa7: {  	s23 =	simm.s32 $0x1B8B  }
0xa8: {  	_ =	swait.ge [sflag:s23], $0x1  }
0xa9: {  	[sflag:s23] =	ssyncset.done $0x0  }
0xaa: {  	s25 =	simm.s32 $0x1B8E;
	s24 =	sld [smem:$0x3FFE];
	[sflag:s23] =	ssyncadd.s32 $0xFFFFFFFF  }
0xab: {  	s26 =	simm.s32 $execute0_lowered;
	[smem:$0x3FD2] =	sst s25  }
0xac: {  	s6 =	sshll.u32 s26, $0x1;
	_ =	strace $0x80000049;
	[dreg:$0x1] =	wrdreg $0xFFFFFFFF  }
0xad: {  	s28 =	simm.s32 $_size_execute0_lowered;
	s4 =	sadd.s32 s4, s6;
	[dreg:$0x0] =	wrdreg $0x0  }
0xae: {  	s6 =	sshll.u32 s28, $0x1;
	[dreg:$0x2] =	wrdreg s4  }
0xaf: {  	[dreg:$0x3] =	wrdreg s6  }
0xb0: {  	[dreg:$0x4] =	wrdreg $0xC0  }
0xb1: {  	_ =	task [dreg:s8], $0x5FFFF  }
0xb2: {  	[dreg:$0x1] =	wrdreg $0xFFFFFFFF  }
0xb3: {  	[dreg:$0x0] =	wrdreg $0x60  }
0xb4: {  	[dreg:$0x2] =	wrdreg s17  }
0xb5: {  	[dreg:$0x3] =	wrdreg s16  }
0xb6: {  	[dreg:$0x4] =	wrdreg s24  }
0xb7: {  	[dreg:$0x5] =	wrdreg $0x9  }
0xb8: {  	_ =	task.clear_ibuf [dreg:s8], $0x6FFFF;
	_ =	strace $0x90000049  }
0xb9: {  	s29 =	simm.s32 $0x9;
	_ =	strace $0x8000004B  }
0xba: {  	_ =	swait.ge [sflag:s29], $0x1  }
0xbb: {  	[sflag:s29] =	ssyncadd.s32 $0xFFFFFFFF  }
0xbc: {  	_ =	strace $0x9000004B  }
0xbd: {  	_ =	sfence  }
0xbe: {  	s30 =	sld [smem:$0x0];
	_ =	sdelay $0x2  }
0xbf: {  	s31 =	sshll.u32 s1, $0xD;
	s1 =	sshrl.u32 s1, $0x2  }
0xc0: {  	s3 =	sand.u32 $0x4000, s31;
	s1 =	sadd.s32 s1, s30  }
0xc1: {  	s0 =	sor.u32 s3, s0;
	s1 =	sshll.u32 s1, $0x11  }
0xc2: {  	s0 =	sor.u32 s1, s0  }
0xc3: {  	s0 =	sadd.s32 $0x8F2B, s0  }
0xc4: {  	[sflag:s0] =	ssyncadd.remote.s32 $0x1  }
0xc5: {  	_ =	sfence.sel $0xFFFF  }
0xc6: {  	[dreg:$0x0] =	wrdreg $0xFFFFFFFF;
	(pc) =	sbr.abs _section_cstart, $3  }
0xc7: {  	[dreg:$0x1] =	wrdreg $0xFFFFFFFF  }
0xc8: {  	_ =	task.clear_ibuf [dreg:s8], $0x2FFFF;
	_ =	strace $0x9FFFFFFF  }
0xc9: {  	(tm) =	ssettm $0x7FFFFFFF  }
tec
execute0_lowered:
.L_overlay_start_1:
0x0: {  	(tag) =	ssettag $0x1  }
0x1: {  	s1 =	srdreg.scid;
	s2 =	rddreg [dreg:$0x0]  }
0x2: {  	s0 =	stileid.u32;
	s3 =	rddreg [dreg:$0x1]  }
0x3: {  	s8 =	rddreg [dreg:$0x2];
	s5 =	simm.s32 $0x1;
	s1 =	sshll.u32 s1, $0x5  }
0x4: {  	s9 =	simm.s32 $0x1;
	s4 =	sshll.u32 s0, $0x6;
	s1 =	sand.u32 $0x20, s1  }
0x5: {  	s10 =	simm.s32 $0x3;
	s13 =	simm.s32 $0x0;
	s4 =	sor.u32 s4, s1  }
0x6: {  	s12 =	simm.s32 $0x0;
	s1 =	rddreg [dreg:$0x3];
	s7 =	ssub.s32 $0x640, s4  }
.Ltmp0:
0x7: {  	_ =	strace $0x8000004A;
	s6 =	sand.u32 $0x3E0, s7;
	(pc) =	sbr.rel .LBB2_1-.Ltmp0, $4  }
0x8: {  	s8 =	sadd.s32 $0x4A00, s8;
	[sflag:s5] =	ssyncpa.u1 $0x0;
	p0 =	sne.s32 s6, $0x0  }
0x9: {  	s7 =	sshrl.u32 s7, $0xA;
	s6 =	simm.s32 $0x2;
	s9 =	simm.s32 @!p0 $0x0  }
0xa: {  	s11 =	smov.u32 s4;
	[sflag:s6] =	ssyncpa.u1 $0x0;
	s7 =	sadd.s32 s9, s7  }
0xb: {  	vm0 =	vmmov $0xffff;
	[sflag:s10] =	ssyncpa.u1 $0x0;
	s10 =	simm.s32 $0x0;
	s9 =	sadd.s32 $0x1, s7  }
.LBB2_5:
0xc: {  	s15 =	sadd.s32 $0x400, s11  }
0xd: {  	p1 =	sgt.s32 s15, $0x63F  }
0xe: {  	s15 =	smov.u32 @p1 s4;
	p1 =	sne.s32 s12, s9  }
.Ltmp1:
0xf: {  	p0 =	slt.u32 s12, $0x2;
	(pc) =	sbr.rel @!p1 .LBB2_6-.Ltmp1, $4  }
0x10: {  	s14 =	simm.s32 @!p0 $0x3  }
0x11: {  	_ =	swait.ge @!p0 [sflag:s14], $0x20  }
0x12: {  	s16 =	sadd.s32 $0x1, s12;
	s13 =	smov.u32 s11;
	[sflag:s14] =	ssyncset.done @!p0 $0x0  }
0x13: {  	s12 =	smov.u32 s16;
	s11 =	smov.u32 s15;
	[sflag:s14] =	ssyncadd.s32 @!p0 $0xFFFFFFE0  }
.LBB2_1:
0x14: {  	p0 =	sge.u32 s12, s7  }
0x15: {  	s14 =	sxor.u32 @!p0 $0xFFFFFFFF, s12  }
0x16: {  	s31 =	sadd.s32 $0xFFFFFFFF, s12;
	s15 =	sshrl.u32 @!p0 s11, $0x3;
	s14 =	sshll.u32 @!p0 s14, $0x5  }
0x17: {  	s16 =	sand.u32 @!p0 $0x7, s11;
	s15 =	sadd.s32 @!p0 s3, s15;
	s14 =	sand.u32 @!p0 $0x20, s14  }
0x18: {  	[tilespmem:s14], [sflag:$0x2] =	stream.linear.gather @!p0 [hbm4b:s15+s16], $0x20, $0x38;
	[tilespmem:$0x80] =	vst v63  }
0x19: {  	p0 =	sge.u32 s31, s7  }
.Ltmp2:
0x1a: {  	_ = 	snop;
	(pc) =	sbr.rel @p0 .LBB2_5-.Ltmp2, $1  }
0x1b: {  	_ =	sdelay $0x3  }
0x1c: {  	_ =	swait.ge [sflag:s6], $0x20;
	s14 =	sshll.u32 s12, $0x5;
	s16 =	simm.s32 $0x0  }
0x1d: {  	p0 =	por $0x1, $0x1;
	[sflag:s6] =	ssyncset.done $0x0;
	s15 =	sand.u32 $0x20, s14  }
0x1e: {  	[sflag:s6] =	ssyncadd.s32 $0xFFFFFFE0;
	(ifvalue) =	ssetifvalue $0x7FFFFFFF;
	s14 =	sor.u32 $0x40, s15  }
.LBB2_3:
0x1f: {  	s17 =	sadd.s32 s16, s15  }
0x20: {  	v0 =	vld.msk [tilespmem:s17+$0x0 ss:$0x1], $0xffff;
	_ =	sdelay $0x4  }
0x21: {  	v1 =	vshrl.u32 v0, $0x4  }
0x22: {  	vm1 =	veq.s32 v0, $0x80000000;
	v0 =	vand.u32 $0xF, v0;
	v1 =	vand.u32 $0xFF, v1  }
0x23: {  	v0 =	vsel vm1, $0xFFFFFFFF, v0;
	v1 =	vsel vm1, $0xFFFFFFFF, v1  }
0x24: {  	v2 =	vshll.u32 v0, $0x8;
	v3 =	vshll.u32 v1, $0x3  }
0x25: {  	v0 =	vshll.u32 v0, $0x7;
	v2 =	vand.u32 $0xFFFFF800, v2;
	v3 =	vand.u32 $0xFFFFFC00, v3  }
0x26: {  	v0 =	vand.u32 $0x380, v0;
	v2 =	vadd.s32 v2, v3  }
0x27: {  	v1 =	vand.u32 $0x7F, v1;
	v0 =	vor.u32 v0, v2  }
0x28: {  	p1 =	por p0, p0;
	v0 =	vor.u32 v1, v0  }
.Ltmp3:
0x29: {  	_ = 	snop;
	(pc) =	sbr.rel @p1 .LBB2_3-.Ltmp3, $4  }
0x2a: {  	_ = 	snop  }
0x2b: {  	s31 =	sadd.s32 s16, s14  }
0x2c: {  	s16 =	simm.s32 $0x10;
	p0 =	por $0x0, $0x0;
	(ifvalue) =	ssetifvalue $0x7FFFFFFF  }
0x2d: {  	[tilespmem:s31], [sflag:$0x1] =	stream.indirect_vreg.gather [hbm4b:s2+s10], $0x1, v0, vm0, $0x4038;
	[tilespmem:$0x80] =	vst v63  }
.Ltmp4:
0x2e: {  	(pc) =	sbr.rel .LBB2_5-.Ltmp4, $4  }
0x2f: {  	_ =	swait.ge [sflag:s5], $0x20  }
0x30: {  	s15 =	sshrl.u32 s13, $0x3;
	[sflag:s5] =	ssyncset.done $0x0  }
0x31: {  	s31 =	sand.u32 $0x7, s13;
	s15 =	sadd.s32 s8, s15;
	[sflag:s5] =	ssyncadd.s32 $0xFFFFFFE0  }
0x32: {  	[hbm4b:s15+s31] =	stream.linear.scatter [tilespmem:s14], [sflag:$0x3], $0x20, $0x38;
	[tilespmem:$0x80] =	vst v63  }
.LBB2_6:
0x33: {  	_ =	sfence.sel $0x180000  }
0x34: {  	s2 =	simm.s32 $0x2;
	[bflag:$0x0] =	sbarrier.arrive $0xFFFF  }
0x35: {  	s30 =	simm.s32 $0x3;
	[sflag:s2] =	ssyncpa.u1 $0x1  }
0x36: {  	s31 =	simm.s32 $0x1;
	[sflag:s30] =	ssyncpa.u1 $0x1  }
0x37: {  	[sflag:s31] =	ssyncpa.u1 $0x1  }
0x38: {  	p0 =	sne.s32 s0, $0x0;
	_ =	strace $0x9000004A  }
0x39: {  	s0 =	sadd.s32 @!p0 $0x100000, s1;
	[bflag:$0x2] =	sbarrier.arrive $0xFFFF  }
0x3a: {  	[sflag:s0] =	ssyncadd.tile.s32 @!p0 $0x1;
	_ =	shalt  }
.Lfunc_end2:
_tile_overlayer_lowered:
.L_overlay_start_2:
0x3b: {  	(tag) =	ssettag $0x2  }
0x3c: {  	s0 =	rddreg [dreg:$0x0];
	s2 =	stileid.u32  }
0x3d: {  	s1 =	rddreg [dreg:$0x1];
	p0 =	sne.s32 s2, $0x0  }
0x3e: {  	s3 =	rddreg [dreg:$0x2];
	[bflag:$0x3] =	sbarrier.arrive $0xFFFF;
	s2 =	simm.s32 @!p0 $0x1C01  }
0x3f: {  	[timem:s3], [sflag:s2] =	dma.local @!p0 [hbm:s0], s1  }
0x40: {  	s0 =	simm.s32 @!p0 $0x1  }
0x41: {  	_ =	swait.ge @!p0 [sflag:s0], s1  }
0x42: {  	s1 =	ssub.s32 @!p0 $0x0, s1;
	[sflag:s0] =	ssyncset.done @!p0 $0x0  }
0x43: {  	[sflag:s0] =	ssyncadd.s32 @!p0 s1  }
0x44: {  	[bflag:$0x3] =	sbarrier.arrive $0xFFFF  }
0x45: {  	_ =	shalt  }

// kernel: kernel.4.cloned.1.call-start
scs
__scs_entry_jumppad:
0x0: {  	(pc) =	sbr.rel $0x88, $3  }
0x1: {  	(tag) =	ssettag $0x0;
	lr =	simm.s32 $0x1  }
0x2: {  	[smem:$0x3F9E] =	sst lr;
	_ =	strace $0xD0000000  }
0x3: {  	_ = 	snop  }
0x4: {  	_ = 	snop  }
0x5: {  	_ = 	snop  }
0x6: {  	_ = 	snop  }
0x7: {  	_ = 	snop  }
__scs_overlays_trampoline_lowered:
0x8: {  	[smem:$0x3FAD] =	sst s0  }
0x9: {  	[smem:$0x3FAE] =	sst s1  }
0xa: {  	[smem:$0x3FAF] =	sst s2  }
0xb: {  	[smem:$0x3FB0] =	sst s3  }
0xc: {  	[smem:$0x3FB1] =	sst s4  }
0xd: {  	[smem:$0x3FB2] =	sst s5  }
0xe: {  	[smem:$0x3FB3] =	sst s6  }
0xf: {  	[smem:$0x3FB4] =	sst s7  }
0x10: {  	[smem:$0x3FB5] =	sst s8  }
0x11: {  	[smem:$0x3FB6] =	sst s9;
	s0 =	simm.s32 @!p0 $0x0  }
0x12: {  	s1 =	sld [smem:$0x3F9C];
	s0 =	simm.s32 @p0 $0x1  }
0x13: {  	[smem:$0x3FB7] =	sst s0;
	s0 =	simm.s32 @!p1 $0x0  }
0x14: {  	s2 =	sld [smem:$0x3F9B];
	s0 =	simm.s32 @p1 $0x1  }
0x15: {  	[smem:$0x3FB8] =	sst s0;
	s0 =	simm.s32 @!p2 $0x0  }
0x16: {  	s3 =	sld [smem:$0x3FDB];
	s0 =	simm.s32 @p2 $0x1  }
0x17: {  	s4 =	simm.s32 $0x1BF5;
	[smem:$0x3FBA] =	sst s0  }
0x18: {  	s0 =	sld [smem:$0x3F9D];
	_ =	swait.ge [sflag:s4], $0x0  }
0x19: {  	s7 =	sld [smem:$0x3F9E]  }
0x1a: {  	s8 =	sadd.s32 $0xFFFFE003, lr  }
0x1b: {  	s9 =	sadd.s32 $0xFFFFFEF7, lr;
	s5 =	simm.s32 $0xFFFFFFFF;
	p2 =	slt.u32 s8, $0xFFFFF086  }
0x1c: {  	p1 =	slt.u32 s9, $0xF7A;
	s5 =	simm.s32 @!p2 $0x0  }
0x1d: {  	s5 =	simm.s32 @p1 $0x1;
	p0 =	seq.s32 s7, s2  }
0x1e: {  	s7 =	smul.u32 @!p0 $0xF7A, s2;
	p2 =	seq.s32 @!p0 s5, $0x0  }
0x1f: {  	s9 =	smul.u32 $0xF7A, s1;
	s8 =	simm.s32 @!p0 $0x1BF5;
	p2 =	por !p2, p0  }
0x20: {  	[sflag:s8] =	ssyncset.s32 @!p0 $0xFFFFF086;
	s6 =	sadd.s32 @!p0 s3, s7;
	s7 =	simm.s32 @!p0 $0x108  }
0x21: {  	s3 =	sadd.s32 s3, s9;
	s6 =	sadd.s32 @!p0 $0x88, s6;
	s7 =	simm.s32 @p2 $0x1082  }
0x22: {  	[simem:s7], [sflag:s8] =	dma.local @!p0 [hbm:s6], $0xF7A  }
0x23: {  	s9 =	sor.u32 $0xD0000000, s2;
	s6 =	simm.s32 $0x108;
	_ =	swait.ge @!p0 [sflag:s8], $0x0  }
0x24: {  	s3 =	sadd.s32 $0x88, s3;
	s6 =	simm.s32 @!p1 $0x1082;
	[sflag:s4] =	ssyncset.s32 $0xFFFFF086  }
0x25: {  	[simem:s6], [sflag:s4] =	dma.local [hbm:s3], $0xF7A  }
0x26: {  	[smem:$0x3F9E] =	sst s1;
	(tag) =	ssettag s2;
	_ =	strace s9  }
0x27: {  	s1 =	sld [smem:$0x3FAE]  }
0x28: {  	s2 =	sld [smem:$0x3FAF]  }
0x29: {  	s4 =	sld [smem:$0x3FB1]  }
0x2a: {  	p0 =	seq.s32 s5, $0x0;
	s5 =	sld [smem:$0x3FB2]  }
0x2b: {  	s6 =	sld [smem:$0x3FB3]  }
0x2c: {  	s7 =	sld [smem:$0x3FB4]  }
0x2d: {  	s3 =	simm.s32 $0x108;
	s8 =	sld [smem:$0x3FB5]  }
0x2e: {  	s3 =	simm.s32 @!p0 $0x1082;
	s9 =	sld [smem:$0x3FB6]  }
0x2f: {  	lr =	sadd.s32 s0, s3;
	s0 =	sld [smem:$0x3FAD]  }
0x30: {  	s3 =	sld [smem:$0x3FB0]  }
0x31: {  	[smem:$0x3FB9] =	sst s10  }
0x32: {  	s10 =	sld [smem:$0x3FB7];
	_ =	sdelay $0x3  }
0x33: {  	p0 =	seq.s32 s10, $0x1;
	s10 =	sld [smem:$0x3FB9];
	_ =	sdelay $0x3  }
0x34: {  	[smem:$0x3FB9] =	sst s10  }
0x35: {  	s10 =	sld [smem:$0x3FB8];
	_ =	sdelay $0x3  }
0x36: {  	p1 =	seq.s32 s10, $0x1;
	s10 =	sld [smem:$0x3FB9];
	_ =	sdelay $0x3  }
0x37: {  	[smem:$0x3FB9] =	sst s10  }
0x38: {  	s10 =	sld [smem:$0x3FBA]  }
0x39: {  	_ = 	snop;
	(pc) =	sbr.ind lr, $3  }
0x3a: {  	_ = 	snop  }
0x3b: {  	_ = 	snop  }
0x3c: {  	p2 =	seq.s32 s10, $0x1;
	s10 =	sld [smem:$0x3FB9]  }
0x3d: {  	_ =	shalt  }
0x3e: {  	_ =	shalt  }
0x3f: {  	_ =	shalt  }
0x40: {  	_ =	shalt  }
0x41: {  	_ =	shalt  }
0x42: {  	_ =	shalt  }
0x43: {  	_ =	shalt  }
0x44: {  	_ =	shalt  }
0x45: {  	_ =	shalt  }
0x46: {  	_ =	shalt  }
0x47: {  	_ =	shalt  }
0x48: {  	_ =	shalt  }
0x49: {  	_ =	shalt  }
0x4a: {  	_ =	shalt  }
0x4b: {  	_ =	shalt  }
0x4c: {  	_ =	shalt  }
0x4d: {  	_ =	shalt  }
0x4e: {  	_ =	shalt  }
0x4f: {  	_ =	shalt  }
0x50: {  	_ =	shalt  }
0x51: {  	_ =	shalt  }
0x52: {  	_ =	shalt  }
0x53: {  	_ =	shalt  }
0x54: {  	_ =	shalt  }
0x55: {  	_ =	shalt  }
0x56: {  	_ =	shalt  }
0x57: {  	_ =	shalt  }
0x58: {  	_ =	shalt  }
0x59: {  	_ =	shalt  }
0x5a: {  	_ =	shalt  }
0x5b: {  	_ =	shalt  }
0x5c: {  	_ =	shalt  }
0x5d: {  	_ =	shalt  }
0x5e: {  	_ =	shalt  }
0x5f: {  	_ =	shalt  }
0x60: {  	_ =	shalt  }
0x61: {  	_ =	shalt  }
0x62: {  	_ =	shalt  }
0x63: {  	_ =	shalt  }
0x64: {  	_ =	shalt  }
0x65: {  	_ =	shalt  }
0x66: {  	_ =	shalt  }
0x67: {  	_ =	shalt  }
0x68: {  	_ =	shalt  }
0x69: {  	_ =	shalt  }
0x6a: {  	_ =	shalt  }
0x6b: {  	_ =	shalt  }
0x6c: {  	_ =	shalt  }
0x6d: {  	_ =	shalt  }
0x6e: {  	_ =	shalt  }
0x6f: {  	_ =	shalt  }
0x70: {  	_ =	shalt  }
0x71: {  	_ =	shalt  }
0x72: {  	_ =	shalt  }
0x73: {  	_ =	shalt  }
0x74: {  	_ =	shalt  }
0x75: {  	_ =	shalt  }
0x76: {  	_ =	shalt  }
0x77: {  	_ =	shalt  }
0x78: {  	_ =	shalt  }
0x79: {  	_ =	shalt  }
0x7a: {  	_ =	shalt  }
0x7b: {  	_ =	shalt  }
0x7c: {  	_ =	shalt  }
0x7d: {  	_ =	shalt  }
0x7e: {  	_ =	shalt  }
0x7f: {  	_ =	shalt  }
0x80: {  	_ =	shalt  }
0x81: {  	_ =	shalt  }
0x82: {  	_ =	shalt  }
0x83: {  	_ =	shalt  }
0x84: {  	_ =	shalt  }
0x85: {  	_ =	shalt  }
0x86: {  	_ =	shalt  }
0x87: {  	_ =	shalt  }
.Lfunc_end0:
.L_simem_size_0:
called_computation.2_lowered:
.L_overlay_start_0:
0x88: {  	s2 =	sld [smem:$0x3FD9]  }
0x89: {  	s3 =	sld [smem:$0x3FFE];
	_ =	sdelay $0x1  }
0x8a: {  	s1 =	srdreg.scid  }
0x8b: {  	s0 =	sand.u32 $0x1, s1  }
0x8c: {  	s14 =	sshll.u32 s0, $0xA;
	s2 =	sadd.s32 s3, s2  }
0x8d: {  	s2 =	sadd.s32 s2, s14  }
0x8e: {  	[smem:$0x3FC5] =	sst s2  }
0x8f: {  	_ = 	snop  }
0x90: {  	s2 =	sld [smem:$0x3FD0];
	_ =	sdelay $0x2  }
0x91: {  	s15 =	simm.s32 $0xA;
	s4 =	simm.s32 $0x10  }
0x92: {  	[smem:s4], [sflag:s15] =	dma.local [hbm:s2], $0x1  }
0x93: {  	_ =	swait.eq [sflag:s15], $0x1  }
0x94: {  	[sflag:s15] =	ssyncset.done $0x0  }
0x95: {  	s16 =	sld [smem:$0x11];
	[sflag:s15] =	ssyncadd.s32 $0xFFFFFFFF  }
0x96: {  	s17 =	sld [smem:$0x12];
	(tm) =	ssettm $0x1  }
0x97: {  	s18 =	sld [smem:$0x3FFB];
	_ =	sdelay $0x3  }
0x98: {  	_ =	strace s18  }
0x99: {  	s4 =	sld [smem:$0x3FFC];
	_ =	sdelay $0x3  }
0x9a: {  	_ =	strace s4  }
0x9b: {  	s4 =	sld [smem:$0x3FFD];
	_ =	sdelay $0x3  }
0x9c: {  	_ =	strace s4  }
0x9d: {  	_ =	strace $0x8FFFFFFF  }
0x9e: {  	s19 =	sld [smem:$0x3FDB];
	_ =	sdelay $0x1  }
0x9f: {  	s5 =	simm.s32 $_scs_section_size  }
0xa0: {  	s6 =	simm.s32 $_size__tile_overlayer_lowered;
	s7 =	simm.s32 $_tile_overlayer_lowered  }
0xa1: {  	s22 =	simm.s32 $0x1BFF;
	s21 =	sshll.u32 s7, $0x1;
	s4 =	sadd.s32 s5, s19  }
0xa2: {  	s8 =	simm.s32 $0x0;
	s20 =	sshll.u32 s6, $0x1;
	s6 =	sadd.s32 s21, s4  }
0xa3: {  	[timem:s8], [sflag:s22] =	dma.local [hbm:s6], s20  }
0xa4: {  	_ =	swait.ge [sflag:s22], s20  }
0xa5: {  	s5 =	ssub.s32 $0x0, s20;
	[sflag:s22] =	ssyncset.done $0x0  }
0xa6: {  	[sflag:s22] =	ssyncadd.s32 s5;
	_ =	sdelay $0x1  }
0xa7: {  	s23 =	simm.s32 $0x1B8B  }
0xa8: {  	_ =	swait.ge [sflag:s23], $0x1  }
0xa9: {  	[sflag:s23] =	ssyncset.done $0x0  }
0xaa: {  	s25 =	simm.s32 $0x1B8E;
	s24 =	sld [smem:$0x3FFE];
	[sflag:s23] =	ssyncadd.s32 $0xFFFFFFFF  }
0xab: {  	s26 =	simm.s32 $execute0_lowered;
	[smem:$0x3FD2] =	sst s25  }
0xac: {  	s6 =	sshll.u32 s26, $0x1;
	_ =	strace $0x80000046;
	[dreg:$0x1] =	wrdreg $0xFFFFFFFF  }
0xad: {  	s28 =	simm.s32 $_size_execute0_lowered;
	s4 =	sadd.s32 s4, s6;
	[dreg:$0x0] =	wrdreg $0x0  }
0xae: {  	s6 =	sshll.u32 s28, $0x1;
	[dreg:$0x2] =	wrdreg s4  }
0xaf: {  	[dreg:$0x3] =	wrdreg s6  }
0xb0: {  	[dreg:$0x4] =	wrdreg $0xC0  }
0xb1: {  	_ =	task [dreg:s8], $0x5FFFF  }
0xb2: {  	[dreg:$0x1] =	wrdreg $0xFFFFFFFF  }
0xb3: {  	[dreg:$0x0] =	wrdreg $0x60  }
0xb4: {  	[dreg:$0x2] =	wrdreg s24  }
0xb5: {  	[dreg:$0x3] =	wrdreg s16  }
0xb6: {  	[dreg:$0x4] =	wrdreg s17  }
0xb7: {  	[dreg:$0x5] =	wrdreg $0x9  }
0xb8: {  	_ =	task.clear_ibuf [dreg:s8], $0x6FFFF;
	_ =	strace $0x90000046  }
0xb9: {  	s29 =	simm.s32 $0x9;
	_ =	strace $0x80000048  }
0xba: {  	_ =	swait.ge [sflag:s29], $0x1  }
0xbb: {  	[sflag:s29] =	ssyncadd.s32 $0xFFFFFFFF  }
0xbc: {  	_ =	strace $0x90000048  }
0xbd: {  	_ =	sfence  }
0xbe: {  	s30 =	sld [smem:$0x0];
	_ =	sdelay $0x2  }
0xbf: {  	s31 =	sshll.u32 s1, $0xD;
	s1 =	sshrl.u32 s1, $0x2  }
0xc0: {  	s3 =	sand.u32 $0x4000, s31;
	s1 =	sadd.s32 s1, s30  }
0xc1: {  	s0 =	sor.u32 s3, s0;
	s1 =	sshll.u32 s1, $0x11  }
0xc2: {  	s0 =	sor.u32 s1, s0  }
0xc3: {  	s0 =	sadd.s32 $0x8F2B, s0  }
0xc4: {  	[sflag:s0] =	ssyncadd.remote.s32 $0x1  }
0xc5: {  	_ =	sfence.sel $0xFFFF  }
0xc6: {  	[dreg:$0x0] =	wrdreg $0xFFFFFFFF;
	(pc) =	sbr.abs _section_cstart, $3  }
0xc7: {  	[dreg:$0x1] =	wrdreg $0xFFFFFFFF  }
0xc8: {  	_ =	task.clear_ibuf [dreg:s8], $0x2FFFF;
	_ =	strace $0x9FFFFFFF  }
0xc9: {  	(tm) =	ssettm $0x7FFFFFFF  }
tec
execute0_lowered:
.L_overlay_start_1:
0x0: {  	(tag) =	ssettag $0x1  }
0x1: {  	s3 =	stileid.u32  }
0x2: {  	p0 =	sgt.u32 s3, $0x7  }
.Ltmp0:
0x3: {  	_ = 	snop;
	(pc) =	sbr.rel @p0 .LBB2_32-.Ltmp0, $4  }
0x4: {  	s1 =	rddreg [dreg:$0x0]  }
0x5: {  	s2 =	rddreg [dreg:$0x1];
	s4 =	simm.s32 $0x0  }
0x6: {  	[smem:$0x7FF] =	sst s4  }
0x7: {  	s0 =	rddreg [dreg:$0x2];
	_ =	strace $0x80000047  }
0x8: {  	s3 =	srdreg.scid;
	s4 =	stileid.u32  }
0x9: {  	s7 =	sadd.s32 $0x800, s1;
	s3 =	sand.u32 $0x1, s3;
	s4 =	sshll.u32 s4, $0x1  }
0xa: {  	s18 =	simm.s32 $0x4E20;
	s29 =	simm.s32 $0x8E20;
	s4 =	sor.u32 s3, s4  }
0xb: {  	v0 =	vlaneseq.u32;
	s16 =	simm.s32 $0xFF20;
	s19 =	simm.s32 $0x8F20;
	v2 =	vimm.s32 $0x0;
	s5 =	smul.u32 $0x378AC, s4  }
0xc: {  	s15 =	simm.s32 $0x80;
	s17 =	simm.s32 $0xFFA0;
	v5 =	vimm.s32 $0x1;
	v9 =	vimm.s32 $0xECA86420;
	vm0 =	vcmask $0xB08;
	s6 =	smul.u32 $0x2710, s4  }
0xd: {  	vm1 =	vcmask $0x1310;
	vm2 =	vcmask $0x1B18;
	vm3 =	vcmask $0x300;
	s8 =	sshll.u32 s4, $0x5;
	s10 =	sshll.u32 s4, $0x7;
	s11 =	sshll.u32 s4, $0x1  }
0xe: {  	vm4 =	vcmask $0x2320;
	vm5 =	vcmask $0x2B28;
	vm6 =	vcmask $0x3330;
	s26 =	smul.u32 $0x9C4, s4;
	s9 =	sadd.s32 s8, s1;
	s2 =	sadd.s32 s2, s11  }
0xf: {  	vm7 =	vcmask $0x3B38;
	v11 =	vimm.f32 $5.000000000e-01;
	vm9 =	vcmask $0x700;
	s22 =	sadd.s32 s10, s1;
	s0 =	sadd.s32 s0, s8;
	[smem:$0x7F6] =	sst s2  }
0x10: {  	vm8 =	vmmov $0xff;
	v14 =	vimm.f32 $-3.000000010e+38;
	v1 =	vmul.u32 $0xFFFFFFFF, v0;
	s5 =	sadd.s32 s5, s1;
	[smem:$0x7F9] =	sst s0;
	s28 =	sadd.s32 $0x31800, s9  }
0x11: {  	v4 =	vor.u32 $0x80000000, v0;
	v6 =	vor.u32 $0x10, v0;
	v7 =	vor.u32 $0x20, v0;
	s6 =	sadd.s32 s6, s1;
	s1 =	sadd.s32 $0x31A00, s22;
	[smem:$0x7FA] =	sst s28  }
0x12: {  	v9 =	vunpack.c.l.s4.s8 v9;
	v12 =	vsel vm9, $0xBF000000, v11;
	vm9 =	vcmask $0x1710;
	s25 =	ssub.s32 $0x2, s3;
	s31 =	sadd.s32 s7, s26;
	[smem:$0x7FB] =	sst s1  }
0x13: {  	v8 =	vor.u32 $0x30, v0;
	v10 =	vmul.u32 $0x2, v0;
	v13 =	vsel vm9, $0xBF000000, v12;
	s30 =	sshrl.u32 s25, $0x1;
	s23 =	sadd.s32 $0x4E2800, s5;
	[smem:$0x7FC] =	sst s31  }
0x14: {  	vm9 =	vcmask $0x2720;
	v3 =	vadd.s32 $0xF, v1;
	v9 =	vunpack.c.0.s8.s32 v9;
	s0 =	ssub.s32 s25, s30;
	s24 =	sadd.s32 $0xA600, s6;
	[smem:$0x7F7] =	sst s23  }
0x15: {  	s20 =	simm.s32 $0x1;
	v11 =	vadd.s32 $0xFFFFFFF0, v1;
	v15 =	vsel vm9, $0xBF000000, v13;
	vm9 =	vcmask $0x3730;
	s0 =	smax.u32 s0, $0x1;
	[smem:$0x7F8] =	sst s24  }
0x16: {  	v12 =	vadd.s32 $0xFFFFFFE0, v1;
	v13 =	vadd.s32 $0xFFFFFFD0, v1;
	v15 =	vsel vm9, $0xBF000000, v15;
	s2 =	simm.s32 $0x2;
	s1 =	simm.s32 $0x0;
	[smem:$0x7FD] =	sst s0  }
.LBB2_2:
0x17: {  	s30 =	sld [smem:$0x7FC];
	_ =	sdelay $0x1  }
0x18: {  	[smem:$0x7F5] =	sst s1;
	s0 =	simm.s32 $0x0  }
0x19: {  	[tilespmem:s0], [sflag:$0x2] =	stream.linear.gather [hbm4b:s30+s0], $0x4E20, $0x38;
	[tilespmem:$0x11E30] =	vst v63  }
0x1a: {  	_ =	swait.ge [sflag:s2], $0x4E20  }
0x1b: {  	s31 =	sld [smem:$0x7F6]  }
0x1c: {  	[sflag:s2] =	ssyncset.done $0x0  }
0x1d: {  	s3 =	simm.s32 $0x11E20;
	[sflag:s2] =	ssyncadd.s32 $0xFFFFB1E0  }
0x1e: {  	[tilespmem:s3], [sflag:$0x2] =	stream.linear.gather [hbm4b:s31+s0], $0x10, $0x38;
	[tilespmem:$0x11E30] =	vst v63  }
0x1f: {  	_ =	swait.ge [sflag:s2], $0x10  }
0x20: {  	[sflag:s2] =	ssyncset.done $0x0  }
0x21: {  	s1 =	simm.s32 $0x0;
	[sflag:s2] =	ssyncadd.s32 $0xFFFFFFF0;
	s2 =	simm.s32 $0x100  }
.LBB2_3:
0x22: {  	p0 =	sne.s32 s2, $0xFF00;
	[tilespmem:s1+$0x4E50] =	vst v2;
	s3 =	smov.u32 s2;
	s2 =	sadd.s32 $0x100, s2  }
.Ltmp1:
0x23: {  	[tilespmem:s1+$0x4E40] =	vst v2;
	(pc) =	sbr.rel @p0 .LBB2_3-.Ltmp1, $3  }
0x24: {  	[tilespmem:s1+$0x4E20] =	vst v2  }
0x25: {  	[tilespmem:s1+$0x4E30] =	vst v2;
	_ =	sdelay $0x1  }
0x26: {  	s1 =	sshra.s32 s3, $0x2  }
0x27: {  	[tilespmem:s1+$0x4E50] =	vst v2  }
0x28: {  	[tilespmem:s1+$0x4E40] =	vst v2  }
0x29: {  	[tilespmem:s1+$0x4E20] =	vst v2  }
0x2a: {  	[tilespmem:s1+$0x4E30] =	vst v2  }
.LBB2_5:
0x2b: {  	s1 =	sshra.s32 s0, $0x2  }
0x2c: {  	v16 =	vld [tilespmem:s1+$0x0];
	_ =	sdelay $0x4  }
0x2d: {  	v17 =	vshra.s32 v16, $0x1F  }
0x2e: {  	v17 =	vor.u32 $0x80000000, v17  }
0x2f: {  	v16 =	vxor.u32 v16, v17  }
0x30: {  	v16 =	vshrl.u32 v16, $0x12;
	_ =	sdelay $0x4  }
0x31: {  	[tilespmem:v16+s18+$0x0] =	vst.idx.add.s32.msk $0xffff, v5  }
0x32: {  	v16 =	vld [tilespmem:s1+$0x10];
	_ =	sdelay $0x4  }
0x33: {  	v17 =	vshra.s32 v16, $0x1F  }
0x34: {  	v17 =	vor.u32 $0x80000000, v17  }
0x35: {  	v16 =	vxor.u32 v16, v17  }
0x36: {  	v16 =	vshrl.u32 v16, $0x12;
	_ =	sdelay $0x4  }
0x37: {  	[tilespmem:v16+s18+$0x0] =	vst.idx.add.s32.msk $0xffff, v5  }
0x38: {  	v16 =	vld [tilespmem:s1+$0x20];
	_ =	sdelay $0x4  }
0x39: {  	v17 =	vshra.s32 v16, $0x1F  }
0x3a: {  	v17 =	vor.u32 $0x80000000, v17  }
0x3b: {  	v16 =	vxor.u32 v16, v17  }
0x3c: {  	v16 =	vshrl.u32 v16, $0x12;
	_ =	sdelay $0x4  }
0x3d: {  	[tilespmem:v16+s18+$0x0] =	vst.idx.add.s32.msk $0xffff, v5  }
0x3e: {  	v16 =	vld [tilespmem:s1+$0x30];
	_ =	sdelay $0x4  }
0x3f: {  	v17 =	vshra.s32 v16, $0x1F  }
0x40: {  	v17 =	vor.u32 $0x80000000, v17  }
0x41: {  	v16 =	vxor.u32 v16, v17  }
0x42: {  	p0 =	sne.s32 s0, $0x13700;
	v16 =	vshrl.u32 v16, $0x12  }
.Ltmp2:
0x43: {  	_ = 	snop;
	(pc) =	sbr.rel @p0 .LBB2_5-.Ltmp2, $2  }
0x44: {  	_ =	sdelay $0x2  }
0x45: {  	s0 =	sadd.s32 $0x100, s0;
	[tilespmem:v16+s18+$0x0] =	vst.idx.add.s32.msk $0xffff, v5  }
0x46: {  	v16 =	vld [tilespmem:$0x4E00];
	_ =	sdelay $0x4  }
0x47: {  	v17 =	vshra.s32 v16, $0x1F  }
0x48: {  	v17 =	vor.u32 $0x80000000, v17  }
0x49: {  	v16 =	vxor.u32 v16, v17  }
0x4a: {  	v16 =	vshrl.u32 v16, $0x12;
	_ =	sdelay $0x4  }
0x4b: {  	[tilespmem:v16+s18+$0x0] =	vst.idx.add.s32.msk $0xffff, v5  }
0x4c: {  	v16 =	vld [tilespmem:$0x4E10];
	_ =	sdelay $0x4  }
0x4d: {  	v17 =	vshra.s32 v16, $0x1F  }
0x4e: {  	v17 =	vor.u32 $0x80000000, v17  }
0x4f: {  	v16 =	vxor.u32 v16, v17  }
0x50: {  	v16 =	vshrl.u32 v16, $0x12;
	_ =	sdelay $0x4  }
0x51: {  	s1 =	simm.s32 $0x8E10;
	[tilespmem:v16+s18+$0x0] =	vst.idx.add.s32.msk $0xffff, v5  }
0x52: {  	v16 =	vld [tilespmem:s1+$0x0];
	_ =	sdelay $0x4  }
0x53: {  	v17 =	vcvt.s32.f32 v16;
	_ =	sdelay $0x1  }
0x54: {  	v17 =	vperm.xlane v17, v3  }
0x55: {  	s13 =	simm.s32 $0x8E00  }
0x56: {  	(xrf2) =	vadd.scan.msk.f32 $0xffff, v17;
	v17 =	vld [tilespmem:s13+$0x0]  }
0x57: {  	(xrf0) =	vadd.scan.msk.s32 $0xffff, v16;
	_ =	sdelay $0x2  }
0x58: {  	s14 =	simm.s32 $0x8DF0  }
0x59: {  	v16 =	vld [tilespmem:s14+$0x0];
	(xrf0) =	vadd.scan.msk.s32 $0xffff, v17;
	_ =	sdelay $0x1  }
0x5a: {  	s21 =	simm.s32 $0x8DE0;
	v18, _, _ =	vpop (xrf0);
	v17 =	vcvt.s32.f32 v17  }
0x5b: {  	v19 =	vld [tilespmem:s21+$0x0];
	(v2sf) =	vpush v18, $0xF  }
0x5c: {  	v17 =	vperm.xlane v17, v3  }
0x5d: {  	(xrf0) =	vadd.scan.msk.s32 $0xffff, v16;
	v18, _, _ =	vpop (xrf2)  }
0x5e: {  	v16 =	vcvt.s32.f32 v16;
	(xrf2) =	vadd.scan.msk.f32 $0xffff, v17;
	v18 =	vtrunc.f32 v18;
	v20, _, _ =	vpop (xrf0)  }
0x5f: {  	s22 =	simm.s32 $0x8DD0;
	v18 =	vcvt.f32.s32 v18;
	(v2sf) =	vpush v20, $0xF  }
0x60: {  	s0 =	simm.s32 $0x0;
	(xrf0) =	vadd.scan.msk.s32 $0xffff, v19;
	v16 =	vperm.xlane v16, v3;
	v17 =	vcvt.s32.f32 v19;
	v19 =	vld [tilespmem:s22+$0x0]  }
0x61: {  	v18 =	vadd.s32 s0, v18  }
0x62: {  	(xrf2) =	vadd.scan.msk.f32 $0xffff, v16;
	vm9 =	vgt.s32 v18, $0x63  }
0x63: {  	v16 =	vperm.xlane v17, v3;
	v17 =	vnsel vm9, $0x80000063, v4  }
0x64: {  	(xrf0) =	vmin.scan.msk.u32 $0xffff, v17  }
0x65: {  	v20, _, _ =	vpop (xrf0);
	(xrf0) =	vadd.scan.msk.s32 $0xffff, v19  }
0x66: {  	s23 =	simm.s32 $0x8DC0;
	(v2sf) =	vpush v20, $0xF;
	(xrf2) =	vadd.scan.msk.f32 $0xffff, v16;
	v16 =	vcvt.s32.f32 v19  }
0x67: {  	v18 =	vld [tilespmem:s23+$0x0];
	v17, _, _ =	vpop (xrf0)  }
0x68: {  	v16 =	vperm.xlane v16, v3;
	(v2sf) =	vpush v17, $0xF;
	v17, _, _ =	vpop (xrf2)  }
0x69: {  	v17 =	vtrunc.f32 v17  }
0x6a: {  	s24 =	spop (v2sf);
	(xrf2) =	vadd.scan.msk.f32 $0xffff, v16;
	v16 =	vcvt.f32.s32 v17;
	v19, _, _ =	vpop (xrf0)  }
0x6b: {  	s1 =	sadd.s32 $0x0, s24;
	(v2sf) =	vpush v19, $0xF;
	v19, _, _ =	vpop (xrf0)  }
0x6c: {  	v17 =	vcvt.s32.f32 v18;
	v16 =	vadd.s32 s1, v16;
	(v2sf) =	vpush v19, $0xF;
	v19, _, _ =	vpop (xrf2)  }
0x6d: {  	vm9 =	vgt.s32 v16, $0x63;
	v16 =	vtrunc.f32 v19  }
0x6e: {  	v17 =	vperm.xlane v17, v3;
	v16 =	vcvt.f32.s32 v16;
	s2 =	spop (v2sf)  }
0x6f: {  	s1 =	sadd.s32 s1, s2  }
0x70: {  	v19 =	vnsel vm9, $0x80000063, v4;
	(xrf2) =	vadd.scan.msk.f32 $0xffff, v17;
	v16 =	vadd.s32 s1, v16  }
0x71: {  	(xrf0) =	vmin.scan.msk.u32 $0xffff, v19;
	vm9 =	vgt.s32 v16, $0x63  }
0x72: {  	(xrf0) =	vadd.scan.msk.s32 $0xffff, v18;
	v18 =	vnsel vm9, $0x80000063, v4  }
0x73: {  	s3 =	simm.s32 $0x8DB0;
	v20, _, _ =	vpop (xrf2)  }
0x74: {  	v17 =	vld [tilespmem:s3+$0x0];
	v19 =	vtrunc.f32 v20  }
0x75: {  	v19 =	vcvt.f32.s32 v19;
	s25 =	spop (v2sf);
	(xrf0) =	vmin.scan.msk.u32 $0xffff, v18;
	v18, _, _ =	vpop (xrf2)  }
0x76: {  	s1 =	sadd.s32 s1, s25;
	v18 =	vtrunc.f32 v18  }
0x77: {  	v19 =	vadd.s32 s1, v19;
	s28 =	spop (v2sf);
	v18 =	vcvt.f32.s32 v18  }
0x78: {  	s26 =	simm.s32 $0x8DA0;
	vm9 =	vgt.s32 v19, $0x63;
	s9 =	sadd.s32 s1, s28  }
0x79: {  	v16 =	vld [tilespmem:s26+$0x0];
	v19 =	vnsel vm9, $0x80000063, v4;
	(xrf0) =	vadd.scan.msk.s32 $0xffff, v17;
	v18 =	vadd.s32 s9, v18  }
0x7a: {  	v20, _, _ =	vpop (xrf0);
	(xrf0) =	vmin.scan.msk.u32 $0xffff, v19  }
0x7b: {  	v17 =	vcvt.s32.f32 v17;
	(v2sf) =	vpush v20, $0xF  }
0x7c: {  	vm9 =	vgt.s32 v18, $0x63;
	v18, _, _ =	vpop (xrf2)  }
0x7d: {  	v19, _, _ =	vpop (xrf0);
	v17 =	vperm.xlane v17, v3;
	v18 =	vtrunc.f32 v18  }
0x7e: {  	(xrf0) =	vadd.scan.msk.s32 $0xffff, v16;
	(v2sf) =	vpush v19, $0xF;
	v19, _, _ =	vpop (xrf0)  }
0x7f: {  	(xrf2) =	vadd.scan.msk.f32 $0xffff, v17;
	(v2sf) =	vpush v19, $0xF;
	v19, _, _ =	vpop (xrf0);
	v17 =	vnsel vm9, $0x80000063, v4  }
0x80: {  	(v2sf) =	vpush v19, $0xF;
	(xrf0) =	vmin.scan.msk.u32 $0xffff, v17;
	v17 =	vcvt.f32.s32 v18;
	v18, _, _ =	vpop (xrf0)  }
0x81: {  	s8 =	simm.s32 $0x80003FEF;
	s10 =	spop (v2sf);
	(v2sf) =	vpush v18, $0xF  }
0x82: {  	s7 =	simm.s32 $0x80003FDF;
	s30 =	simm.s32 $0x8D90;
	v16 =	vcvt.s32.f32 v16  }
0x83: {  	s6 =	simm.s32 $0x80003FCF;
	s4 =	simm.s32 $0x80003FBF;
	v20 =	vld [tilespmem:s30+$0x0]  }
0x84: {  	s5 =	simm.s32 $0x80003FAF;
	s3 =	simm.s32 $0x80003F9F;
	v16 =	vperm.xlane v16, v3  }
0x85: {  	p0 =	por $0x0, $0x0;
	s2 =	simm.s32 $0x80003F8F;
	s1 =	simm.s32 $0x80003F7F  }
0x86: {  	s11 =	sxor.u32 $0x80000000, s10;
	s12 =	ssub.s32 $0x80003FFF, s10;
	s31 =	spop (v2sf);
	(xrf2) =	vadd.scan.msk.f32 $0xffff, v16  }
0x87: {  	p1 =	slt.s32 s11, $0x10;
	s12 =	smov.u32 @p0 s0;
	s9 =	sadd.s32 s9, s31  }
0x88: {  	s10 =	simm.s32 $0x80003F6F;
	v16 =	vcvt.s32.f32 v20;
	s11 =	simm.s32 $0x8D80;
	s0 =	smov.u32 @p1 s12;
	(xrf0) =	vadd.scan.msk.s32 $0xffff, v20;
	v17 =	vadd.s32 s9, v17;
	v18, _, _ =	vpop (xrf0)  }
.LBB2_7:
0x89: {  	p2 =	seq.s32 s10, $0x8000000F  }
0x8a: {  	s12 =	spop (v2sf);
	s13 =	smov.u32 s2;
	s2 =	smov.u32 s1  }
0x8b: {  	v19 =	vld [tilespmem:s11+$0x0];
	(v2sf) =	vpush v18, $0xF;
	vm9 =	vgt.s32 v17, $0x63;
	s1 =	smov.u32 s10;
	s10 =	sadd.s32 $0xFFFFFFF0, s10;
	p0 =	por p0, p1  }
.Ltmp3:
0x8c: {  	v16 =	vperm.xlane v16, v3;
	v17, _, _ =	vpop (xrf2);
	v20 =	vnsel vm9, $0x80000063, v4;
	s14 =	sxor.u32 $0x80000000, s12;
	s12 =	ssub.s32 s8, s12;
	(pc) =	sbr.rel @!p2 .LBB2_7-.Ltmp3, $4  }
0x8d: {  	s8 =	smov.u32 s7;
	v17 =	vtrunc.f32 v17;
	(xrf0) =	vmin.scan.msk.u32 $0xffff, v20;
	v18, _, _ =	vpop (xrf0);
	p1 =	slt.s32 s14, $0x10;
	s12 =	smov.u32 @p0 s0  }
0x8e: {  	s7 =	smov.u32 s6;
	(xrf2) =	vadd.scan.msk.f32 $0xffff, v16;
	v17 =	vcvt.f32.s32 v17;
	s14 =	spop (v2sf);
	(v2sf) =	vpush v18, $0xF;
	s0 =	smov.u32 @p1 s12  }
0x8f: {  	s6 =	smov.u32 s4;
	s4 =	smov.u32 s5;
	s9 =	sadd.s32 s9, s14  }
0x90: {  	s11 =	sadd.s32 $0xFFFFFFF0, s11;
	s5 =	smov.u32 s3;
	s3 =	smov.u32 s13;
	v16 =	vcvt.s32.f32 v19;
	(xrf0) =	vadd.scan.msk.s32 $0xffff, v19;
	v18, _, _ =	vpop (xrf0);
	v17 =	vadd.s32 s9, v17  }
0x91: {  	_ = 	snop  }
0x92: {  	(v2sf) =	vpush v18, $0xF;
	v16 =	vperm.xlane v16, v3;
	_ =	sdelay $0x1  }
0x93: {  	(xrf2) =	vadd.scan.msk.f32 $0xffff, v16;
	_ =	sdelay $0x3  }
0x94: {  	v16, _, _ =	vpop (xrf2)  }
0x95: {  	s10 =	spop (v2sf);
	v16 =	vtrunc.f32 v16  }
0x96: {  	s11 =	spop (v2sf);
	v16 =	vcvt.f32.s32 v16  }
0x97: {  	vm9 =	vgt.s32 v17, $0x63;
	s9 =	sadd.s32 s9, s11  }
0x98: {  	v17 =	vnsel vm9, $0x80000063, v4;
	v18, _, _ =	vpop (xrf2);
	v16 =	vadd.s32 s9, v16  }
0x99: {  	(xrf0) =	vmin.scan.msk.u32 $0xffff, v17;
	s28 =	spop (v2sf);
	v17 =	vtrunc.f32 v18;
	vm9 =	vgt.s32 v16, $0x63  }
0x9a: {  	s12 =	spop (v2sf);
	v16 =	vcvt.f32.s32 v17;
	v17 =	vnsel vm9, $0x80000063, v4;
	v18, _, _ =	vpop (xrf2)  }
0x9b: {  	v19, _, _ =	vpop (xrf0);
	s9 =	sadd.s32 s9, s12;
	(xrf0) =	vmin.scan.msk.u32 $0xffff, v17;
	v17 =	vtrunc.f32 v18  }
0x9c: {  	v16 =	vadd.s32 s9, v16;
	s30 =	spop (v2sf)  }
0x9d: {  	vm9 =	vgt.s32 v16, $0x63;
	v16 =	vcvt.f32.s32 v17;
	s13 =	spop (v2sf)  }
0x9e: {  	(v2sf) =	vpush v19, $0xF;
	v18 =	vnsel vm9, $0x80000063, v4;
	s9 =	sadd.s32 s9, s13;
	v17, _, _ =	vpop (xrf0)  }
0x9f: {  	v16 =	vadd.s32 s9, v16;
	(v2sf) =	vpush v17, $0xF;
	v17, _, _ =	vpop (xrf0);
	(xrf0) =	vmin.scan.msk.u32 $0xffff, v18  }
0xa0: {  	vm9 =	vgt.s32 v16, $0x63  }
0xa1: {  	(v2sf) =	vpush v17, $0xF;
	v16 =	vnsel vm9, $0x80000063, v4  }
0xa2: {  	v17, _, _ =	vpop (xrf0);
	(xrf0) =	vmin.scan.msk.u32 $0xffff, v16  }
0xa3: {  	(v2sf) =	vpush v17, $0xF;
	_ =	sdelay $0x1  }
0xa4: {  	v16, _, _ =	vpop (xrf0)  }
0xa5: {  	p0 =	por p0, p1;
	s8 =	ssub.s32 s8, s10;
	s31 =	sxor.u32 $0x80000000, s10;
	(v2sf) =	vpush v16, $0xF  }
0xa6: {  	p1 =	slt.s32 s31, $0x10;
	s8 =	smov.u32 @p0 s0  }
0xa7: {  	s0 =	smov.u32 @p1 s8;
	v16, _, _ =	vpop (xrf0)  }
0xa8: {  	s10 =	sxor.u32 $0x80000000, s28;
	s7 =	ssub.s32 s7, s28;
	p0 =	por p0, p1;
	(v2sf) =	vpush v16, $0xF  }
0xa9: {  	p1 =	slt.s32 s10, $0x10;
	s7 =	smov.u32 @p0 s0  }
0xaa: {  	s0 =	smov.u32 @p1 s7  }
0xab: {  	[tilespmem:$0x8E20] =	vst v2;
	p0 =	por p0, p1;
	s6 =	ssub.s32 s6, s30;
	s13 =	sxor.u32 $0x80000000, s30  }
0xac: {  	[tilespmem:$0x8E30] =	vst v2;
	s6 =	smov.u32 @p0 s0;
	p1 =	slt.s32 s13, $0x10  }
0xad: {  	[tilespmem:$0x8E40] =	vst v2;
	s0 =	smov.u32 @p1 s6;
	s14 =	spop (v2sf);
	p0 =	por p0, p1  }
0xae: {  	[tilespmem:$0x8E50] =	vst v2;
	s21 =	sxor.u32 $0x80000000, s14;
	s4 =	ssub.s32 s4, s14;
	s22 =	spop (v2sf)  }
0xaf: {  	[tilespmem:$0x8E60] =	vst v2;
	p1 =	slt.s32 s21, $0x10;
	s4 =	smov.u32 @p0 s0;
	s23 =	spop (v2sf)  }
0xb0: {  	[tilespmem:$0x8E70] =	vst v2;
	s0 =	smov.u32 @p1 s4;
	p0 =	por p0, p1;
	s6 =	sxor.u32 $0x80000000, s23  }
0xb1: {  	[tilespmem:$0x8E80] =	vst v2;
	s4 =	ssub.s32 s5, s23;
	s24 =	spop (v2sf);
	p1 =	slt.s32 s6, $0x10  }
0xb2: {  	[tilespmem:$0x8E90] =	vst v2;
	s4 =	smov.u32 @p0 s0;
	s25 =	sxor.u32 $0x80000000, s24;
	s3 =	ssub.s32 s3, s24  }
0xb3: {  	[tilespmem:$0x8EA0] =	vst v2;
	s0 =	smov.u32 @p1 s4;
	p0 =	por p0, p1;
	p1 =	slt.s32 s25, $0x10  }
0xb4: {  	[tilespmem:$0x8EB0] =	vst v2;
	s3 =	smov.u32 @p0 s0;
	p0 =	por p0, p1;
	s26 =	spop (v2sf)  }
0xb5: {  	[tilespmem:$0x8EC0] =	vst v2;
	s0 =	smov.u32 @p1 s3;
	s28 =	sxor.u32 $0x80000000, s26;
	s2 =	ssub.s32 s2, s26  }
0xb6: {  	[tilespmem:$0x8ED0] =	vst v2;
	p1 =	slt.s32 s28, $0x10;
	s2 =	smov.u32 @p0 s0  }
0xb7: {  	[tilespmem:$0x8EE0] =	vst v2;
	s30 =	spop (v2sf);
	s0 =	smov.u32 @p1 s2  }
0xb8: {  	[tilespmem:$0x8EF0] =	vst v2;
	s31 =	sxor.u32 $0x80000000, s30;
	s1 =	ssub.s32 s1, s30;
	p0 =	por p0, p1  }
0xb9: {  	[tilespmem:$0x8F00] =	vst v2;
	p1 =	slt.s32 s31, $0x10;
	s1 =	smov.u32 @p0 s0  }
0xba: {  	[tilespmem:$0x8F10] =	vst v2;
	s0 =	smov.u32 @p1 s1;
	s1 =	simm.s32 $0x0  }
0xbb: {  	v17 =	vld [tilespmem:s1+$0x0];
	_ =	sdelay $0x4  }
0xbc: {  	v18 =	vshra.s32 v17, $0x1F  }
0xbd: {  	v18 =	vor.u32 $0x80000000, v18  }
0xbe: {  	v17 =	vxor.u32 v17, v18  }
0xbf: {  	v16 =	vmov s0;
	v17 =	vshrl.u32 v17, $0x12  }
0xc0: {  	vm9 =	vge.s32 v17, v16  }
0xc1: {  	v18 =	vsel vm9, $0x1, v2  }
0xc2: {  	(xrf0) =	vadd.scan.msk.s32 $0xffff, v18;
	_ =	sdelay $0x5  }
0xc3: {  	v18, _, _ =	vpop (xrf0)  }
0xc4: {  	(v2sf) =	vpush v18, $0xF;
	_ =	sdelay $0xe  }
0xc5: {  	p0 =	por $0x0, $0x0;
	s0 =	spop (v2sf)  }
0xc6: {  	p1 =	slt.s32 @!p0 s0, $0x1  }
0xc7: {  	s24 =	sadd.s32 $0x0, s0;
	p1 =	por p1, p0  }
0xc8: {  	s3 =	simm.s32 $0x0;
	p0 =	slt.s32 s24, $0x100;
	v18 =	vlaneseq.u32 @!p1  }
0xc9: {  	s2 =	simm.s32 $0x10;
	s0 =	simm.s32 $0x0;
	vm9 =	vge.s32 @!p1 v17, v16;
	s24 =	simm.s32 @!p0 $0x100;
	v17 =	vor.u32 @!p1 s1, v18  }
.LBB2_9:
0xca: {  	[tilespmem:s0+$0x8E20] =	vst.msk @!p1 vm9, v17;
	s3 =	sadd.s32 $0x10, s3;
	s4 =	smov.u32 s2;
	s2 =	sadd.s32 $0x10, s2  }
0xcb: {  	s0 =	smov.u32 s24;
	v17 =	vld [tilespmem:s3+$0x0];
	p0 =	sne.s32 s2, $0x4E20;
	_ =	sdelay $0x4  }
0xcc: {  	v18 =	vshra.s32 v17, $0x1F  }
0xcd: {  	v18 =	vor.u32 $0x80000000, v18  }
0xce: {  	v17 =	vxor.u32 v17, v18  }
0xcf: {  	v17 =	vshrl.u32 v17, $0x12  }
0xd0: {  	vm9 =	vge.s32 v17, v16  }
0xd1: {  	v18 =	vsel vm9, $0x1, v2  }
0xd2: {  	(xrf0) =	vadd.scan.msk.s32 $0xffff, v18;
	_ =	sdelay $0x5  }
0xd3: {  	v18, _, _ =	vpop (xrf0)  }
0xd4: {  	(v2sf) =	vpush v18, $0xF;
	_ =	sdelay $0xe  }
.Ltmp4:
0xd5: {  	p1 =	sgt.s32 s24, $0xF0;
	s5 =	spop (v2sf);
	(pc) =	sbr.rel @p0 .LBB2_9-.Ltmp4, $4  }
0xd6: {  	p2 =	slt.s32 @!p1 s5, $0x1;
	s24 =	sadd.s32 s24, s5  }
0xd7: {  	p1 =	por p2, p1;
	p2 =	slt.s32 s24, $0x100  }
0xd8: {  	vm9 =	vge.s32 @!p1 v17, v16;
	v17 =	vlaneseq.u32 @!p1;
	s24 =	simm.s32 @!p2 $0x100  }
0xd9: {  	v17 =	vor.u32 @!p1 s4, v17  }
0xda: {  	v16 =	vor.u32 s1, v0  }
0xdb: {  	v18 =	vmulhi.u32 $0x24924925, v16;
	_ =	sdelay $0x1  }
0xdc: {  	v19 =	vsub.s32 v16, v18  }
0xdd: {  	v19 =	vshrl.u32 v19, $0x1  }
0xde: {  	v18 =	vadd.s32 v18, v19  }
0xdf: {  	v18 =	vshrl.u32 v18, $0x2  }
0xe0: {  	v19 =	vmul.u32 $0xFFFFFFF9, v18  }
0xe1: {  	v20 =	vmov s1;
	v21 =	vsub.s32 $0x0, v16  }
0xe2: {  	vm10 =	veq.s32 v20, v0;
	vm11 =	vne.s32 v19, v21  }
0xe3: {  	vm10 =	vmand vm10, vm11  }
0xe4: {  	v19 =	vsel vm10, $0xFFFFFFFF, v2  }
0xe5: {  	v18 =	vadd.s32 v19, v18;
	_ =	sdelay $0x3  }
0xe6: {  	[tilespmem:s0+$0x8E20] =	vst.msk @!p1 vm9, v17;
	v20 =	vor.u32 s1, v6  }
0xe7: {  	v19 =	vmulhi.u32 $0x24924925, v20;
	v17 =	vld.idx.msk [tilespmem:v18+s29+$0x0], $0xffff;
	_ =	sdelay $0x1  }
0xe8: {  	v21 =	vsub.s32 v20, v19  }
0xe9: {  	v21 =	vshrl.u32 v21, $0x1  }
0xea: {  	v19 =	vadd.s32 v19, v21  }
0xeb: {  	v18 =	vmul.u32 $0xFFFFFFF9, v18;
	v19 =	vshrl.u32 v19, $0x2;
	v17 =	vmul.u32 $0x5B, v17;
	_ =	sdelay $0x1  }
0xec: {  	v16 =	vadd.s32 v16, v18;
	v17 =	vshrl.u32 v17, $0x4  }
0xed: {  	s0 =	simm.s32 $0xFF40;
	v16 =	vadd.s32 v17, v16  }
0xee: {  	v18 =	vor.u32 s1, v7;
	[tilespmem:s0+$0xFFFFFFE0] =	vst v16  }
0xef: {  	v17 =	vmulhi.u32 $0x24924925, v18;
	v16 =	vld.idx.msk [tilespmem:v19+s29+$0x0], $0xffff;
	_ =	sdelay $0x1  }
0xf0: {  	v21 =	vsub.s32 v18, v17  }
0xf1: {  	v21 =	vshrl.u32 v21, $0x1  }
0xf2: {  	v17 =	vadd.s32 v17, v21  }
0xf3: {  	v21 =	vmul.u32 $0xFFFFFFF9, v19;
	v19 =	vshrl.u32 v17, $0x2;
	v16 =	vmul.u32 $0x5B, v16;
	_ =	sdelay $0x1  }
0xf4: {  	v20 =	vadd.s32 v20, v21;
	v16 =	vshrl.u32 v16, $0x4  }
0xf5: {  	v16 =	vadd.s32 v16, v20  }
0xf6: {  	v17 =	vor.u32 s1, v8;
	[tilespmem:s0+$0xFFFFFFF0] =	vst v16  }
0xf7: {  	v22 =	vmulhi.u32 $0x24924925, v17;
	v21 =	vld.idx.msk [tilespmem:v19+s29+$0x0], $0xffff;
	_ =	sdelay $0x1  }
0xf8: {  	s1 =	simm.s32 $0x40;
	v20 =	vsub.s32 v17, v22  }
0xf9: {  	v16 =	vor.u32 s1, v0;
	v23 =	vshrl.u32 v20, $0x1  }
0xfa: {  	s2 =	simm.s32 $0x80;
	v20 =	vmulhi.u32 $0x24924925, v16;
	v22 =	vadd.s32 v22, v23  }
.LBB2_11:
0xfb: {  	p0 =	sne.s32 s2, $0x6C0;
	v19 =	vmul.u32 $0xFFFFFFF9, v19;
	v21 =	vmul.u32 $0x5B, v21;
	v22 =	vshrl.u32 v22, $0x2;
	_ =	sdelay $0x1  }
0xfc: {  	v23 =	vsub.s32 v16, v20;
	v18 =	vadd.s32 v18, v19;
	v19 =	vshrl.u32 v21, $0x4  }
0xfd: {  	v21 =	vshrl.u32 v23, $0x1;
	v18 =	vadd.s32 v19, v18  }
0xfe: {  	v19 =	vadd.s32 v20, v21;
	[tilespmem:s0+$0x0] =	vst v18  }
0xff: {  	v18 =	vshrl.u32 v19, $0x2;
	v19 =	vld.idx.msk [tilespmem:v22+s29+$0x0], $0xffff  }
0x100: {  	v20 =	vmul.u32 $0xFFFFFFF9, v18  }
0x101: {  	v23 =	vsub.s32 $0x0, v16;
	v21 =	vmov s1  }
0x102: {  	vm9 =	veq.s32 v21, v0;
	vm10 =	vne.s32 v20, v23  }
0x103: {  	vm9 =	vmand vm9, vm10  }
0x104: {  	v20 =	vsel vm9, $0xFFFFFFFF, v2  }
0x105: {  	v18 =	vadd.s32 v20, v18;
	v20 =	vmul.u32 $0xFFFFFFF9, v22;
	v19 =	vmul.u32 $0x5B, v19;
	_ =	sdelay $0x1  }
0x106: {  	v17 =	vadd.s32 v17, v20;
	v19 =	vshrl.u32 v19, $0x4  }
0x107: {  	v17 =	vadd.s32 v19, v17  }
0x108: {  	[tilespmem:s0+$0x10] =	vst v17  }
0x109: {  	v20 =	vor.u32 s1, v6;
	v17 =	vld.idx.msk [tilespmem:v18+s29+$0x0], $0xffff  }
0x10a: {  	v19 =	vmulhi.u32 $0x24924925, v20;
	_ =	sdelay $0x1  }
0x10b: {  	v21 =	vsub.s32 v20, v19  }
0x10c: {  	v21 =	vshrl.u32 v21, $0x1  }
0x10d: {  	v19 =	vadd.s32 v19, v21  }
0x10e: {  	v18 =	vmul.u32 $0xFFFFFFF9, v18;
	v19 =	vshrl.u32 v19, $0x2;
	v17 =	vmul.u32 $0x5B, v17;
	_ =	sdelay $0x1  }
0x10f: {  	v16 =	vadd.s32 v16, v18;
	v17 =	vshrl.u32 v17, $0x4  }
0x110: {  	s0 =	sadd.s32 $0x40, s0;
	v16 =	vadd.s32 v17, v16  }
0x111: {  	[tilespmem:s0+$0xFFFFFFE0] =	vst v16  }
0x112: {  	v18 =	vor.u32 s1, v7;
	v16 =	vld.idx.msk [tilespmem:v19+s29+$0x0], $0xffff  }
0x113: {  	v17 =	vmulhi.u32 $0x24924925, v18;
	_ =	sdelay $0x1  }
0x114: {  	v21 =	vsub.s32 v18, v17  }
0x115: {  	v21 =	vshrl.u32 v21, $0x1  }
0x116: {  	v17 =	vadd.s32 v17, v21  }
0x117: {  	v21 =	vmul.u32 $0xFFFFFFF9, v19;
	v19 =	vshrl.u32 v17, $0x2;
	v16 =	vmul.u32 $0x5B, v16;
	_ =	sdelay $0x1  }
0x118: {  	v17 =	vadd.s32 v20, v21;
	v16 =	vshrl.u32 v16, $0x4  }
0x119: {  	v16 =	vadd.s32 v16, v17  }
0x11a: {  	[tilespmem:s0+$0xFFFFFFF0] =	vst v16  }
0x11b: {  	v17 =	vor.u32 s1, v8;
	s1 =	smov.u32 s2;
	v21 =	vld.idx.msk [tilespmem:v19+s29+$0x0], $0xffff  }
.Ltmp5:
0x11c: {  	v22 =	vmulhi.u32 $0x24924925, v17;
	(pc) =	sbr.rel @p0 .LBB2_11-.Ltmp5, $4  }
0x11d: {  	_ = 	snop  }
0x11e: {  	v20 =	vsub.s32 v17, v22  }
0x11f: {  	v16 =	vor.u32 s2, v0;
	v23 =	vshrl.u32 v20, $0x1  }
0x120: {  	s2 =	sadd.s32 $0x40, s2;
	v20 =	vmulhi.u32 $0x24924925, v16;
	v22 =	vadd.s32 v22, v23  }
0x121: {  	v19 =	vmul.u32 $0xFFFFFFF9, v19;
	v21 =	vmul.u32 $0x5B, v21;
	v22 =	vshrl.u32 v22, $0x2  }
0x122: {  	v23 =	vsub.s32 v16, v20  }
0x123: {  	v18 =	vadd.s32 v18, v19;
	v43 =	vshrl.u32 v21, $0x4;
	v44 =	vshrl.u32 v23, $0x1  }
0x124: {  	v18 =	vadd.s32 v43, v18;
	v45 =	vadd.s32 v20, v44  }
0x125: {  	[tilespmem:s0+$0x0] =	vst v18;
	v46 =	vshrl.u32 v45, $0x2  }
0x126: {  	v47 =	vld.idx.msk [tilespmem:v22+s29+$0x0], $0xffff;
	v48 =	vmul.u32 $0xFFFFFFF9, v46  }
0x127: {  	v49 =	vmov s1;
	v50 =	vsub.s32 $0x0, v16  }
0x128: {  	vm9 =	veq.s32 v49, v0;
	vm10 =	vne.s32 v48, v50  }
0x129: {  	vm9 =	vmand vm9, vm10  }
0x12a: {  	v51 =	vsel vm9, $0xFFFFFFFF, v2  }
0x12b: {  	v52 =	vmul.u32 $0xFFFFFFF9, v22;
	v18 =	vadd.s32 v51, v46;
	v19 =	vmul.u32 $0x5B, v47;
	_ =	sdelay $0x1  }
0x12c: {  	v17 =	vadd.s32 v17, v52;
	v19 =	vshrl.u32 v19, $0x4  }
0x12d: {  	v17 =	vadd.s32 v19, v17  }
0x12e: {  	[tilespmem:s0+$0x10] =	vst v17;
	v17 =	vor.u32 s1, v6  }
0x12f: {  	v53 =	vld.idx.msk [tilespmem:v18+s29+$0x0], $0xffff;
	v54 =	vmulhi.u32 $0x24924925, v17;
	_ =	sdelay $0x1  }
0x130: {  	v55 =	vsub.s32 v17, v54  }
0x131: {  	v21 =	vshrl.u32 v55, $0x1  }
0x132: {  	v20 =	vadd.s32 v54, v21  }
0x133: {  	v18 =	vmul.u32 $0xFFFFFFF9, v18;
	v19 =	vmul.u32 $0x5B, v53;
	v20 =	vshrl.u32 v20, $0x2;
	_ =	sdelay $0x1  }
0x134: {  	v16 =	vadd.s32 v16, v18;
	v56 =	vshrl.u32 v19, $0x4  }
0x135: {  	s28 =	sadd.s32 $0x40, s0;
	v16 =	vadd.s32 v56, v16  }
0x136: {  	[tilespmem:s28+$0xFFFFFFE0] =	vst v16;
	v16 =	vor.u32 s1, v7  }
0x137: {  	v57 =	vld.idx.msk [tilespmem:v20+s29+$0x0], $0xffff;
	v58 =	vmulhi.u32 $0x24924925, v16;
	_ =	sdelay $0x1  }
0x138: {  	v59 =	vsub.s32 v16, v58  }
0x139: {  	v21 =	vshrl.u32 v59, $0x1  }
0x13a: {  	v19 =	vadd.s32 v58, v21  }
0x13b: {  	v20 =	vmul.u32 $0xFFFFFFF9, v20;
	v18 =	vmul.u32 $0x5B, v57;
	v19 =	vshrl.u32 v19, $0x2;
	_ =	sdelay $0x1  }
0x13c: {  	v17 =	vadd.s32 v17, v20;
	v18 =	vshrl.u32 v18, $0x4  }
0x13d: {  	v17 =	vadd.s32 v18, v17  }
0x13e: {  	[tilespmem:s28+$0xFFFFFFF0] =	vst v17;
	v17 =	vor.u32 s1, v8  }
0x13f: {  	v60 =	vld.idx.msk [tilespmem:v19+s29+$0x0], $0xffff;
	v61 =	vmulhi.u32 $0x24924925, v17;
	_ =	sdelay $0x1  }
0x140: {  	v62 =	vsub.s32 v17, v61  }
0x141: {  	v21 =	vshrl.u32 v62, $0x1  }
0x142: {  	v20 =	vadd.s32 v61, v21  }
0x143: {  	v19 =	vmul.u32 $0xFFFFFFF9, v19;
	v18 =	vmul.u32 $0x5B, v60;
	v20 =	vshrl.u32 v20, $0x2;
	_ =	sdelay $0x1  }
0x144: {  	v16 =	vadd.s32 v16, v19;
	v18 =	vshrl.u32 v18, $0x4  }
0x145: {  	v16 =	vadd.s32 v18, v16  }
0x146: {  	[tilespmem:s28+$0x0] =	vst v16  }
0x147: {  	v16 =	vld.idx.msk [tilespmem:v20+s29+$0x0], $0xffff;
	_ =	sdelay $0x4  }
0x148: {  	v63 =	vmul.u32 $0xFFFFFFF9, v20;
	v16 =	vmul.u32 $0x5B, v16;
	_ =	sdelay $0x1  }
0x149: {  	s0 =	sld [smem:$0x7F7];
	v17 =	vadd.s32 v17, v63;
	v16 =	vshrl.u32 v16, $0x4  }
0x14a: {  	v16 =	vadd.s32 v16, v17  }
0x14b: {  	[tilespmem:s28+$0x10] =	vst v16  }
0x14c: {  	[tilespmem:s19], [sflag:$0x1] =	stream.indirect.gather [hbm4b:s0+s15], $0x10, s16, s15, $0xb8;
	[tilespmem:$0x11E30] =	vst v63  }
0x14d: {  	s30 =	simm.s32 $0x9720  }
0x14e: {  	[tilespmem:s30], [sflag:$0x1] =	stream.indirect.gather [hbm4b:s0+s15], $0x10, s17, s15, $0xb8;
	[tilespmem:$0x11E30] =	vst v63  }
0x14f: {  	s31 =	simm.s32 $0x10020;
	s2 =	simm.s32 $0x9F20  }
0x150: {  	[tilespmem:s2], [sflag:$0x1] =	stream.indirect.gather [hbm4b:s0+s15], $0x10, s31, s15, $0xb8;
	[tilespmem:$0x11E30] =	vst v63  }
0x151: {  	s3 =	simm.s32 $0x100A0;
	s4 =	simm.s32 $0xA720  }
0x152: {  	[tilespmem:s4], [sflag:$0x1] =	stream.indirect.gather [hbm4b:s0+s15], $0x10, s3, s15, $0xb8;
	[tilespmem:$0x11E30] =	vst v63  }
0x153: {  	s5 =	simm.s32 $0x10120;
	s6 =	simm.s32 $0xAF20  }
0x154: {  	[tilespmem:s6], [sflag:$0x1] =	stream.indirect.gather [hbm4b:s0+s15], $0x10, s5, s15, $0xb8;
	[tilespmem:$0x11E30] =	vst v63  }
0x155: {  	s7 =	simm.s32 $0x101A0;
	s8 =	simm.s32 $0xB720  }
0x156: {  	[tilespmem:s8], [sflag:$0x1] =	stream.indirect.gather [hbm4b:s0+s15], $0x10, s7, s15, $0xb8;
	[tilespmem:$0x11E30] =	vst v63  }
0x157: {  	s9 =	simm.s32 $0x10220;
	s10 =	simm.s32 $0xBF20  }
0x158: {  	[tilespmem:s10], [sflag:$0x1] =	stream.indirect.gather [hbm4b:s0+s15], $0x10, s9, s15, $0xb8;
	[tilespmem:$0x11E30] =	vst v63  }
0x159: {  	s11 =	simm.s32 $0x102A0;
	s12 =	simm.s32 $0xC720  }
0x15a: {  	[tilespmem:s12], [sflag:$0x1] =	stream.indirect.gather [hbm4b:s0+s15], $0x10, s11, s15, $0xb8;
	[tilespmem:$0x11E30] =	vst v63  }
0x15b: {  	s13 =	simm.s32 $0x10320;
	s14 =	simm.s32 $0xCF20  }
0x15c: {  	[tilespmem:s14], [sflag:$0x1] =	stream.indirect.gather [hbm4b:s0+s15], $0x10, s13, s15, $0xb8;
	[tilespmem:$0x11E30] =	vst v63  }
0x15d: {  	s16 =	simm.s32 $0x103A0;
	s17 =	simm.s32 $0xD720  }
0x15e: {  	[tilespmem:s17], [sflag:$0x1] =	stream.indirect.gather [hbm4b:s0+s15], $0x10, s16, s15, $0xb8;
	[tilespmem:$0x11E30] =	vst v63  }
0x15f: {  	s21 =	simm.s32 $0x10420;
	s22 =	simm.s32 $0xDF20  }
0x160: {  	[tilespmem:s22], [sflag:$0x1] =	stream.indirect.gather [hbm4b:s0+s15], $0x10, s21, s15, $0xb8;
	[tilespmem:$0x11E30] =	vst v63  }
0x161: {  	s23 =	simm.s32 $0x104A0;
	s25 =	simm.s32 $0xE720  }
0x162: {  	[tilespmem:s25], [sflag:$0x1] =	stream.indirect.gather [hbm4b:s0+s15], $0x10, s23, s15, $0xb8;
	[tilespmem:$0x11E30] =	vst v63  }
0x163: {  	s26 =	simm.s32 $0x10520;
	s28 =	simm.s32 $0xEF20  }
0x164: {  	[tilespmem:s28], [sflag:$0x1] =	stream.indirect.gather [hbm4b:s0+s15], $0x10, s26, s15, $0xb8;
	[tilespmem:$0x11E30] =	vst v63  }
0x165: {  	s30 =	simm.s32 $0x105A0;
	s31 =	simm.s32 $0xF720  }
0x166: {  	[tilespmem:s31], [sflag:$0x1] =	stream.indirect.gather [hbm4b:s0+s15], $0x10, s30, s15, $0xb8;
	[tilespmem:$0x11E30] =	vst v63  }
0x167: {  	_ =	swait.ge [sflag:s20], $0x800  }
0x168: {  	[sflag:s20] =	ssyncset.done $0x0  }
0x169: {  	[sflag:s20] =	ssyncadd.s32 $0xFFFFF800  }
0x16a: {  	_ =	swait.ge [sflag:s20], $0x800  }
0x16b: {  	[sflag:s20] =	ssyncset.done $0x0  }
0x16c: {  	[sflag:s20] =	ssyncadd.s32 $0xFFFFF800  }
0x16d: {  	_ =	swait.ge [sflag:s20], $0x800  }
0x16e: {  	[sflag:s20] =	ssyncset.done $0x0  }
0x16f: {  	[sflag:s20] =	ssyncadd.s32 $0xFFFFF800  }
0x170: {  	_ =	swait.ge [sflag:s20], $0x800  }
0x171: {  	[sflag:s20] =	ssyncset.done $0x0  }
0x172: {  	[sflag:s20] =	ssyncadd.s32 $0xFFFFF800  }
0x173: {  	_ =	swait.ge [sflag:s20], $0x800  }
0x174: {  	[sflag:s20] =	ssyncset.done $0x0  }
0x175: {  	[sflag:s20] =	ssyncadd.s32 $0xFFFFF800  }
0x176: {  	_ =	swait.ge [sflag:s20], $0x800  }
0x177: {  	[sflag:s20] =	ssyncset.done $0x0  }
0x178: {  	[sflag:s20] =	ssyncadd.s32 $0xFFFFF800  }
0x179: {  	_ =	swait.ge [sflag:s20], $0x800  }
0x17a: {  	[sflag:s20] =	ssyncset.done $0x0  }
0x17b: {  	[sflag:s20] =	ssyncadd.s32 $0xFFFFF800  }
0x17c: {  	_ =	swait.ge [sflag:s20], $0x800  }
0x17d: {  	[sflag:s20] =	ssyncset.done $0x0  }
0x17e: {  	[sflag:s20] =	ssyncadd.s32 $0xFFFFF800  }
0x17f: {  	_ =	swait.ge [sflag:s20], $0x800  }
0x180: {  	[sflag:s20] =	ssyncset.done $0x0  }
0x181: {  	[sflag:s20] =	ssyncadd.s32 $0xFFFFF800  }
0x182: {  	_ =	swait.ge [sflag:s20], $0x800  }
0x183: {  	[sflag:s20] =	ssyncset.done $0x0  }
0x184: {  	[sflag:s20] =	ssyncadd.s32 $0xFFFFF800  }
0x185: {  	_ =	swait.ge [sflag:s20], $0x800  }
0x186: {  	[sflag:s20] =	ssyncset.done $0x0  }
0x187: {  	[sflag:s20] =	ssyncadd.s32 $0xFFFFF800  }
0x188: {  	_ =	swait.ge [sflag:s20], $0x800  }
0x189: {  	[sflag:s20] =	ssyncset.done $0x0  }
0x18a: {  	[sflag:s20] =	ssyncadd.s32 $0xFFFFF800  }
0x18b: {  	_ =	swait.ge [sflag:s20], $0x800  }
0x18c: {  	[sflag:s20] =	ssyncset.done $0x0  }
0x18d: {  	[sflag:s20] =	ssyncadd.s32 $0xFFFFF800  }
0x18e: {  	_ =	swait.ge [sflag:s20], $0x800  }
0x18f: {  	[sflag:s20] =	ssyncset.done $0x0  }
0x190: {  	s1 =	simm.s32 $0x100;
	s0 =	simm.s32 $0x0;
	[sflag:s20] =	ssyncadd.s32 $0xFFFFF800  }
.LBB2_13:
0x191: {  	p0 =	sne.s32 s1, $0xFF00;
	[tilespmem:s0+$0x4E50] =	vst v2;
	s2 =	smov.u32 s1;
	s1 =	sadd.s32 $0x100, s1  }
.Ltmp6:
0x192: {  	[tilespmem:s0+$0x4E40] =	vst v2;
	(pc) =	sbr.rel @p0 .LBB2_13-.Ltmp6, $3  }
0x193: {  	[tilespmem:s0+$0x4E20] =	vst v2  }
0x194: {  	[tilespmem:s0+$0x4E30] =	vst v2;
	_ =	sdelay $0x1  }
0x195: {  	s0 =	sshra.s32 s2, $0x2  }
0x196: {  	s20 =	smul.u32 $0x5B, s24;
	_ =	sdelay $0x1  }
0x197: {  	s1 =	sadd.s32 $0x3F, s20  }
0x198: {  	s2 =	sand.u32 $0x3F, s1  }
0x199: {  	s31 =	sshra.s32 s1, $0x1F;
	p1 =	slt.s32 s1, $0x1;
	p0 =	sne.s32 s2, $0x0  }
0x19a: {  	s2 =	sshrl.u32 s31, $0x1A;
	p0 =	por !p1, !p0  }
0x19b: {  	s1 =	sadd.s32 s2, s1;
	s2 =	simm.s32 $0x1;
	p0 =	por !p0, !p0  }
0x19c: {  	s1 =	sshra.s32 s1, $0x6;
	s2 =	simm.s32 @!p0 $0x0  }
0x19d: {  	s23 =	ssub.s32 s1, s2  }
0x19e: {  	p0 =	sgt.s32 s23, $0x0  }
.Ltmp7:
0x19f: {  	_ = 	snop;
	(pc) =	sbr.rel @!p0 .LBB2_15-.Ltmp7, $4  }
0x1a0: {  	[tilespmem:s0+$0x4E50] =	vst v2  }
0x1a1: {  	[tilespmem:s0+$0x4E40] =	vst v2  }
0x1a2: {  	[tilespmem:s0+$0x4E20] =	vst v2  }
0x1a3: {  	[tilespmem:s0+$0x4E30] =	vst v2;
	v16 =	vmov s24  }
0x1a4: {  	s24 =	simm.s32 $0x0  }
.LBB2_21:
0x1a5: {  	v21 =	vor.u32 s24, v0  }
0x1a6: {  	(v2sf) =	vpush v21, $0xD;
	_ =	sdelay $0x1  }
0x1a7: {  	(v2sf) =	vpush v21, $0xC;
	_ =	sdelay $0x1  }
0x1a8: {  	(v2sf) =	vpush v21, $0xE;
	_ =	sdelay $0x1  }
0x1a9: {  	(v2sf) =	vpush v21, $0xF;
	_ =	sdelay $0x1  }
0x1aa: {  	(v2sf) =	vpush v21, $0x9;
	_ =	sdelay $0x1  }
0x1ab: {  	(v2sf) =	vpush v21, $0x8;
	_ =	sdelay $0x1  }
0x1ac: {  	(v2sf) =	vpush v21, $0xA;
	_ =	sdelay $0x1  }
0x1ad: {  	(v2sf) =	vpush v21, $0xB  }
0x1ae: {  	s0 =	spop (v2sf)  }
0x1af: {  	(v2sf) =	vpush v21, $0x1;
	s1 =	smulhi.u32 $0xB40B40B5, s0;
	s2 =	sshra.s32 s0, $0x1F  }
0x1b0: {  	s3 =	spop (v2sf);
	s2 =	smul.u32 $0xB40B40B5, s2  }
0x1b1: {  	(v2sf) =	vpush v21, $0x0;
	s4 =	smulhi.u32 $0xB40B40B5, s3;
	s5 =	sshra.s32 s3, $0x1F  }
0x1b2: {  	s6 =	spop (v2sf);
	s5 =	smul.u32 $0xB40B40B5, s5  }
0x1b3: {  	(v2sf) =	vpush v21, $0x2;
	s26 =	smulhi.u32 $0xB40B40B5, s6;
	s7 =	sshra.s32 s6, $0x1F  }
0x1b4: {  	s0 =	ssub.s32 s1, s0;
	s30 =	spop (v2sf);
	s28 =	smul.u32 $0xB40B40B5, s7  }
0x1b5: {  	(v2sf) =	vpush v21, $0x3;
	s0 =	sadd.s32 s2, s0;
	s31 =	smulhi.u32 $0xB40B40B5, s30;
	s8 =	sshra.s32 s30, $0x1F  }
0x1b6: {  	s3 =	ssub.s32 s4, s3;
	s12 =	spop (v2sf);
	s11 =	smul.u32 $0xB40B40B5, s8  }
0x1b7: {  	(v2sf) =	vpush v21, $0x4;
	s1 =	ssub.s32 s26, s6;
	s13 =	smulhi.u32 $0xB40B40B5, s12;
	s9 =	sshra.s32 s12, $0x1F  }
0x1b8: {  	s10 =	spop (v2sf);
	s2 =	sadd.s32 s28, s1;
	s9 =	smul.u32 $0xB40B40B5, s9  }
0x1b9: {  	s14 =	ssub.s32 s31, s30;
	s15 =	smulhi.u32 $0xB40B40B5, s10;
	s16 =	sshra.s32 s10, $0x1F  }
0x1ba: {  	(v2sf) =	vpush v21, $0x5;
	s1 =	sadd.s32 s11, s14;
	s17 =	smul.u32 $0xB40B40B5, s16;
	s11 =	spop (v2sf)  }
0x1bb: {  	s3 =	sadd.s32 s5, s3;
	s22 =	smulhi.u32 $0xB40B40B5, s11;
	s25 =	sshra.s32 s11, $0x1F  }
0x1bc: {  	s21 =	ssub.s32 s13, s12;
	(v2sf) =	vpush v21, $0x6;
	s26 =	spop (v2sf);
	s8 =	smul.u32 $0xB40B40B5, s25  }
0x1bd: {  	s4 =	sadd.s32 s9, s21;
	s28 =	smulhi.u32 $0xB40B40B5, s26;
	s12 =	sshra.s32 s26, $0x1F  }
0x1be: {  	s7 =	ssub.s32 s15, s10;
	(v2sf) =	vpush v21, $0x7;
	s30 =	smul.u32 $0xB40B40B5, s12;
	s31 =	spop (v2sf)  }
0x1bf: {  	v20 =	vor.u32 s24, v6;
	s5 =	sadd.s32 s17, s7;
	s15 =	smulhi.u32 $0xB40B40B5, s31;
	s13 =	sshra.s32 s31, $0x1F  }
0x1c0: {  	s6 =	ssub.s32 s22, s11;
	s17 =	spop (v2sf);
	(v2sf) =	vpush v20, $0xD;
	s16 =	smul.u32 $0xB40B40B5, s13  }
0x1c1: {  	s6 =	sadd.s32 s8, s6;
	s21 =	smulhi.u32 $0xB40B40B5, s17;
	s14 =	sshra.s32 s17, $0x1F  }
0x1c2: {  	s9 =	ssub.s32 s28, s26;
	s25 =	spop (v2sf);
	(v2sf) =	vpush v20, $0xC;
	s22 =	smul.u32 $0xB40B40B5, s14  }
0x1c3: {  	s11 =	ssub.s32 s15, s31;
	s26 =	smulhi.u32 $0xB40B40B5, s25;
	s15 =	sshra.s32 s25, $0x1F  }
0x1c4: {  	s7 =	sadd.s32 s30, s9;
	s30 =	spop (v2sf);
	(v2sf) =	vpush v20, $0xE;
	s28 =	smul.u32 $0xB40B40B5, s15  }
0x1c5: {  	s8 =	sadd.s32 s16, s11;
	s10 =	ssub.s32 s21, s17;
	s31 =	smulhi.u32 $0xB40B40B5, s30  }
0x1c6: {  	s16 =	sshra.s32 s30, $0x1F;
	s9 =	sadd.s32 s22, s10;
	s22 =	spop (v2sf);
	(v2sf) =	vpush v20, $0xF  }
0x1c7: {  	s21 =	smul.u32 $0xB40B40B5, s16;
	s12 =	ssub.s32 s26, s25  }
0x1c8: {  	s25 =	smulhi.u32 $0xB40B40B5, s22;
	s17 =	sshra.s32 s22, $0x1F;
	s11 =	sadd.s32 s28, s12;
	(v2sf) =	vpush v20, $0x9  }
0x1c9: {  	s28 =	ssub.s32 s31, s30;
	s26 =	smul.u32 $0xB40B40B5, s17;
	s17 =	spop (v2sf)  }
0x1ca: {  	v18 =	vmov s3;
	v17 =	vmov s9;
	s9 =	sadd.s32 s21, s28;
	(v2sf) =	vpush v20, $0x8;
	s30 =	smulhi.u32 $0xB40B40B5, s17;
	s31 =	sshra.s32 s17, $0x1F  }
0x1cb: {  	v18 =	vsel vm0, s0, v18;
	s15 =	spop (v2sf);
	s16 =	ssub.s32 s25, s22;
	(v2sf) =	vpush v20, $0xA;
	s10 =	smul.u32 $0xB40B40B5, s31  }
0x1cc: {  	v18 =	vsel vm1, s2, v18;
	v17 =	vnsel vm3, $0x0, v17;
	s21 =	smulhi.u32 $0xB40B40B5, s15;
	s22 =	sshra.s32 s15, $0x1F;
	s0 =	sadd.s32 s26, s16  }
0x1cd: {  	v19 =	vmov s5;
	v17 =	vsel vm0, s8, v17;
	s26 =	spop (v2sf);
	(v2sf) =	vpush v20, $0xB;
	s25 =	smul.u32 $0xB40B40B5, s22;
	s28 =	ssub.s32 s30, s17  }
0x1ce: {  	v18 =	vsel vm2, s1, v18;
	v19 =	vsel vm0, s4, v19;
	v17 =	vsel vm1, s11, v17;
	s30 =	smulhi.u32 $0xB40B40B5, s26;
	s31 =	sshra.s32 s26, $0x1F;
	s1 =	sadd.s32 s10, s28  }
0x1cf: {  	v19 =	vsel vm1, s6, v19;
	v17 =	vsel vm2, s9, v17;
	s3 =	ssub.s32 s21, s15;
	s6 =	smul.u32 $0xB40B40B5, s31;
	s11 =	spop (v2sf)  }
0x1d0: {  	v17 =	vsel vm4, s0, v17;
	s8 =	sadd.s32 s25, s3;
	(v2sf) =	vpush v20, $0x1;
	s12 =	smulhi.u32 $0xB40B40B5, s11;
	s13 =	sshra.s32 s11, $0x1F  }
0x1d1: {  	v19 =	vsel vm2, s7, v19;
	v17 =	vsel vm5, s1, v17;
	s9 =	ssub.s32 s30, s26;
	s14 =	spop (v2sf);
	s2 =	smul.u32 $0xB40B40B5, s13  }
0x1d2: {  	v18 =	vcombine.low v19, v18;
	v17 =	vsel vm6, s8, v17;
	s10 =	sadd.s32 s6, s9;
	(v2sf) =	vpush v20, $0x0;
	s15 =	smulhi.u32 $0xB40B40B5, s14;
	s16 =	sshra.s32 s14, $0x1F  }
0x1d3: {  	v17 =	vsel vm7, s10, v17;
	s21 =	spop (v2sf);
	s0 =	ssub.s32 s12, s11;
	s17 =	smul.u32 $0xB40B40B5, s16  }
0x1d4: {  	v18 =	vperm.xlane v18, v9;
	v17 =	vperm.xlane v17, v10;
	(v2sf) =	vpush v20, $0x2;
	s22 =	smulhi.u32 $0xB40B40B5, s21;
	s25 =	sshra.s32 s21, $0x1F;
	s0 =	sadd.s32 s2, s0  }
0x1d5: {  	s1 =	ssub.s32 s15, s14;
	s26 =	smul.u32 $0xB40B40B5, s25;
	s28 =	spop (v2sf)  }
0x1d6: {  	v17 =	vsel vm8, v17, v18;
	(v2sf) =	vpush v20, $0x3;
	s1 =	sadd.s32 s17, s1;
	s30 =	smulhi.u32 $0xB40B40B5, s28;
	s31 =	sshra.s32 s28, $0x1F  }
0x1d7: {  	vm9 =	vgt.s32 v21, $0x0;
	v18 =	vadd.s32 v21, v17;
	s3 =	ssub.s32 s22, s21;
	s8 =	spop (v2sf);
	s7 =	smul.u32 $0xB40B40B5, s31  }
0x1d8: {  	v19 =	vshrl.u32 v18, $0x1F;
	v18 =	vshra.s32 v18, $0x6;
	(v2sf) =	vpush v20, $0x4;
	s3 =	sadd.s32 s26, s3;
	s9 =	smulhi.u32 $0xB40B40B5, s8;
	s10 =	sshra.s32 s8, $0x1F  }
0x1d9: {  	v22 =	vsel vm9, $0x1, v2;
	v17 =	vmov s24;
	v19 =	vadd.s32 v19, v18;
	s12 =	spop (v2sf);
	s4 =	ssub.s32 s30, s28;
	s11 =	smul.u32 $0xB40B40B5, s10  }
0x1da: {  	v18 =	vshra.s32 v17, $0x1F;
	v23 =	vmul.u32 $0xFFFFFFA5, v19;
	(v2sf) =	vpush v20, $0x5;
	s13 =	smulhi.u32 $0xB40B40B5, s12;
	s14 =	sshra.s32 s12, $0x1F;
	s16 =	spop (v2sf)  }
0x1db: {  	v24 =	vsub.s32 v1, v17;
	v22 =	vadd.s32 v22, v18;
	s2 =	sadd.s32 s7, s4;
	s5 =	ssub.s32 s9, s8;
	s15 =	smul.u32 $0xB40B40B5, s14  }
0x1dc: {  	vm9 =	vne.s32 v22, $0x1;
	vm10 =	vne.s32 v23, v24;
	(v2sf) =	vpush v20, $0x6;
	s17 =	smulhi.u32 $0xB40B40B5, s16;
	s21 =	sshra.s32 s16, $0x1F;
	s25 =	spop (v2sf)  }
0x1dd: {  	vm9 =	vmand vm10, vm9;
	s4 =	sadd.s32 s11, s5;
	s6 =	ssub.s32 s13, s12;
	s22 =	smul.u32 $0xB40B40B5, s21  }
0x1de: {  	(v2sf) =	vpush v20, $0x7;
	v54 =	vsel vm9, $0xFFFFFFFF, v2;
	s26 =	smulhi.u32 $0xB40B40B5, s25;
	s28 =	sshra.s32 s25, $0x1F;
	s7 =	sadd.s32 s15, s6  }
0x1df: {  	v22 =	vadd.s32 v54, v19;
	s8 =	ssub.s32 s17, s16;
	s30 =	smul.u32 $0xB40B40B5, s28;
	v19 =	vor.u32 s24, v7;
	s31 =	spop (v2sf)  }
0x1e0: {  	s5 =	sadd.s32 s22, s8;
	(v2sf) =	vpush v19, $0xD;
	s12 =	smulhi.u32 $0xB40B40B5, s31;
	s13 =	sshra.s32 s31, $0x1F  }
0x1e1: {  	s6 =	ssub.s32 s26, s25;
	s15 =	spop (v2sf);
	s14 =	smul.u32 $0xB40B40B5, s13  }
0x1e2: {  	s6 =	sadd.s32 s30, s6;
	(v2sf) =	vpush v19, $0xC;
	s16 =	smulhi.u32 $0xB40B40B5, s15;
	s17 =	sshra.s32 s15, $0x1F  }
0x1e3: {  	s22 =	spop (v2sf);
	s9 =	ssub.s32 s12, s31;
	s21 =	smul.u32 $0xB40B40B5, s17  }
0x1e4: {  	v55 =	vld.idx.msk [tilespmem:v22+s29+$0x0], $0xffff;
	(v2sf) =	vpush v19, $0xE;
	s25 =	smulhi.u32 $0xB40B40B5, s22;
	s26 =	sshra.s32 s22, $0x1F;
	s8 =	sadd.s32 s14, s9  }
0x1e5: {  	s10 =	ssub.s32 s16, s15;
	s28 =	smul.u32 $0xB40B40B5, s26;
	s30 =	spop (v2sf)  }
0x1e6: {  	(v2sf) =	vpush v19, $0xF;
	s9 =	sadd.s32 s21, s10;
	s31 =	smulhi.u32 $0xB40B40B5, s30;
	s15 =	sshra.s32 s30, $0x1F  }
0x1e7: {  	s11 =	ssub.s32 s25, s22;
	s17 =	spop (v2sf);
	s16 =	smul.u32 $0xB40B40B5, s15  }
0x1e8: {  	(v2sf) =	vpush v19, $0x9;
	s10 =	sadd.s32 s28, s11;
	s21 =	smulhi.u32 $0xB40B40B5, s17;
	s22 =	sshra.s32 s17, $0x1F  }
0x1e9: {  	v60 =	vmov s1;
	v56 =	vmul.u32 $0xFFFFFFA5, v22;
	v23 =	vmul.u32 $0x5B, v55;
	s26 =	spop (v2sf);
	s12 =	ssub.s32 s31, s30;
	s25 =	smul.u32 $0xB40B40B5, s22  }
0x1ea: {  	v25 =	vmul.u32 $0x7, v22;
	v61 =	vmov s7;
	(v2sf) =	vpush v19, $0x8;
	s30 =	smulhi.u32 $0xB40B40B5, s26;
	s31 =	sshra.s32 s26, $0x1F;
	s11 =	sadd.s32 s16, s12  }
0x1eb: {  	v21 =	vadd.s32 v21, v56;
	v59 =	vmov s9;
	v57 =	vshrl.u32 v23, $0x4;
	s28 =	ssub.s32 s21, s17;
	s14 =	smul.u32 $0xB40B40B5, s31;
	s16 =	spop (v2sf)  }
0x1ec: {  	v24 =	vnsel vm3, $0x0, v59;
	(v2sf) =	vpush v19, $0xA;
	v58 =	vsub.s32 v25, v57;
	s1 =	sadd.s32 s25, s28;
	s21 =	smulhi.u32 $0xB40B40B5, s16;
	s22 =	sshra.s32 s16, $0x1F  }
0x1ed: {  	v21 =	vadd.s32 v23, v21;
	v24 =	vsel vm0, s8, v24;
	v23 =	vshll.u32 v58, $0x4;
	s17 =	ssub.s32 s30, s26;
	s26 =	spop (v2sf);
	s25 =	smul.u32 $0xB40B40B5, s22  }
0x1ee: {  	(v2sf) =	vpush v19, $0xB;
	v21 =	vadd.s32 v23, v21;
	v23 =	vsel vm0, s0, v60;
	s30 =	smulhi.u32 $0xB40B40B5, s26;
	s31 =	sshra.s32 s26, $0x1F  }
0x1ef: {  	v25 =	vsel vm0, s4, v61;
	v24 =	vsel vm1, s10, v24;
	s0 =	sadd.s32 s14, s17;
	v23 =	vsel vm1, s3, v23;
	s3 =	smul.u32 $0xB40B40B5, s31;
	s4 =	spop (v2sf)  }
0x1f0: {  	(v2sf) =	vpush v19, $0x1;
	v24 =	vsel vm2, s11, v24;
	s28 =	ssub.s32 s21, s16;
	s10 =	smulhi.u32 $0xB40B40B5, s4;
	s11 =	sshra.s32 s4, $0x1F  }
0x1f1: {  	v25 =	vsel vm1, s5, v25;
	v24 =	vsel vm4, s1, v24;
	v23 =	vsel vm2, s2, v23;
	s2 =	sadd.s32 s25, s28;
	s13 =	spop (v2sf);
	s12 =	smul.u32 $0xB40B40B5, s11  }
0x1f2: {  	v25 =	vsel vm2, s6, v25;
	(v2sf) =	vpush v19, $0x0;
	v24 =	vsel vm5, s0, v24;
	s9 =	ssub.s32 s30, s26;
	s14 =	smulhi.u32 $0xB40B40B5, s13;
	s15 =	sshra.s32 s13, $0x1F  }
0x1f3: {  	v23 =	vcombine.low v25, v23;
	v24 =	vsel vm6, s2, v24;
	s0 =	sadd.s32 s3, s9;
	s17 =	spop (v2sf);
	s16 =	smul.u32 $0xB40B40B5, s15  }
0x1f4: {  	(v2sf) =	vpush v19, $0x2;
	v24 =	vsel vm7, s0, v24;
	s21 =	smulhi.u32 $0xB40B40B5, s17;
	s22 =	sshra.s32 s17, $0x1F  }
0x1f5: {  	v21 =	vld.idx.msk [tilespmem:v21+s19+$0x0], $0xffff;
	v23 =	vperm.xlane v23, v9;
	v24 =	vperm.xlane v24, v10;
	s3 =	ssub.s32 s10, s4;
	s25 =	smul.u32 $0xB40B40B5, s22;
	s26 =	spop (v2sf)  }
0x1f6: {  	s0 =	sadd.s32 s12, s3;
	s28 =	smulhi.u32 $0xB40B40B5, s26;
	s30 =	sshra.s32 s26, $0x1F  }
0x1f7: {  	vm11 =	vgt.s32 v20, $0x0;
	(v2sf) =	vpush v19, $0x3;
	v62 =	vsel vm8, v24, v23;
	s2 =	ssub.s32 s14, s13;
	s31 =	spop (v2sf);
	s4 =	smul.u32 $0xB40B40B5, s30  }
0x1f8: {  	v29 =	vsel vm11, $0x1, v2;
	vm9 =	vlt.s32 v22, v16;
	v22 =	vadd.s32 v20, v62;
	s3 =	sadd.s32 s16, s2;
	s9 =	smulhi.u32 $0xB40B40B5, s31;
	s10 =	sshra.s32 s31, $0x1F  }
0x1f9: {  	(v2sf) =	vpush v19, $0x4;
	v28 =	vshrl.u32 v22, $0x1F;
	v22 =	vshra.s32 v22, $0x6;
	s1 =	ssub.s32 s21, s17;
	s12 =	spop (v2sf);
	s11 =	smul.u32 $0xB40B40B5, s10  }
0x1fa: {  	vm10 =	vlt.s32 v21, $0x0;
	v63 =	vxor.u32 $0xFFFFFFFF, v21;
	v22 =	vadd.s32 v28, v22;
	s1 =	sadd.s32 s25, s1;
	s13 =	smulhi.u32 $0xB40B40B5, s12;
	s14 =	sshra.s32 s12, $0x1F  }
0x1fb: {  	v21 =	vxor.u32 $0x80000000, v21;
	(v2sf) =	vpush v19, $0x5;
	v30 =	vmul.u32 $0xFFFFFFA5, v22;
	s2 =	ssub.s32 s28, s26;
	s16 =	spop (v2sf);
	s15 =	smul.u32 $0xB40B40B5, s14  }
0x1fc: {  	v26 =	vsub.s32 v11, v17;
	v24 =	vadd.s32 v29, v18;
	v21 =	vsel vm10, v63, v21;
	s2 =	sadd.s32 s4, s2;
	s17 =	smulhi.u32 $0xB40B40B5, s16;
	s21 =	sshra.s32 s16, $0x1F  }
0x1fd: {  	vm10 =	vne.s32 v24, $0x1;
	(v2sf) =	vpush v19, $0x6;
	vm11 =	vne.s32 v30, v26;
	s5 =	ssub.s32 s9, s31;
	s25 =	spop (v2sf);
	s22 =	smul.u32 $0xB40B40B5, s21  }
0x1fe: {  	v33 =	vor.u32 s24, v8;
	v21 =	vshrl.u32 v21, $0x12;
	vm10 =	vmand vm11, vm10;
	s8 =	ssub.s32 s13, s12;
	s26 =	smulhi.u32 $0xB40B40B5, s25;
	s28 =	sshra.s32 s25, $0x1F  }
0x1ff: {  	(v2sf) =	vpush v19, $0x7;
	v31 =	vnsel vm9, $0x0, v21;
	s30 =	spop (v2sf);
	v32 =	vsel vm10, $0xFFFFFFFF, v2;
	s7 =	sadd.s32 s15, s8;
	s8 =	smul.u32 $0xB40B40B5, s28  }
0x200: {  	(v2sf) =	vpush v33, $0xD;
	s4 =	sadd.s32 s11, s5;
	s31 =	smulhi.u32 $0xB40B40B5, s30;
	s13 =	sshra.s32 s30, $0x1F;
	v22 =	vadd.s32 v32, v22  }
0x201: {  	s5 =	ssub.s32 s17, s16;
	s15 =	spop (v2sf);
	s14 =	smul.u32 $0xB40B40B5, s13  }
0x202: {  	s5 =	sadd.s32 s22, s5;
	s16 =	smulhi.u32 $0xB40B40B5, s15;
	s17 =	sshra.s32 s15, $0x1F  }
0x203: {  	(v2sf) =	vpush v33, $0xC;
	s6 =	ssub.s32 s26, s25;
	s22 =	spop (v2sf);
	s21 =	smul.u32 $0xB40B40B5, s17  }
0x204: {  	s6 =	sadd.s32 s8, s6;
	s9 =	ssub.s32 s31, s30;
	s25 =	smulhi.u32 $0xB40B40B5, s22;
	[tilespmem:v31+s18+$0x0] =	vst.idx.add.s32.msk $0xffff, v5  }
0x205: {  	(v2sf) =	vpush v33, $0xE;
	s26 =	sshra.s32 s22, $0x1F;
	s9 =	sadd.s32 s14, s9;
	s8 =	ssub.s32 s16, s15;
	v23 =	vld.idx.msk [tilespmem:v22+s29+$0x0], $0xffff  }
0x206: {  	(v2sf) =	vpush v33, $0xF;
	s28 =	smul.u32 $0xB40B40B5, s26;
	s8 =	sadd.s32 s21, s8;
	s30 =	spop (v2sf)  }
0x207: {  	s11 =	ssub.s32 s25, s22;
	(v2sf) =	vpush v33, $0x9;
	s31 =	smulhi.u32 $0xB40B40B5, s30;
	s16 =	sshra.s32 s30, $0x1F  }
0x208: {  	s11 =	sadd.s32 s28, s11;
	s21 =	spop (v2sf);
	(v2sf) =	vpush v33, $0x8;
	s17 =	smul.u32 $0xB40B40B5, s16  }
0x209: {  	s22 =	smulhi.u32 $0xB40B40B5, s21;
	s25 =	sshra.s32 s21, $0x1F;
	s10 =	ssub.s32 s31, s30  }
0x20a: {  	v37 =	vmov s8;
	s26 =	smul.u32 $0xB40B40B5, s25;
	s8 =	sadd.s32 s17, s10;
	s28 =	spop (v2sf);
	(v2sf) =	vpush v33, $0xA;
	v23 =	vmul.u32 $0x5B, v23  }
0x20b: {  	v34 =	vmul.u32 $0xFFFFFFA5, v22;
	v35 =	vmul.u32 $0x7, v22;
	s12 =	ssub.s32 s22, s21;
	s30 =	smulhi.u32 $0xB40B40B5, s28;
	s31 =	sshra.s32 s28, $0x1F  }
0x20c: {  	v40 =	vnsel vm3, $0x0, v37;
	s17 =	sadd.s32 s26, s12;
	s15 =	spop (v2sf);
	(v2sf) =	vpush v33, $0xB;
	s13 =	smul.u32 $0xB40B40B5, s31;
	v36 =	vshrl.u32 v23, $0x4  }
0x20d: {  	v20 =	vadd.s32 v20, v34;
	v41 =	vsel vm0, s9, v40;
	s21 =	smulhi.u32 $0xB40B40B5, s15;
	s22 =	sshra.s32 s15, $0x1F;
	s25 =	ssub.s32 s30, s28;
	v38 =	vsub.s32 v35, v36  }
0x20e: {  	v20 =	vadd.s32 v23, v20;
	s26 =	smul.u32 $0xB40B40B5, s22;
	s28 =	spop (v2sf);
	(v2sf) =	vpush v33, $0x1;
	s30 =	sadd.s32 s13, s25;
	v23 =	vshll.u32 v38, $0x4  }
0x20f: {  	s31 =	smulhi.u32 $0xB40B40B5, s28;
	s13 =	ssub.s32 s21, s15;
	s16 =	spop (v2sf);
	v20 =	vadd.s32 v23, v20;
	v23 =	vsel vm1, s11, v41  }
0x210: {  	v42 =	vmov s7;
	(v2sf) =	vpush v33, $0x0;
	s21 =	sadd.s32 s26, s13;
	s22 =	smulhi.u32 $0xB40B40B5, s16;
	s25 =	sshra.s32 s16, $0x1F;
	v23 =	vsel vm2, s8, v23  }
0x211: {  	v39 =	vmov s3;
	v25 =	vsel vm0, s4, v42;
	s11 =	sshra.s32 s28, $0x1F;
	s26 =	ssub.s32 s31, s28;
	s28 =	smul.u32 $0xB40B40B5, s25;
	v23 =	vsel vm4, s17, v23  }
0x212: {  	v24 =	vsel vm0, s0, v39;
	v25 =	vsel vm1, s5, v25;
	s15 =	smul.u32 $0xB40B40B5, s11;
	v23 =	vsel vm5, s30, v23;
	s30 =	spop (v2sf)  }
0x213: {  	v24 =	vsel vm1, s1, v24;
	v25 =	vsel vm2, s6, v25;
	s31 =	smulhi.u32 $0xB40B40B5, s30;
	s6 =	sshra.s32 s30, $0x1F  }
0x214: {  	v24 =	vsel vm2, s2, v24;
	s0 =	sadd.s32 s15, s26;
	s7 =	spop (v2sf);
	s8 =	smul.u32 $0xB40B40B5, s6  }
0x215: {  	v24 =	vcombine.low v25, v24;
	(v2sf) =	vpush v33, $0x2;
	v23 =	vsel vm6, s21, v23;
	s11 =	spop (v2sf);
	s17 =	smulhi.u32 $0xB40B40B5, s7;
	s21 =	sshra.s32 s7, $0x1F  }
0x216: {  	s3 =	ssub.s32 s22, s16;
	v23 =	vsel vm7, s0, v23;
	s10 =	spop (v2sf);
	s22 =	smul.u32 $0xB40B40B5, s21  }
0x217: {  	v24 =	vperm.xlane v24, v9;
	v23 =	vperm.xlane v23, v10;
	s25 =	smulhi.u32 $0xB40B40B5, s11;
	s26 =	sshra.s32 s11, $0x1F;
	s13 =	spop (v2sf);
	(v2sf) =	vpush v33, $0x3  }
0x218: {  	s1 =	sadd.s32 s28, s3;
	s28 =	ssub.s32 s31, s30;
	s30 =	smul.u32 $0xB40B40B5, s26  }
0x219: {  	vm10 =	vgt.s32 v19, $0x0;
	v20 =	vld.idx.msk [tilespmem:v20+s19+$0x0], $0xffff;
	s31 =	smulhi.u32 $0xB40B40B5, s10;
	s15 =	sshra.s32 s10, $0x1F;
	v23 =	vsel vm8, v23, v24;
	s12 =	spop (v2sf);
	(v2sf) =	vpush v33, $0x4  }
0x21a: {  	v45 =	vsel vm10, $0x1, v2;
	s2 =	sadd.s32 s8, s28;
	s16 =	ssub.s32 s17, s7;
	s5 =	smul.u32 $0xB40B40B5, s15;
	v23 =	vadd.s32 v19, v23  }
0x21b: {  	s17 =	smulhi.u32 $0xB40B40B5, s13;
	s21 =	sshra.s32 s13, $0x1F;
	v43 =	vshrl.u32 v23, $0x1F;
	v23 =	vshra.s32 v23, $0x6;
	s14 =	spop (v2sf);
	(v2sf) =	vpush v33, $0x5  }
0x21c: {  	v27 =	vsub.s32 v12, v17;
	v24 =	vadd.s32 v45, v18;
	s9 =	sadd.s32 s22, s16;
	s22 =	ssub.s32 s25, s11;
	s25 =	smul.u32 $0xB40B40B5, s21;
	v23 =	vadd.s32 v43, v23  }
0x21d: {  	vm10 =	vne.s32 v24, $0x1;
	s8 =	smulhi.u32 $0xB40B40B5, s12;
	s26 =	sshra.s32 s12, $0x1F;
	v46 =	vmul.u32 $0xFFFFFFA5, v23;
	s15 =	spop (v2sf);
	(v2sf) =	vpush v33, $0x6  }
0x21e: {  	s0 =	sadd.s32 s30, s22;
	s28 =	ssub.s32 s31, s10;
	vm9 =	vlt.s32 v20, $0x0;
	v44 =	vxor.u32 $0xFFFFFFFF, v20;
	v20 =	vxor.u32 $0x80000000, v20;
	s4 =	smul.u32 $0xB40B40B5, s26  }
0x21f: {  	v20 =	vsel vm9, v44, v20;
	s30 =	smulhi.u32 $0xB40B40B5, s14;
	s31 =	sshra.s32 s14, $0x1F;
	s16 =	spop (v2sf);
	(v2sf) =	vpush v33, $0x7;
	vm11 =	vne.s32 v46, v27  }
0x220: {  	s3 =	sadd.s32 s5, s28;
	s17 =	ssub.s32 s17, s13;
	v20 =	vshrl.u32 v20, $0x12;
	s21 =	smul.u32 $0xB40B40B5, s31;
	vm9 =	vmand vm11, vm10;
	vm10 =	vlt.s32 v22, v16  }
0x221: {  	s5 =	sadd.s32 s25, s17;
	s22 =	smulhi.u32 $0xB40B40B5, s15;
	s25 =	sshra.s32 s15, $0x1F;
	v20 =	vnsel vm10, $0x0, v20;
	v47 =	vsel vm9, $0xFFFFFFFF, v2  }
0x222: {  	s8 =	ssub.s32 s8, s12;
	s10 =	ssub.s32 s30, s14;
	s11 =	smul.u32 $0xB40B40B5, s25;
	v22 =	vadd.s32 v47, v23  }
0x223: {  	s4 =	sadd.s32 s4, s8;
	s26 =	smulhi.u32 $0xB40B40B5, s16;
	s28 =	sshra.s32 s16, $0x1F  }
0x224: {  	s6 =	sadd.s32 s21, s10;
	s30 =	smul.u32 $0xB40B40B5, s28;
	s13 =	spop (v2sf)  }
0x225: {  	s7 =	ssub.s32 s22, s15;
	s31 =	smulhi.u32 $0xB40B40B5, s13;
	s17 =	sshra.s32 s13, $0x1F  }
0x226: {  	s7 =	sadd.s32 s11, s7;
	s21 =	smul.u32 $0xB40B40B5, s17;
	[tilespmem:v20+s18+$0x0] =	vst.idx.add.s32.msk $0xffff, v5;
	s15 =	spop (v2sf)  }
0x227: {  	s12 =	ssub.s32 s26, s16;
	v20 =	vld.idx.msk [tilespmem:v22+s29+$0x0], $0xffff;
	s22 =	smulhi.u32 $0xB40B40B5, s15;
	s25 =	sshra.s32 s15, $0x1F  }
0x228: {  	s26 =	sadd.s32 s30, s12;
	s8 =	spop (v2sf);
	s28 =	smul.u32 $0xB40B40B5, s25  }
0x229: {  	v48 =	vmov s2;
	v49 =	vmov s5;
	s30 =	ssub.s32 s31, s13;
	s31 =	smulhi.u32 $0xB40B40B5, s8;
	s16 =	sshra.s32 s8, $0x1F  }
0x22a: {  	v24 =	vsel vm0, s3, v49;
	v23 =	vsel vm0, s1, v48;
	s1 =	sadd.s32 s21, s30;
	s17 =	spop (v2sf);
	s21 =	smul.u32 $0xB40B40B5, s16  }
0x22b: {  	v24 =	vsel vm1, s4, v24;
	v50 =	vmov s26;
	s22 =	ssub.s32 s22, s15;
	s25 =	smulhi.u32 $0xB40B40B5, s17;
	s26 =	sshra.s32 s17, $0x1F  }
0x22c: {  	v56 =	vsel vm2, s6, v24;
	v25 =	vnsel vm3, $0x0, v50;
	s2 =	sadd.s32 s28, s22;
	v20 =	vmul.u32 $0x5B, v20;
	s28 =	spop (v2sf);
	s13 =	smul.u32 $0xB40B40B5, s26  }
0x22d: {  	v51 =	vmul.u32 $0xFFFFFFA5, v22;
	v52 =	vmul.u32 $0x7, v22;
	v25 =	vsel vm0, s7, v25;
	s30 =	ssub.s32 s31, s8;
	s31 =	smulhi.u32 $0xB40B40B5, s28;
	s10 =	sshra.s32 s28, $0x1F  }
0x22e: {  	v23 =	vsel vm1, s9, v23;
	v25 =	vsel vm1, s1, v25;
	s11 =	sadd.s32 s21, s30;
	s15 =	spop (v2sf);
	v28 =	vshrl.u32 v20, $0x4;
	s14 =	smul.u32 $0xB40B40B5, s10  }
0x22f: {  	v19 =	vadd.s32 v19, v51;
	v25 =	vsel vm2, s2, v25;
	s16 =	ssub.s32 s25, s17;
	s17 =	smulhi.u32 $0xB40B40B5, s15;
	s21 =	sshra.s32 s15, $0x1F;
	v53 =	vsub.s32 v52, v28  }
0x230: {  	v19 =	vadd.s32 v20, v19;
	v25 =	vsel vm4, s11, v25;
	s22 =	sadd.s32 s13, s16;
	s25 =	ssub.s32 s31, s28;
	s26 =	smul.u32 $0xB40B40B5, s21;
	v54 =	vshll.u32 v53, $0x4  }
0x231: {  	v55 =	vsel vm2, s0, v23;
	v57 =	vsel vm5, s22, v25;
	s28 =	sadd.s32 s14, s25;
	s30 =	ssub.s32 s17, s15;
	v19 =	vadd.s32 v54, v19  }
0x232: {  	v20 =	vcombine.low v56, v55;
	v58 =	vsel vm6, s28, v57;
	s31 =	sadd.s32 s26, s30  }
0x233: {  	v23 =	vsel vm7, s31, v58  }
0x234: {  	v20 =	vperm.xlane v20, v9;
	v23 =	vperm.xlane v23, v10;
	_ =	sdelay $0x1  }
0x235: {  	v20 =	vsel vm8, v23, v20;
	v19 =	vld.idx.msk [tilespmem:v19+s19+$0x0], $0xffff  }
0x236: {  	v20 =	vadd.s32 v33, v20  }
0x237: {  	vm9 =	vgt.s32 v33, $0x0;
	v59 =	vshrl.u32 v20, $0x1F;
	v20 =	vshra.s32 v20, $0x6  }
0x238: {  	v60 =	vsel vm9, $0x1, v2;
	v20 =	vadd.s32 v59, v20  }
0x239: {  	v17 =	vsub.s32 v13, v17;
	v18 =	vadd.s32 v60, v18;
	v61 =	vmul.u32 $0xFFFFFFA5, v20  }
0x23a: {  	vm9 =	vlt.s32 v19, $0x0;
	v62 =	vxor.u32 $0xFFFFFFFF, v19;
	v19 =	vxor.u32 $0x80000000, v19  }
0x23b: {  	vm10 =	vne.s32 v61, v17;
	v19 =	vsel vm9, v62, v19;
	vm9 =	vne.s32 v18, $0x1  }
0x23c: {  	vm9 =	vmand vm10, vm9;
	vm10 =	vlt.s32 v22, v16;
	v17 =	vshrl.u32 v19, $0x12  }
0x23d: {  	v17 =	vnsel vm10, $0x0, v17;
	v18 =	vsel vm9, $0xFFFFFFFF, v2  }
0x23e: {  	v18 =	vadd.s32 v18, v20;
	_ =	sdelay $0x3  }
0x23f: {  	[tilespmem:v17+s18+$0x0] =	vst.idx.add.s32.msk $0xffff, v5  }
0x240: {  	v17 =	vld.idx.msk [tilespmem:v18+s29+$0x0], $0xffff;
	_ =	sdelay $0x4  }
0x241: {  	v17 =	vmul.u32 $0x5B, v17  }
0x242: {  	v19 =	vmul.u32 $0xFFFFFFA5, v18;
	v20 =	vmul.u32 $0x7, v18  }
0x243: {  	v63 =	vshrl.u32 v17, $0x4  }
0x244: {  	v19 =	vadd.s32 v33, v19;
	v20 =	vsub.s32 v20, v63  }
0x245: {  	v17 =	vadd.s32 v17, v19;
	v19 =	vshll.u32 v20, $0x4  }
0x246: {  	v17 =	vadd.s32 v19, v17;
	_ =	sdelay $0x4  }
0x247: {  	v17 =	vld.idx.msk [tilespmem:v17+s19+$0x0], $0xffff;
	_ =	sdelay $0x4  }
0x248: {  	vm9 =	vlt.s32 v17, $0x0;
	v19 =	vxor.u32 $0xFFFFFFFF, v17;
	v17 =	vxor.u32 $0x80000000, v17  }
0x249: {  	v17 =	vsel vm9, v19, v17  }
0x24a: {  	vm9 =	vlt.s32 v18, v16;
	v17 =	vshrl.u32 v17, $0x12  }
0x24b: {  	p0 =	seq.s32 s23, $0x1;
	v17 =	vnsel vm9, $0x0, v17  }
.Ltmp8:
0x24c: {  	_ = 	snop;
	(pc) =	sbr.rel @!p0 .LBB2_21-.Ltmp8, $2  }
0x24d: {  	_ =	sdelay $0x2  }
0x24e: {  	s23 =	sadd.s32 $0xFFFFFFFF, s23;
	s24 =	sadd.s32 $0x40, s24;
	[tilespmem:v17+s18+$0x0] =	vst.idx.add.s32.msk $0xffff, v5  }
.LBB2_15:
0x24f: {  	s0 =	simm.s32 $0x8E10  }
0x250: {  	v17 =	vld [tilespmem:s0+$0x0];
	_ =	sdelay $0x4  }
0x251: {  	v18 =	vcvt.s32.f32 v17;
	_ =	sdelay $0x1  }
0x252: {  	v18 =	vperm.xlane v18, v3  }
0x253: {  	s17 =	simm.s32 $0x8E00  }
0x254: {  	(xrf2) =	vadd.scan.msk.f32 $0xffff, v18;
	v18 =	vld [tilespmem:s17+$0x0]  }
0x255: {  	(xrf0) =	vadd.scan.msk.s32 $0xffff, v17;
	_ =	sdelay $0x2  }
0x256: {  	s18 =	simm.s32 $0x8DF0  }
0x257: {  	v17 =	vld [tilespmem:s18+$0x0];
	(xrf0) =	vadd.scan.msk.s32 $0xffff, v18;
	_ =	sdelay $0x1  }
0x258: {  	s19 =	simm.s32 $0x8DE0;
	v19, _, _ =	vpop (xrf0);
	v18 =	vcvt.s32.f32 v18  }
0x259: {  	v20 =	vld [tilespmem:s19+$0x0];
	(v2sf) =	vpush v19, $0xF  }
0x25a: {  	v18 =	vperm.xlane v18, v3  }
0x25b: {  	(xrf0) =	vadd.scan.msk.s32 $0xffff, v17;
	v19, _, _ =	vpop (xrf2)  }
0x25c: {  	v17 =	vcvt.s32.f32 v17;
	(xrf2) =	vadd.scan.msk.f32 $0xffff, v18;
	v19 =	vtrunc.f32 v19;
	v21, _, _ =	vpop (xrf0)  }
0x25d: {  	s21 =	simm.s32 $0x8DD0;
	v19 =	vcvt.f32.s32 v19;
	(v2sf) =	vpush v21, $0xF  }
0x25e: {  	s24 =	simm.s32 $0x0;
	(xrf0) =	vadd.scan.msk.s32 $0xffff, v20;
	v17 =	vperm.xlane v17, v3;
	v18 =	vcvt.s32.f32 v20;
	v20 =	vld [tilespmem:s21+$0x0]  }
0x25f: {  	v19 =	vadd.s32 s24, v19  }
0x260: {  	(xrf2) =	vadd.scan.msk.f32 $0xffff, v17;
	vm9 =	vgt.s32 v19, $0x63  }
0x261: {  	v17 =	vperm.xlane v18, v3;
	v18 =	vnsel vm9, $0x80000063, v4  }
0x262: {  	(xrf0) =	vmin.scan.msk.u32 $0xffff, v18  }
0x263: {  	v60, _, _ =	vpop (xrf0);
	(xrf0) =	vadd.scan.msk.s32 $0xffff, v20  }
0x264: {  	s22 =	simm.s32 $0x8DC0;
	(v2sf) =	vpush v60, $0xF;
	(xrf2) =	vadd.scan.msk.f32 $0xffff, v17;
	v17 =	vcvt.s32.f32 v20  }
0x265: {  	v19 =	vld [tilespmem:s22+$0x0];
	v18, _, _ =	vpop (xrf0)  }
0x266: {  	v17 =	vperm.xlane v17, v3;
	(v2sf) =	vpush v18, $0xF;
	v18, _, _ =	vpop (xrf2)  }
0x267: {  	v18 =	vtrunc.f32 v18  }
0x268: {  	s23 =	spop (v2sf);
	(xrf2) =	vadd.scan.msk.f32 $0xffff, v17;
	v17 =	vcvt.f32.s32 v18;
	v20, _, _ =	vpop (xrf0)  }
0x269: {  	s0 =	sadd.s32 $0x0, s23;
	(v2sf) =	vpush v20, $0xF;
	v20, _, _ =	vpop (xrf0)  }
0x26a: {  	v18 =	vcvt.s32.f32 v19;
	v17 =	vadd.s32 s0, v17;
	(v2sf) =	vpush v20, $0xF;
	v20, _, _ =	vpop (xrf2)  }
0x26b: {  	vm9 =	vgt.s32 v17, $0x63;
	v17 =	vtrunc.f32 v20  }
0x26c: {  	v18 =	vperm.xlane v18, v3;
	v17 =	vcvt.f32.s32 v17;
	s1 =	spop (v2sf)  }
0x26d: {  	s0 =	sadd.s32 s0, s1  }
0x26e: {  	v20 =	vnsel vm9, $0x80000063, v4;
	(xrf2) =	vadd.scan.msk.f32 $0xffff, v18;
	v17 =	vadd.s32 s0, v17  }
0x26f: {  	(xrf0) =	vmin.scan.msk.u32 $0xffff, v20;
	vm9 =	vgt.s32 v17, $0x63  }
0x270: {  	(xrf0) =	vadd.scan.msk.s32 $0xffff, v19;
	v19 =	vnsel vm9, $0x80000063, v4  }
0x271: {  	s2 =	simm.s32 $0x8DB0;
	v61, _, _ =	vpop (xrf2)  }
0x272: {  	v18 =	vld [tilespmem:s2+$0x0];
	v20 =	vtrunc.f32 v61  }
0x273: {  	v20 =	vcvt.f32.s32 v20;
	s25 =	spop (v2sf);
	(xrf0) =	vmin.scan.msk.u32 $0xffff, v19;
	v19, _, _ =	vpop (xrf2)  }
0x274: {  	s0 =	sadd.s32 s0, s25;
	v19 =	vtrunc.f32 v19  }
0x275: {  	v20 =	vadd.s32 s0, v20;
	s28 =	spop (v2sf);
	v19 =	vcvt.f32.s32 v19  }
0x276: {  	s26 =	simm.s32 $0x8DA0;
	vm9 =	vgt.s32 v20, $0x63;
	s8 =	sadd.s32 s0, s28  }
0x277: {  	v17 =	vld [tilespmem:s26+$0x0];
	v20 =	vnsel vm9, $0x80000063, v4;
	(xrf0) =	vadd.scan.msk.s32 $0xffff, v18;
	v19 =	vadd.s32 s8, v19  }
0x278: {  	v62, _, _ =	vpop (xrf0);
	(xrf0) =	vmin.scan.msk.u32 $0xffff, v20  }
0x279: {  	v18 =	vcvt.s32.f32 v18;
	(v2sf) =	vpush v62, $0xF  }
0x27a: {  	vm9 =	vgt.s32 v19, $0x63;
	v19, _, _ =	vpop (xrf2)  }
0x27b: {  	v20, _, _ =	vpop (xrf0);
	v18 =	vperm.xlane v18, v3;
	v19 =	vtrunc.f32 v19  }
0x27c: {  	(xrf0) =	vadd.scan.msk.s32 $0xffff, v17;
	(v2sf) =	vpush v20, $0xF;
	v20, _, _ =	vpop (xrf0)  }
0x27d: {  	(xrf2) =	vadd.scan.msk.f32 $0xffff, v18;
	(v2sf) =	vpush v20, $0xF;
	v20, _, _ =	vpop (xrf0);
	v18 =	vnsel vm9, $0x80000063, v4  }
0x27e: {  	(v2sf) =	vpush v20, $0xF;
	(xrf0) =	vmin.scan.msk.u32 $0xffff, v18;
	v18 =	vcvt.f32.s32 v19;
	v19, _, _ =	vpop (xrf0)  }
0x27f: {  	s7 =	simm.s32 $0x80003FEF;
	s9 =	spop (v2sf);
	(v2sf) =	vpush v19, $0xF  }
0x280: {  	s6 =	simm.s32 $0x80003FDF;
	s30 =	simm.s32 $0x8D90;
	v17 =	vcvt.s32.f32 v17  }
0x281: {  	s5 =	simm.s32 $0x80003FCF;
	s3 =	simm.s32 $0x80003FBF;
	v63 =	vld [tilespmem:s30+$0x0]  }
0x282: {  	s4 =	simm.s32 $0x80003FAF;
	s2 =	simm.s32 $0x80003F9F;
	v17 =	vperm.xlane v17, v3  }
0x283: {  	p0 =	por $0x0, $0x0;
	s1 =	simm.s32 $0x80003F8F;
	s0 =	simm.s32 $0x80003F7F  }
0x284: {  	s10 =	sxor.u32 $0x80000000, s9;
	s11 =	ssub.s32 $0x80003FFF, s9;
	s31 =	spop (v2sf);
	(xrf2) =	vadd.scan.msk.f32 $0xffff, v17  }
0x285: {  	p1 =	slt.s32 s10, $0x10;
	s11 =	smov.u32 @p0 s24;
	s8 =	sadd.s32 s8, s31  }
0x286: {  	s9 =	simm.s32 $0x80003F6F;
	v17 =	vcvt.s32.f32 v63;
	s10 =	simm.s32 $0x8D80;
	s24 =	smov.u32 @p1 s11;
	(xrf0) =	vadd.scan.msk.s32 $0xffff, v63;
	v18 =	vadd.s32 s8, v18;
	v19, _, _ =	vpop (xrf0)  }
.LBB2_16:
0x287: {  	p2 =	seq.s32 s9, $0x8000000F  }
0x288: {  	s11 =	spop (v2sf);
	s12 =	smov.u32 s1;
	s1 =	smov.u32 s0  }
0x289: {  	v20 =	vld [tilespmem:s10+$0x0];
	(v2sf) =	vpush v19, $0xF;
	vm9 =	vgt.s32 v18, $0x63;
	s0 =	smov.u32 s9;
	s9 =	sadd.s32 $0xFFFFFFF0, s9;
	p0 =	por p0, p1  }
.Ltmp9:
0x28a: {  	v17 =	vperm.xlane v17, v3;
	v18, _, _ =	vpop (xrf2);
	v21 =	vnsel vm9, $0x80000063, v4;
	s13 =	sxor.u32 $0x80000000, s11;
	s11 =	ssub.s32 s7, s11;
	(pc) =	sbr.rel @!p2 .LBB2_16-.Ltmp9, $4  }
0x28b: {  	s7 =	smov.u32 s6;
	v18 =	vtrunc.f32 v18;
	(xrf0) =	vmin.scan.msk.u32 $0xffff, v21;
	v19, _, _ =	vpop (xrf0);
	p1 =	slt.s32 s13, $0x10;
	s11 =	smov.u32 @p0 s24  }
0x28c: {  	s6 =	smov.u32 s5;
	(xrf2) =	vadd.scan.msk.f32 $0xffff, v17;
	v18 =	vcvt.f32.s32 v18;
	s13 =	spop (v2sf);
	(v2sf) =	vpush v19, $0xF;
	s24 =	smov.u32 @p1 s11  }
0x28d: {  	s5 =	smov.u32 s3;
	s3 =	smov.u32 s4;
	s8 =	sadd.s32 s8, s13  }
0x28e: {  	s10 =	sadd.s32 $0xFFFFFFF0, s10;
	s4 =	smov.u32 s2;
	s2 =	smov.u32 s12;
	v17 =	vcvt.s32.f32 v20;
	(xrf0) =	vadd.scan.msk.s32 $0xffff, v20;
	v19, _, _ =	vpop (xrf0);
	v18 =	vadd.s32 s8, v18  }
0x28f: {  	_ = 	snop  }
0x290: {  	(v2sf) =	vpush v19, $0xF;
	v17 =	vperm.xlane v17, v3;
	_ =	sdelay $0x1  }
0x291: {  	(xrf2) =	vadd.scan.msk.f32 $0xffff, v17;
	_ =	sdelay $0x3  }
0x292: {  	v17, _, _ =	vpop (xrf2)  }
0x293: {  	s9 =	spop (v2sf);
	v17 =	vtrunc.f32 v17  }
0x294: {  	s10 =	spop (v2sf);
	v17 =	vcvt.f32.s32 v17  }
0x295: {  	vm9 =	vgt.s32 v18, $0x63;
	s8 =	sadd.s32 s8, s10  }
0x296: {  	v18 =	vnsel vm9, $0x80000063, v4;
	v19, _, _ =	vpop (xrf2);
	v17 =	vadd.s32 s8, v17  }
0x297: {  	(xrf0) =	vmin.scan.msk.u32 $0xffff, v18;
	s30 =	spop (v2sf);
	v18 =	vtrunc.f32 v19;
	vm9 =	vgt.s32 v17, $0x63  }
0x298: {  	s11 =	spop (v2sf);
	v17 =	vcvt.f32.s32 v18;
	v18 =	vnsel vm9, $0x80000063, v4;
	v19, _, _ =	vpop (xrf2)  }
0x299: {  	v20, _, _ =	vpop (xrf0);
	s8 =	sadd.s32 s8, s11;
	(xrf0) =	vmin.scan.msk.u32 $0xffff, v18;
	v18 =	vtrunc.f32 v19  }
0x29a: {  	v17 =	vadd.s32 s8, v17;
	s31 =	spop (v2sf)  }
0x29b: {  	(v2sf) =	vpush v20, $0xF;
	vm9 =	vgt.s32 v17, $0x63;
	v17 =	vcvt.f32.s32 v18;
	s12 =	spop (v2sf)  }
0x29c: {  	v19 =	vnsel vm9, $0x80000063, v4;
	s8 =	sadd.s32 s8, s12;
	v18, _, _ =	vpop (xrf0)  }
0x29d: {  	v17 =	vadd.s32 s8, v17;
	(v2sf) =	vpush v18, $0xF;
	v18, _, _ =	vpop (xrf0);
	(xrf0) =	vmin.scan.msk.u32 $0xffff, v19  }
0x29e: {  	vm9 =	vgt.s32 v17, $0x63  }
0x29f: {  	(v2sf) =	vpush v18, $0xF;
	v17 =	vnsel vm9, $0x80000063, v4  }
0x2a0: {  	v18, _, _ =	vpop (xrf0);
	(xrf0) =	vmin.scan.msk.u32 $0xffff, v17  }
0x2a1: {  	(v2sf) =	vpush v18, $0xF;
	_ =	sdelay $0x1  }
0x2a2: {  	[tilespmem:$0x11920] =	vst v14;
	v17, _, _ =	vpop (xrf0)  }
0x2a3: {  	[tilespmem:$0x10620] =	vst v2;
	(v2sf) =	vpush v17, $0xF  }
0x2a4: {  	[tilespmem:$0x11930] =	vst v14;
	s28 =	sadd.s32 $0xF, s20  }
0x2a5: {  	p0 =	por p0, p1;
	[tilespmem:$0x10630] =	vst v2;
	s7 =	ssub.s32 s7, s9;
	p6 =	slt.s32 s28, $0x1;
	v17, _, _ =	vpop (xrf0)  }
0x2a6: {  	[tilespmem:$0x11940] =	vst v14;
	s7 =	smov.u32 @p0 s24;
	s13 =	sxor.u32 $0x80000000, s30;
	s12 =	sxor.u32 $0x80000000, s9;
	(v2sf) =	vpush v17, $0xF  }
0x2a7: {  	[tilespmem:$0x10640] =	vst v2;
	s6 =	ssub.s32 s6, s30;
	s14 =	sxor.u32 $0x80000000, s31;
	p1 =	slt.s32 s12, $0x10  }
0x2a8: {  	[tilespmem:$0x11950] =	vst v14;
	s5 =	ssub.s32 s5, s31;
	s24 =	smov.u32 @p1 s7;
	p0 =	por p0, p1  }
0x2a9: {  	[tilespmem:$0x10650] =	vst v2;
	p1 =	slt.s32 s13, $0x10;
	s15 =	spop (v2sf);
	s6 =	smov.u32 @p0 s24  }
0x2aa: {  	[tilespmem:$0x11960] =	vst v14;
	p0 =	por p0, p1;
	s16 =	sxor.u32 $0x80000000, s15;
	s24 =	smov.u32 @p1 s6  }
0x2ab: {  	[tilespmem:$0x10660] =	vst v2;
	s3 =	ssub.s32 s3, s15;
	p1 =	slt.s32 s14, $0x10;
	s5 =	smov.u32 @p0 s24  }
0x2ac: {  	[tilespmem:$0x11970] =	vst v14;
	p0 =	por p0, p1;
	s24 =	smov.u32 @p1 s5;
	s17 =	spop (v2sf)  }
0x2ad: {  	[tilespmem:$0x10670] =	vst v2;
	p1 =	slt.s32 s16, $0x10;
	s3 =	smov.u32 @p0 s24;
	s18 =	spop (v2sf)  }
0x2ae: {  	[tilespmem:$0x11980] =	vst v14;
	p0 =	por p0, p1;
	s24 =	smov.u32 @p1 s3;
	s5 =	sxor.u32 $0x80000000, s18  }
0x2af: {  	[tilespmem:$0x10680] =	vst v2;
	s3 =	ssub.s32 s4, s18;
	s19 =	spop (v2sf);
	p1 =	slt.s32 s5, $0x10  }
0x2b0: {  	[tilespmem:$0x11990] =	vst v14;
	s3 =	smov.u32 @p0 s24;
	s21 =	sxor.u32 $0x80000000, s19;
	s2 =	ssub.s32 s2, s19  }
0x2b1: {  	[tilespmem:$0x10690] =	vst v2;
	s24 =	smov.u32 @p1 s3;
	p0 =	por p0, p1;
	p1 =	slt.s32 s21, $0x10  }
0x2b2: {  	[tilespmem:$0x119A0] =	vst v14;
	s2 =	smov.u32 @p0 s24;
	p0 =	por p0, p1;
	s22 =	spop (v2sf)  }
0x2b3: {  	[tilespmem:$0x106A0] =	vst v2;
	s24 =	smov.u32 @p1 s2;
	s23 =	sxor.u32 $0x80000000, s22;
	s1 =	ssub.s32 s1, s22  }
0x2b4: {  	[tilespmem:$0x119B0] =	vst v14;
	s30 =	sand.u32 $0xF, s28;
	p1 =	slt.s32 s23, $0x10;
	s1 =	smov.u32 @p0 s24  }
0x2b5: {  	[tilespmem:$0x106B0] =	vst v2;
	p5 =	sne.s32 s30, $0x0;
	s25 =	spop (v2sf);
	s24 =	smov.u32 @p1 s1  }
0x2b6: {  	[tilespmem:$0x119C0] =	vst v14;
	s26 =	sxor.u32 $0x80000000, s25;
	s0 =	ssub.s32 s0, s25;
	p0 =	por p0, p1  }
0x2b7: {  	[tilespmem:$0x106C0] =	vst v2;
	s31 =	sshra.s32 s28, $0x1F;
	p1 =	slt.s32 s26, $0x10;
	s0 =	smov.u32 @p0 s24  }
0x2b8: {  	[tilespmem:$0x119D0] =	vst v14;
	s1 =	sshrl.u32 s31, $0x1C;
	p0 =	por !p6, !p5;
	s24 =	smov.u32 @p1 s0  }
0x2b9: {  	[tilespmem:$0x106D0] =	vst v2;
	s0 =	sadd.s32 s1, s28;
	p0 =	por !p0, !p0;
	s1 =	simm.s32 $0x1  }
0x2ba: {  	[tilespmem:$0x119E0] =	vst v14;
	s0 =	sshra.s32 s0, $0x4;
	s1 =	simm.s32 @!p0 $0x0  }
0x2bb: {  	[tilespmem:$0x106E0] =	vst v2;
	s0 =	ssub.s32 s0, s1  }
0x2bc: {  	[tilespmem:$0x119F0] =	vst v14;
	p0 =	sgt.s32 s0, $0x0  }
.Ltmp10:
0x2bd: {  	[tilespmem:$0x106F0] =	vst v2;
	(pc) =	sbr.rel @!p0 .LBB2_27-.Ltmp10, $4  }
0x2be: {  	[tilespmem:$0x11A00] =	vst v14  }
0x2bf: {  	[tilespmem:$0x10700] =	vst v2  }
0x2c0: {  	[tilespmem:$0x11A10] =	vst v14  }
0x2c1: {  	[tilespmem:$0x10710] =	vst v2  }
0x2c2: {  	s1 =	simm.s32 $0x0  }
0x2c3: {  	v19 =	vor.u32 s1, v0  }
0x2c4: {  	(v2sf) =	vpush v19, $0x7  }
0x2c5: {  	(v2sf) =	vpush v19, $0x6  }
0x2c6: {  	(v2sf) =	vpush v19, $0xF  }
0x2c7: {  	(v2sf) =	vpush v19, $0xB  }
0x2c8: {  	(v2sf) =	vpush v19, $0x5;
	_ =	sdelay $0x1  }
0x2c9: {  	(v2sf) =	vpush v19, $0xE;
	_ =	sdelay $0x1  }
0x2ca: {  	(v2sf) =	vpush v19, $0xA;
	_ =	sdelay $0x1  }
0x2cb: {  	(v2sf) =	vpush v19, $0x4  }
0x2cc: {  	(v2sf) =	vpush v19, $0xD;
	_ =	sdelay $0x1  }
0x2cd: {  	(v2sf) =	vpush v19, $0x9;
	_ =	sdelay $0x1  }
0x2ce: {  	(v2sf) =	vpush v19, $0x3;
	s14 =	spop (v2sf)  }
0x2cf: {  	s12 =	spop (v2sf);
	s20 =	sshra.s32 s14, $0x1F;
	[smem:$0x7F2] =	sst s14  }
0x2d0: {  	s3 =	spop (v2sf);
	s2 =	sshra.s32 s12, $0x1F;
	s1 =	smul.u32 $0xB40B40B5, s20  }
0x2d1: {  	s8 =	spop (v2sf);
	s2 =	smul.u32 $0xB40B40B5, s2  }
0x2d2: {  	(v2sf) =	vpush v19, $0xC;
	s21 =	sshra.s32 s3, $0x1F;
	[dreg:$0x5] =	wrdreg s1;
	s16 =	spop (v2sf)  }
0x2d3: {  	s1 =	smul.u32 $0xB40B40B5, s21;
	[dreg:$0x7] =	wrdreg s2  }
0x2d4: {  	(v2sf) =	vpush v19, $0x8;
	s22 =	sshra.s32 s8, $0x1F;
	s9 =	spop (v2sf);
	[dreg:$0x14] =	wrdreg s16  }
0x2d5: {  	[dreg:$0x10] =	wrdreg s1;
	s1 =	smul.u32 $0xB40B40B5, s22;
	s4 =	sshra.s32 s9, $0x1F  }
0x2d6: {  	s23 =	sshra.s32 s16, $0x1F;
	s2 =	spop (v2sf);
	s25 =	smul.u32 $0xB40B40B5, s4  }
0x2d7: {  	[dreg:$0x8] =	wrdreg s1;
	s1 =	smul.u32 $0xB40B40B5, s23  }
0x2d8: {  	(v2sf) =	vpush v19, $0x2;
	s10 =	spop (v2sf);
	s23 =	smulhi.u32 $0xB40B40B5, s14  }
0x2d9: {  	(v2sf) =	vpush v19, $0x1;
	s15 =	spop (v2sf);
	s14 =	smulhi.u32 $0xB40B40B5, s3  }
0x2da: {  	s31 =	smulhi.u32 $0xB40B40B5, s10;
	[dreg:$0x1a] =	wrdreg s25  }
0x2db: {  	(v2sf) =	vpush v19, $0x0;
	s5 =	spop (v2sf);
	s25 =	smulhi.u32 $0xB40B40B5, s16  }
0x2dc: {  	s26 =	sshra.s32 s2, $0x1F;
	s16 =	smulhi.u32 $0xB40B40B5, s9;
	[dreg:$0xd] =	wrdreg s1  }
0x2dd: {  	s6 =	sshra.s32 s15, $0x1F;
	s1 =	smul.u32 $0xB40B40B5, s26;
	s7 =	spop (v2sf)  }
0x2de: {  	s11 =	smul.u32 $0xB40B40B5, s6;
	[dreg:$0xa] =	wrdreg s25  }
0x2df: {  	s4 =	sshra.s32 s10, $0x1F;
	s30 =	smulhi.u32 $0xB40B40B5, s7;
	[dreg:$0x11] =	wrdreg s1  }
0x2e0: {  	s1 =	smul.u32 $0xB40B40B5, s4;
	[dreg:$0x19] =	wrdreg s11  }
0x2e1: {  	s11 =	spop (v2sf);
	s4 =	smulhi.u32 $0xB40B40B5, s8  }
0x2e2: {  	s13 =	sshra.s32 s5, $0x1F;
	s25 =	smulhi.u32 $0xB40B40B5, s11;
	[dreg:$0xf] =	wrdreg s1  }
0x2e3: {  	s1 =	smul.u32 $0xB40B40B5, s13;
	s13 =	spop (v2sf)  }
0x2e4: {  	[dreg:$0x6] =	wrdreg s23;
	s17 =	sshra.s32 s7, $0x1F;
	s23 =	smulhi.u32 $0xB40B40B5, s13  }
0x2e5: {  	s19 =	sshra.s32 s13, $0x1F;
	[smem:$0x7EE] =	sst s1;
	s1 =	smul.u32 $0xB40B40B5, s17  }
0x2e6: {  	s19 =	smul.u32 $0xB40B40B5, s19  }
0x2e7: {  	s3 =	ssub.s32 s14, s3;
	s26 =	spop (v2sf);
	s17 =	smulhi.u32 $0xB40B40B5, s5  }
0x2e8: {  	s18 =	sshra.s32 s11, $0x1F;
	s6 =	spop (v2sf);
	s14 =	smulhi.u32 $0xB40B40B5, s26  }
0x2e9: {  	s20 =	sshra.s32 s26, $0x1F;
	[smem:$0x7EF] =	sst s1;
	s1 =	smul.u32 $0xB40B40B5, s18  }
0x2ea: {  	s21 =	sshra.s32 s6, $0x1F;
	s18 =	smul.u32 $0xB40B40B5, s20;
	s20 =	spop (v2sf)  }
0x2eb: {  	s22 =	sshra.s32 s20, $0x1F;
	[smem:$0x7F0] =	sst s1;
	s1 =	smul.u32 $0xB40B40B5, s21  }
0x2ec: {  	[smem:$0x7F3] =	sst s3;
	s3 =	sadd.s32 $0xFFFFFFFF, s0;
	s28 =	smul.u32 $0xB40B40B5, s22  }
0x2ed: {  	p1 =	sne.s32 s3, $0x0;
	s21 =	smulhi.u32 $0xB40B40B5, s12  }
.Ltmp11:
0x2ee: {  	_ = 	snop;
	(pc) =	sbr.rel @!p1 .LBB2_19-.Ltmp11, $4  }
0x2ef: {  	s22 =	smulhi.u32 $0xB40B40B5, s15  }
0x2f0: {  	[smem:$0x7F1] =	sst s1;
	s1 =	smulhi.u32 $0xB40B40B5, s2  }
0x2f1: {  	p0 =	por $0x0, $0x0;
	s0 =	ssub.s32 s21, s12;
	s21 =	smulhi.u32 $0xB40B40B5, s6  }
0x2f2: {  	v17 =	vmov s24;
	[smem:$0x7F4] =	sst s3;
	s3 =	simm.s32 $0x10;
	s12 =	smulhi.u32 $0xB40B40B5, s20  }
0x2f3: {  	s15 =	ssub.s32 s22, s15;
	s5 =	ssub.s32 s17, s5;
	s22 =	sld [smem:$0x7F0]  }
0x2f4: {  	s17 =	ssub.s32 s25, s11;
	s25 =	ssub.s32 s14, s26;
	s14 =	rddreg [dreg:$0x1a]  }
0x2f5: {  	s9 =	ssub.s32 s16, s9;
	s16 =	rddreg [dreg:$0x11]  }
0x2f6: {  	s12 =	ssub.s32 s12, s20;
	s20 =	ssub.s32 s23, s13;
	s23 =	sld [smem:$0x7F1]  }
0x2f7: {  	s13 =	sld [smem:$0x7EE]  }
0x2f8: {  	v18 =	vor.u32 s3, v0;
	s3 =	sadd.s32 s18, s25;
	s18 =	rddreg [dreg:$0x14]  }
0x2f9: {  	s25 =	sld [smem:$0x7F2]  }
0x2fa: {  	s1 =	ssub.s32 s1, s2;
	(v2sf) =	vpush v18, $0x7;
	s26 =	sadd.s32 s19, s20;
	s19 =	rddreg [dreg:$0xa]  }
0x2fb: {  	s2 =	ssub.s32 s4, s8;
	(v2sf) =	vpush v18, $0x6;
	s20 =	rddreg [dreg:$0x10];
	s8 =	sadd.s32 s22, s17  }
0x2fc: {  	s10 =	ssub.s32 s31, s10;
	s12 =	sadd.s32 s28, s12;
	(v2sf) =	vpush v18, $0xF;
	v21 =	vmov s8;
	s8 =	rddreg [dreg:$0x19]  }
0x2fd: {  	s21 =	ssub.s32 s21, s6;
	v20 =	vmov s12;
	(v2sf) =	vpush v18, $0xB;
	s11 =	sadd.s32 s8, s15;
	s15 =	sld [smem:$0x7EF]  }
0x2fe: {  	s7 =	ssub.s32 s30, s7;
	s17 =	rddreg [dreg:$0xf];
	s24 =	sadd.s32 s23, s21;
	v20 =	vnsel vm3, $0x0, v20  }
0x2ff: {  	s4 =	sadd.s32 s14, s9;
	s1 =	sadd.s32 s16, s1;
	v22 =	vmov s26;
	s22 =	rddreg [dreg:$0x8];
	v20 =	vsel vm0, s24, v20;
	(v2sf) =	vpush v18, $0x5  }
0x300: {  	s5 =	sadd.s32 s13, s5;
	s21 =	sld [smem:$0x7F3];
	v21 =	vsel vm0, s11, v21;
	v20 =	vsel vm1, s3, v20;
	(v2sf) =	vpush v18, $0xE;
	s3 =	sadd.s32 s15, s7  }
0x301: {  	s23 =	rddreg [dreg:$0xd];
	v22 =	vsel vm0, s5, v22;
	v21 =	vsel vm1, s4, v21;
	s4 =	ssub.s32 s19, s18;
	v20 =	vsel vm2, s3, v20;
	s3 =	sadd.s32 s17, s10  }
0x302: {  	s24 =	rddreg [dreg:$0x7];
	v22 =	vsel vm1, s1, v22;
	s1 =	sadd.s32 s22, s2;
	s2 =	sadd.s32 s23, s4;
	v20 =	vsel vm4, s3, v20  }
0x303: {  	s26 =	rddreg [dreg:$0x6];
	s5 =	sadd.s32 s20, s21;
	v22 =	vsel vm2, s1, v22;
	s1 =	sadd.s32 s24, s0;
	(v2sf) =	vpush v18, $0xA;
	v20 =	vsel vm5, s2, v20  }
0x304: {  	v21 =	vsel vm2, s5, v21;
	s2 =	ssub.s32 s26, s25;
	v20 =	vsel vm6, s1, v20;
	s1 =	rddreg [dreg:$0x5]  }
0x305: {  	(v2sf) =	vpush v18, $0x4;
	v21 =	vcombine.low v22, v21;
	s3 =	sadd.s32 s1, s2  }
0x306: {  	v20 =	vsel vm7, s3, v20  }
0x307: {  	(v2sf) =	vpush v18, $0xD;
	v21 =	vperm.xlane v21, v9;
	v20 =	vperm.xlane v20, v10  }
0x308: {  	(v2sf) =	vpush v18, $0x9  }
0x309: {  	s21 =	spop (v2sf);
	v20 =	vsel vm8, v20, v21  }
0x30a: {  	(v2sf) =	vpush v18, $0x3;
	s31 =	spop (v2sf);
	s5 =	sshra.s32 s21, $0x1F;
	v20 =	vadd.s32 v19, v20  }
0x30b: {  	vm9 =	vgt.s32 v19, $0x0;
	s4 =	simm.s32 $0x0;
	s3 =	spop (v2sf);
	s1 =	smul.u32 $0xB40B40B5, s5;
	v23 =	vshrl.u32 v20, $0x1F;
	v20 =	vshra.s32 v20, $0x6  }
0x30c: {  	v22 =	vmov s4;
	(v2sf) =	vpush v18, $0xC;
	s6 =	sshra.s32 s31, $0x1F;
	s14 =	spop (v2sf);
	v20 =	vadd.s32 v23, v20  }
0x30d: {  	v21 =	vshra.s32 v22, $0x1F;
	s7 =	sshra.s32 s3, $0x1F;
	s2 =	smul.u32 $0xB40B40B5, s6;
	v23 =	vsel vm9, $0x1, v2;
	[dreg:$0x5] =	wrdreg s1;
	v24 =	vmul.u32 $0xFFFFFFA5, v20  }
0x30e: {  	(v2sf) =	vpush v18, $0x8;
	v22 =	vsub.s32 v1, v22;
	s22 =	spop (v2sf);
	s1 =	smul.u32 $0xB40B40B5, s7;
	v21 =	vadd.s32 v23, v21  }
0x30f: {  	(v2sf) =	vpush v18, $0x2;
	s8 =	sshra.s32 s14, $0x1F;
	[dreg:$0x7] =	wrdreg s2;
	s9 =	spop (v2sf);
	vm9 =	vne.s32 v21, $0x1;
	vm10 =	vne.s32 v24, v22  }
0x310: {  	(v2sf) =	vpush v18, $0x1;
	s10 =	smul.u32 $0xB40B40B5, s8;
	s11 =	sshra.s32 s22, $0x1F;
	[dreg:$0x14] =	wrdreg s22;
	vm9 =	vmand vm10, vm9  }
0x311: {  	[dreg:$0x10] =	wrdreg s1;
	s12 =	sshra.s32 s9, $0x1F;
	s13 =	smul.u32 $0xB40B40B5, s11;
	v21 =	vsel vm9, $0xFFFFFFFF, v2  }
0x312: {  	s2 =	spop (v2sf);
	s15 =	smul.u32 $0xB40B40B5, s12;
	v22 =	vadd.s32 v21, v20  }
0x313: {  	[dreg:$0x8] =	wrdreg s10;
	s16 =	sshra.s32 s2, $0x1F;
	s1 =	smulhi.u32 $0xB40B40B5, s2  }
0x314: {  	s10 =	spop (v2sf);
	s17 =	smul.u32 $0xB40B40B5, s16  }
0x315: {  	[dreg:$0xd] =	wrdreg s13;
	s16 =	smulhi.u32 $0xB40B40B5, s21  }
0x316: {  	s18 =	sshra.s32 s10, $0x1F;
	[dreg:$0x1a] =	wrdreg s15;
	s15 =	spop (v2sf)  }
0x317: {  	(v2sf) =	vpush v18, $0x0;
	s20 =	smul.u32 $0xB40B40B5, s18;
	s5 =	spop (v2sf);
	v20 =	vld.idx.msk [tilespmem:v22+s29+$0x0], $0xffff  }
0x318: {  	s19 =	sshra.s32 s15, $0x1F;
	[dreg:$0x6] =	wrdreg s16;
	s16 =	smulhi.u32 $0xB40B40B5, s9  }
0x319: {  	s7 =	spop (v2sf);
	s23 =	smul.u32 $0xB40B40B5, s19  }
0x31a: {  	s24 =	sshra.s32 s5, $0x1F;
	[dreg:$0x1b] =	wrdreg s16;
	s16 =	smulhi.u32 $0xB40B40B5, s5  }
0x31b: {  	s25 =	sshra.s32 s7, $0x1F;
	[dreg:$0x19] =	wrdreg s23;
	s23 =	smul.u32 $0xB40B40B5, s24  }
0x31c: {  	s11 =	spop (v2sf);
	s30 =	smul.u32 $0xB40B40B5, s25;
	v20 =	vmul.u32 $0x5B, v20  }
0x31d: {  	v21 =	vmul.u32 $0xFFFFFFA5, v22;
	v23 =	vmul.u32 $0x7, v22;
	s13 =	spop (v2sf);
	s26 =	sshra.s32 s11, $0x1F;
	s25 =	smulhi.u32 $0xB40B40B5, s14  }
0x31e: {  	s24 =	smul.u32 $0xB40B40B5, s26;
	s26 =	spop (v2sf);
	s0 =	sshra.s32 s13, $0x1F;
	v63 =	vshrl.u32 v20, $0x4  }
0x31f: {  	v19 =	vadd.s32 v19, v21;
	s19 =	smul.u32 $0xB40B40B5, s0;
	s6 =	spop (v2sf);
	s4 =	sshra.s32 s26, $0x1F;
	v21 =	vsub.s32 v23, v63  }
0x320: {  	[dreg:$0x11] =	wrdreg s17;
	s18 =	smul.u32 $0xB40B40B5, s4;
	s8 =	sshra.s32 s6, $0x1F;
	v20 =	vadd.s32 v20, v19;
	v19 =	vshll.u32 v21, $0x4  }
0x321: {  	s17 =	smov.u32 s21;
	s21 =	simm.s32 $0x10;
	s4 =	smul.u32 $0xB40B40B5, s8;
	v19 =	vadd.s32 v19, v20  }
0x322: {  	[dreg:$0xf] =	wrdreg s20;
	s8 =	smov.u32 s14;
	s14 =	smulhi.u32 $0xB40B40B5, s22  }
0x323: {  	[dreg:$0xb] =	wrdreg s21;
	s22 =	smulhi.u32 $0xB40B40B5, s10  }
0x324: {  	s0 =	smulhi.u32 $0xB40B40B5, s3;
	[dreg:$0x17] =	wrdreg s25  }
0x325: {  	s21 =	simm.s32 $0x8F20;
	s25 =	smulhi.u32 $0xB40B40B5, s15;
	[dreg:$0x1c] =	wrdreg s22  }
0x326: {  	s20 =	spop (v2sf);
	s22 =	sld [smem:$0x7F4];
	v21 =	vld.idx.msk [tilespmem:v19+s21+$0x0], $0xffff  }
0x327: {  	s12 =	sshra.s32 s20, $0x1F;
	[dreg:$0x16] =	wrdreg s25;
	s25 =	smulhi.u32 $0xB40B40B5, s13  }
0x328: {  	[dreg:$0x15] =	wrdreg s16;
	s28 =	smul.u32 $0xB40B40B5, s12  }
0x329: {  	s16 =	ssub.s32 s0, s3;
	s12 =	smulhi.u32 $0xB40B40B5, s31;
	s0 =	sadd.s32 $0xFFFFFFFF, s22  }
0x32a: {  	[dreg:$0xa] =	wrdreg s14;
	s14 =	smulhi.u32 $0xB40B40B5, s26;
	p2 =	sne.s32 s0, $0x0  }
.Ltmp12:
0x32b: {  	p1 =	por $0x0, $0x0;
	vm9 =	vlt.s32 v21, $0x0;
	v19 =	vxor.u32 $0xFFFFFFFF, v21;
	v23 =	vxor.u32 $0x80000000, v21;
	(pc) =	sbr.rel @!p2 .LBB2_23-.Ltmp12, $4  }
0x32c: {  	s3 =	simm.s32 $0x0;
	s29 =	ssub.s32 s12, s31;
	s31 =	smulhi.u32 $0xB40B40B5, s6;
	v19 =	vsel vm9, v19, v23  }
0x32d: {  	p0 =	por $0x1, $0x1;
	[dreg:$0xe] =	wrdreg s3;
	s21 =	smulhi.u32 $0xB40B40B5, s7;
	v19 =	vshrl.u32 v19, $0x12  }
0x32e: {  	s12 =	smulhi.u32 $0xB40B40B5, s20;
	s22 =	simm.s32 $0x20;
	[dreg:$0x13] =	wrdreg s0;
	vm9 =	vlt.s32 v22, v16;
	vm10 =	vge.s32 v19, v17  }
0x32f: {  	s0 =	simm.s32 $0x0;
	[dreg:$0x12] =	wrdreg s21;
	s21 =	smulhi.u32 $0xB40B40B5, s11;
	vm9 =	vmand vm9, vm10  }
.LBB2_24:
0x330: {  	s3 =	rddreg [dreg:$0x1b]  }
0x331: {  	s9 =	ssub.s32 s3, s9;
	s3 =	rddreg [dreg:$0x17]  }
0x332: {  	s12 =	ssub.s32 s12, s20;
	s20 =	rddreg [dreg:$0x1c]  }
0x333: {  	s1 =	ssub.s32 s1, s2;
	s2 =	ssub.s32 s3, s8;
	s8 =	rddreg [dreg:$0x16]  }
0x334: {  	s10 =	ssub.s32 s20, s10;
	s20 =	rddreg [dreg:$0x12]  }
0x335: {  	s3 =	ssub.s32 s25, s13;
	s25 =	rddreg [dreg:$0x19]  }
0x336: {  	v19 =	vor.u32 s22, v0;
	s13 =	rddreg [dreg:$0xf]  }
0x337: {  	v22 =	vsel vm9, $0x1, v2;
	(v2sf) =	vpush v19, $0x7;
	s12 =	sadd.s32 s28, s12;
	s15 =	ssub.s32 s8, s15;
	s8 =	rddreg [dreg:$0x15]  }
0x338: {  	(xrf0) =	vadd.scan.msk.s32 $0xffff, v22;
	(v2sf) =	vpush v19, $0x6;
	s7 =	ssub.s32 s20, s7;
	s20 =	ssub.s32 s31, s6;
	s6 =	rddreg [dreg:$0x1a]  }
0x339: {  	s21 =	ssub.s32 s21, s11;
	(v2sf) =	vpush v19, $0xF;
	v22 =	vmov s12;
	s12 =	rddreg [dreg:$0x11];
	s5 =	ssub.s32 s8, s5  }
0x33a: {  	(v2sf) =	vpush v19, $0xB;
	s8 =	sadd.s32 s24, s21;
	s24 =	ssub.s32 s14, s26;
	s14 =	rddreg [dreg:$0xa]  }
0x33b: {  	s21 =	sadd.s32 s4, s20;
	s4 =	sadd.s32 s25, s15;
	s15 =	rddreg [dreg:$0x14]  }
0x33c: {  	s26 =	sadd.s32 s19, s3;
	s19 =	rddreg [dreg:$0x8];
	(v2sf) =	vpush v19, $0x5  }
0x33d: {  	v22 =	vnsel vm3, $0x0, v22;
	s11 =	sadd.s32 s30, s7;
	s20 =	rddreg [dreg:$0xd];
	v23 =	vmov s8  }
0x33e: {  	v22 =	vsel vm0, s21, v22;
	s3 =	sadd.s32 s18, s24;
	s5 =	sadd.s32 s23, s5;
	v24 =	vmov s26;
	s18 =	rddreg [dreg:$0x10];
	v23 =	vsel vm0, s4, v23;
	v25, _, _ =	vpop (xrf0)  }
0x33f: {  	s1 =	sadd.s32 s12, s1;
	s21 =	rddreg [dreg:$0x7];
	s4 =	sadd.s32 s6, s9;
	v22 =	vsel vm1, s3, v22;
	v24 =	vsel vm0, s5, v24;
	(v2sf) =	vpush v25, $0xF  }
0x340: {  	s3 =	sadd.s32 s13, s10;
	s5 =	sadd.s32 s18, s16;
	v23 =	vsel vm1, s4, v23;
	v22 =	vsel vm2, s11, v22;
	s4 =	ssub.s32 s14, s15;
	v24 =	vsel vm1, s1, v24  }
0x341: {  	s23 =	rddreg [dreg:$0x6];
	s1 =	sadd.s32 s19, s2;
	v22 =	vsel vm4, s3, v22;
	s2 =	sadd.s32 s20, s4;
	v23 =	vsel vm2, s5, v23;
	(v2sf) =	vpush v19, $0xE  }
0x342: {  	s24 =	rddreg [dreg:$0x5];
	v24 =	vsel vm2, s1, v24;
	s1 =	sadd.s32 s21, s29;
	v22 =	vsel vm5, s2, v22;
	s2 =	ssub.s32 s23, s17;
	(v2sf) =	vpush v19, $0xA  }
0x343: {  	v23 =	vcombine.low v24, v23;
	v22 =	vsel vm6, s1, v22;
	s1 =	sadd.s32 s24, s2  }
0x344: {  	s25 =	rddreg [dreg:$0xb];
	s26 =	smov.u32 s22;
	v22 =	vsel vm7, s1, v22  }
0x345: {  	[dreg:$0xb] =	wrdreg s26;
	v23 =	vperm.xlane v23, v9;
	v22 =	vperm.xlane v22, v10  }
0x346: {  	s20 =	rddreg [dreg:$0x13];
	(v2sf) =	vpush v19, $0x4;
	s8 =	spop (v2sf)  }
0x347: {  	v22 =	vsel vm8, v22, v23;
	s3 =	spop (v2sf);
	s2 =	smulhi.u32 $0xB40B40B5, s8  }
0x348: {  	(v2sf) =	vpush v19, $0xD;
	v22 =	vadd.s32 v18, v22;
	s24 =	sshra.s32 s8, $0x1F;
	s17 =	spop (v2sf);
	s4 =	smulhi.u32 $0xB40B40B5, s3  }
0x349: {  	vm10 =	vgt.s32 v18, $0x0;
	v61 =	vshrl.u32 v22, $0x1F;
	v22 =	vshra.s32 v22, $0x6;
	s24 =	smul.u32 $0xB40B40B5, s24;
	s23 =	spop (v2sf)  }
0x34a: {  	v60 =	vmov s25;
	(v2sf) =	vpush v19, $0x9;
	v22 =	vadd.s32 v61, v22;
	[dreg:$0x6] =	wrdreg s2;
	s28 =	smulhi.u32 $0xB40B40B5, s17  }
0x34b: {  	v62 =	vsel vm10, $0x1, v2;
	v23 =	vshra.s32 v60, $0x1F;
	v26 =	vmul.u32 $0xFFFFFFA5, v22;
	s16 =	spop (v2sf);
	[dreg:$0x1e] =	wrdreg s4  }
0x34c: {  	v24 =	vsub.s32 v1, v60;
	v23 =	vadd.s32 v62, v23;
	(v2sf) =	vpush v19, $0x3;
	s5 =	smulhi.u32 $0xB40B40B5, s23;
	s4 =	sadd.s32 $0xFFFFFFFF, s20;
	[dreg:$0x5] =	wrdreg s24  }
0x34d: {  	vm10 =	vne.s32 v23, $0x1;
	(v2sf) =	vpush v19, $0xC;
	vm11 =	vne.s32 v26, v24;
	s6 =	smulhi.u32 $0xB40B40B5, s16;
	[dreg:$0x13] =	wrdreg s4  }
0x34e: {  	s10 =	simm.s32 $0x8E20;
	vm10 =	vmand vm11, vm10;
	[dreg:$0x14] =	wrdreg s16;
	s1 =	spop (v2sf)  }
0x34f: {  	(v2sf) =	vpush v19, $0x8;
	v23 =	vsel vm10, $0xFFFFFFFF, v2;
	[dreg:$0x17] =	wrdreg s5;
	p2 =	slt.s32 @!p1 s1, $0x1;
	s0 =	sadd.s32 s0, s1  }
0x350: {  	v22 =	vadd.s32 v23, v22;
	s1 =	rddreg [dreg:$0xe];
	s9 =	spop (v2sf);
	p2 =	por p2, p1  }
0x351: {  	(v2sf) =	vpush v19, $0x2;
	p1 =	slt.s32 s0, $0x100;
	s7 =	smulhi.u32 $0xB40B40B5, s9;
	s2 =	spop (v2sf)  }
0x352: {  	(v2sf) =	vpush v19, $0x1;
	[dreg:$0xa] =	wrdreg s6;
	[tilespmem:s1+$0x11920] =	vst.msk @!p2 vm9, v21;
	s0 =	simm.s32 @!p1 $0x100;
	s12 =	smulhi.u32 $0xB40B40B5, s2  }
0x353: {  	[tilespmem:s1+$0x10620] =	vst.msk @!p2 vm9, v20;
	[dreg:$0x1b] =	wrdreg s7;
	s11 =	smov.u32 s0;
	s1 =	smov.u32 s8  }
0x354: {  	(v2sf) =	vpush v19, $0x0;
	p2 =	sne.s32 s4, $0x0;
	s8 =	sshra.s32 s17, $0x1F;
	[dreg:$0xe] =	wrdreg s11  }
0x355: {  	s4 =	sshra.s32 s23, $0x1F;
	v20 =	vld.idx.msk [tilespmem:v22+s10+$0x0], $0xffff;
	s10 =	spop (v2sf);
	s24 =	smul.u32 $0xB40B40B5, s8  }
0x356: {  	s8 =	smov.u32 s23;
	s23 =	sshra.s32 s16, $0x1F;
	s13 =	smulhi.u32 $0xB40B40B5, s10  }
0x357: {  	s15 =	spop (v2sf);
	s16 =	smul.u32 $0xB40B40B5, s23  }
0x358: {  	[smem:$0x7E8] =	sst s12;
	s14 =	smulhi.u32 $0xB40B40B5, s15  }
0x359: {  	s5 =	spop (v2sf);
	[dreg:$0x10] =	wrdreg s24  }
0x35a: {  	[dreg:$0x1c] =	wrdreg s13;
	s18 =	smulhi.u32 $0xB40B40B5, s5  }
0x35b: {  	s7 =	spop (v2sf);
	[dreg:$0x16] =	wrdreg s14  }
0x35c: {  	s19 =	smulhi.u32 $0xB40B40B5, s7;
	s11 =	spop (v2sf)  }
0x35d: {  	s24 =	sshra.s32 s9, $0x1F;
	[dreg:$0x15] =	wrdreg s18;
	s21 =	smulhi.u32 $0xB40B40B5, s11;
	v20 =	vmul.u32 $0x5B, v20  }
0x35e: {  	v23 =	vmul.u32 $0x7, v22;
	v21 =	vmul.u32 $0xFFFFFFA5, v22;
	s13 =	spop (v2sf);
	s18 =	smul.u32 $0xB40B40B5, s24  }
0x35f: {  	[dreg:$0x12] =	wrdreg s19;
	s25 =	smulhi.u32 $0xB40B40B5, s13;
	s19 =	sshra.s32 s3, $0x1F;
	v63 =	vshrl.u32 v20, $0x4  }
0x360: {  	v21 =	vadd.s32 v18, v21;
	s26 =	spop (v2sf);
	s19 =	smul.u32 $0xB40B40B5, s19;
	v23 =	vsub.s32 v23, v63  }
0x361: {  	v18 =	vmov v19;
	s14 =	smulhi.u32 $0xB40B40B5, s26;
	s6 =	spop (v2sf);
	v20 =	vadd.s32 v20, v21;
	v19 =	vshll.u32 v23, $0x4  }
0x362: {  	[dreg:$0x7] =	wrdreg s19;
	s19 =	smul.u32 $0xB40B40B5, s4;
	v19 =	vadd.s32 v19, v20  }
0x363: {  	s31 =	smulhi.u32 $0xB40B40B5, s6;
	s20 =	spop (v2sf)  }
0x364: {  	s12 =	smulhi.u32 $0xB40B40B5, s20;
	[dreg:$0x8] =	wrdreg s19;
	s19 =	sshra.s32 s2, $0x1F  }
0x365: {  	s23 =	simm.s32 $0x8F20;
	s24 =	smul.u32 $0xB40B40B5, s19;
	s19 =	sshra.s32 s7, $0x1F  }
0x366: {  	[dreg:$0xd] =	wrdreg s16;
	s16 =	sshra.s32 s15, $0x1F;
	s30 =	smul.u32 $0xB40B40B5, s19  }
0x367: {  	s4 =	sshra.s32 s10, $0x1F;
	[dreg:$0x11] =	wrdreg s24;
	s24 =	smul.u32 $0xB40B40B5, s16;
	v21 =	vld.idx.msk [tilespmem:v19+s23+$0x0], $0xffff  }
0x368: {  	s23 =	smul.u32 $0xB40B40B5, s4;
	s4 =	sshra.s32 s13, $0x1F  }
0x369: {  	s29 =	sshra.s32 s6, $0x1F;
	s19 =	smul.u32 $0xB40B40B5, s4  }
0x36a: {  	s16 =	sshra.s32 s5, $0x1F;
	s4 =	smul.u32 $0xB40B40B5, s29  }
0x36b: {  	s22 =	sadd.s32 $0x10, s22;
	[dreg:$0xf] =	wrdreg s23;
	s23 =	smul.u32 $0xB40B40B5, s16  }
.Ltmp13:
0x36c: {  	[dreg:$0x19] =	wrdreg s24;
	s24 =	sshra.s32 s11, $0x1F;
	vm9 =	vlt.s32 v21, $0x0;
	v19 =	vxor.u32 $0xFFFFFFFF, v21;
	v23 =	vxor.u32 $0x80000000, v21;
	(pc) =	sbr.rel @p2 .LBB2_24-.Ltmp13, $4  }
0x36d: {  	p1 =	sgt.s32 s0, $0xF0;
	s24 =	smul.u32 $0xB40B40B5, s24;
	s16 =	sshra.s32 s26, $0x1F;
	v19 =	vsel vm9, v19, v23  }
0x36e: {  	[dreg:$0x1a] =	wrdreg s18;
	s29 =	sshra.s32 s20, $0x1F;
	s18 =	smul.u32 $0xB40B40B5, s16;
	v19 =	vshrl.u32 v19, $0x12  }
0x36f: {  	s16 =	ssub.s32 s28, s17;
	s28 =	smul.u32 $0xB40B40B5, s29;
	s17 =	rddreg [dreg:$0x1e];
	vm9 =	vlt.s32 v22, v16;
	vm10 =	vge.s32 v19, v17  }
0x370: {  	s29 =	ssub.s32 s17, s3;
	s17 =	smov.u32 s1;
	s1 =	sld [smem:$0x7E8];
	vm9 =	vmand vm9, vm10  }
0x371: {  	[smem:$0x7E9] =	sst s31  }
0x372: {  	[smem:$0x7F1] =	sst s4  }
0x373: {  	[smem:$0x7EA] =	sst s25  }
0x374: {  	[smem:$0x7EB] =	sst s21  }
0x375: {  	[smem:$0x7F3] =	sst s16  }
0x376: {  	[smem:$0x7EC] =	sst s14  }
0x377: {  	s31 =	rddreg [dreg:$0x1c]  }
0x378: {  	s21 =	rddreg [dreg:$0x1b]  }
0x379: {  	[smem:$0x7ED] =	sst s29  }
0x37a: {  	s14 =	rddreg [dreg:$0x1a]  }
0x37b: {  	s16 =	rddreg [dreg:$0x14]  }
0x37c: {  	s22 =	rddreg [dreg:$0xe]  }
0x37d: {  	s25 =	smov.u32 s23;
	s23 =	rddreg [dreg:$0x19]  }
0x37e: {  	v19 =	vmov v18;
	s29 =	simm.s32 $0x8E20;
	s4 =	rddreg [dreg:$0x17]  }
.LBB2_26:
0x37f: {  	s3 =	rddreg [dreg:$0x16]  }
0x380: {  	s9 =	ssub.s32 s21, s9;
	s21 =	rddreg [dreg:$0x15]  }
0x381: {  	s10 =	ssub.s32 s31, s10;
	s31 =	sld [smem:$0x7EB]  }
0x382: {  	s12 =	ssub.s32 s12, s20;
	s20 =	sld [smem:$0x7E9]  }
0x383: {  	s12 =	sadd.s32 s28, s12;
	s28 =	rddreg [dreg:$0x12]  }
0x384: {  	s1 =	ssub.s32 s1, s2;
	s7 =	ssub.s32 s28, s7;
	s28 =	sld [smem:$0x7F1]  }
0x385: {  	s5 =	ssub.s32 s21, s5;
	v51 =	vmov s12;
	s12 =	sadd.s32 s14, s9;
	s14 =	rddreg [dreg:$0x11]  }
0x386: {  	s2 =	ssub.s32 s4, s8;
	s5 =	sadd.s32 s25, s5;
	s25 =	sld [smem:$0x7ED]  }
0x387: {  	s15 =	ssub.s32 s3, s15;
	s4 =	ssub.s32 s31, s11;
	s11 =	sld [smem:$0x7EA]  }
0x388: {  	v18 =	vsel @p0 vm9, $0x1, v2;
	s21 =	ssub.s32 s20, s6;
	s6 =	sadd.s32 s23, s15;
	s15 =	rddreg [dreg:$0xf]  }
0x389: {  	(xrf0) =	vadd.scan.msk.s32 @p0 $0xffff, v18;
	s20 =	sld [smem:$0x7F3]  }
0x38a: {  	s8 =	sadd.s32 s24, s4;
	s4 =	sld [smem:$0x7EC]  }
0x38b: {  	s23 =	rddreg [dreg:$0xd]  }
0x38c: {  	s24 =	rddreg [dreg:$0x7];
	s31 =	sadd.s32 s28, s21  }
0x38d: {  	v18 =	vnsel vm3, $0x0, v51;
	s21 =	rddreg [dreg:$0x8];
	s11 =	ssub.s32 s11, s13;
	s3 =	ssub.s32 s4, s26  }
0x38e: {  	v22 =	vmov s8;
	v18 =	vsel vm0, s31, v18;
	s11 =	sadd.s32 s19, s11;
	s19 =	rddreg [dreg:$0x10];
	s3 =	sadd.s32 s18, s3  }
0x38f: {  	s1 =	sadd.s32 s14, s1;
	v22 =	vsel vm0, s6, v22;
	s13 =	sadd.s32 s30, s7;
	v24, _, _ =	vpop @p0 (xrf0);
	v23 =	vmov s11;
	s18 =	rddreg [dreg:$0xa];
	v18 =	vsel vm1, s3, v18  }
0x390: {  	s26 =	rddreg [dreg:$0x6];
	(v2sf) =	vpush @p0 v24, $0xF;
	v23 =	vsel vm0, s5, v23;
	s3 =	sadd.s32 s15, s10;
	s5 =	ssub.s32 s18, s16;
	v18 =	vsel vm2, s13, v18  }
0x391: {  	v22 =	vsel vm1, s12, v22;
	s4 =	sadd.s32 s19, s20;
	v23 =	vsel vm1, s1, v23;
	s1 =	sadd.s32 s21, s2;
	s2 =	sadd.s32 s23, s5;
	v18 =	vsel vm4, s3, v18  }
0x392: {  	s28 =	rddreg [dreg:$0x5];
	v22 =	vsel vm2, s4, v22;
	v23 =	vsel vm2, s1, v23;
	s1 =	sadd.s32 s24, s25;
	v18 =	vsel vm5, s2, v18;
	s2 =	ssub.s32 s26, s17  }
0x393: {  	v22 =	vcombine.low v23, v22;
	v18 =	vsel vm6, s1, v18;
	s1 =	sadd.s32 s28, s2  }
0x394: {  	v18 =	vsel vm7, s1, v18  }
0x395: {  	v22 =	vperm.xlane v22, v9;
	v18 =	vperm.xlane v18, v10;
	_ =	sdelay $0x1  }
0x396: {  	v18 =	vsel vm8, v18, v22  }
0x397: {  	v18 =	vadd.s32 v19, v18  }
0x398: {  	s30 =	rddreg [dreg:$0xb];
	v52 =	vshrl.u32 v18, $0x1F;
	v18 =	vshra.s32 v18, $0x6  }
0x399: {  	vm10 =	vgt.s32 v19, $0x0;
	v53 =	vmov s30;
	v18 =	vadd.s32 v52, v18  }
0x39a: {  	v55 =	vsel vm10, $0x1, v2;
	v54 =	vshra.s32 v53, $0x1F;
	v25 =	vmul.u32 $0xFFFFFFA5, v18  }
0x39b: {  	v23 =	vsub.s32 v1, v53;
	v22 =	vadd.s32 v55, v54  }
0x39c: {  	vm10 =	vne.s32 v22, $0x1;
	vm11 =	vne.s32 v25, v23  }
0x39d: {  	vm10 =	vmand vm11, vm10  }
0x39e: {  	p2 =	por p1, !p0;
	s1 =	spop @p0 (v2sf);
	v56 =	vsel vm10, $0xFFFFFFFF, v2  }
0x39f: {  	p2 =	slt.s32 @!p2 s1, $0x1;
	v18 =	vadd.s32 v56, v18  }
0x3a0: {  	p1 =	por @p0 p2, p1  }
0x3a1: {  	p1 =	por p1, !p0  }
0x3a2: {  	[tilespmem:s22+$0x11920] =	vst.msk @!p1 vm9, v21  }
0x3a3: {  	[tilespmem:s22+$0x10620] =	vst.msk @!p1 vm9, v20  }
0x3a4: {  	v20 =	vld.idx.msk [tilespmem:v18+s29+$0x0], $0xffff;
	_ =	sdelay $0x4  }
0x3a5: {  	v20 =	vmul.u32 $0x5B, v20  }
0x3a6: {  	v57 =	vmul.u32 $0xFFFFFFA5, v18;
	v22 =	vmul.u32 $0x7, v18  }
0x3a7: {  	v58 =	vshrl.u32 v20, $0x4  }
0x3a8: {  	v59 =	vadd.s32 v19, v57;
	v60 =	vsub.s32 v22, v58  }
0x3a9: {  	v19 =	vadd.s32 v20, v59;
	v61 =	vshll.u32 v60, $0x4  }
0x3aa: {  	v20 =	vadd.s32 v61, v19;
	_ =	sdelay $0x3  }
0x3ab: {  	s31 =	simm.s32 $0x8F20  }
0x3ac: {  	v20 =	vld.idx.msk [tilespmem:v20+s31+$0x0], $0xffff;
	_ =	sdelay $0x4  }
0x3ad: {  	vm9 =	vlt.s32 v20, $0x0;
	v62 =	vxor.u32 $0xFFFFFFFF, v20;
	v63 =	vxor.u32 $0x80000000, v20  }
0x3ae: {  	v21 =	vsel vm9, v62, v63  }
0x3af: {  	v21 =	vshrl.u32 v21, $0x12  }
0x3b0: {  	vm9 =	vlt.s32 v18, v16;
	vm10 =	vge.s32 v21, v17  }
0x3b1: {  	vm9 =	vmand vm9, vm10  }
0x3b2: {  	v16 =	vsel vm9, $0x1, v2  }
0x3b3: {  	(xrf0) =	vadd.scan.msk.s32 $0xffff, v16;
	_ =	sdelay $0x5  }
0x3b4: {  	v16, _, _ =	vpop (xrf0)  }
0x3b5: {  	(v2sf) =	vpush v16, $0xF;
	_ =	sdelay $0x9  }
0x3b6: {  	s0 =	sadd.s32 @p0 s0, s1  }
0x3b7: {  	p1 =	slt.s32 @p0 s0, $0x100  }
0x3b8: {  	p1 =	por !p1, !p0  }
0x3b9: {  	s1 =	simm.s32 $0x0;
	s0 =	simm.s32 @p1 $0x100  }
0x3ba: {  	s1 =	smov.u32 @p0 s0  }
0x3bb: {  	p0 =	sgt.s32 s1, $0xF0;
	s0 =	spop (v2sf)  }
0x3bc: {  	p1 =	slt.s32 @!p0 s0, $0x1  }
0x3bd: {  	p0 =	por p1, p0  }
0x3be: {  	[tilespmem:s1+$0x11920] =	vst.msk @!p0 vm9, v20  }
0x3bf: {  	[tilespmem:s1+$0x10620] =	vst.msk @!p0 vm9, v19  }
.LBB2_27:
0x3c0: {  	s1 =	simm.s32 $0x0  }
0x3c1: {  	v16 =	vld [tilespmem:s1+$0x10620];
	_ =	sdelay $0x4  }
0x3c2: {  	(v2sf) =	vpush v16, $0x7  }
0x3c3: {  	(v2sf) =	vpush v16, $0xF  }
0x3c4: {  	(v2sf) =	vpush v16, $0x6  }
0x3c5: {  	(v2sf) =	vpush v16, $0x4  }
0x3c6: {  	(v2sf) =	vpush v16, $0x5  }
0x3c7: {  	(v2sf) =	vpush v16, $0xB  }
0x3c8: {  	(v2sf) =	vpush v16, $0x3  }
0x3c9: {  	(v2sf) =	vpush v16, $0xA  }
0x3ca: {  	(v2sf) =	vpush v16, $0xE  }
0x3cb: {  	(v2sf) =	vpush v16, $0x9  }
0x3cc: {  	(v2sf) =	vpush v16, $0x2  }
0x3cd: {  	(v2sf) =	vpush v16, $0xD  }
0x3ce: {  	(v2sf) =	vpush v16, $0x0  }
0x3cf: {  	(v2sf) =	vpush v16, $0x1;
	_ =	sdelay $0x1  }
0x3d0: {  	(v2sf) =	vpush v16, $0x8;
	s5 =	spop (v2sf)  }
0x3d1: {  	s0 =	simm.s32 $0x0;
	(v2sf) =	vpush v16, $0xC;
	s6 =	spop (v2sf)  }
0x3d2: {  	[dreg:$0x4] =	wrdreg s0;
	s22 =	spop (v2sf)  }
0x3d3: {  	s11 =	smulhi.u32 $0xB40B40B5, s6;
	s1 =	spop (v2sf)  }
0x3d4: {  	s15 =	smulhi.u32 $0xB40B40B5, s22;
	s3 =	spop (v2sf)  }
0x3d5: {  	s4 =	smulhi.u32 $0xB40B40B5, s1;
	s21 =	sshra.s32 s1, $0x1F;
	s8 =	spop (v2sf)  }
0x3d6: {  	s7 =	smul.u32 $0xB40B40B5, s21;
	s10 =	spop (v2sf)  }
0x3d7: {  	s16 =	smulhi.u32 $0xB40B40B5, s8;
	s12 =	spop (v2sf)  }
0x3d8: {  	s31 =	sshra.s32 s8, $0x1F;
	s18 =	smulhi.u32 $0xB40B40B5, s10;
	s14 =	spop (v2sf)  }
0x3d9: {  	s31 =	smul.u32 $0xB40B40B5, s31;
	s2 =	spop (v2sf)  }
0x3da: {  	s23 =	spop (v2sf);
	s17 =	smulhi.u32 $0xB40B40B5, s2;
	s20 =	sshra.s32 s2, $0x1F  }
0x3db: {  	s13 =	spop (v2sf);
	s20 =	smul.u32 $0xB40B40B5, s20  }
0x3dc: {  	s24 =	smulhi.u32 $0xB40B40B5, s23;
	s19 =	spop (v2sf);
	s2 =	ssub.s32 s17, s2  }
0x3dd: {  	s28 =	smulhi.u32 $0xB40B40B5, s12;
	s9 =	spop (v2sf);
	s2 =	sadd.s32 s20, s2  }
0x3de: {  	s20 =	ssub.s32 s24, s23;
	s24 =	sshra.s32 s23, $0x1F;
	s0 =	smulhi.u32 $0xB40B40B5, s19  }
0x3df: {  	s23 =	simm.s32 $0x10;
	s21 =	spop (v2sf);
	s24 =	smul.u32 $0xB40B40B5, s24  }
0x3e0: {  	s1 =	ssub.s32 s4, s1;
	v17 =	vld [tilespmem:s23+$0x10620];
	s25 =	spop (v2sf);
	s23 =	smulhi.u32 $0xB40B40B5, s21  }
0x3e1: {  	s4 =	simm.s32 $0x80;
	s1 =	sadd.s32 s7, s1;
	s26 =	smulhi.u32 $0xB40B40B5, s25  }
0x3e2: {  	s29 =	sshra.s32 s25, $0x1F;
	s7 =	sadd.s32 s24, s20;
	s24 =	smulhi.u32 $0xB40B40B5, s14  }
0x3e3: {  	s18 =	ssub.s32 s18, s10;
	s17 =	smul.u32 $0xB40B40B5, s29;
	s29 =	simm.s32 $0x10  }
0x3e4: {  	s23 =	ssub.s32 s23, s21;
	s21 =	sshra.s32 s21, $0x1F;
	s26 =	ssub.s32 s26, s25  }
0x3e5: {  	[dreg:$0x9] =	wrdreg s29;
	s29 =	sadd.s32 s17, s26;
	s26 =	smulhi.u32 $0xB40B40B5, s13  }
0x3e6: {  	[dreg:$0xc] =	wrdreg s2;
	s25 =	sshra.s32 s13, $0x1F;
	s21 =	smul.u32 $0xB40B40B5, s21;
	(v2sf) =	vpush v17, $0x7  }
0x3e7: {  	s2 =	sshra.s32 s6, $0x1F;
	s17 =	smul.u32 $0xB40B40B5, s25;
	(v2sf) =	vpush v17, $0xF;
	s20 =	ssub.s32 s26, s13  }
0x3e8: {  	s13 =	ssub.s32 s11, s6;
	s11 =	ssub.s32 s28, s12;
	(v2sf) =	vpush v17, $0x6;
	s26 =	sshra.s32 s19, $0x1F  }
0x3e9: {  	s12 =	sshra.s32 s12, $0x1F;
	s6 =	smulhi.u32 $0xB40B40B5, s9;
	s17 =	sadd.s32 s17, s20;
	(v2sf) =	vpush v17, $0x4  }
0x3ea: {  	s20 =	ssub.s32 s0, s19;
	s19 =	ssub.s32 s16, s8;
	s0 =	smul.u32 $0xB40B40B5, s26;
	(v2sf) =	vpush v17, $0x5  }
0x3eb: {  	s8 =	smul.u32 $0xB40B40B5, s12;
	s12 =	ssub.s32 s24, s14;
	s14 =	sshra.s32 s14, $0x1F;
	(v2sf) =	vpush v17, $0xB  }
0x3ec: {  	s21 =	sadd.s32 s21, s23;
	s23 =	sshra.s32 s10, $0x1F;
	s10 =	smul.u32 $0xB40B40B5, s14;
	(v2sf) =	vpush v17, $0x3  }
0x3ed: {  	s28 =	sshra.s32 s22, $0x1F;
	s24 =	sshra.s32 s9, $0x1F;
	s14 =	smul.u32 $0xB40B40B5, s23;
	(v2sf) =	vpush v17, $0xA  }
0x3ee: {  	s16 =	sshra.s32 s5, $0x1F;
	s25 =	ssub.s32 s6, s9;
	s30 =	smul.u32 $0xB40B40B5, s24;
	(v2sf) =	vpush v17, $0xE  }
0x3ef: {  	v18 =	vmov s29;
	s26 =	sadd.s32 s0, s20;
	s20 =	ssub.s32 s15, s22;
	s15 =	sshra.s32 s3, $0x1F;
	(v2sf) =	vpush v17, $0x9  }
.LBB2_28:
0x3f0: {  	s22 =	smulhi.u32 $0xB40B40B5, s3  }
0x3f1: {  	s15 =	smul.u32 $0xB40B40B5, s15  }
0x3f2: {  	v19 =	vmov s26;
	s24 =	smov.u32 s4;
	s0 =	rddreg [dreg:$0x9];
	s26 =	smul.u32 $0xB40B40B5, s2  }
0x3f3: {  	s29 =	rddreg [dreg:$0xc];
	s9 =	sadd.s32 s8, s11;
	s10 =	sadd.s32 s10, s12  }
0x3f4: {  	s12 =	smul.u32 $0xB40B40B5, s28;
	s6 =	smov.u32 s0;
	s23 =	sadd.s32 s31, s19  }
0x3f5: {  	(v2sf) =	vpush v17, $0x2;
	v18 =	vsel vm0, s17, v18;
	s25 =	sadd.s32 s30, s25;
	s11 =	sadd.s32 s14, s18;
	s14 =	smulhi.u32 $0xB40B40B5, s5  }
0x3f6: {  	(v2sf) =	vpush v17, $0xD;
	v19 =	vnsel vm3, $0x0, v19;
	v18 =	vsel vm1, s10, v18;
	s18 =	smul.u32 $0xB40B40B5, s16;
	s10 =	sshra.s32 s24, $0x2;
	[dreg:$0x18] =	wrdreg s6  }
0x3f7: {  	(v2sf) =	vpush v17, $0x0;
	v19 =	vsel vm0, s25, v19;
	s3 =	ssub.s32 s22, s3;
	s6 =	sadd.s32 s26, s13;
	s17 =	spop (v2sf)  }
0x3f8: {  	v20 =	vmov s21;
	s19 =	sadd.s32 s12, s20;
	[dreg:$0x9] =	wrdreg s10;
	v19 =	vsel vm1, s7, v19;
	s7 =	spop (v2sf)  }
0x3f9: {  	v20 =	vsel vm0, s29, v20;
	(v2sf) =	vpush v17, $0x1;
	s0 =	ssub.s32 s14, s5;
	v19 =	vsel vm2, s11, v19;
	s20 =	smulhi.u32 $0xB40B40B5, s7;
	s5 =	spop (v2sf)  }
0x3fa: {  	v20 =	vsel vm1, s9, v20;
	v19 =	vsel vm4, s1, v19;
	s21 =	sshra.s32 s7, $0x1F;
	s22 =	smulhi.u32 $0xB40B40B5, s5;
	s1 =	spop (v2sf)  }
0x3fb: {  	v20 =	vsel vm2, s23, v20;
	s15 =	sadd.s32 s15, s3;
	[dreg:$0x1d] =	wrdreg s21;
	s25 =	smulhi.u32 $0xB40B40B5, s1  }
0x3fc: {  	v18 =	vsel vm2, s6, v18;
	(v2sf) =	vpush v17, $0x8;
	v19 =	vsel vm5, s15, v19;
	s23 =	sshra.s32 s1, $0x1F;
	s13 =	spop (v2sf);
	[smem:$0x7E7] =	sst s22  }
0x3fd: {  	v18 =	vcombine.low v20, v18;
	s0 =	sadd.s32 s18, s0;
	(v2sf) =	vpush v17, $0xC;
	v19 =	vsel vm6, s19, v19;
	s21 =	smul.u32 $0xB40B40B5, s23;
	s18 =	spop (v2sf)  }
0x3fe: {  	p0 =	sne.s32 s4, $0x3C0;
	v19 =	vsel vm7, s0, v19;
	s19 =	smulhi.u32 $0xB40B40B5, s18;
	s28 =	spop (v2sf)  }
0x3ff: {  	v18 =	vperm.xlane v18, v9;
	v19 =	vperm.xlane v19, v10;
	s26 =	sshra.s32 s18, $0x1F;
	s30 =	smulhi.u32 $0xB40B40B5, s28;
	s11 =	spop (v2sf)  }
0x400: {  	[dreg:$0x1f] =	wrdreg s26;
	s14 =	sshra.s32 s28, $0x1F;
	s31 =	smulhi.u32 $0xB40B40B5, s11  }
0x401: {  	v18 =	vsel vm8, v19, v18;
	s1 =	ssub.s32 s25, s1;
	s12 =	spop (v2sf);
	s14 =	smul.u32 $0xB40B40B5, s14  }
0x402: {  	v18 =	vadd.s32 v16, v18;
	s1 =	sadd.s32 s21, s1;
	s0 =	sshra.s32 s11, $0x1F;
	s22 =	smulhi.u32 $0xB40B40B5, s12  }
0x403: {  	v19 =	vshrl.u32 v18, $0x1F;
	v18 =	vshra.s32 v18, $0x6;
	s19 =	ssub.s32 s19, s18;
	s29 =	spop (v2sf);
	s8 =	smul.u32 $0xB40B40B5, s0  }
0x404: {  	v18 =	vadd.s32 v19, v18;
	s3 =	smulhi.u32 $0xB40B40B5, s29;
	s6 =	sshra.s32 s29, $0x1F;
	s9 =	spop (v2sf)  }
0x405: {  	s2 =	sshra.s32 s12, $0x1F;
	v19 =	vmul.u32 $0xFFFFFFA5, v18;
	s6 =	smul.u32 $0xB40B40B5, s6;
	s26 =	spop (v2sf)  }
0x406: {  	v20 =	vsub.s32 $0x0, v16;
	s0 =	smulhi.u32 $0xB40B40B5, s9;
	s23 =	ssub.s32 s3, s29;
	s29 =	spop (v2sf)  }
0x407: {  	s18 =	ssub.s32 s30, s28;
	vm10 =	vne.s32 v19, v20;
	v19 =	vld [tilespmem:s10+$0x10620];
	s10 =	smul.u32 $0xB40B40B5, s2;
	s3 =	rddreg [dreg:$0x4]  }
0x408: {  	s28 =	sshra.s32 s26, $0x1F;
	s24 =	spop (v2sf);
	s23 =	sadd.s32 s6, s23  }
0x409: {  	vm9 =	vlt.s32 v16, $0x1;
	s0 =	ssub.s32 s0, s9;
	s9 =	sshra.s32 s9, $0x1F;
	s21 =	smul.u32 $0xB40B40B5, s28  }
0x40a: {  	s11 =	ssub.s32 s31, s11;
	vm9 =	vmand vm9, vm10;
	[dreg:$0xc] =	wrdreg s23;
	s9 =	smul.u32 $0xB40B40B5, s9  }
0x40b: {  	s6 =	spop (v2sf);
	v20 =	vsel vm9, $0xFFFFFFFF, v2;
	s31 =	sshra.s32 s24, $0x1F;
	s25 =	smulhi.u32 $0xB40B40B5, s24  }
0x40c: {  	s4 =	sadd.s32 $0x40, s4;
	s23 =	spop (v2sf);
	v18 =	vadd.s32 v20, v18;
	s30 =	smul.u32 $0xB40B40B5, s31  }
0x40d: {  	s12 =	ssub.s32 s22, s12;
	[tilespmem:s3+$0x10720] =	vst v18;
	v18 =	vmul.u32 $0xFFFFFFA5, v18;
	s22 =	sshra.s32 s23, $0x1F;
	s2 =	smulhi.u32 $0xB40B40B5, s23  }
0x40e: {  	s16 =	sshra.s32 s17, $0x1F;
	s15 =	sshra.s32 s13, $0x1F;
	s22 =	smul.u32 $0xB40B40B5, s22  }
0x40f: {  	s25 =	ssub.s32 s25, s24;
	s24 =	sld [smem:$0x7E7];
	(v2sf) =	vpush v19, $0x7;
	v18 =	vadd.s32 v16, v18;
	v16 =	vmovc v17;
	v17 =	vmov v19;
	s2 =	ssub.s32 s2, s23  }
0x410: {  	s28 =	sshra.s32 s5, $0x1F;
	(v2sf) =	vpush v17, $0xF;
	s2 =	sadd.s32 s22, s2;
	s22 =	smulhi.u32 $0xB40B40B5, s6  }
0x411: {  	[tilespmem:s3+$0x11820] =	vst v18;
	s3 =	smov.u32 s13;
	s13 =	ssub.s32 s20, s7;
	s7 =	smulhi.u32 $0xB40B40B5, s29;
	(v2sf) =	vpush v17, $0x6  }
0x412: {  	s23 =	sshra.s32 s29, $0x1F;
	s20 =	ssub.s32 s24, s5;
	s5 =	smulhi.u32 $0xB40B40B5, s26;
	(v2sf) =	vpush v17, $0x4  }
0x413: {  	s23 =	smul.u32 $0xB40B40B5, s23;
	s22 =	ssub.s32 s22, s6;
	s6 =	sshra.s32 s6, $0x1F;
	(v2sf) =	vpush v17, $0x5  }
.Ltmp14:
0x414: {  	s24 =	ssub.s32 s7, s29;
	s7 =	sadd.s32 s9, s0;
	(v2sf) =	vpush v17, $0xB;
	(pc) =	sbr.rel @p0 .LBB2_28-.Ltmp14, $4  }
0x415: {  	s9 =	ssub.s32 s5, s26;
	s5 =	smov.u32 s17;
	s29 =	rddreg [dreg:$0x1f];
	(v2sf) =	vpush v17, $0x3  }
0x416: {  	s6 =	smul.u32 $0xB40B40B5, s6;
	s17 =	sadd.s32 s21, s9;
	s21 =	rddreg [dreg:$0x18];
	(v2sf) =	vpush v17, $0xA  }
0x417: {  	v18 =	vmov s2;
	s2 =	rddreg [dreg:$0x1d];
	s31 =	smul.u32 $0xB40B40B5, s29;
	s26 =	smov.u32 s21;
	(v2sf) =	vpush v17, $0xE  }
0x418: {  	[dreg:$0x4] =	wrdreg s26;
	s21 =	sadd.s32 s6, s22;
	s26 =	sadd.s32 s23, s24;
	(v2sf) =	vpush v17, $0x9  }
0x419: {  	_ =	sdelay $0x3  }
0x41a: {  	(v2sf) =	vpush v17, $0x2  }
0x41b: {  	s0 =	spop (v2sf)  }
0x41c: {  	s23 =	smul.u32 $0xB40B40B5, s15;
	(v2sf) =	vpush v17, $0xD;
	s4 =	spop (v2sf)  }
0x41d: {  	s6 =	spop (v2sf)  }
0x41e: {  	(v2sf) =	vpush v17, $0x0;
	[smem:$0x7D6] =	sst s23;
	s29 =	spop (v2sf)  }
0x41f: {  	(v2sf) =	vpush v17, $0x1;
	[smem:$0x7E0] =	sst s4;
	s9 =	spop (v2sf)  }
0x420: {  	(v2sf) =	vpush v17, $0x8;
	s4 =	smul.u32 $0xB40B40B5, s2;
	s22 =	spop (v2sf)  }
0x421: {  	(v2sf) =	vpush v17, $0xC;
	[smem:$0x7E1] =	sst s6;
	s24 =	spop (v2sf)  }
0x422: {  	[smem:$0x7DC] =	sst s22;
	s22 =	spop (v2sf)  }
0x423: {  	s6 =	smul.u32 $0xB40B40B5, s28;
	s15 =	spop (v2sf)  }
0x424: {  	[smem:$0x7D5] =	sst s4;
	s4 =	spop (v2sf)  }
0x425: {  	[smem:$0x7E2] =	sst s9;
	s9 =	smul.u32 $0xB40B40B5, s16;
	s28 =	sshra.s32 s4, $0x1F  }
0x426: {  	[smem:$0x7E6] =	sst s0;
	s16 =	sshra.s32 s29, $0x1F;
	s0 =	smul.u32 $0xB40B40B5, s28  }
0x427: {  	[smem:$0x7D7] =	sst s6;
	s23 =	smul.u32 $0xB40B40B5, s16;
	s2 =	sshra.s32 s22, $0x1F  }
0x428: {  	[smem:$0x7D9] =	sst s0;
	s0 =	smul.u32 $0xB40B40B5, s2  }
0x429: {  	[smem:$0x7D8] =	sst s9;
	s9 =	sshra.s32 s15, $0x1F;
	s6 =	spop (v2sf)  }
0x42a: {  	[smem:$0x7E3] =	sst s0;
	s0 =	smul.u32 $0xB40B40B5, s9  }
0x42b: {  	[smem:$0x7DA] =	sst s23;
	s23 =	spop (v2sf);
	s2 =	sshra.s32 s24, $0x1F  }
0x42c: {  	[smem:$0x7E5] =	sst s0;
	s0 =	smul.u32 $0xB40B40B5, s2  }
0x42d: {  	s16 =	spop (v2sf)  }
0x42e: {  	s28 =	spop (v2sf);
	[smem:$0x7E4] =	sst s0;
	s0 =	sshra.s32 s6, $0x1F  }
0x42f: {  	s9 =	spop (v2sf);
	s0 =	smul.u32 $0xB40B40B5, s0  }
0x430: {  	s19 =	sadd.s32 s31, s19;
	s2 =	spop (v2sf)  }
0x431: {  	s31 =	smulhi.u32 $0xB40B40B5, s5;
	[smem:$0x7DD] =	sst s0;
	s0 =	sshra.s32 s2, $0x1F  }
0x432: {  	s0 =	smul.u32 $0xB40B40B5, s0  }
0x433: {  	s25 =	sadd.s32 s30, s25;
	s14 =	sadd.s32 s14, s18;
	s18 =	sld [smem:$0x7D6]  }
0x434: {  	s11 =	sadd.s32 s8, s11;
	[smem:$0x7DB] =	sst s0;
	s0 =	sshra.s32 s23, $0x1F  }
0x435: {  	s12 =	sadd.s32 s10, s12;
	s10 =	sld [smem:$0x7D5];
	s0 =	smul.u32 $0xB40B40B5, s0  }
0x436: {  	s5 =	ssub.s32 s31, s5;
	s31 =	sld [smem:$0x7D8];
	s8 =	smulhi.u32 $0xB40B40B5, s4  }
0x437: {  	s30 =	smulhi.u32 $0xB40B40B5, s29;
	[smem:$0x7DE] =	sst s0;
	s0 =	sshra.s32 s16, $0x1F  }
0x438: {  	s4 =	ssub.s32 s8, s4;
	s8 =	sld [smem:$0x7D9];
	s0 =	smul.u32 $0xB40B40B5, s0  }
0x439: {  	v18 =	vsel vm0, s17, v18;
	s17 =	sld [smem:$0x7E6];
	s13 =	sadd.s32 s10, s13;
	s10 =	smulhi.u32 $0xB40B40B5, s15  }
0x43a: {  	[smem:$0x7DF] =	sst s0;
	s0 =	smulhi.u32 $0xB40B40B5, s3  }
0x43b: {  	s31 =	sadd.s32 s31, s5;
	s8 =	sadd.s32 s8, s4;
	s4 =	smulhi.u32 $0xB40B40B5, s22  }
0x43c: {  	s5 =	ssub.s32 s10, s15;
	s0 =	ssub.s32 s0, s3;
	s3 =	smulhi.u32 $0xB40B40B5, s24  }
0x43d: {  	v19 =	vmov s26;
	s15 =	smulhi.u32 $0xB40B40B5, s2;
	s0 =	sadd.s32 s18, s0;
	s18 =	sld [smem:$0x7D7]  }
0x43e: {  	v19 =	vnsel vm3, $0x0, v19;
	s10 =	ssub.s32 s3, s24;
	s24 =	ssub.s32 s30, s29;
	s29 =	sld [smem:$0x7DA]  }
0x43f: {  	v19 =	vsel vm0, s25, v19;
	s2 =	ssub.s32 s15, s2;
	s15 =	smulhi.u32 $0xB40B40B5, s23;
	s30 =	sld [smem:$0x7DB]  }
0x440: {  	v19 =	vsel vm1, s7, v19;
	s4 =	ssub.s32 s4, s22;
	s25 =	sld [smem:$0x7DD]  }
0x441: {  	v19 =	vsel vm2, s14, v19;
	s15 =	ssub.s32 s15, s23;
	s18 =	sadd.s32 s18, s20;
	s20 =	smulhi.u32 $0xB40B40B5, s6  }
0x442: {  	v19 =	vsel vm4, s1, v19;
	s3 =	sadd.s32 s29, s24;
	s2 =	sadd.s32 s30, s2;
	s24 =	smulhi.u32 $0xB40B40B5, s9  }
0x443: {  	v19 =	vsel vm5, s0, v19;
	s30 =	sld [smem:$0x7DC];
	s6 =	ssub.s32 s20, s6;
	s20 =	smulhi.u32 $0xB40B40B5, s16  }
0x444: {  	s26 =	sld [smem:$0x7DE];
	s29 =	smulhi.u32 $0xB40B40B5, s28;
	v19 =	vsel vm6, s18, v19;
	s18 =	sshra.s32 s17, $0x1F  }
0x445: {  	s22 =	ssub.s32 s24, s9;
	s6 =	sadd.s32 s25, s6;
	s16 =	ssub.s32 s20, s16  }
0x446: {  	s24 =	smulhi.u32 $0xB40B40B5, s30;
	s20 =	ssub.s32 s29, s28;
	s28 =	sshra.s32 s28, $0x1F  }
0x447: {  	s25 =	sld [smem:$0x7E2];
	s29 =	sshra.s32 s30, $0x1F;
	s23 =	smul.u32 $0xB40B40B5, s28  }
0x448: {  	s9 =	sshra.s32 s9, $0x1F;
	s28 =	smul.u32 $0xB40B40B5, s29;
	s29 =	sld [smem:$0x7DF]  }
0x449: {  	v20 =	vmov s21;
	s9 =	smul.u32 $0xB40B40B5, s9;
	s7 =	ssub.s32 s24, s30;
	s30 =	rddreg [dreg:$0xc]  }
0x44a: {  	s14 =	sadd.s32 s26, s15;
	s21 =	smul.u32 $0xB40B40B5, s18;
	v20 =	vsel vm0, s30, v20;
	s30 =	sld [smem:$0x7E0]  }
0x44b: {  	s1 =	sadd.s32 s9, s22;
	s26 =	sshra.s32 s25, $0x1F;
	s22 =	sadd.s32 s23, s20  }
0x44c: {  	s23 =	sld [smem:$0x7E1];
	s9 =	sadd.s32 s29, s16;
	s29 =	smulhi.u32 $0xB40B40B5, s25  }
0x44d: {  	v18 =	vsel vm1, s12, v18;
	s0 =	sadd.s32 s28, s7;
	s28 =	sld [smem:$0x7E3];
	s16 =	smulhi.u32 $0xB40B40B5, s30  }
0x44e: {  	v18 =	vsel vm2, s13, v18;
	s15 =	sld [smem:$0x7E4];
	v20 =	vsel vm1, s11, v20;
	v21 =	vmov s9;
	s9 =	smul.u32 $0xB40B40B5, s26  }
0x44f: {  	v22 =	vmov s2;
	v20 =	vsel vm2, s19, v20;
	s19 =	smulhi.u32 $0xB40B40B5, s17;
	v21 =	vnsel vm3, $0x0, v21;
	s11 =	ssub.s32 s16, s30;
	s16 =	sld [smem:$0x7E5]  }
0x450: {  	v19 =	vsel vm7, s31, v19;
	v22 =	vsel vm0, s14, v22;
	s24 =	smulhi.u32 $0xB40B40B5, s23;
	s4 =	sadd.s32 s28, s4;
	v21 =	vsel vm0, s22, v21;
	s30 =	sshra.s32 s30, $0x1F  }
0x451: {  	v19 =	vperm.xlane v19, v10;
	v23 =	vmov s1;
	s7 =	sshra.s32 s23, $0x1F;
	v21 =	vsel vm1, s6, v21;
	s6 =	sadd.s32 s15, s10;
	s13 =	smul.u32 $0xB40B40B5, s30  }
0x452: {  	v23 =	vsel vm0, s8, v23;
	s14 =	ssub.s32 s29, s25;
	v18 =	vcombine.low v20, v18;
	s2 =	smul.u32 $0xB40B40B5, s7;
	v21 =	vsel vm2, s6, v21;
	s5 =	sadd.s32 s16, s5  }
0x453: {  	v20 =	vsel vm1, s4, v23;
	s20 =	sadd.s32 s9, s14;
	s31 =	ssub.s32 s24, s23;
	v21 =	vsel vm4, s3, v21;
	s7 =	sadd.s32 s13, s11;
	v22 =	vsel vm1, s5, v22  }
0x454: {  	v20 =	vsel vm2, s0, v20;
	s23 =	ssub.s32 s19, s17;
	s22 =	sadd.s32 s2, s31;
	v21 =	vsel vm5, s20, v21;
	v22 =	vsel vm2, s7, v22  }
0x455: {  	v18 =	vperm.xlane v18, v9;
	s24 =	sadd.s32 s21, s23;
	v21 =	vsel vm6, s22, v21;
	v20 =	vcombine.low v20, v22  }
0x456: {  	v21 =	vsel vm7, s24, v21  }
0x457: {  	v18 =	vsel vm8, v19, v18;
	v19 =	vperm.xlane v20, v9;
	v20 =	vperm.xlane v21, v10  }
0x458: {  	v18 =	vadd.s32 v16, v18  }
0x459: {  	v21 =	vshrl.u32 v18, $0x1F;
	v18 =	vshra.s32 v18, $0x6;
	v19 =	vsel vm8, v20, v19  }
0x45a: {  	v18 =	vadd.s32 v21, v18;
	v19 =	vadd.s32 v17, v19  }
0x45b: {  	v20 =	vmul.u32 $0xFFFFFFA5, v18;
	v21 =	vshrl.u32 v19, $0x1F;
	v19 =	vshra.s32 v19, $0x6  }
0x45c: {  	v22 =	vsub.s32 $0x0, v16;
	v19 =	vadd.s32 v21, v19  }
0x45d: {  	vm9 =	vlt.s32 v16, $0x1;
	vm10 =	vne.s32 v20, v22;
	v20 =	vmul.u32 $0xFFFFFFA5, v19  }
0x45e: {  	vm9 =	vmand vm9, vm10;
	v21 =	vsub.s32 $0x0, v17  }
0x45f: {  	vm10 =	vlt.s32 v17, $0x1;
	v22 =	vsel vm9, $0xFFFFFFFF, v2;
	vm9 =	vne.s32 v20, v21  }
0x460: {  	v18 =	vadd.s32 v22, v18;
	vm9 =	vmand vm10, vm9  }
0x461: {  	v20 =	vmul.u32 $0xFFFFFFA5, v18;
	v21 =	vsel vm9, $0xFFFFFFFF, v2  }
0x462: {  	s25 =	rddreg [dreg:$0x4];
	v19 =	vadd.s32 v21, v19  }
0x463: {  	[tilespmem:s25+$0x10720] =	vst v18;
	v16 =	vadd.s32 v16, v20;
	v18 =	vmul.u32 $0xFFFFFFA5, v19  }
0x464: {  	s26 =	rddreg [dreg:$0x9];
	[tilespmem:s25+$0x11820] =	vst v16  }
0x465: {  	[tilespmem:s26+$0x10720] =	vst v19;
	v16 =	vadd.s32 v17, v18  }
0x466: {  	[tilespmem:s26+$0x11820] =	vst v16  }
0x467: {  	v16 =	vld [tilespmem:$0x10720]  }
0x468: {  	v17 =	vld [tilespmem:$0x10730]  }
0x469: {  	v18 =	vld [tilespmem:$0x10740]  }
0x46a: {  	v19 =	vld [tilespmem:$0x10750]  }
0x46b: {  	v20 =	vld [tilespmem:$0x10760]  }
0x46c: {  	v21 =	vld [tilespmem:$0x10770];
	v16 =	vshrl.u32 v16, $0x2  }
0x46d: {  	[tilespmem:$0xFF20] =	vst v16;
	v16 =	vshrl.u32 v17, $0x2;
	v17 =	vld [tilespmem:$0x10780]  }
0x46e: {  	[tilespmem:$0xFF30] =	vst v16;
	v16 =	vshrl.u32 v18, $0x2;
	v18 =	vld [tilespmem:$0x10790]  }
0x46f: {  	[tilespmem:$0xFF40] =	vst v16;
	v16 =	vshrl.u32 v19, $0x2;
	v19 =	vld [tilespmem:$0x107A0]  }
0x470: {  	[tilespmem:$0xFF50] =	vst v16;
	v16 =	vshrl.u32 v20, $0x2;
	v20 =	vld [tilespmem:$0x107B0]  }
0x471: {  	[tilespmem:$0xFF60] =	vst v16;
	v16 =	vshrl.u32 v21, $0x2;
	v21 =	vld [tilespmem:$0x107C0]  }
0x472: {  	[tilespmem:$0xFF70] =	vst v16;
	v16 =	vshrl.u32 v17, $0x2;
	v17 =	vld [tilespmem:$0x107D0]  }
0x473: {  	[tilespmem:$0xFF80] =	vst v16;
	v16 =	vshrl.u32 v18, $0x2;
	v18 =	vld [tilespmem:$0x107E0]  }
0x474: {  	[tilespmem:$0xFF90] =	vst v16;
	v16 =	vshrl.u32 v19, $0x2;
	v19 =	vld [tilespmem:$0x107F0]  }
0x475: {  	[tilespmem:$0xFFA0] =	vst v16;
	v16 =	vshrl.u32 v20, $0x2;
	v20 =	vld [tilespmem:$0x10800]  }
0x476: {  	[tilespmem:$0xFFB0] =	vst v16;
	v16 =	vshrl.u32 v21, $0x2;
	v21 =	vld [tilespmem:$0x10810]  }
0x477: {  	[tilespmem:$0xFFC0] =	vst v16;
	v16 =	vshrl.u32 v17, $0x2  }
0x478: {  	[tilespmem:$0xFFD0] =	vst v16;
	v16 =	vshrl.u32 v18, $0x2  }
0x479: {  	[tilespmem:$0xFFE0] =	vst v16;
	v16 =	vshrl.u32 v19, $0x2  }
0x47a: {  	s28 =	sld [smem:$0x7F8];
	[tilespmem:$0xFFF0] =	vst v16;
	v16 =	vshrl.u32 v20, $0x2  }
0x47b: {  	[tilespmem:$0x10000] =	vst v16;
	v16 =	vshrl.u32 v21, $0x2  }
0x47c: {  	s15 =	simm.s32 $0x80;
	s3 =	simm.s32 $0x10820;
	s16 =	simm.s32 $0xFF20;
	[tilespmem:$0x10010] =	vst v16  }
0x47d: {  	[tilespmem:s3], [sflag:$0x1] =	stream.indirect.gather [hbm4b:s28+s15], $0x10, s16, s15, $0xb8;
	[tilespmem:$0x11E30] =	vst v63  }
0x47e: {  	s29 =	simm.s32 $0x11020;
	s17 =	simm.s32 $0xFFA0;
	s20 =	simm.s32 $0x1  }
0x47f: {  	[tilespmem:s29], [sflag:$0x1] =	stream.indirect.gather [hbm4b:s28+s15], $0x10, s17, s15, $0xb8;
	[tilespmem:$0x11E30] =	vst v63  }
0x480: {  	s30 =	simm.s32 $0x0;
	v17 =	vshrl.u32 v0, $0x2;
	_ =	swait.ge [sflag:s20], $0x800  }
0x481: {  	v18 =	vor.u32 s30, v17;
	[sflag:s20] =	ssyncset.done $0x0  }
0x482: {  	[sflag:s20] =	ssyncadd.s32 $0xFFFFF800  }
0x483: {  	_ =	swait.ge [sflag:s20], $0x800  }
0x484: {  	[sflag:s20] =	ssyncset.done $0x0  }
0x485: {  	s4 =	simm.s32 $0x10720;
	[sflag:s20] =	ssyncadd.s32 $0xFFFFF800  }
0x486: {  	v19 =	vld.idx.msk [tilespmem:v18+s4+$0x0], $0xffff;
	_ =	sdelay $0x3  }
0x487: {  	v16 =	vand.u32 $0x1, v0  }
0x488: {  	v20 =	vshll.u32 v19, $0x2;
	v19 =	vor.u32 $0x2, v16  }
0x489: {  	v21 =	vor.u32 v19, v20  }
0x48a: {  	v18 =	vshll.u32 v18, $0x4;
	v21 =	vand.u32 $0xF, v21  }
0x48b: {  	v20 =	vor.u32 v16, v20;
	v21 =	vor.u32 v18, v21  }
0x48c: {  	v20 =	vand.u32 $0xD, v20  }
0x48d: {  	v18 =	vor.u32 v18, v20;
	_ =	sdelay $0x2  }
0x48e: {  	v20 =	vld.idx.msk [tilespmem:v21+s3+$0x0], $0xffff;
	_ =	sdelay $0x1  }
0x48f: {  	v21 =	vld.idx.msk [tilespmem:v18+s3+$0x0], $0xffff;
	_ =	sdelay $0x1  }
0x490: {  	v18 =	vld [tilespmem:$0x11E20]  }
0x491: {  	v20 =	vmul.f32 v15, v20  }
0x492: {  	s31 =	simm.s32 $0x4  }
0x493: {  	v22 =	vor.u32 s31, v17;
	v20 =	vadd.f32 v20, v21;
	_ =	sdelay $0x1  }
0x494: {  	v20 =	vmul.f32 v20, v18  }
0x495: {  	s0 =	simm.s32 $0x11A20  }
0x496: {  	[tilespmem:s0+$0x0] =	vst v20  }
0x497: {  	v20 =	vld.idx.msk [tilespmem:v22+s4+$0x0], $0xffff;
	_ =	sdelay $0x4  }
0x498: {  	v20 =	vshll.u32 v20, $0x2  }
0x499: {  	v21 =	vor.u32 v19, v20  }
0x49a: {  	v22 =	vshll.u32 v22, $0x4;
	v21 =	vand.u32 $0xF, v21  }
0x49b: {  	v20 =	vor.u32 v16, v20;
	v21 =	vor.u32 v22, v21  }
0x49c: {  	v20 =	vand.u32 $0xD, v20  }
0x49d: {  	v20 =	vor.u32 v22, v20;
	_ =	sdelay $0x2  }
0x49e: {  	v21 =	vld.idx.msk [tilespmem:v21+s3+$0x0], $0xffff;
	_ =	sdelay $0x1  }
0x49f: {  	v20 =	vld.idx.msk [tilespmem:v20+s3+$0x0], $0xffff;
	_ =	sdelay $0x2  }
0x4a0: {  	v21 =	vmul.f32 v15, v21  }
0x4a1: {  	s1 =	simm.s32 $0x8;
	s2 =	simm.s32 $0xC  }
.LBB2_30:
0x4a2: {  	p0 =	sne.s32 s2, $0xFC;
	v22 =	vor.u32 s1, v17;
	v20 =	vadd.f32 v21, v20;
	s1 =	smov.u32 s2;
	_ =	sdelay $0x1  }
0x4a3: {  	v20 =	vmul.f32 v20, v18  }
0x4a4: {  	s0 =	sadd.s32 $0x10, s0  }
0x4a5: {  	[tilespmem:s0+$0x0] =	vst v20  }
0x4a6: {  	v20 =	vld.idx.msk [tilespmem:v22+s4+$0x0], $0xffff;
	_ =	sdelay $0x5  }
0x4a7: {  	v20 =	vshll.u32 v20, $0x2  }
0x4a8: {  	v21 =	vor.u32 v19, v20  }
0x4a9: {  	v22 =	vshll.u32 v22, $0x4;
	v21 =	vand.u32 $0xF, v21  }
0x4aa: {  	v20 =	vor.u32 v16, v20;
	v21 =	vor.u32 v22, v21  }
0x4ab: {  	v20 =	vand.u32 $0xD, v20  }
0x4ac: {  	v20 =	vor.u32 v22, v20;
	_ =	sdelay $0x2  }
0x4ad: {  	v21 =	vld.idx.msk [tilespmem:v21+s3+$0x0], $0xffff;
	_ =	sdelay $0x1  }
0x4ae: {  	v20 =	vld.idx.msk [tilespmem:v20+s3+$0x0], $0xffff  }
.Ltmp15:
0x4af: {  	(pc) =	sbr.rel @p0 .LBB2_30-.Ltmp15, $3  }
0x4b0: {  	_ =	sdelay $0x1  }
0x4b1: {  	v21 =	vmul.f32 v15, v21  }
0x4b2: {  	s2 =	sadd.s32 $0x4, s2  }
0x4b3: {  	v17 =	vor.u32 s1, v17;
	v20 =	vadd.f32 v21, v20;
	_ =	sdelay $0x1  }
0x4b4: {  	v20 =	vmul.f32 v20, v18  }
0x4b5: {  	s0 =	sadd.s32 $0x10, s0  }
0x4b6: {  	[tilespmem:s0+$0x0] =	vst v20  }
0x4b7: {  	v20 =	vld.idx.msk [tilespmem:v17+s4+$0x0], $0xffff;
	_ =	sdelay $0x4  }
0x4b8: {  	v20 =	vshll.u32 v20, $0x2  }
0x4b9: {  	v19 =	vor.u32 v19, v20  }
0x4ba: {  	v17 =	vshll.u32 v17, $0x4;
	v19 =	vand.u32 $0xF, v19  }
0x4bb: {  	v16 =	vor.u32 v16, v20;
	v19 =	vor.u32 v17, v19  }
0x4bc: {  	v16 =	vand.u32 $0xD, v16  }
0x4bd: {  	v16 =	vor.u32 v17, v16;
	_ =	sdelay $0x2  }
0x4be: {  	v17 =	vld.idx.msk [tilespmem:v19+s3+$0x0], $0xffff;
	_ =	sdelay $0x1  }
0x4bf: {  	v16 =	vld.idx.msk [tilespmem:v16+s3+$0x0], $0xffff;
	_ =	sdelay $0x2  }
0x4c0: {  	v17 =	vmul.f32 v15, v17;
	_ =	sdelay $0x1  }
0x4c1: {  	v16 =	vadd.f32 v17, v16;
	_ =	sdelay $0x1  }
0x4c2: {  	s23 =	sld [smem:$0x7F9];
	v16 =	vmul.f32 v16, v18  }
0x4c3: {  	s0 =	sadd.s32 $0x10, s0  }
0x4c4: {  	s22 =	simm.s32 $0x0;
	s2 =	simm.s32 $0x11920;
	[tilespmem:s0+$0x0] =	vst v16  }
0x4c5: {  	[hbm4b:s23+s22] =	stream.linear.scatter [tilespmem:s2], [sflag:$0x2], $0x100, $0x38;
	[tilespmem:$0x11E30] =	vst v63  }
0x4c6: {  	s2 =	simm.s32 $0x2  }
0x4c7: {  	_ =	swait.ge [sflag:s2], $0x100  }
0x4c8: {  	s24 =	sld [smem:$0x7FA]  }
0x4c9: {  	[sflag:s2] =	ssyncset.done $0x0  }
0x4ca: {  	s25 =	simm.s32 $0x11820;
	[sflag:s2] =	ssyncadd.s32 $0xFFFFFF00  }
0x4cb: {  	[hbm4b:s24+s22] =	stream.linear.scatter [tilespmem:s25], [sflag:$0x2], $0x100, $0x38;
	[tilespmem:$0x11E30] =	vst v63  }
0x4cc: {  	_ =	swait.ge [sflag:s2], $0x100  }
0x4cd: {  	s26 =	sld [smem:$0x7FB]  }
0x4ce: {  	[sflag:s2] =	ssyncset.done $0x0  }
0x4cf: {  	s28 =	simm.s32 $0x11A20;
	[sflag:s2] =	ssyncadd.s32 $0xFFFFFF00  }
0x4d0: {  	[hbm4b:s26+s22] =	stream.linear.scatter [tilespmem:s28], [sflag:$0x2], $0x400, $0x38;
	[tilespmem:$0x11E30] =	vst v63  }
0x4d1: {  	_ =	swait.ge [sflag:s2], $0x400  }
0x4d2: {  	s30 =	sld [smem:$0x7F5]  }
0x4d3: {  	s31 =	sld [smem:$0x7FD];
	_ =	sdelay $0x1  }
0x4d4: {  	s1 =	sadd.s32 $0x1, s30  }
0x4d5: {  	p0 =	sne.s32 s1, s31  }
.Ltmp16:
0x4d6: {  	_ = 	snop;
	(pc) =	sbr.rel @p0 .LBB2_2-.Ltmp16, $4  }
.Ltmp17:
0x4d7: {  	_ = 	snop;
	(pc) =	sbr.rel @!p0 .LBB2_32-.Ltmp17, $4  }
0x4d8: {  	_ = 	snop  }
0x4d9: {  	s18 =	simm.s32 $0x4E20;
	[sflag:s2] =	ssyncset.done $0x0  }
0x4da: {  	s29 =	simm.s32 $0x8E20;
	s19 =	simm.s32 $0x8F20;
	[sflag:s2] =	ssyncadd.s32 $0xFFFFFC00  }
0x4db: {  	_ = 	snop  }
.LBB2_19:
0x4dc: {  	[smem:$0x7E9] =	sst s21  }
0x4dd: {  	[smem:$0x7EA] =	sst s23  }
0x4de: {  	[dreg:$0x16] =	wrdreg s22  }
0x4df: {  	[dreg:$0x15] =	wrdreg s17  }
0x4e0: {  	[smem:$0x7EB] =	sst s25  }
0x4e1: {  	[dreg:$0x12] =	wrdreg s30  }
0x4e2: {  	[smem:$0x7EC] =	sst s14  }
0x4e3: {  	s24 =	sld [smem:$0x7F0]  }
0x4e4: {  	[smem:$0x7ED] =	sst s0  }
0x4e5: {  	s25 =	sld [smem:$0x7EE]  }
0x4e6: {  	s30 =	sld [smem:$0x7EF]  }
.Ltmp18:
0x4e7: {  	s14 =	rddreg [dreg:$0x1a];
	(pc) =	sbr.rel .LBB2_26-.Ltmp18, $4  }
0x4e8: {  	s21 =	smov.u32 s16;
	s16 =	rddreg [dreg:$0x14]  }
0x4e9: {  	s23 =	simm.s32 $0x0;
	s17 =	sld [smem:$0x7F2]  }
0x4ea: {  	[dreg:$0xb] =	wrdreg s23  }
0x4eb: {  	s0 =	simm.s32 $0x0;
	s23 =	rddreg [dreg:$0x19]  }
.LBB2_23:
0x4ec: {  	[smem:$0x7E9] =	sst s31  }
0x4ed: {  	[smem:$0x7F1] =	sst s4  }
0x4ee: {  	[smem:$0x7EA] =	sst s25  }
0x4ef: {  	[smem:$0x7F3] =	sst s16  }
0x4f0: {  	[smem:$0x7EC] =	sst s14  }
0x4f1: {  	s31 =	rddreg [dreg:$0x1c]  }
0x4f2: {  	[smem:$0x7ED] =	sst s29  }
0x4f3: {  	s14 =	rddreg [dreg:$0x1a]  }
.Ltmp19:
0x4f4: {  	s16 =	rddreg [dreg:$0x14];
	(pc) =	sbr.rel .LBB2_26-.Ltmp19, $4  }
0x4f5: {  	s25 =	smov.u32 s23;
	s23 =	rddreg [dreg:$0x19]  }
0x4f6: {  	s4 =	rddreg [dreg:$0x17]  }
0x4f7: {  	s0 =	simm.s32 $0x0;
	[smem:$0x7EB] =	sst s21  }
0x4f8: {  	v19 =	vmov v18;
	s22 =	simm.s32 $0x0;
	s29 =	simm.s32 $0x8E20;
	s21 =	rddreg [dreg:$0x1b]  }
.LBB2_32:
0x4f9: {  	_ =	sfence.sel $0x180000  }
0x4fa: {  	[bflag:$0x0] =	sbarrier.arrive $0xFFFF  }
0x4fb: {  	_ =	strace $0x90000047  }
0x4fc: {  	s0 =	stileid.u32;
	[bflag:$0x2] =	sbarrier.arrive $0xFFFF  }
0x4fd: {  	p0 =	sne.s32 s0, $0x0;
	s0 =	rddreg [dreg:$0x3]  }
0x4fe: {  	s0 =	sadd.s32 @!p0 $0x100000, s0  }
0x4ff: {  	[sflag:s0] =	ssyncadd.tile.s32 @!p0 $0x1;
	_ =	shalt  }
.Lfunc_end2:
_tile_overlayer_lowered:
.L_overlay_start_2:
0x500: {  	(tag) =	ssettag $0x2  }
0x501: {  	s0 =	rddreg [dreg:$0x0];
	s2 =	stileid.u32  }
0x502: {  	s1 =	rddreg [dreg:$0x1];
	p0 =	sne.s32 s2, $0x0  }
0x503: {  	s3 =	rddreg [dreg:$0x2];
	[bflag:$0x3] =	sbarrier.arrive $0xFFFF;
	s2 =	simm.s32 @!p0 $0x1C02  }
0x504: {  	[timem:s3], [sflag:s2] =	dma.local @!p0 [hbm:s0], s1  }
0x505: {  	s0 =	simm.s32 @!p0 $0x2  }
0x506: {  	_ =	swait.ge @!p0 [sflag:s0], s1  }
0x507: {  	s1 =	ssub.s32 @!p0 $0x0, s1;
	[sflag:s0] =	ssyncset.done @!p0 $0x0  }
0x508: {  	[sflag:s0] =	ssyncadd.s32 @!p0 s1  }
0x509: {  	[bflag:$0x3] =	sbarrier.arrive $0xFFFF  }
0x50a: {  	_ =	shalt  }

</sc_bundles>
